<compile_context>
chip_gen: v7x
topology: tpu7x:2x2x1
jax: 0.10.2.dev20260603
libtpu: 0.0.44.dev20260713+nightly
codegen_flags: <defaults>
</compile_context>

<pallas_src>
import functools

import jax
import jax.numpy as jnp
from jax import lax
from jax.experimental import pallas as pl
from jax.experimental.pallas import tpu as pltpu
from jax.experimental.pallas import tpu_sc as plsc

D_MODEL = 1024
HID = 4096
N_EXP = 8
TOPK = 2
TOK = 2048
TILE = 256
G = (TOK * TOPK) // TILE + N_EXP
GP = G * TILE

_SC_INFO = plsc.get_sparse_core_info()
_NC = _SC_INFO.num_cores
_NS = _SC_INFO.num_subcores
NW = _NC * _NS

_MESH = plsc.VectorSubcoreMesh(core_axis_name="c", subcore_axis_name="s")


def _router_body(x_ref, wr_ref, br_ref,
                 p0_ref, p1_ref, w0_ref, w1_ref, te_ref, tv_ref):
    logits = jnp.dot(x_ref[...], wr_ref[...], preferred_element_type=jnp.float32)
    logits = logits + br_ref[...]
    cols = lax.broadcasted_iota(jnp.int32, logits.shape, 1)
    neg = jnp.float32(-jnp.inf)
    l0 = jnp.where(cols < N_EXP, logits, neg)
    v0 = jnp.max(l0, axis=1, keepdims=True)
    a0 = jnp.min(jnp.where(l0 == v0, cols, N_EXP), axis=1, keepdims=True)
    l1 = jnp.where(cols == a0, neg, l0)
    v1 = jnp.max(l1, axis=1, keepdims=True)
    a1 = jnp.min(jnp.where(l1 == v1, cols, N_EXP), axis=1, keepdims=True)
    t = jnp.exp(v1 - v0)
    w0 = 1.0 / (1.0 + t)
    w0_ref[...] = jnp.transpose(w0)
    w1_ref[...] = jnp.transpose(1.0 - w0)

    a0r = jnp.transpose(a0)
    a1r = jnp.transpose(a1)
    erow = lax.broadcasted_iota(jnp.int32, (N_EXP, TOK), 0)
    oh0 = (jax.lax.broadcast_in_dim(a0r, (N_EXP, TOK), (0, 1)) == erow)
    oh1 = (jax.lax.broadcast_in_dim(a1r, (N_EXP, TOK), (0, 1)) == erow)
    oh0 = oh0.astype(jnp.int32)
    oh1 = oh1.astype(jnp.int32)
    oh = oh0 + oh1
    csum = oh
    shift = 1
    while shift < TOK:
        shifted = jnp.concatenate(
            [jnp.zeros((N_EXP, shift), jnp.int32), csum[:, :TOK - shift]],
            axis=1)
        csum = csum + shifted
        shift *= 2
    excl = csum - oh
    counts = csum[:, TOK - 1:TOK]
    tiles_e = (counts + TILE - 1) // TILE
    ct = tiles_e
    shift = 1
    while shift < N_EXP:
        shifted = jnp.concatenate(
            [jnp.zeros((shift, 1), jnp.int32), ct[:N_EXP - shift, :]], axis=0)
        ct = ct + shifted
        shift *= 2
    row_base = (ct - tiles_e) * TILE
    rb = jax.lax.broadcast_in_dim(row_base, (N_EXP, TOK), (0, 1))
    pos0 = jnp.sum((excl + rb) * oh0, axis=0, keepdims=True)
    pos1 = jnp.sum((excl + rb) * oh1, axis=0, keepdims=True)
    p0_ref[...] = pos0
    p1_ref[...] = pos1

    tid = lax.broadcasted_iota(jnp.int32, (1, G), 1)
    ctb = jax.lax.broadcast_in_dim(ct, (N_EXP, G), (0, 1))
    te = jnp.sum((ctb <= tid).astype(jnp.int32), axis=0, keepdims=True)
    total = ct[N_EXP - 1:N_EXP, :]
    tv = (tid < jax.lax.broadcast_in_dim(total, (1, G), (0, 1)))
    eids = lax.broadcasted_iota(jnp.int32, (N_EXP, 1), 0)
    last_e = jnp.max(jnp.where(tiles_e > 0, eids, 0))
    te = jnp.where(tv, jnp.minimum(te, N_EXP - 1), last_e)
    te_ref[...] = te
    tv_ref[...] = tv.astype(jnp.int32)


def _run_router(fx, wr_pad, br_pad):
    return pl.pallas_call(
        _router_body,
        out_shape=(
            jax.ShapeDtypeStruct((1, TOK), jnp.int32),
            jax.ShapeDtypeStruct((1, TOK), jnp.int32),
            jax.ShapeDtypeStruct((1, TOK), jnp.float32),
            jax.ShapeDtypeStruct((1, TOK), jnp.float32),
            jax.ShapeDtypeStruct((1, G), jnp.int32),
            jax.ShapeDtypeStruct((1, G), jnp.int32),
        ),
        compiler_params=pltpu.CompilerParams(
            vmem_limit_bytes=64 * 1024 * 1024,
        ),
    )(fx, wr_pad, br_pad)


def _mlp_body(te_ref, tv_ref, fx_ref, w1_ref, b1_ref, w2_ref, b2_ref,
              p0_ref, p1_ref, w0_ref, w1w_ref, ys_ref):
    i = pl.program_id(0)

    @pl.when(tv_ref[i] != 0)
    def _():
        rows = lax.broadcasted_iota(jnp.int32, (TILE, TOK), 0) + i * TILE
        p0 = jax.lax.broadcast_in_dim(p0_ref[...], (TILE, TOK), (0, 1))
        p1 = jax.lax.broadcast_in_dim(p1_ref[...], (TILE, TOK), (0, 1))
        m0 = p0 == rows
        m1 = p1 == rows
        onehot = (m0 | m1).astype(jnp.float32)
        xs = jnp.dot(onehot, fx_ref[...], preferred_element_type=jnp.float32)
        h = jnp.dot(xs, w1_ref[0], preferred_element_type=jnp.float32)
        h = jnp.maximum(h + b1_ref[0], 0.0)
        y = jnp.dot(h, w2_ref[0], preferred_element_type=jnp.float32)
        y = y + b2_ref[0]
        w0 = jax.lax.broadcast_in_dim(w0_ref[...], (TILE, TOK), (0, 1))
        w1w = jax.lax.broadcast_in_dim(w1w_ref[...], (TILE, TOK), (0, 1))
        zero = jnp.zeros((), jnp.float32)
        sw = jnp.sum(jnp.where(m0, w0, zero) + jnp.where(m1, w1w, zero),
                     axis=1, keepdims=True)
        ys_ref[...] = y * sw


def _run_mlp(te, tv, fxbf, W1, b1, W2, b2, p0, p1, w0, w1):
    const_spec = lambda shape: pl.BlockSpec(shape, lambda i, te, tv: (0, 0))
    grid_spec = pltpu.PrefetchScalarGridSpec(
        num_scalar_prefetch=2,
        grid=(G,),
        in_specs=[
            pl.BlockSpec((TOK, D_MODEL), lambda i, te, tv: (0, 0),
                         pipeline_mode=pl.Buffered(buffer_count=1)),
            pl.BlockSpec((1, D_MODEL, HID), lambda i, te, tv: (te[i], 0, 0),
                         pipeline_mode=pl.Buffered(buffer_count=2)),
            pl.BlockSpec((1, 1, HID), lambda i, te, tv: (te[i], 0, 0)),
            pl.BlockSpec((1, HID, D_MODEL), lambda i, te, tv: (te[i], 0, 0),
                         pipeline_mode=pl.Buffered(buffer_count=1)),
            pl.BlockSpec((1, 1, D_MODEL), lambda i, te, tv: (te[i], 0, 0)),
            const_spec((1, TOK)),
            const_spec((1, TOK)),
            const_spec((1, TOK)),
            const_spec((1, TOK)),
        ],
        out_specs=pl.BlockSpec((TILE, D_MODEL), lambda i, te, tv: (i, 0)),
    )
    return pl.pallas_call(
        _mlp_body,
        grid_spec=grid_spec,
        out_shape=jax.ShapeDtypeStruct((GP, D_MODEL), jnp.float32),
        compiler_params=pltpu.CompilerParams(
            dimension_semantics=("arbitrary",),
            vmem_limit_bytes=120 * 1024 * 1024,
        ),
    )(te, tv, fxbf, W1, b1, W2, b2, p0, p1, w0, w1)


_C_TOK = TOK // NW
_C_CH = 16
_C_NCH = _C_TOK // _C_CH


@functools.partial(
    pl.kernel,
    mesh=_MESH,
    out_type=jax.ShapeDtypeStruct((TOK, D_MODEL), jnp.float32),
    scratch_types=[
        pltpu.VMEM((_C_TOK,), jnp.int32),
        pltpu.VMEM((_C_TOK,), jnp.int32),
        pltpu.VMEM((_C_CH, D_MODEL), jnp.float32),
        pltpu.VMEM((_C_CH, D_MODEL), jnp.float32),
        pltpu.VMEM((_C_CH, D_MODEL), jnp.float32),
        pltpu.VMEM((_C_CH, D_MODEL), jnp.float32),
        pltpu.SemaphoreType.DMA,
        pltpu.SemaphoreType.DMA,
        pltpu.SemaphoreType.DMA,
        pltpu.SemaphoreType.DMA,
    ],
)
def _sc_combine(ys_hbm, p0_hbm, p1_hbm, out_hbm,
                i0_v, i1_v, a0_v, b0_v, a1_v, b1_v, sa0, sb0, sa1, sb1):
    wid = lax.axis_index("s") * _NC + lax.axis_index("c")
    base = wid * _C_TOK
    pltpu.sync_copy(p0_hbm.at[pl.ds(base, _C_TOK)], i0_v)
    pltpu.sync_copy(p1_hbm.at[pl.ds(base, _C_TOK)], i1_v)
    abufs = (a0_v, a1_v)
    bbufs = (b0_v, b1_v)
    sems = ((sa0, sb0), (sa1, sb1))
    cps = [None, None]

    def _fire(c, p):
        sl = pl.ds(c * _C_CH, _C_CH)
        cpa = pltpu.async_copy(ys_hbm.at[i0_v.at[sl]], abufs[p], sems[p][0])
        cpb = pltpu.async_copy(ys_hbm.at[i1_v.at[sl]], bbufs[p], sems[p][1])
        return (cpa, cpb)

    cps[0] = _fire(0, 0)
    for c in range(_C_NCH):
        p = c % 2
        if c + 1 < _C_NCH:
            cps[(c + 1) % 2] = _fire(c + 1, (c + 1) % 2)
        cps[p][0].wait()
        cps[p][1].wait()
        a_v, b_v = abufs[p], bbufs[p]

        def _row(r, _):
            for u in range(D_MODEL // 16):
                sl = pl.ds(u * 16, 16)
                a_v[r, sl] = a_v[r, sl] + b_v[r, sl]
            return 0

        lax.fori_loop(0, _C_CH, _row, 0)
        pltpu.sync_copy(a_v, out_hbm.at[pl.ds(base + c * _C_CH, _C_CH)])


def kernel(x, Wr, br, W1, b1, W2, b2):
    B, S, D = x.shape
    fx = x.reshape(B * S, D)

    wr_pad = jnp.zeros((D_MODEL, 128), jnp.float32).at[:, :N_EXP].set(Wr)
    br_pad = jnp.zeros((1, 128), jnp.float32).at[0, :N_EXP].set(br)
    p0, p1, w0, w1, te, tv = _run_router(fx, wr_pad, br_pad)

    ys = _run_mlp(te[0], tv[0], fx, W1,
                  b1.reshape(N_EXP, 1, HID), W2,
                  b2.reshape(N_EXP, 1, D_MODEL), p0, p1, w0, w1)

    out = _sc_combine(ys, p0.reshape(TOK), p1.reshape(TOK))
    return out.reshape(B, S, D)

# --- scband reference (transcript-rebuilt; emitter-appended) ---
"""Pipeline reference for scband-mo-elayer-31275951850054 (READ-ONLY COPY).

The authoritative reference and input builder live on the scoring server;
editing this copy changes nothing except your own understanding.
"""

import jax, jax.numpy as jnp
import numpy as np

DIM = 1024
HIDDEN = 4096
NUM_EXPERTS = 8
TOP_K = 2
BATCH = 1
SEQ = 2048


def setup_inputs(seed: int = 0) -> dict:
    key = jax.random.key(seed)
    ks = jax.random.split(key, 8)
    x = jax.random.normal(ks[0], (BATCH, SEQ, DIM), dtype=jnp.float32)
    # SwitchRouter learned gate: Linear(dim, num_experts)
    Wr = jax.random.normal(ks[1], (DIM, NUM_EXPERTS), dtype=jnp.float32) * (1.0 / np.sqrt(DIM))
    br = jnp.zeros((NUM_EXPERTS,), dtype=jnp.float32)
    # Per-expert FFN: Linear(dim, hidden) -> ReLU -> Linear(hidden, dim)
    W1 = jax.random.normal(ks[2], (NUM_EXPERTS, DIM, HIDDEN), dtype=jnp.float32) * (1.0 / np.sqrt(DIM))
    b1 = jnp.zeros((NUM_EXPERTS, HIDDEN), dtype=jnp.float32)
    W2 = jax.random.normal(ks[3], (NUM_EXPERTS, HIDDEN, DIM), dtype=jnp.float32) * (1.0 / np.sqrt(HIDDEN))
    b2 = jnp.zeros((NUM_EXPERTS, DIM), dtype=jnp.float32)
    return {"x": x, "Wr": Wr, "br": br, "W1": W1, "b1": b1, "W2": W2, "b2": b2}


def reference(x, Wr, br, W1, b1, W2, b2):
    B, S, D = x.shape
    flat_x = x.reshape(B * S, D)
    # SwitchRouter: top-k over learned logits, weights = softmax over selected logits
    logits = flat_x @ Wr + br
    top_vals, assign = jax.lax.top_k(logits, TOP_K)  # assign: [T, k] int32
    weights = jax.nn.softmax(top_vals, axis=-1)       # [T, k]
    out = jnp.zeros((B * S, D), dtype=x.dtype)
    for idx in range(NUM_EXPERTS):
        # per-token weight for this expert (0 if not routed here)
        token_w = jnp.sum(weights * (assign == idx).astype(weights.dtype), axis=-1)  # [T]
        h = jax.nn.relu(flat_x @ W1[idx] + b1[idx])
        expert_out = h @ W2[idx] + b2[idx]
        # tokens with token_w == 0 contribute exactly 0, matching the masked torch loop
        out = out + expert_out * token_w[:, None]
    return out.reshape(B, S, D)

if __name__ == "__main__":
    import jax
    _d = setup_inputs()
    print(jax.jit(kernel)(*tuple(_d.values())))

</pallas_src>

<mosaic_0001>
#map = affine_map<(d0, d1) -> (0, 0)>
#map1 = affine_map<(d0, d1) -> (0)>
module attributes {stable_mosaic.version = 14 : i64} {
  func.func @_sc_combine(%arg0: i32, %arg1: i32, %arg2: memref<6144x1024xf32, #tpu.memory_space<hbm>>, %arg3: memref<2048xi32, #tpu.memory_space<hbm>>, %arg4: memref<2048xi32, #tpu.memory_space<hbm>>, %arg5: memref<2048x1024xf32, #tpu.memory_space<hbm>>, %arg6: memref<64xi32, #tpu.memory_space<vmem>>, %arg7: memref<64xi32, #tpu.memory_space<vmem>>, %arg8: memref<16x1024xf32, #tpu.memory_space<vmem>>, %arg9: memref<16x1024xf32, #tpu.memory_space<vmem>>, %arg10: memref<16x1024xf32, #tpu.memory_space<vmem>>, %arg11: memref<16x1024xf32, #tpu.memory_space<vmem>>, %arg12: memref<!tpu.dma_semaphore, #tpu.memory_space<semaphore_mem>>, %arg13: memref<!tpu.dma_semaphore, #tpu.memory_space<semaphore_mem>>, %arg14: memref<!tpu.dma_semaphore, #tpu.memory_space<semaphore_mem>>, %arg15: memref<!tpu.dma_semaphore, #tpu.memory_space<semaphore_mem>>) attributes {dimension_semantics = [#tpu.dimension_semantics<core_parallel>, #tpu.dimension_semantics<subcore_parallel>], iteration_bounds = array<i64: 2, 16>, scalar_prefetch = 0 : i64, scratch_operands = 10 : i64, tpu.core_type = #tpu.core_type<sc_vector_subcore>, window_params = [{transform_indices = #map}, {transform_indices = #map1}, {transform_indices = #map1}, {transform_indices = #map}]} {
    %mul3A = arith.constant 2 : i32
    %mul3A_0 = arith.muli %arg1, %mul3A : i32
    %add3A = arith.addi %mul3A_0, %arg0 : i32
    %mul3A_1 = arith.constant 64 : i32
    %mul3A_2 = arith.muli %add3A, %mul3A_1 : i32
    "tpu.region"() ({
      %run_scoped3A = tpu.sem_alloc : memref<!tpu.dma_semaphore, #tpu.memory_space<semaphore_mem>>
      %dma_start3A_116 = tpu.memref_slice %arg3[%mul3A_2] : memref<2048xi32, #tpu.memory_space<hbm>> -> memref<64xi32, #tpu.memory_space<hbm>>
      %dma_start3A_117 = tpu.memref_slice %arg3[%mul3A_2] : memref<2048xi32, #tpu.memory_space<hbm>> -> memref<64xi32, #tpu.memory_space<hbm>>
      tpu.enqueue_dma source(%dma_start3A_117 : memref<64xi32, #tpu.memory_space<hbm>>) target(%arg6 : memref<64xi32, #tpu.memory_space<vmem>>) target_semaphore(%run_scoped3A : memref<!tpu.dma_semaphore, #tpu.memory_space<semaphore_mem>>)
      %dma_wait3A_118 = tpu.memref_slice %arg3[%mul3A_2] : memref<2048xi32, #tpu.memory_space<hbm>> -> memref<64xi32, #tpu.memory_space<hbm>>
      %dma_wait3A_119 = tpu.memref_slice %arg3[%mul3A_2] : memref<2048xi32, #tpu.memory_space<hbm>> -> memref<64xi32, #tpu.memory_space<hbm>>
      tpu.wait_dma2 semaphore(%run_scoped3A : memref<!tpu.dma_semaphore, #tpu.memory_space<semaphore_mem>>) src(%dma_wait3A_119 : memref<64xi32, #tpu.memory_space<hbm>>) dst(%arg6 : memref<64xi32, #tpu.memory_space<vmem>>)
      tpu.yield
    }) : () -> ()
    "tpu.region"() ({
      %run_scoped3A = tpu.sem_alloc : memref<!tpu.dma_semaphore, #tpu.memory_space<semaphore_mem>>
      %dma_start3A_116 = tpu.memref_slice %arg4[%mul3A_2] : memref<2048xi32, #tpu.memory_space<hbm>> -> memref<64xi32, #tpu.memory_space<hbm>>
      %dma_start3A_117 = tpu.memref_slice %arg4[%mul3A_2] : memref<2048xi32, #tpu.memory_space<hbm>> -> memref<64xi32, #tpu.memory_space<hbm>>
      tpu.enqueue_dma source(%dma_start3A_117 : memref<64xi32, #tpu.memory_space<hbm>>) target(%arg7 : memref<64xi32, #tpu.memory_space<vmem>>) target_semaphore(%run_scoped3A : memref<!tpu.dma_semaphore, #tpu.memory_space<semaphore_mem>>)
      %dma_wait3A_118 = tpu.memref_slice %arg4[%mul3A_2] : memref<2048xi32, #tpu.memory_space<hbm>> -> memref<64xi32, #tpu.memory_space<hbm>>
      %dma_wait3A_119 = tpu.memref_slice %arg4[%mul3A_2] : memref<2048xi32, #tpu.memory_space<hbm>> -> memref<64xi32, #tpu.memory_space<hbm>>
      tpu.wait_dma2 semaphore(%run_scoped3A : memref<!tpu.dma_semaphore, #tpu.memory_space<semaphore_mem>>) src(%dma_wait3A_119 : memref<64xi32, #tpu.memory_space<hbm>>) dst(%arg7 : memref<64xi32, #tpu.memory_space<vmem>>)
      tpu.yield
    }) : () -> ()
    %dma_start3A = arith.constant 0 : i32
    %dma_start3A_3 = tpu.memref_slice %arg6[%dma_start3A] : memref<64xi32, #tpu.memory_space<vmem>> -> memref<16xi32, #tpu.memory_space<vmem>>
    %dma_start3A_4 = arith.constant 0 : i32
    %dma_start3A_5 = arith.constant 0 : i32
    %dma_start3A_6 = tpu.memref_slice %arg2[%dma_start3A_4, %dma_start3A_5] : memref<6144x1024xf32, #tpu.memory_space<hbm>> -> memref<6144x1024xf32, #tpu.memory_space<hbm>>
    tpu.enqueue_indirect_dma source(%dma_start3A_6 : memref<6144x1024xf32, #tpu.memory_space<hbm>>) target(%arg8 : memref<16x1024xf32, #tpu.memory_space<vmem>>) offsets(%dma_start3A_3 : memref<16xi32, #tpu.memory_space<vmem>>) semaphore(%arg12 : memref<!tpu.dma_semaphore, #tpu.memory_space<semaphore_mem>>)
    %dma_start3A_7 = arith.constant 0 : i32
    %dma_start3A_8 = tpu.memref_slice %arg7[%dma_start3A_7] : memref<64xi32, #tpu.memory_space<vmem>> -> memref<16xi32, #tpu.memory_space<vmem>>
    %dma_start3A_9 = arith.constant 0 : i32
    %dma_start3A_10 = arith.constant 0 : i32
    %dma_start3A_11 = tpu.memref_slice %arg2[%dma_start3A_9, %dma_start3A_10] : memref<6144x1024xf32, #tpu.memory_space<hbm>> -> memref<6144x1024xf32, #tpu.memory_space<hbm>>
    tpu.enqueue_indirect_dma source(%dma_start3A_11 : memref<6144x1024xf32, #tpu.memory_space<hbm>>) target(%arg9 : memref<16x1024xf32, #tpu.memory_space<vmem>>) offsets(%dma_start3A_8 : memref<16xi32, #tpu.memory_space<vmem>>) semaphore(%arg13 : memref<!tpu.dma_semaphore, #tpu.memory_space<semaphore_mem>>)
    %dma_start3A_12 = arith.constant 16 : i32
    %dma_start3A_13 = tpu.memref_slice %arg6[%dma_start3A_12] : memref<64xi32, #tpu.memory_space<vmem>> -> memref<16xi32, #tpu.memory_space<vmem>>
    %dma_start3A_14 = arith.constant 0 : i32
    %dma_start3A_15 = arith.constant 0 : i32
    %dma_start3A_16 = tpu.memref_slice %arg2[%dma_start3A_14, %dma_start3A_15] : memref<6144x1024xf32, #tpu.memory_space<hbm>> -> memref<6144x1024xf32, #tpu.memory_space<hbm>>
    tpu.enqueue_indirect_dma source(%dma_start3A_16 : memref<6144x1024xf32, #tpu.memory_space<hbm>>) target(%arg10 : memref<16x1024xf32, #tpu.memory_space<vmem>>) offsets(%dma_start3A_13 : memref<16xi32, #tpu.memory_space<vmem>>) semaphore(%arg14 : memref<!tpu.dma_semaphore, #tpu.memory_space<semaphore_mem>>)
    %dma_start3A_17 = arith.constant 16 : i32
    %dma_start3A_18 = tpu.memref_slice %arg7[%dma_start3A_17] : memref<64xi32, #tpu.memory_space<vmem>> -> memref<16xi32, #tpu.memory_space<vmem>>
    %dma_start3A_19 = arith.constant 0 : i32
    %dma_start3A_20 = arith.constant 0 : i32
    %dma_start3A_21 = tpu.memref_slice %arg2[%dma_start3A_19, %dma_start3A_20] : memref<6144x1024xf32, #tpu.memory_space<hbm>> -> memref<6144x1024xf32, #tpu.memory_space<hbm>>
    tpu.enqueue_indirect_dma source(%dma_start3A_21 : memref<6144x1024xf32, #tpu.memory_space<hbm>>) target(%arg11 : memref<16x1024xf32, #tpu.memory_space<vmem>>) offsets(%dma_start3A_18 : memref<16xi32, #tpu.memory_space<vmem>>) semaphore(%arg15 : memref<!tpu.dma_semaphore, #tpu.memory_space<semaphore_mem>>)
    %dma_wait3A = arith.constant 0 : i32
    %dma_wait3A_22 = tpu.memref_slice %arg6[%dma_wait3A] : memref<64xi32, #tpu.memory_space<vmem>> -> memref<16xi32, #tpu.memory_space<vmem>>
    %dma_wait3A_23 = arith.constant 0 : i32
    %dma_wait3A_24 = arith.constant 0 : i32
    %dma_wait3A_25 = tpu.memref_slice %arg2[%dma_wait3A_23, %dma_wait3A_24] : memref<6144x1024xf32, #tpu.memory_space<hbm>> -> memref<6144x1024xf32, #tpu.memory_space<hbm>>
    tpu.wait_indirect_dma semaphore(%arg12 : memref<!tpu.dma_semaphore, #tpu.memory_space<semaphore_mem>>) src(%dma_wait3A_25 : memref<6144x1024xf32, #tpu.memory_space<hbm>>) dst(%arg8 : memref<16x1024xf32, #tpu.memory_space<vmem>>)
    %dma_wait3A_26 = arith.constant 0 : i32
    %dma_wait3A_27 = tpu.memref_slice %arg7[%dma_wait3A_26] : memref<64xi32, #tpu.memory_space<vmem>> -> memref<16xi32, #tpu.memory_space<vmem>>
    %dma_wait3A_28 = arith.constant 0 : i32
    %dma_wait3A_29 = arith.constant 0 : i32
    %dma_wait3A_30 = tpu.memref_slice %arg2[%dma_wait3A_28, %dma_wait3A_29] : memref<6144x1024xf32, #tpu.memory_space<hbm>> -> memref<6144x1024xf32, #tpu.memory_space<hbm>>
    tpu.wait_indirect_dma semaphore(%arg13 : memref<!tpu.dma_semaphore, #tpu.memory_space<semaphore_mem>>) src(%dma_wait3A_30 : memref<6144x1024xf32, #tpu.memory_space<hbm>>) dst(%arg9 : memref<16x1024xf32, #tpu.memory_space<vmem>>)
    %scan3A = arith.constant 0 : i32
    %scan3A_31 = arith.constant 0 : i32
    %scan3A_32 = arith.constant 16 : i32
    %scan3A_33 = arith.addi %scan3A_31, %scan3A_32 : i32
    %scan3A_34 = arith.constant 1 : i32
    %scan3A_35 = scf.for %scan3A_116 = %scan3A_31 to %scan3A_33 step %scan3A_34 iter_args(%scan3A_117 = %scan3A) -> (i32)  : i32 {
      %get3A = arith.index_cast %scan3A_116 : i32 to index
      %get3A_118 = arith.constant 0 : index
      %get3A_119 = tpu.vector_load %arg8[%get3A, %get3A_118] {strides = array<i32>} : memref<16x1024xf32, #tpu.memory_space<vmem>>, vector<1x16xf32>,
      %get3A_120 = vector.shape_cast %get3A_119 : vector<1x16xf32> to vector<16xf32>
      %get3A_121 = arith.index_cast %scan3A_116 : i32 to index
      %get3A_122 = arith.constant 0 : index
      %get3A_123 = tpu.vector_load %arg9[%get3A_121, %get3A_122] {strides = array<i32>} : memref<16x1024xf32, #tpu.memory_space<vmem>>, vector<1x16xf32>,
      %get3A_124 = vector.shape_cast %get3A_123 : vector<1x16xf32> to vector<16xf32>
      %add3A_125 = arith.addf %get3A_120, %get3A_124 : vector<16xf32>
      %swap3A = arith.index_cast %scan3A_116 : i32 to index
      %swap3A_126 = arith.constant 0 : index
      %swap3A_127 = tpu.vector_load %arg8[%swap3A, %swap3A_126] {strides = array<i32>} : memref<16x1024xf32, #tpu.memory_space<vmem>>, vector<1x16xf32>,
      %swap3A_128 = vector.shape_cast %swap3A_127 : vector<1x16xf32> to vector<16xf32>
      %swap3A_129 = vector.shape_cast %add3A_125 : vector<16xf32> to vector<1x16xf32>
      tpu.vector_store %arg8[%swap3A, %swap3A_126], %swap3A_129 {strides = array<i32>} : memref<16x1024xf32, #tpu.memory_space<vmem>>, vector<1x16xf32>,
      %get3A_130 = arith.index_cast %scan3A_116 : i32 to index
      %get3A_131 = arith.constant 16 : index
      %get3A_132 = tpu.vector_load %arg8[%get3A_130, %get3A_131] {strides = array<i32>} : memref<16x1024xf32, #tpu.memory_space<vmem>>, vector<1x16xf32>,
      %get3A_133 = vector.shape_cast %get3A_132 : vector<1x16xf32> to vector<16xf32>
      %get3A_134 = arith.index_cast %scan3A_116 : i32 to index
      %get3A_135 = arith.constant 16 : index
      %get3A_136 = tpu.vector_load %arg9[%get3A_134, %get3A_135] {strides = array<i32>} : memref<16x1024xf32, #tpu.memory_space<vmem>>, vector<1x16xf32>,
      %get3A_137 = vector.shape_cast %get3A_136 : vector<1x16xf32> to vector<16xf32>
      %add3A_138 = arith.addf %get3A_133, %get3A_137 : vector<16xf32>
      %swap3A_139 = arith.index_cast %scan3A_116 : i32 to index
      %swap3A_140 = arith.constant 16 : index
      %swap3A_141 = tpu.vector_load %arg8[%swap3A_139, %swap3A_140] {strides = array<i32>} : memref<16x1024xf32, #tpu.memory_space<vmem>>, vector<1x16xf32>,
      %swap3A_142 = vector.shape_cast %swap3A_141 : vector<1x16xf32> to vector<16xf32>
      %swap3A_143 = vector.shape_cast %add3A_138 : vector<16xf32> to vector<1x16xf32>
      tpu.vector_store %arg8[%swap3A_139, %swap3A_140], %swap3A_143 {strides = array<i32>} : memref<16x1024xf32, #tpu.memory_space<vmem>>, vector<1x16xf32>,
      %get3A_144 = arith.index_cast %scan3A_116 : i32 to index
      %get3A_145 = arith.constant 32 : index
      %get3A_146 = tpu.vector_load %arg8[%get3A_144, %get3A_145] {strides = array<i32>} : memref<16x1024xf32, #tpu.memory_space<vmem>>, vector<1x16xf32>,
      %get3A_147 = vector.shape_cast %get3A_146 : vector<1x16xf32> to vector<16xf32>
      %get3A_148 = arith.index_cast %scan3A_116 : i32 to index
      %get3A_149 = arith.constant 32 : index
      %get3A_150 = tpu.vector_load %arg9[%get3A_148, %get3A_149] {strides = array<i32>} : memref<16x1024xf32, #tpu.memory_space<vmem>>, vector<1x16xf32>,
      %get3A_151 = vector.shape_cast %get3A_150 : vector<1x16xf32> to vector<16xf32>
      %add3A_152 = arith.addf %get3A_147, %get3A_151 : vector<16xf32>
      %swap3A_153 = arith.index_cast %scan3A_116 : i32 to index
      %swap3A_154 = arith.constant 32 : index
      %swap3A_155 = tpu.vector_load %arg8[%swap3A_153, %swap3A_154] {strides = array<i32>} : memref<16x1024xf32, #tpu.memory_space<vmem>>, vector<1x16xf32>,
      %swap3A_156 = vector.shape_cast %swap3A_155 : vector<1x16xf32> to vector<16xf32>
      %swap3A_157 = vector.shape_cast %add3A_152 : vector<16xf32> to vector<1x16xf32>
      tpu.vector_store %arg8[%swap3A_153, %swap3A_154], %swap3A_157 {strides = array<i32>} : memref<16x1024xf32, #tpu.memory_space<vmem>>, vector<1x16xf32>,
      %get3A_158 = arith.index_cast %scan3A_116 : i32 to index
      %get3A_159 = arith.constant 48 : index
      %get3A_160 = tpu.vector_load %arg8[%get3A_158, %get3A_159] {strides = array<i32>} : memref<16x1024xf32, #tpu.memory_space<vmem>>, vector<1x16xf32>,
      %get3A_161 = vector.shape_cast %get3A_160 : vector<1x16xf32> to vector<16xf32>
      %get3A_162 = arith.index_cast %scan3A_116 : i32 to index
      %get3A_163 = arith.constant 48 : index
      %get3A_164 = tpu.vector_load %arg9[%get3A_162, %get3A_163] {strides = array<i32>} : memref<16x1024xf32, #tpu.memory_space<vmem>>, vector<1x16xf32>,
      %get3A_165 = vector.shape_cast %get3A_164 : vector<1x16xf32> to vector<16xf32>
      %add3A_166 = arith.addf %get3A_161, %get3A_165 : vector<16xf32>
      %swap3A_167 = arith.index_cast %scan3A_116 : i32 to index
      %swap3A_168 = arith.constant 48 : index
      %swap3A_169 = tpu.vector_load %arg8[%swap3A_167, %swap3A_168] {strides = array<i32>} : memref<16x1024xf32, #tpu.memory_space<vmem>>, vector<1x16xf32>,
      %swap3A_170 = vector.shape_cast %swap3A_169 : vector<1x16xf32> to vector<16xf32>
      %swap3A_171 = vector.shape_cast %add3A_166 : vector<16xf32> to vector<1x16xf32>
      tpu.vector_store %arg8[%swap3A_167, %swap3A_168], %swap3A_171 {strides = array<i32>} : memref<16x1024xf32, #tpu.memory_space<vmem>>, vector<1x16xf32>,
      %get3A_172 = arith.index_cast %scan3A_116 : i32 to index
      %get3A_173 = arith.constant 64 : index
      %get3A_174 = tpu.vector_load %arg8[%get3A_172, %get3A_173] {strides = array<i32>} : memref<16x1024xf32, #tpu.memory_space<vmem>>, vector<1x16xf32>,
      %get3A_175 = vector.shape_cast %get3A_174 : vector<1x16xf32> to vector<16xf32>
      %get3A_176 = arith.index_cast %scan3A_116 : i32 to index
      %get3A_177 = arith.constant 64 : index
      %get3A_178 = tpu.vector_load %arg9[%get3A_176, %get3A_177] {strides = array<i32>} : memref<16x1024xf32, #tpu.memory_space<vmem>>, vector<1x16xf32>,
      %get3A_179 = vector.shape_cast %get3A_178 : vector<1x16xf32> to vector<16xf32>
      %add3A_180 = arith.addf %get3A_175, %get3A_179 : vector<16xf32>
      %swap3A_181 = arith.index_cast %scan3A_116 : i32 to index
      %swap3A_182 = arith.constant 64 : index
      %swap3A_183 = tpu.vector_load %arg8[%swap3A_181, %swap3A_182] {strides = array<i32>} : memref<16x1024xf32, #tpu.memory_space<vmem>>, vector<1x16xf32>,
      %swap3A_184 = vector.shape_cast %swap3A_183 : vector<1x16xf32> to vector<16xf32>
      %swap3A_185 = vector.shape_cast %add3A_180 : vector<16xf32> to vector<1x16xf32>
      tpu.vector_store %arg8[%swap3A_181, %swap3A_182], %swap3A_185 {strides = array<i32>} : memref<16x1024xf32, #tpu.memory_space<vmem>>, vector<1x16xf32>,
      %get3A_186 = arith.index_cast %scan3A_116 : i32 to index
      %get3A_187 = arith.constant 80 : index
      %get3A_188 = tpu.vector_load %arg8[%get3A_186, %get3A_187] {strides = array<i32>} : memref<16x1024xf32, #tpu.memory_space<vmem>>, vector<1x16xf32>,
      %get3A_189 = vector.shape_cast %get3A_188 : vector<1x16xf32> to vector<16xf32>
      %get3A_190 = arith.index_cast %scan3A_116 : i32 to index
      %get3A_191 = arith.constant 80 : index
      %get3A_192 = tpu.vector_load %arg9[%get3A_190, %get3A_191] {strides = array<i32>} : memref<16x1024xf32, #tpu.memory_space<vmem>>, vector<1x16xf32>,
      %get3A_193 = vector.shape_cast %get3A_192 : vector<1x16xf32> to vector<16xf32>
      %add3A_194 = arith.addf %get3A_189, %get3A_193 : vector<16xf32>
      %swap3A_195 = arith.index_cast %scan3A_116 : i32 to index
      %swap3A_196 = arith.constant 80 : index
      %swap3A_197 = tpu.vector_load %arg8[%swap3A_195, %swap3A_196] {strides = array<i32>} : memref<16x1024xf32, #tpu.memory_space<vmem>>, vector<1x16xf32>,
      %swap3A_198 = vector.shape_cast %swap3A_197 : vector<1x16xf32> to vector<16xf32>
      %swap3A_199 = vector.shape_cast %add3A_194 : vector<16xf32> to vector<1x16xf32>
      tpu.vector_store %arg8[%swap3A_195, %swap3A_196], %swap3A_199 {strides = array<i32>} : memref<16x1024xf32, #tpu.memory_space<vmem>>, vector<1x16xf32>,
      %get3A_200 = arith.index_cast %scan3A_116 : i32 to index
      %get3A_201 = arith.constant 96 : index
      %get3A_202 = tpu.vector_load %arg8[%get3A_200, %get3A_201] {strides = array<i32>} : memref<16x1024xf32, #tpu.memory_space<vmem>>, vector<1x16xf32>,
      %get3A_203 = vector.shape_cast %get3A_202 : vector<1x16xf32> to vector<16xf32>
      %get3A_204 = arith.index_cast %scan3A_116 : i32 to index
      %get3A_205 = arith.constant 96 : index
      %get3A_206 = tpu.vector_load %arg9[%get3A_204, %get3A_205] {strides = array<i32>} : memref<16x1024xf32, #tpu.memory_space<vmem>>, vector<1x16xf32>,
      %get3A_207 = vector.shape_cast %get3A_206 : vector<1x16xf32> to vector<16xf32>
      %add3A_208 = arith.addf %get3A_203, %get3A_207 : vector<16xf32>
      %swap3A_209 = arith.index_cast %scan3A_116 : i32 to index
      %swap3A_210 = arith.constant 96 : index
      %swap3A_211 = tpu.vector_load %arg8[%swap3A_209, %swap3A_210] {strides = array<i32>} : memref<16x1024xf32, #tpu.memory_space<vmem>>, vector<1x16xf32>,
      %swap3A_212 = vector.shape_cast %swap3A_211 : vector<1x16xf32> to vector<16xf32>
      %swap3A_213 = vector.shape_cast %add3A_208 : vector<16xf32> to vector<1x16xf32>
      tpu.vector_store %arg8[%swap3A_209, %swap3A_210], %swap3A_213 {strides = array<i32>} : memref<16x1024xf32, #tpu.memory_space<vmem>>, vector<1x16xf32>,
      %get3A_214 = arith.index_cast %scan3A_116 : i32 to index
      %get3A_215 = arith.constant 112 : index
      %get3A_216 = tpu.vector_load %arg8[%get3A_214, %get3A_215] {strides = array<i32>} : memref<16x1024xf32, #tpu.memory_space<vmem>>, vector<1x16xf32>,
      %get3A_217 = vector.shape_cast %get3A_216 : vector<1x16xf32> to vector<16xf32>
      %get3A_218 = arith.index_cast %scan3A_116 : i32 to index
      %get3A_219 = arith.constant 112 : index
      %get3A_220 = tpu.vector_load %arg9[%get3A_218, %get3A_219] {strides = array<i32>} : memref<16x1024xf32, #tpu.memory_space<vmem>>, vector<1x16xf32>,
      %get3A_221 = vector.shape_cast %get3A_220 : vector<1x16xf32> to vector<16xf32>
      %add3A_222 = arith.addf %get3A_217, %get3A_221 : vector<16xf32>
      %swap3A_223 = arith.index_cast %scan3A_116 : i32 to index
      %swap3A_224 = arith.constant 112 : index
      %swap3A_225 = tpu.vector_load %arg8[%swap3A_223, %swap3A_224] {strides = array<i32>} : memref<16x1024xf32, #tpu.memory_space<vmem>>, vector<1x16xf32>,
      %swap3A_226 = vector.shape_cast %swap3A_225 : vector<1x16xf32> to vector<16xf32>
      %swap3A_227 = vector.shape_cast %add3A_222 : vector<16xf32> to vector<1x16xf32>
      tpu.vector_store %arg8[%swap3A_223, %swap3A_224], %swap3A_227 {strides = array<i32>} : memref<16x1024xf32, #tpu.memory_space<vmem>>, vector<1x16xf32>,
      %get3A_228 = arith.index_cast %scan3A_116 : i32 to index
      %get3A_229 = arith.constant 128 : index
      %get3A_230 = tpu.vector_load %arg8[%get3A_228, %get3A_229] {strides = array<i32>} : memref<16x1024xf32, #tpu.memory_space<vmem>>, vector<1x16xf32>,
      %get3A_231 = vector.shape_cast %get3A_230 : vector<1x16xf32> to vector<16xf32>
      %get3A_232 = arith.index_cast %scan3A_116 : i32 to index
      %get3A_233 = arith.constant 128 : index
      %get3A_234 = tpu.vector_load %arg9[%get3A_232, %get3A_233] {strides = array<i32>} : memref<16x1024xf32, #tpu.memory_space<vmem>>, vector<1x16xf32>,
      %get3A_235 = vector.shape_cast %get3A_234 : vector<1x16xf32> to vector<16xf32>
      %add3A_236 = arith.addf %get3A_231, %get3A_235 : vector<16xf32>
      %swap3A_237 = arith.index_cast %scan3A_116 : i32 to index
      %swap3A_238 = arith.constant 128 : index
      %swap3A_239 = tpu.vector_load %arg8[%swap3A_237, %swap3A_238] {strides = array<i32>} : memref<16x1024xf32, #tpu.memory_space<vmem>>, vector<1x16xf32>,
      %swap3A_240 = vector.shape_cast %swap3A_239 : vector<1x16xf32> to vector<16xf32>
      %swap3A_241 = vector.shape_cast %add3A_236 : vector<16xf32> to vector<1x16xf32>
      tpu.vector_store %arg8[%swap3A_237, %swap3A_238], %swap3A_241 {strides = array<i32>} : memref<16x1024xf32, #tpu.memory_space<vmem>>, vector<1x16xf32>,
      %get3A_242 = arith.index_cast %scan3A_116 : i32 to index
      %get3A_243 = arith.constant 144 : index
      %get3A_244 = tpu.vector_load %arg8[%get3A_242, %get3A_243] {strides = array<i32>} : memref<16x1024xf32, #tpu.memory_space<vmem>>, vector<1x16xf32>,
      %get3A_245 = vector.shape_cast %get3A_244 : vector<1x16xf32> to vector<16xf32>
      %get3A_246 = arith.index_cast %scan3A_116 : i32 to index
      %get3A_247 = arith.constant 144 : index
      %get3A_248 = tpu.vector_load %arg9[%get3A_246, %get3A_247] {strides = array<i32>} : memref<16x1024xf32, #tpu.memory_space<vmem>>, vector<1x16xf32>,
      %get3A_249 = vector.shape_cast %get3A_248 : vector<1x16xf32> to vector<16xf32>
      %add3A_250 = arith.addf %get3A_245, %get3A_249 : vector<16xf32>
      %swap3A_251 = arith.index_cast %scan3A_116 : i32 to index
      %swap3A_252 = arith.constant 144 : index
      %swap3A_253 = tpu.vector_load %arg8[%swap3A_251, %swap3A_252] {strides = array<i32>} : memref<16x1024xf32, #tpu.memory_space<vmem>>, vector<1x16xf32>,
      %swap3A_254 = vector.shape_cast %swap3A_253 : vector<1x16xf32> to vector<16xf32>
      %swap3A_255 = vector.shape_cast %add3A_250 : vector<16xf32> to vector<1x16xf32>
      tpu.vector_store %arg8[%swap3A_251, %swap3A_252], %swap3A_255 {strides = array<i32>} : memref<16x1024xf32, #tpu.memory_space<vmem>>, vector<1x16xf32>,
      %get3A_256 = arith.index_cast %scan3A_116 : i32 to index
      %get3A_257 = arith.constant 160 : index
      %get3A_258 = tpu.vector_load %arg8[%get3A_256, %get3A_257] {strides = array<i32>} : memref<16x1024xf32, #tpu.memory_space<vmem>>, vector<1x16xf32>,
      %get3A_259 = vector.shape_cast %get3A_258 : vector<1x16xf32> to vector<16xf32>
      %get3A_260 = arith.index_cast %scan3A_116 : i32 to index
      %get3A_261 = arith.constant 160 : index
      %get3A_262 = tpu.vector_load %arg9[%get3A_260, %get3A_261] {strides = array<i32>} : memref<16x1024xf32, #tpu.memory_space<vmem>>, vector<1x16xf32>,
      %get3A_263 = vector.shape_cast %get3A_262 : vector<1x16xf32> to vector<16xf32>
      %add3A_264 = arith.addf %get3A_259, %get3A_263 : vector<16xf32>
      %swap3A_265 = arith.index_cast %scan3A_116 : i32 to index
      %swap3A_266 = arith.constant 160 : index
      %swap3A_267 = tpu.vector_load %arg8[%swap3A_265, %swap3A_266] {strides = array<i32>} : memref<16x1024xf32, #tpu.memory_space<vmem>>, vector<1x16xf32>,
      %swap3A_268 = vector.shape_cast %swap3A_267 : vector<1x16xf32> to vector<16xf32>
      %swap3A_269 = vector.shape_cast %add3A_264 : vector<16xf32> to vector<1x16xf32>
      tpu.vector_store %arg8[%swap3A_265, %swap3A_266], %swap3A_269 {strides = array<i32>} : memref<16x1024xf32, #tpu.memory_space<vmem>>, vector<1x16xf32>,
      %get3A_270 = arith.index_cast %scan3A_116 : i32 to index
      %get3A_271 = arith.constant 176 : index
      %get3A_272 = tpu.vector_load %arg8[%get3A_270, %get3A_271] {strides = array<i32>} : memref<16x1024xf32, #tpu.memory_space<vmem>>, vector<1x16xf32>,
      %get3A_273 = vector.shape_cast %get3A_272 : vector<1x16xf32> to vector<16xf32>
      %get3A_274 = arith.index_cast %scan3A_116 : i32 to index
      %get3A_275 = arith.constant 176 : index
      %get3A_276 = tpu.vector_load %arg9[%get3A_274, %get3A_275] {strides = array<i32>} : memref<16x1024xf32, #tpu.memory_space<vmem>>, vector<1x16xf32>,
      %get3A_277 = vector.shape_cast %get3A_276 : vector<1x16xf32> to vector<16xf32>
      %add3A_278 = arith.addf %get3A_273, %get3A_277 : vector<16xf32>
      %swap3A_279 = arith.index_cast %scan3A_116 : i32 to index
      %swap3A_280 = arith.constant 176 : index
      %swap3A_281 = tpu.vector_load %arg8[%swap3A_279, %swap3A_280] {strides = array<i32>} : memref<16x1024xf32, #tpu.memory_space<vmem>>, vector<1x16xf32>,
      %swap3A_282 = vector.shape_cast %swap3A_281 : vector<1x16xf32> to vector<16xf32>
      %swap3A_283 = vector.shape_cast %add3A_278 : vector<16xf32> to vector<1x16xf32>
      tpu.vector_store %arg8[%swap3A_279, %swap3A_280], %swap3A_283 {strides = array<i32>} : memref<16x1024xf32, #tpu.memory_space<vmem>>, vector<1x16xf32>,
      %get3A_284 = arith.index_cast %scan3A_116 : i32 to index
      %get3A_285 = arith.constant 192 : index
      %get3A_286 = tpu.vector_load %arg8[%get3A_284, %get3A_285] {strides = array<i32>} : memref<16x1024xf32, #tpu.memory_space<vmem>>, vector<1x16xf32>,
      %get3A_287 = vector.shape_cast %get3A_286 : vector<1x16xf32> to vector<16xf32>
      %get3A_288 = arith.index_cast %scan3A_116 : i32 to index
      %get3A_289 = arith.constant 192 : index
      %get3A_290 = tpu.vector_load %arg9[%get3A_288, %get3A_289] {strides = array<i32>} : memref<16x1024xf32, #tpu.memory_space<vmem>>, vector<1x16xf32>,
      %get3A_291 = vector.shape_cast %get3A_290 : vector<1x16xf32> to vector<16xf32>
      %add3A_292 = arith.addf %get3A_287, %get3A_291 : vector<16xf32>
      %swap3A_293 = arith.index_cast %scan3A_116 : i32 to index
      %swap3A_294 = arith.constant 192 : index
      %swap3A_295 = tpu.vector_load %arg8[%swap3A_293, %swap3A_294] {strides = array<i32>} : memref<16x1024xf32, #tpu.memory_space<vmem>>, vector<1x16xf32>,
      %swap3A_296 = vector.shape_cast %swap3A_295 : vector<1x16xf32> to vector<16xf32>
      %swap3A_297 = vector.shape_cast %add3A_292 : vector<16xf32> to vector<1x16xf32>
      tpu.vector_store %arg8[%swap3A_293, %swap3A_294], %swap3A_297 {strides = array<i32>} : memref<16x1024xf32, #tpu.memory_space<vmem>>, vector<1x16xf32>,
      %get3A_298 = arith.index_cast %scan3A_116 : i32 to index
      %get3A_299 = arith.constant 208 : index
      %get3A_300 = tpu.vector_load %arg8[%get3A_298, %get3A_299] {strides = array<i32>} : memref<16x1024xf32, #tpu.memory_space<vmem>>, vector<1x16xf32>,
      %get3A_301 = vector.shape_cast %get3A_300 : vector<1x16xf32> to vector<16xf32>
      %get3A_302 = arith.index_cast %scan3A_116 : i32 to index
      %get3A_303 = arith.constant 208 : index
      %get3A_304 = tpu.vector_load %arg9[%get3A_302, %get3A_303] {strides = array<i32>} : memref<16x1024xf32, #tpu.memory_space<vmem>>, vector<1x16xf32>,
      %get3A_305 = vector.shape_cast %get3A_304 : vector<1x16xf32> to vector<16xf32>
      %add3A_306 = arith.addf %get3A_301, %get3A_305 : vector<16xf32>
      %swap3A_307 = arith.index_cast %scan3A_116 : i32 to index
      %swap3A_308 = arith.constant 208 : index
      %swap3A_309 = tpu.vector_load %arg8[%swap3A_307, %swap3A_308] {strides = array<i32>} : memref<16x1024xf32, #tpu.memory_space<vmem>>, vector<1x16xf32>,
      %swap3A_310 = vector.shape_cast %swap3A_309 : vector<1x16xf32> to vector<16xf32>
      %swap3A_311 = vector.shape_cast %add3A_306 : vector<16xf32> to vector<1x16xf32>
      tpu.vector_store %arg8[%swap3A_307, %swap3A_308], %swap3A_311 {strides = array<i32>} : memref<16x1024xf32, #tpu.memory_space<vmem>>, vector<1x16xf32>,
      %get3A_312 = arith.index_cast %scan3A_116 : i32 to index
      %get3A_313 = arith.constant 224 : index
      %get3A_314 = tpu.vector_load %arg8[%get3A_312, %get3A_313] {strides = array<i32>} : memref<16x1024xf32, #tpu.memory_space<vmem>>, vector<1x16xf32>,
      %get3A_315 = vector.shape_cast %get3A_314 : vector<1x16xf32> to vector<16xf32>
      %get3A_316 = arith.index_cast %scan3A_116 : i32 to index
      %get3A_317 = arith.constant 224 : index
      %get3A_318 = tpu.vector_load %arg9[%get3A_316, %get3A_317] {strides = array<i32>} : memref<16x1024xf32, #tpu.memory_space<vmem>>, vector<1x16xf32>,
      %get3A_319 = vector.shape_cast %get3A_318 : vector<1x16xf32> to vector<16xf32>
      %add3A_320 = arith.addf %get3A_315, %get3A_319 : vector<16xf32>
      %swap3A_321 = arith.index_cast %scan3A_116 : i32 to index
      %swap3A_322 = arith.constant 224 : index
      %swap3A_323 = tpu.vector_load %arg8[%swap3A_321, %swap3A_322] {strides = array<i32>} : memref<16x1024xf32, #tpu.memory_space<vmem>>, vector<1x16xf32>,
      %swap3A_324 = vector.shape_cast %swap3A_323 : vector<1x16xf32> to vector<16xf32>
      %swap3A_325 = vector.shape_cast %add3A_320 : vector<16xf32> to vector<1x16xf32>
      tpu.vector_store %arg8[%swap3A_321, %swap3A_322], %swap3A_325 {strides = array<i32>} : memref<16x1024xf32, #tpu.memory_space<vmem>>, vector<1x16xf32>,
      %get3A_326 = arith.index_cast %scan3A_116 : i32 to index
      %get3A_327 = arith.constant 240 : index
      %get3A_328 = tpu.vector_load %arg8[%get3A_326, %get3A_327] {strides = array<i32>} : memref<16x1024xf32, #tpu.memory_space<vmem>>, vector<1x16xf32>,
      %get3A_329 = vector.shape_cast %get3A_328 : vector<1x16xf32> to vector<16xf32>
      %get3A_330 = arith.index_cast %scan3A_116 : i32 to index
      %get3A_331 = arith.constant 240 : index
      %get3A_332 = tpu.vector_load %arg9[%get3A_330, %get3A_331] {strides = array<i32>} : memref<16x1024xf32, #tpu.memory_space<vmem>>, vector<1x16xf32>,
      %get3A_333 = vector.shape_cast %get3A_332 : vector<1x16xf32> to vector<16xf32>
      %add3A_334 = arith.addf %get3A_329, %get3A_333 : vector<16xf32>
      %swap3A_335 = arith.index_cast %scan3A_116 : i32 to index
      %swap3A_336 = arith.constant 240 : index
      %swap3A_337 = tpu.vector_load %arg8[%swap3A_335, %swap3A_336] {strides = array<i32>} : memref<16x1024xf32, #tpu.memory_space<vmem>>, vector<1x16xf32>,
      %swap3A_338 = vector.shape_cast %swap3A_337 : vector<1x16xf32> to vector<16xf32>
      %swap3A_339 = vector.shape_cast %add3A_334 : vector<16xf32> to vector<1x16xf32>
      tpu.vector_store %arg8[%swap3A_335, %swap3A_336], %swap3A_339 {strides = array<i32>} : memref<16x1024xf32, #tpu.memory_space<vmem>>, vector<1x16xf32>,
      %get3A_340 = arith.index_cast %scan3A_116 : i32 to index
      %get3A_341 = arith.constant 256 : index
      %get3A_342 = tpu.vector_load %arg8[%get3A_340, %get3A_341] {strides = array<i32>} : memref<16x1024xf32, #tpu.memory_space<vmem>>, vector<1x16xf32>,
      %get3A_343 = vector.shape_cast %get3A_342 : vector<1x16xf32> to vector<16xf32>
      %get3A_344 = arith.index_cast %scan3A_116 : i32 to index
      %get3A_345 = arith.constant 256 : index
      %get3A_346 = tpu.vector_load %arg9[%get3A_344, %get3A_345] {strides = array<i32>} : memref<16x1024xf32, #tpu.memory_space<vmem>>, vector<1x16xf32>,
      %get3A_347 = vector.shape_cast %get3A_346 : vector<1x16xf32> to vector<16xf32>
      %add3A_348 = arith.addf %get3A_343, %get3A_347 : vector<16xf32>
      %swap3A_349 = arith.index_cast %scan3A_116 : i32 to index
      %swap3A_350 = arith.constant 256 : index
      %swap3A_351 = tpu.vector_load %arg8[%swap3A_349, %swap3A_350] {strides = array<i32>} : memref<16x1024xf32, #tpu.memory_space<vmem>>, vector<1x16xf32>,
      %swap3A_352 = vector.shape_cast %swap3A_351 : vector<1x16xf32> to vector<16xf32>
      %swap3A_353 = vector.shape_cast %add3A_348 : vector<16xf32> to vector<1x16xf32>
      tpu.vector_store %arg8[%swap3A_349, %swap3A_350], %swap3A_353 {strides = array<i32>} : memref<16x1024xf32, #tpu.memory_space<vmem>>, vector<1x16xf32>,
      %get3A_354 = arith.index_cast %scan3A_116 : i32 to index
      %get3A_355 = arith.constant 272 : index
      %get3A_356 = tpu.vector_load %arg8[%get3A_354, %get3A_355] {strides = array<i32>} : memref<16x1024xf32, #tpu.memory_space<vmem>>, vector<1x16xf32>,
      %get3A_357 = vector.shape_cast %get3A_356 : vector<1x16xf32> to vector<16xf32>
      %get3A_358 = arith.index_cast %scan3A_116 : i32 to index
      %get3A_359 = arith.constant 272 : index
      %get3A_360 = tpu.vector_load %arg9[%get3A_358, %get3A_359] {strides = array<i32>} : memref<16x1024xf32, #tpu.memory_space<vmem>>, vector<1x16xf32>,
      %get3A_361 = vector.shape_cast %get3A_360 : vector<1x16xf32> to vector<16xf32>
      %add3A_362 = arith.addf %get3A_357, %get3A_361 : vector<16xf32>
      %swap3A_363 = arith.index_cast %scan3A_116 : i32 to index
      %swap3A_364 = arith.constant 272 : index
      %swap3A_365 = tpu.vector_load %arg8[%swap3A_363, %swap3A_364] {strides = array<i32>} : memref<16x1024xf32, #tpu.memory_space<vmem>>, vector<1x16xf32>,
      %swap3A_366 = vector.shape_cast %swap3A_365 : vector<1x16xf32> to vector<16xf32>
      %swap3A_367 = vector.shape_cast %add3A_362 : vector<16xf32> to vector<1x16xf32>
      tpu.vector_store %arg8[%swap3A_363, %swap3A_364], %swap3A_367 {strides = array<i32>} : memref<16x1024xf32, #tpu.memory_space<vmem>>, vector<1x16xf32>,
      %get3A_368 = arith.index_cast %scan3A_116 : i32 to index
      %get3A_369 = arith.constant 288 : index
      %get3A_370 = tpu.vector_load %arg8[%get3A_368, %get3A_369] {strides = array<i32>} : memref<16x1024xf32, #tpu.memory_space<vmem>>, vector<1x16xf32>,
      %get3A_371 = vector.shape_cast %get3A_370 : vector<1x16xf32> to vector<16xf32>
      %get3A_372 = arith.index_cast %scan3A_116 : i32 to index
      %get3A_373 = arith.constant 288 : index
      %get3A_374 = tpu.vector_load %arg9[%get3A_372, %get3A_373] {strides = array<i32>} : memref<16x1024xf32, #tpu.memory_space<vmem>>, vector<1x16xf32>,
      %get3A_375 = vector.shape_cast %get3A_374 : vector<1x16xf32> to vector<16xf32>
      %add3A_376 = arith.addf %get3A_371, %get3A_375 : vector<16xf32>
      %swap3A_377 = arith.index_cast %scan3A_116 : i32 to index
      %swap3A_378 = arith.constant 288 : index
      %swap3A_379 = tpu.vector_load %arg8[%swap3A_377, %swap3A_378] {strides = array<i32>} : memref<16x1024xf32, #tpu.memory_space<vmem>>, vector<1x16xf32>,
      %swap3A_380 = vector.shape_cast %swap3A_379 : vector<1x16xf32> to vector<16xf32>
      %swap3A_381 = vector.shape_cast %add3A_376 : vector<16xf32> to vector<1x16xf32>
      tpu.vector_store %arg8[%swap3A_377, %swap3A_378], %swap3A_381 {strides = array<i32>} : memref<16x1024xf32, #tpu.memory_space<vmem>>, vector<1x16xf32>,
      %get3A_382 = arith.index_cast %scan3A_116 : i32 to index
      %get3A_383 = arith.constant 304 : index
      %get3A_384 = tpu.vector_load %arg8[%get3A_382, %get3A_383] {strides = array<i32>} : memref<16x1024xf32, #tpu.memory_space<vmem>>, vector<1x16xf32>,
      %get3A_385 = vector.shape_cast %get3A_384 : vector<1x16xf32> to vector<16xf32>
      %get3A_386 = arith.index_cast %scan3A_116 : i32 to index
      %get3A_387 = arith.constant 304 : index
      %get3A_388 = tpu.vector_load %arg9[%get3A_386, %get3A_387] {strides = array<i32>} : memref<16x1024xf32, #tpu.memory_space<vmem>>, vector<1x16xf32>,
      %get3A_389 = vector.shape_cast %get3A_388 : vector<1x16xf32> to vector<16xf32>
      %add3A_390 = arith.addf %get3A_385, %get3A_389 : vector<16xf32>
      %swap3A_391 = arith.index_cast %scan3A_116 : i32 to index
      %swap3A_392 = arith.constant 304 : index
      %swap3A_393 = tpu.vector_load %arg8[%swap3A_391, %swap3A_392] {strides = array<i32>} : memref<16x1024xf32, #tpu.memory_space<vmem>>, vector<1x16xf32>,
      %swap3A_394 = vector.shape_cast %swap3A_393 : vector<1x16xf32> to vector<16xf32>
      %swap3A_395 = vector.shape_cast %add3A_390 : vector<16xf32> to vector<1x16xf32>
      tpu.vector_store %arg8[%swap3A_391, %swap3A_392], %swap3A_395 {strides = array<i32>} : memref<16x1024xf32, #tpu.memory_space<vmem>>, vector<1x16xf32>,
      %get3A_396 = arith.index_cast %scan3A_116 : i32 to index
      %get3A_397 = arith.constant 320 : index
      %get3A_398 = tpu.vector_load %arg8[%get3A_396, %get3A_397] {strides = array<i32>} : memref<16x1024xf32, #tpu.memory_space<vmem>>, vector<1x16xf32>,
      %get3A_399 = vector.shape_cast %get3A_398 : vector<1x16xf32> to vector<16xf32>
      %get3A_400 = arith.index_cast %scan3A_116 : i32 to index
      %get3A_401 = arith.constant 320 : index
      %get3A_402 = tpu.vector_load %arg9[%get3A_400, %get3A_401] {strides = array<i32>} : memref<16x1024xf32, #tpu.memory_space<vmem>>, vector<1x16xf32>,
      %get3A_403 = vector.shape_cast %get3A_402 : vector<1x16xf32> to vector<16xf32>
      %add3A_404 = arith.addf %get3A_399, %get3A_403 : vector<16xf32>
      %swap3A_405 = arith.index_cast %scan3A_116 : i32 to index
      %swap3A_406 = arith.constant 320 : index
      %swap3A_407 = tpu.vector_load %arg8[%swap3A_405, %swap3A_406] {strides = array<i32>} : memref<16x1024xf32, #tpu.memory_space<vmem>>, vector<1x16xf32>,
      %swap3A_408 = vector.shape_cast %swap3A_407 : vector<1x16xf32> to vector<16xf32>
      %swap3A_409 = vector.shape_cast %add3A_404 : vector<16xf32> to vector<1x16xf32>
      tpu.vector_store %arg8[%swap3A_405, %swap3A_406], %swap3A_409 {strides = array<i32>} : memref<16x1024xf32, #tpu.memory_space<vmem>>, vector<1x16xf32>,
      %get3A_410 = arith.index_cast %scan3A_116 : i32 to index
      %get3A_411 = arith.constant 336 : index
      %get3A_412 = tpu.vector_load %arg8[%get3A_410, %get3A_411] {strides = array<i32>} : memref<16x1024xf32, #tpu.memory_space<vmem>>, vector<1x16xf32>,
      %get3A_413 = vector.shape_cast %get3A_412 : vector<1x16xf32> to vector<16xf32>
      %get3A_414 = arith.index_cast %scan3A_116 : i32 to index
      %get3A_415 = arith.constant 336 : index
      %get3A_416 = tpu.vector_load %arg9[%get3A_414, %get3A_415] {strides = array<i32>} : memref<16x1024xf32, #tpu.memory_space<vmem>>, vector<1x16xf32>,
      %get3A_417 = vector.shape_cast %get3A_416 : vector<1x16xf32> to vector<16xf32>
      %add3A_418 = arith.addf %get3A_413, %get3A_417 : vector<16xf32>
      %swap3A_419 = arith.index_cast %scan3A_116 : i32 to index
      %swap3A_420 = arith.constant 336 : index
      %swap3A_421 = tpu.vector_load %arg8[%swap3A_419, %swap3A_420] {strides = array<i32>} : memref<16x1024xf32, #tpu.memory_space<vmem>>, vector<1x16xf32>,
      %swap3A_422 = vector.shape_cast %swap3A_421 : vector<1x16xf32> to vector<16xf32>
      %swap3A_423 = vector.shape_cast %add3A_418 : vector<16xf32> to vector<1x16xf32>
      tpu.vector_store %arg8[%swap3A_419, %swap3A_420], %swap3A_423 {strides = array<i32>} : memref<16x1024xf32, #tpu.memory_space<vmem>>, vector<1x16xf32>,
      %get3A_424 = arith.index_cast %scan3A_116 : i32 to index
      %get3A_425 = arith.constant 352 : index
      %get3A_426 = tpu.vector_load %arg8[%get3A_424, %get3A_425] {strides = array<i32>} : memref<16x1024xf32, #tpu.memory_space<vmem>>, vector<1x16xf32>,
      %get3A_427 = vector.shape_cast %get3A_426 : vector<1x16xf32> to vector<16xf32>
      %get3A_428 = arith.index_cast %scan3A_116 : i32 to index
      %get3A_429 = arith.constant 352 : index
      %get3A_430 = tpu.vector_load %arg9[%get3A_428, %get3A_429] {strides = array<i32>} : memref<16x1024xf32, #tpu.memory_space<vmem>>, vector<1x16xf32>,
      %get3A_431 = vector.shape_cast %get3A_430 : vector<1x16xf32> to vector<16xf32>
      %add3A_432 = arith.addf %get3A_427, %get3A_431 : vector<16xf32>
      %swap3A_433 = arith.index_cast %scan3A_116 : i32 to index
      %swap3A_434 = arith.constant 352 : index
      %swap3A_435 = tpu.vector_load %arg8[%swap3A_433, %swap3A_434] {strides = array<i32>} : memref<16x1024xf32, #tpu.memory_space<vmem>>, vector<1x16xf32>,
      %swap3A_436 = vector.shape_cast %swap3A_435 : vector<1x16xf32> to vector<16xf32>
      %swap3A_437 = vector.shape_cast %add3A_432 : vector<16xf32> to vector<1x16xf32>
      tpu.vector_store %arg8[%swap3A_433, %swap3A_434], %swap3A_437 {strides = array<i32>} : memref<16x1024xf32, #tpu.memory_space<vmem>>, vector<1x16xf32>,
      %get3A_438 = arith.index_cast %scan3A_116 : i32 to index
      %get3A_439 = arith.constant 368 : index
      %get3A_440 = tpu.vector_load %arg8[%get3A_438, %get3A_439] {strides = array<i32>} : memref<16x1024xf32, #tpu.memory_space<vmem>>, vector<1x16xf32>,
      %get3A_441 = vector.shape_cast %get3A_440 : vector<1x16xf32> to vector<16xf32>
      %get3A_442 = arith.index_cast %scan3A_116 : i32 to index
      %get3A_443 = arith.constant 368 : index
      %get3A_444 = tpu.vector_load %arg9[%get3A_442, %get3A_443] {strides = array<i32>} : memref<16x1024xf32, #tpu.memory_space<vmem>>, vector<1x16xf32>,
      %get3A_445 = vector.shape_cast %get3A_444 : vector<1x16xf32> to vector<16xf32>
      %add3A_446 = arith.addf %get3A_441, %get3A_445 : vector<16xf32>
      %swap3A_447 = arith.index_cast %scan3A_116 : i32 to index
      %swap3A_448 = arith.constant 368 : index
      %swap3A_449 = tpu.vector_load %arg8[%swap3A_447, %swap3A_448] {strides = array<i32>} : memref<16x1024xf32, #tpu.memory_space<vmem>>, vector<1x16xf32>,
      %swap3A_450 = vector.shape_cast %swap3A_449 : vector<1x16xf32> to vector<16xf32>
      %swap3A_451 = vector.shape_cast %add3A_446 : vector<16xf32> to vector<1x16xf32>
      tpu.vector_store %arg8[%swap3A_447, %swap3A_448], %swap3A_451 {strides = array<i32>} : memref<16x1024xf32, #tpu.memory_space<vmem>>, vector<1x16xf32>,
      %get3A_452 = arith.index_cast %scan3A_116 : i32 to index
      %get3A_453 = arith.constant 384 : index
      %get3A_454 = tpu.vector_load %arg8[%get3A_452, %get3A_453] {strides = array<i32>} : memref<16x1024xf32, #tpu.memory_space<vmem>>, vector<1x16xf32>,
      %get3A_455 = vector.shape_cast %get3A_454 : vector<1x16xf32> to vector<16xf32>
      %get3A_456 = arith.index_cast %scan3A_116 : i32 to index
      %get3A_457 = arith.constant 384 : index
      %get3A_458 = tpu.vector_load %arg9[%get3A_456, %get3A_457] {strides = array<i32>} : memref<16x1024xf32, #tpu.memory_space<vmem>>, vector<1x16xf32>,
      %get3A_459 = vector.shape_cast %get3A_458 : vector<1x16xf32> to vector<16xf32>
      %add3A_460 = arith.addf %get3A_455, %get3A_459 : vector<16xf32>
      %swap3A_461 = arith.index_cast %scan3A_116 : i32 to index
      %swap3A_462 = arith.constant 384 : index
      %swap3A_463 = tpu.vector_load %arg8[%swap3A_461, %swap3A_462] {strides = array<i32>} : memref<16x1024xf32, #tpu.memory_space<vmem>>, vector<1x16xf32>,
      %swap3A_464 = vector.shape_cast %swap3A_463 : vector<1x16xf32> to vector<16xf32>
      %swap3A_465 = vector.shape_cast %add3A_460 : vector<16xf32> to vector<1x16xf32>
      tpu.vector_store %arg8[%swap3A_461, %swap3A_462], %swap3A_465 {strides = array<i32>} : memref<16x1024xf32, #tpu.memory_space<vmem>>, vector<1x16xf32>,
      %get3A_466 = arith.index_cast %scan3A_116 : i32 to index
      %get3A_467 = arith.constant 400 : index
      %get3A_468 = tpu.vector_load %arg8[%get3A_466, %get3A_467] {strides = array<i32>} : memref<16x1024xf32, #tpu.memory_space<vmem>>, vector<1x16xf32>,
      %get3A_469 = vector.shape_cast %get3A_468 : vector<1x16xf32> to vector<16xf32>
      %get3A_470 = arith.index_cast %scan3A_116 : i32 to index
      %get3A_471 = arith.constant 400 : index
      %get3A_472 = tpu.vector_load %arg9[%get3A_470, %get3A_471] {strides = array<i32>} : memref<16x1024xf32, #tpu.memory_space<vmem>>, vector<1x16xf32>,
      %get3A_473 = vector.shape_cast %get3A_472 : vector<1x16xf32> to vector<16xf32>
      %add3A_474 = arith.addf %get3A_469, %get3A_473 : vector<16xf32>
      %swap3A_475 = arith.index_cast %scan3A_116 : i32 to index
      %swap3A_476 = arith.constant 400 : index
      %swap3A_477 = tpu.vector_load %arg8[%swap3A_475, %swap3A_476] {strides = array<i32>} : memref<16x1024xf32, #tpu.memory_space<vmem>>, vector<1x16xf32>,
      %swap3A_478 = vector.shape_cast %swap3A_477 : vector<1x16xf32> to vector<16xf32>
      %swap3A_479 = vector.shape_cast %add3A_474 : vector<16xf32> to vector<1x16xf32>
      tpu.vector_store %arg8[%swap3A_475, %swap3A_476], %swap3A_479 {strides = array<i32>} : memref<16x1024xf32, #tpu.memory_space<vmem>>, vector<1x16xf32>,
      %get3A_480 = arith.index_cast %scan3A_116 : i32 to index
      %get3A_481 = arith.constant 416 : index
      %get3A_482 = tpu.vector_load %arg8[%get3A_480, %get3A_481] {strides = array<i32>} : memref<16x1024xf32, #tpu.memory_space<vmem>>, vector<1x16xf32>,
      %get3A_483 = vector.shape_cast %get3A_482 : vector<1x16xf32> to vector<16xf32>
      %get3A_484 = arith.index_cast %scan3A_116 : i32 to index
      %get3A_485 = arith.constant 416 : index
      %get3A_486 = tpu.vector_load %arg9[%get3A_484, %get3A_485] {strides = array<i32>} : memref<16x1024xf32, #tpu.memory_space<vmem>>, vector<1x16xf32>,
      %get3A_487 = vector.shape_cast %get3A_486 : vector<1x16xf32> to vector<16xf32>
      %add3A_488 = arith.addf %get3A_483, %get3A_487 : vector<16xf32>
      %swap3A_489 = arith.index_cast %scan3A_116 : i32 to index
      %swap3A_490 = arith.constant 416 : index
      %swap3A_491 = tpu.vector_load %arg8[%swap3A_489, %swap3A_490] {strides = array<i32>} : memref<16x1024xf32, #tpu.memory_space<vmem>>, vector<1x16xf32>,
      %swap3A_492 = vector.shape_cast %swap3A_491 : vector<1x16xf32> to vector<16xf32>
      %swap3A_493 = vector.shape_cast %add3A_488 : vector<16xf32> to vector<1x16xf32>
      tpu.vector_store %arg8[%swap3A_489, %swap3A_490], %swap3A_493 {strides = array<i32>} : memref<16x1024xf32, #tpu.memory_space<vmem>>, vector<1x16xf32>,
      %get3A_494 = arith.index_cast %scan3A_116 : i32 to index
      %get3A_495 = arith.constant 432 : index
      %get3A_496 = tpu.vector_load %arg8[%get3A_494, %get3A_495] {strides = array<i32>} : memref<16x1024xf32, #tpu.memory_space<vmem>>, vector<1x16xf32>,
      %get3A_497 = vector.shape_cast %get3A_496 : vector<1x16xf32> to vector<16xf32>
      %get3A_498 = arith.index_cast %scan3A_116 : i32 to index
      %get3A_499 = arith.constant 432 : index
      %get3A_500 = tpu.vector_load %arg9[%get3A_498, %get3A_499] {strides = array<i32>} : memref<16x1024xf32, #tpu.memory_space<vmem>>, vector<1x16xf32>,
      %get3A_501 = vector.shape_cast %get3A_500 : vector<1x16xf32> to vector<16xf32>
      %add3A_502 = arith.addf %get3A_497, %get3A_501 : vector<16xf32>
      %swap3A_503 = arith.index_cast %scan3A_116 : i32 to index
      %swap3A_504 = arith.constant 432 : index
      %swap3A_505 = tpu.vector_load %arg8[%swap3A_503, %swap3A_504] {strides = array<i32>} : memref<16x1024xf32, #tpu.memory_space<vmem>>, vector<1x16xf32>,
      %swap3A_506 = vector.shape_cast %swap3A_505 : vector<1x16xf32> to vector<16xf32>
      %swap3A_507 = vector.shape_cast %add3A_502 : vector<16xf32> to vector<1x16xf32>
      tpu.vector_store %arg8[%swap3A_503, %swap3A_504], %swap3A_507 {strides = array<i32>} : memref<16x1024xf32, #tpu.memory_space<vmem>>, vector<1x16xf32>,
      %get3A_508 = arith.index_cast %scan3A_116 : i32 to index
      %get3A_509 = arith.constant 448 : index
      %get3A_510 = tpu.vector_load %arg8[%get3A_508, %get3A_509] {strides = array<i32>} : memref<16x1024xf32, #tpu.memory_space<vmem>>, vector<1x16xf32>,
      %get3A_511 = vector.shape_cast %get3A_510 : vector<1x16xf32> to vector<16xf32>
      %get3A_512 = arith.index_cast %scan3A_116 : i32 to index
      %get3A_513 = arith.constant 448 : index
      %get3A_514 = tpu.vector_load %arg9[%get3A_512, %get3A_513] {strides = array<i32>} : memref<16x1024xf32, #tpu.memory_space<vmem>>, vector<1x16xf32>,
      %get3A_515 = vector.shape_cast %get3A_514 : vector<1x16xf32> to vector<16xf32>
      %add3A_516 = arith.addf %get3A_511, %get3A_515 : vector<16xf32>
      %swap3A_517 = arith.index_cast %scan3A_116 : i32 to index
      %swap3A_518 = arith.constant 448 : index
      %swap3A_519 = tpu.vector_load %arg8[%swap3A_517, %swap3A_518] {strides = array<i32>} : memref<16x1024xf32, #tpu.memory_space<vmem>>, vector<1x16xf32>,
      %swap3A_520 = vector.shape_cast %swap3A_519 : vector<1x16xf32> to vector<16xf32>
      %swap3A_521 = vector.shape_cast %add3A_516 : vector<16xf32> to vector<1x16xf32>
      tpu.vector_store %arg8[%swap3A_517, %swap3A_518], %swap3A_521 {strides = array<i32>} : memref<16x1024xf32, #tpu.memory_space<vmem>>, vector<1x16xf32>,
      %get3A_522 = arith.index_cast %scan3A_116 : i32 to index
      %get3A_523 = arith.constant 464 : index
      %get3A_524 = tpu.vector_load %arg8[%get3A_522, %get3A_523] {strides = array<i32>} : memref<16x1024xf32, #tpu.memory_space<vmem>>, vector<1x16xf32>,
      %get3A_525 = vector.shape_cast %get3A_524 : vector<1x16xf32> to vector<16xf32>
      %get3A_526 = arith.index_cast %scan3A_116 : i32 to index
      %get3A_527 = arith.constant 464 : index
      %get3A_528 = tpu.vector_load %arg9[%get3A_526, %get3A_527] {strides = array<i32>} : memref<16x1024xf32, #tpu.memory_space<vmem>>, vector<1x16xf32>,
      %get3A_529 = vector.shape_cast %get3A_528 : vector<1x16xf32> to vector<16xf32>
      %add3A_530 = arith.addf %get3A_525, %get3A_529 : vector<16xf32>
      %swap3A_531 = arith.index_cast %scan3A_116 : i32 to index
      %swap3A_532 = arith.constant 464 : index
      %swap3A_533 = tpu.vector_load %arg8[%swap3A_531, %swap3A_532] {strides = array<i32>} : memref<16x1024xf32, #tpu.memory_space<vmem>>, vector<1x16xf32>,
      %swap3A_534 = vector.shape_cast %swap3A_533 : vector<1x16xf32> to vector<16xf32>
      %swap3A_535 = vector.shape_cast %add3A_530 : vector<16xf32> to vector<1x16xf32>
      tpu.vector_store %arg8[%swap3A_531, %swap3A_532], %swap3A_535 {strides = array<i32>} : memref<16x1024xf32, #tpu.memory_space<vmem>>, vector<1x16xf32>,
      %get3A_536 = arith.index_cast %scan3A_116 : i32 to index
      %get3A_537 = arith.constant 480 : index
      %get3A_538 = tpu.vector_load %arg8[%get3A_536, %get3A_537] {strides = array<i32>} : memref<16x1024xf32, #tpu.memory_space<vmem>>, vector<1x16xf32>,
      %get3A_539 = vector.shape_cast %get3A_538 : vector<1x16xf32> to vector<16xf32>
      %get3A_540 = arith.index_cast %scan3A_116 : i32 to index
      %get3A_541 = arith.constant 480 : index
      %get3A_542 = tpu.vector_load %arg9[%get3A_540, %get3A_541] {strides = array<i32>} : memref<16x1024xf32, #tpu.memory_space<vmem>>, vector<1x16xf32>,
      %get3A_543 = vector.shape_cast %get3A_542 : vector<1x16xf32> to vector<16xf32>
      %add3A_544 = arith.addf %get3A_539, %get3A_543 : vector<16xf32>
      %swap3A_545 = arith.index_cast %scan3A_116 : i32 to index
      %swap3A_546 = arith.constant 480 : index
      %swap3A_547 = tpu.vector_load %arg8[%swap3A_545, %swap3A_546] {strides = array<i32>} : memref<16x1024xf32, #tpu.memory_space<vmem>>, vector<1x16xf32>,
      %swap3A_548 = vector.shape_cast %swap3A_547 : vector<1x16xf32> to vector<16xf32>
      %swap3A_549 = vector.shape_cast %add3A_544 : vector<16xf32> to vector<1x16xf32>
      tpu.vector_store %arg8[%swap3A_545, %swap3A_546], %swap3A_549 {strides = array<i32>} : memref<16x1024xf32, #tpu.memory_space<vmem>>, vector<1x16xf32>,
      %get3A_550 = arith.index_cast %scan3A_116 : i32 to index
      %get3A_551 = arith.constant 496 : index
      %get3A_552 = tpu.vector_load %arg8[%get3A_550, %get3A_551] {strides = array<i32>} : memref<16x1024xf32, #tpu.memory_space<vmem>>, vector<1x16xf32>,
      %get3A_553 = vector.shape_cast %get3A_552 : vector<1x16xf32> to vector<16xf32>
      %get3A_554 = arith.index_cast %scan3A_116 : i32 to index
      %get3A_555 = arith.constant 496 : index
      %get3A_556 = tpu.vector_load %arg9[%get3A_554, %get3A_555] {strides = array<i32>} : memref<16x1024xf32, #tpu.memory_space<vmem>>, vector<1x16xf32>,
      %get3A_557 = vector.shape_cast %get3A_556 : vector<1x16xf32> to vector<16xf32>
      %add3A_558 = arith.addf %get3A_553, %get3A_557 : vector<16xf32>
      %swap3A_559 = arith.index_cast %scan3A_116 : i32 to index
      %swap3A_560 = arith.constant 496 : index
      %swap3A_561 = tpu.vector_load %arg8[%swap3A_559, %swap3A_560] {strides = array<i32>} : memref<16x1024xf32, #tpu.memory_space<vmem>>, vector<1x16xf32>,
      %swap3A_562 = vector.shape_cast %swap3A_561 : vector<1x16xf32> to vector<16xf32>
      %swap3A_563 = vector.shape_cast %add3A_558 : vector<16xf32> to vector<1x16xf32>
      tpu.vector_store %arg8[%swap3A_559, %swap3A_560], %swap3A_563 {strides = array<i32>} : memref<16x1024xf32, #tpu.memory_space<vmem>>, vector<1x16xf32>,
      %get3A_564 = arith.index_cast %scan3A_116 : i32 to index
      %get3A_565 = arith.constant 512 : index
      %get3A_566 = tpu.vector_load %arg8[%get3A_564, %get3A_565] {strides = array<i32>} : memref<16x1024xf32, #tpu.memory_space<vmem>>, vector<1x16xf32>,
      %get3A_567 = vector.shape_cast %get3A_566 : vector<1x16xf32> to vector<16xf32>
      %get3A_568 = arith.index_cast %scan3A_116 : i32 to index
      %get3A_569 = arith.constant 512 : index
      %get3A_570 = tpu.vector_load %arg9[%get3A_568, %get3A_569] {strides = array<i32>} : memref<16x1024xf32, #tpu.memory_space<vmem>>, vector<1x16xf32>,
      %get3A_571 = vector.shape_cast %get3A_570 : vector<1x16xf32> to vector<16xf32>
      %add3A_572 = arith.addf %get3A_567, %get3A_571 : vector<16xf32>
      %swap3A_573 = arith.index_cast %scan3A_116 : i32 to index
      %swap3A_574 = arith.constant 512 : index
      %swap3A_575 = tpu.vector_load %arg8[%swap3A_573, %swap3A_574] {strides = array<i32>} : memref<16x1024xf32, #tpu.memory_space<vmem>>, vector<1x16xf32>,
      %swap3A_576 = vector.shape_cast %swap3A_575 : vector<1x16xf32> to vector<16xf32>
      %swap3A_577 = vector.shape_cast %add3A_572 : vector<16xf32> to vector<1x16xf32>
      tpu.vector_store %arg8[%swap3A_573, %swap3A_574], %swap3A_577 {strides = array<i32>} : memref<16x1024xf32, #tpu.memory_space<vmem>>, vector<1x16xf32>,
      %get3A_578 = arith.index_cast %scan3A_116 : i32 to index
      %get3A_579 = arith.constant 528 : index
      %get3A_580 = tpu.vector_load %arg8[%get3A_578, %get3A_579] {strides = array<i32>} : memref<16x1024xf32, #tpu.memory_space<vmem>>, vector<1x16xf32>,
      %get3A_581 = vector.shape_cast %get3A_580 : vector<1x16xf32> to vector<16xf32>
      %get3A_582 = arith.index_cast %scan3A_116 : i32 to index
      %get3A_583 = arith.constant 528 : index
      %get3A_584 = tpu.vector_load %arg9[%get3A_582, %get3A_583] {strides = array<i32>} : memref<16x1024xf32, #tpu.memory_space<vmem>>, vector<1x16xf32>,
      %get3A_585 = vector.shape_cast %get3A_584 : vector<1x16xf32> to vector<16xf32>
      %add3A_586 = arith.addf %get3A_581, %get3A_585 : vector<16xf32>
      %swap3A_587 = arith.index_cast %scan3A_116 : i32 to index
      %swap3A_588 = arith.constant 528 : index
      %swap3A_589 = tpu.vector_load %arg8[%swap3A_587, %swap3A_588] {strides = array<i32>} : memref<16x1024xf32, #tpu.memory_space<vmem>>, vector<1x16xf32>,
      %swap3A_590 = vector.shape_cast %swap3A_589 : vector<1x16xf32> to vector<16xf32>
      %swap3A_591 = vector.shape_cast %add3A_586 : vector<16xf32> to vector<1x16xf32>
      tpu.vector_store %arg8[%swap3A_587, %swap3A_588], %swap3A_591 {strides = array<i32>} : memref<16x1024xf32, #tpu.memory_space<vmem>>, vector<1x16xf32>,
      %get3A_592 = arith.index_cast %scan3A_116 : i32 to index
      %get3A_593 = arith.constant 544 : index
      %get3A_594 = tpu.vector_load %arg8[%get3A_592, %get3A_593] {strides = array<i32>} : memref<16x1024xf32, #tpu.memory_space<vmem>>, vector<1x16xf32>,
      %get3A_595 = vector.shape_cast %get3A_594 : vector<1x16xf32> to vector<16xf32>
      %get3A_596 = arith.index_cast %scan3A_116 : i32 to index
      %get3A_597 = arith.constant 544 : index
      %get3A_598 = tpu.vector_load %arg9[%get3A_596, %get3A_597] {strides = array<i32>} : memref<16x1024xf32, #tpu.memory_space<vmem>>, vector<1x16xf32>,
      %get3A_599 = vector.shape_cast %get3A_598 : vector<1x16xf32> to vector<16xf32>
      %add3A_600 = arith.addf %get3A_595, %get3A_599 : vector<16xf32>
      %swap3A_601 = arith.index_cast %scan3A_116 : i32 to index
      %swap3A_602 = arith.constant 544 : index
      %swap3A_603 = tpu.vector_load %arg8[%swap3A_601, %swap3A_602] {strides = array<i32>} : memref<16x1024xf32, #tpu.memory_space<vmem>>, vector<1x16xf32>,
      %swap3A_604 = vector.shape_cast %swap3A_603 : vector<1x16xf32> to vector<16xf32>
      %swap3A_605 = vector.shape_cast %add3A_600 : vector<16xf32> to vector<1x16xf32>
      tpu.vector_store %arg8[%swap3A_601, %swap3A_602], %swap3A_605 {strides = array<i32>} : memref<16x1024xf32, #tpu.memory_space<vmem>>, vector<1x16xf32>,
      %get3A_606 = arith.index_cast %scan3A_116 : i32 to index
      %get3A_607 = arith.constant 560 : index
      %get3A_608 = tpu.vector_load %arg8[%get3A_606, %get3A_607] {strides = array<i32>} : memref<16x1024xf32, #tpu.memory_space<vmem>>, vector<1x16xf32>,
      %get3A_609 = vector.shape_cast %get3A_608 : vector<1x16xf32> to vector<16xf32>
      %get3A_610 = arith.index_cast %scan3A_116 : i32 to index
      %get3A_611 = arith.constant 560 : index
      %get3A_612 = tpu.vector_load %arg9[%get3A_610, %get3A_611] {strides = array<i32>} : memref<16x1024xf32, #tpu.memory_space<vmem>>, vector<1x16xf32>,
      %get3A_613 = vector.shape_cast %get3A_612 : vector<1x16xf32> to vector<16xf32>
      %add3A_614 = arith.addf %get3A_609, %get3A_613 : vector<16xf32>
      %swap3A_615 = arith.index_cast %scan3A_116 : i32 to index
      %swap3A_616 = arith.constant 560 : index
      %swap3A_617 = tpu.vector_load %arg8[%swap3A_615, %swap3A_616] {strides = array<i32>} : memref<16x1024xf32, #tpu.memory_space<vmem>>, vector<1x16xf32>,
      %swap3A_618 = vector.shape_cast %swap3A_617 : vector<1x16xf32> to vector<16xf32>
      %swap3A_619 = vector.shape_cast %add3A_614 : vector<16xf32> to vector<1x16xf32>
      tpu.vector_store %arg8[%swap3A_615, %swap3A_616], %swap3A_619 {strides = array<i32>} : memref<16x1024xf32, #tpu.memory_space<vmem>>, vector<1x16xf32>,
      %get3A_620 = arith.index_cast %scan3A_116 : i32 to index
      %get3A_621 = arith.constant 576 : index
      %get3A_622 = tpu.vector_load %arg8[%get3A_620, %get3A_621] {strides = array<i32>} : memref<16x1024xf32, #tpu.memory_space<vmem>>, vector<1x16xf32>,
      %get3A_623 = vector.shape_cast %get3A_622 : vector<1x16xf32> to vector<16xf32>
      %get3A_624 = arith.index_cast %scan3A_116 : i32 to index
      %get3A_625 = arith.constant 576 : index
      %get3A_626 = tpu.vector_load %arg9[%get3A_624, %get3A_625] {strides = array<i32>} : memref<16x1024xf32, #tpu.memory_space<vmem>>, vector<1x16xf32>,
      %get3A_627 = vector.shape_cast %get3A_626 : vector<1x16xf32> to vector<16xf32>
      %add3A_628 = arith.addf %get3A_623, %get3A_627 : vector<16xf32>
      %swap3A_629 = arith.index_cast %scan3A_116 : i32 to index
      %swap3A_630 = arith.constant 576 : index
      %swap3A_631 = tpu.vector_load %arg8[%swap3A_629, %swap3A_630] {strides = array<i32>} : memref<16x1024xf32, #tpu.memory_space<vmem>>, vector<1x16xf32>,
      %swap3A_632 = vector.shape_cast %swap3A_631 : vector<1x16xf32> to vector<16xf32>
      %swap3A_633 = vector.shape_cast %add3A_628 : vector<16xf32> to vector<1x16xf32>
      tpu.vector_store %arg8[%swap3A_629, %swap3A_630], %swap3A_633 {strides = array<i32>} : memref<16x1024xf32, #tpu.memory_space<vmem>>, vector<1x16xf32>,
      %get3A_634 = arith.index_cast %scan3A_116 : i32 to index
      %get3A_635 = arith.constant 592 : index
      %get3A_636 = tpu.vector_load %arg8[%get3A_634, %get3A_635] {strides = array<i32>} : memref<16x1024xf32, #tpu.memory_space<vmem>>, vector<1x16xf32>,
      %get3A_637 = vector.shape_cast %get3A_636 : vector<1x16xf32> to vector<16xf32>
      %get3A_638 = arith.index_cast %scan3A_116 : i32 to index
      %get3A_639 = arith.constant 592 : index
      %get3A_640 = tpu.vector_load %arg9[%get3A_638, %get3A_639] {strides = array<i32>} : memref<16x1024xf32, #tpu.memory_space<vmem>>, vector<1x16xf32>,
      %get3A_641 = vector.shape_cast %get3A_640 : vector<1x16xf32> to vector<16xf32>
      %add3A_642 = arith.addf %get3A_637, %get3A_641 : vector<16xf32>
      %swap3A_643 = arith.index_cast %scan3A_116 : i32 to index
      %swap3A_644 = arith.constant 592 : index
      %swap3A_645 = tpu.vector_load %arg8[%swap3A_643, %swap3A_644] {strides = array<i32>} : memref<16x1024xf32, #tpu.memory_space<vmem>>, vector<1x16xf32>,
      %swap3A_646 = vector.shape_cast %swap3A_645 : vector<1x16xf32> to vector<16xf32>
      %swap3A_647 = vector.shape_cast %add3A_642 : vector<16xf32> to vector<1x16xf32>
      tpu.vector_store %arg8[%swap3A_643, %swap3A_644], %swap3A_647 {strides = array<i32>} : memref<16x1024xf32, #tpu.memory_space<vmem>>, vector<1x16xf32>,
      %get3A_648 = arith.index_cast %scan3A_116 : i32 to index
      %get3A_649 = arith.constant 608 : index
      %get3A_650 = tpu.vector_load %arg8[%get3A_648, %get3A_649] {strides = array<i32>} : memref<16x1024xf32, #tpu.memory_space<vmem>>, vector<1x16xf32>,
      %get3A_651 = vector.shape_cast %get3A_650 : vector<1x16xf32> to vector<16xf32>
      %get3A_652 = arith.index_cast %scan3A_116 : i32 to index
      %get3A_653 = arith.constant 608 : index
      %get3A_654 = tpu.vector_load %arg9[%get3A_652, %get3A_653] {strides = array<i32>} : memref<16x1024xf32, #tpu.memory_space<vmem>>, vector<1x16xf32>,
      %get3A_655 = vector.shape_cast %get3A_654 : vector<1x16xf32> to vector<16xf32>
      %add3A_656 = arith.addf %get3A_651, %get3A_655 : vector<16xf32>
      %swap3A_657 = arith.index_cast %scan3A_116 : i32 to index
      %swap3A_658 = arith.constant 608 : index
      %swap3A_659 = tpu.vector_load %arg8[%swap3A_657, %swap3A_658] {strides = array<i32>} : memref<16x1024xf32, #tpu.memory_space<vmem>>, vector<1x16xf32>,
      %swap3A_660 = vector.shape_cast %swap3A_659 : vector<1x16xf32> to vector<16xf32>
      %swap3A_661 = vector.shape_cast %add3A_656 : vector<16xf32> to vector<1x16xf32>
      tpu.vector_store %arg8[%swap3A_657, %swap3A_658], %swap3A_661 {strides = array<i32>} : memref<16x1024xf32, #tpu.memory_space<vmem>>, vector<1x16xf32>,
      %get3A_662 = arith.index_cast %scan3A_116 : i32 to index
      %get3A_663 = arith.constant 624 : index
      %get3A_664 = tpu.vector_load %arg8[%get3A_662, %get3A_663] {strides = array<i32>} : memref<16x1024xf32, #tpu.memory_space<vmem>>, vector<1x16xf32>,
      %get3A_665 = vector.shape_cast %get3A_664 : vector<1x16xf32> to vector<16xf32>
      %get3A_666 = arith.index_cast %scan3A_116 : i32 to index
      %get3A_667 = arith.constant 624 : index
      %get3A_668 = tpu.vector_load %arg9[%get3A_666, %get3A_667] {strides = array<i32>} : memref<16x1024xf32, #tpu.memory_space<vmem>>, vector<1x16xf32>,
      %get3A_669 = vector.shape_cast %get3A_668 : vector<1x16xf32> to vector<16xf32>
      %add3A_670 = arith.addf %get3A_665, %get3A_669 : vector<16xf32>
      %swap3A_671 = arith.index_cast %scan3A_116 : i32 to index
      %swap3A_672 = arith.constant 624 : index
      %swap3A_673 = tpu.vector_load %arg8[%swap3A_671, %swap3A_672] {strides = array<i32>} : memref<16x1024xf32, #tpu.memory_space<vmem>>, vector<1x16xf32>,
      %swap3A_674 = vector.shape_cast %swap3A_673 : vector<1x16xf32> to vector<16xf32>
      %swap3A_675 = vector.shape_cast %add3A_670 : vector<16xf32> to vector<1x16xf32>
      tpu.vector_store %arg8[%swap3A_671, %swap3A_672], %swap3A_675 {strides = array<i32>} : memref<16x1024xf32, #tpu.memory_space<vmem>>, vector<1x16xf32>,
      %get3A_676 = arith.index_cast %scan3A_116 : i32 to index
      %get3A_677 = arith.constant 640 : index
      %get3A_678 = tpu.vector_load %arg8[%get3A_676, %get3A_677] {strides = array<i32>} : memref<16x1024xf32, #tpu.memory_space<vmem>>, vector<1x16xf32>,
      %get3A_679 = vector.shape_cast %get3A_678 : vector<1x16xf32> to vector<16xf32>
      %get3A_680 = arith.index_cast %scan3A_116 : i32 to index
      %get3A_681 = arith.constant 640 : index
      %get3A_682 = tpu.vector_load %arg9[%get3A_680, %get3A_681] {strides = array<i32>} : memref<16x1024xf32, #tpu.memory_space<vmem>>, vector<1x16xf32>,
      %get3A_683 = vector.shape_cast %get3A_682 : vector<1x16xf32> to vector<16xf32>
      %add3A_684 = arith.addf %get3A_679, %get3A_683 : vector<16xf32>
      %swap3A_685 = arith.index_cast %scan3A_116 : i32 to index
      %swap3A_686 = arith.constant 640 : index
      %swap3A_687 = tpu.vector_load %arg8[%swap3A_685, %swap3A_686] {strides = array<i32>} : memref<16x1024xf32, #tpu.memory_space<vmem>>, vector<1x16xf32>,
      %swap3A_688 = vector.shape_cast %swap3A_687 : vector<1x16xf32> to vector<16xf32>
      %swap3A_689 = vector.shape_cast %add3A_684 : vector<16xf32> to vector<1x16xf32>
      tpu.vector_store %arg8[%swap3A_685, %swap3A_686], %swap3A_689 {strides = array<i32>} : memref<16x1024xf32, #tpu.memory_space<vmem>>, vector<1x16xf32>,
      %get3A_690 = arith.index_cast %scan3A_116 : i32 to index
      %get3A_691 = arith.constant 656 : index
      %get3A_692 = tpu.vector_load %arg8[%get3A_690, %get3A_691] {strides = array<i32>} : memref<16x1024xf32, #tpu.memory_space<vmem>>, vector<1x16xf32>,
      %get3A_693 = vector.shape_cast %get3A_692 : vector<1x16xf32> to vector<16xf32>
      %get3A_694 = arith.index_cast %scan3A_116 : i32 to index
      %get3A_695 = arith.constant 656 : index
      %get3A_696 = tpu.vector_load %arg9[%get3A_694, %get3A_695] {strides = array<i32>} : memref<16x1024xf32, #tpu.memory_space<vmem>>, vector<1x16xf32>,
      %get3A_697 = vector.shape_cast %get3A_696 : vector<1x16xf32> to vector<16xf32>
      %add3A_698 = arith.addf %get3A_693, %get3A_697 : vector<16xf32>
      %swap3A_699 = arith.index_cast %scan3A_116 : i32 to index
      %swap3A_700 = arith.constant 656 : index
      %swap3A_701 = tpu.vector_load %arg8[%swap3A_699, %swap3A_700] {strides = array<i32>} : memref<16x1024xf32, #tpu.memory_space<vmem>>, vector<1x16xf32>,
      %swap3A_702 = vector.shape_cast %swap3A_701 : vector<1x16xf32> to vector<16xf32>
      %swap3A_703 = vector.shape_cast %add3A_698 : vector<16xf32> to vector<1x16xf32>
      tpu.vector_store %arg8[%swap3A_699, %swap3A_700], %swap3A_703 {strides = array<i32>} : memref<16x1024xf32, #tpu.memory_space<vmem>>, vector<1x16xf32>,
      %get3A_704 = arith.index_cast %scan3A_116 : i32 to index
      %get3A_705 = arith.constant 672 : index
      %get3A_706 = tpu.vector_load %arg8[%get3A_704, %get3A_705] {strides = array<i32>} : memref<16x1024xf32, #tpu.memory_space<vmem>>, vector<1x16xf32>,
      %get3A_707 = vector.shape_cast %get3A_706 : vector<1x16xf32> to vector<16xf32>
      %get3A_708 = arith.index_cast %scan3A_116 : i32 to index
      %get3A_709 = arith.constant 672 : index
      %get3A_710 = tpu.vector_load %arg9[%get3A_708, %get3A_709] {strides = array<i32>} : memref<16x1024xf32, #tpu.memory_space<vmem>>, vector<1x16xf32>,
      %get3A_711 = vector.shape_cast %get3A_710 : vector<1x16xf32> to vector<16xf32>
      %add3A_712 = arith.addf %get3A_707, %get3A_711 : vector<16xf32>
      %swap3A_713 = arith.index_cast %scan3A_116 : i32 to index
      %swap3A_714 = arith.constant 672 : index
      %swap3A_715 = tpu.vector_load %arg8[%swap3A_713, %swap3A_714] {strides = array<i32>} : memref<16x1024xf32, #tpu.memory_space<vmem>>, vector<1x16xf32>,
      %swap3A_716 = vector.shape_cast %swap3A_715 : vector<1x16xf32> to vector<16xf32>
      %swap3A_717 = vector.shape_cast %add3A_712 : vector<16xf32> to vector<1x16xf32>
      tpu.vector_store %arg8[%swap3A_713, %swap3A_714], %swap3A_717 {strides = array<i32>} : memref<16x1024xf32, #tpu.memory_space<vmem>>, vector<1x16xf32>,
      %get3A_718 = arith.index_cast %scan3A_116 : i32 to index
      %get3A_719 = arith.constant 688 : index
      %get3A_720 = tpu.vector_load %arg8[%get3A_718, %get3A_719] {strides = array<i32>} : memref<16x1024xf32, #tpu.memory_space<vmem>>, vector<1x16xf32>,
      %get3A_721 = vector.shape_cast %get3A_720 : vector<1x16xf32> to vector<16xf32>
      %get3A_722 = arith.index_cast %scan3A_116 : i32 to index
      %get3A_723 = arith.constant 688 : index
      %get3A_724 = tpu.vector_load %arg9[%get3A_722, %get3A_723] {strides = array<i32>} : memref<16x1024xf32, #tpu.memory_space<vmem>>, vector<1x16xf32>,
      %get3A_725 = vector.shape_cast %get3A_724 : vector<1x16xf32> to vector<16xf32>
      %add3A_726 = arith.addf %get3A_721, %get3A_725 : vector<16xf32>
      %swap3A_727 = arith.index_cast %scan3A_116 : i32 to index
      %swap3A_728 = arith.constant 688 : index
      %swap3A_729 = tpu.vector_load %arg8[%swap3A_727, %swap3A_728] {strides = array<i32>} : memref<16x1024xf32, #tpu.memory_space<vmem>>, vector<1x16xf32>,
      %swap3A_730 = vector.shape_cast %swap3A_729 : vector<1x16xf32> to vector<16xf32>
      %swap3A_731 = vector.shape_cast %add3A_726 : vector<16xf32> to vector<1x16xf32>
      tpu.vector_store %arg8[%swap3A_727, %swap3A_728], %swap3A_731 {strides = array<i32>} : memref<16x1024xf32, #tpu.memory_space<vmem>>, vector<1x16xf32>,
      %get3A_732 = arith.index_cast %scan3A_116 : i32 to index
      %get3A_733 = arith.constant 704 : index
      %get3A_734 = tpu.vector_load %arg8[%get3A_732, %get3A_733] {strides = array<i32>} : memref<16x1024xf32, #tpu.memory_space<vmem>>, vector<1x16xf32>,
      %get3A_735 = vector.shape_cast %get3A_734 : vector<1x16xf32> to vector<16xf32>
      %get3A_736 = arith.index_cast %scan3A_116 : i32 to index
      %get3A_737 = arith.constant 704 : index
      %get3A_738 = tpu.vector_load %arg9[%get3A_736, %get3A_737] {strides = array<i32>} : memref<16x1024xf32, #tpu.memory_space<vmem>>, vector<1x16xf32>,
      %get3A_739 = vector.shape_cast %get3A_738 : vector<1x16xf32> to vector<16xf32>
      %add3A_740 = arith.addf %get3A_735, %get3A_739 : vector<16xf32>
      %swap3A_741 = arith.index_cast %scan3A_116 : i32 to index
      %swap3A_742 = arith.constant 704 : index
      %swap3A_743 = tpu.vector_load %arg8[%swap3A_741, %swap3A_742] {strides = array<i32>} : memref<16x1024xf32, #tpu.memory_space<vmem>>, vector<1x16xf32>,
      %swap3A_744 = vector.shape_cast %swap3A_743 : vector<1x16xf32> to vector<16xf32>
      %swap3A_745 = vector.shape_cast %add3A_740 : vector<16xf32> to vector<1x16xf32>
      tpu.vector_store %arg8[%swap3A_741, %swap3A_742], %swap3A_745 {strides = array<i32>} : memref<16x1024xf32, #tpu.memory_space<vmem>>, vector<1x16xf32>,
      %get3A_746 = arith.index_cast %scan3A_116 : i32 to index
      %get3A_747 = arith.constant 720 : index
      %get3A_748 = tpu.vector_load %arg8[%get3A_746, %get3A_747] {strides = array<i32>} : memref<16x1024xf32, #tpu.memory_space<vmem>>, vector<1x16xf32>,
      %get3A_749 = vector.shape_cast %get3A_748 : vector<1x16xf32> to vector<16xf32>
      %get3A_750 = arith.index_cast %scan3A_116 : i32 to index
      %get3A_751 = arith.constant 720 : index
      %get3A_752 = tpu.vector_load %arg9[%get3A_750, %get3A_751] {strides = array<i32>} : memref<16x1024xf32, #tpu.memory_space<vmem>>, vector<1x16xf32>,
      %get3A_753 = vector.shape_cast %get3A_752 : vector<1x16xf32> to vector<16xf32>
      %add3A_754 = arith.addf %get3A_749, %get3A_753 : vector<16xf32>
      %swap3A_755 = arith.index_cast %scan3A_116 : i32 to index
      %swap3A_756 = arith.constant 720 : index
      %swap3A_757 = tpu.vector_load %arg8[%swap3A_755, %swap3A_756] {strides = array<i32>} : memref<16x1024xf32, #tpu.memory_space<vmem>>, vector<1x16xf32>,
      %swap3A_758 = vector.shape_cast %swap3A_757 : vector<1x16xf32> to vector<16xf32>
      %swap3A_759 = vector.shape_cast %add3A_754 : vector<16xf32> to vector<1x16xf32>
      tpu.vector_store %arg8[%swap3A_755, %swap3A_756], %swap3A_759 {strides = array<i32>} : memref<16x1024xf32, #tpu.memory_space<vmem>>, vector<1x16xf32>,
      %get3A_760 = arith.index_cast %scan3A_116 : i32 to index
      %get3A_761 = arith.constant 736 : index
      %get3A_762 = tpu.vector_load %arg8[%get3A_760, %get3A_761] {strides = array<i32>} : memref<16x1024xf32, #tpu.memory_space<vmem>>, vector<1x16xf32>,
      %get3A_763 = vector.shape_cast %get3A_762 : vector<1x16xf32> to vector<16xf32>
      %get3A_764 = arith.index_cast %scan3A_116 : i32 to index
      %get3A_765 = arith.constant 736 : index
      %get3A_766 = tpu.vector_load %arg9[%get3A_764, %get3A_765] {strides = array<i32>} : memref<16x1024xf32, #tpu.memory_space<vmem>>, vector<1x16xf32>,
      %get3A_767 = vector.shape_cast %get3A_766 : vector<1x16xf32> to vector<16xf32>
      %add3A_768 = arith.addf %get3A_763, %get3A_767 : vector<16xf32>
      %swap3A_769 = arith.index_cast %scan3A_116 : i32 to index
      %swap3A_770 = arith.constant 736 : index
      %swap3A_771 = tpu.vector_load %arg8[%swap3A_769, %swap3A_770] {strides = array<i32>} : memref<16x1024xf32, #tpu.memory_space<vmem>>, vector<1x16xf32>,
      %swap3A_772 = vector.shape_cast %swap3A_771 : vector<1x16xf32> to vector<16xf32>
      %swap3A_773 = vector.shape_cast %add3A_768 : vector<16xf32> to vector<1x16xf32>
      tpu.vector_store %arg8[%swap3A_769, %swap3A_770], %swap3A_773 {strides = array<i32>} : memref<16x1024xf32, #tpu.memory_space<vmem>>, vector<1x16xf32>,
      %get3A_774 = arith.index_cast %scan3A_116 : i32 to index
      %get3A_775 = arith.constant 752 : index
      %get3A_776 = tpu.vector_load %arg8[%get3A_774, %get3A_775] {strides = array<i32>} : memref<16x1024xf32, #tpu.memory_space<vmem>>, vector<1x16xf32>,
      %get3A_777 = vector.shape_cast %get3A_776 : vector<1x16xf32> to vector<16xf32>
      %get3A_778 = arith.index_cast %scan3A_116 : i32 to index
      %get3A_779 = arith.constant 752 : index
      %get3A_780 = tpu.vector_load %arg9[%get3A_778, %get3A_779] {strides = array<i32>} : memref<16x1024xf32, #tpu.memory_space<vmem>>, vector<1x16xf32>,
      %get3A_781 = vector.shape_cast %get3A_780 : vector<1x16xf32> to vector<16xf32>
      %add3A_782 = arith.addf %get3A_777, %get3A_781 : vector<16xf32>
      %swap3A_783 = arith.index_cast %scan3A_116 : i32 to index
      %swap3A_784 = arith.constant 752 : index
      %swap3A_785 = tpu.vector_load %arg8[%swap3A_783, %swap3A_784] {strides = array<i32>} : memref<16x1024xf32, #tpu.memory_space<vmem>>, vector<1x16xf32>,
      %swap3A_786 = vector.shape_cast %swap3A_785 : vector<1x16xf32> to vector<16xf32>
      %swap3A_787 = vector.shape_cast %add3A_782 : vector<16xf32> to vector<1x16xf32>
      tpu.vector_store %arg8[%swap3A_783, %swap3A_784], %swap3A_787 {strides = array<i32>} : memref<16x1024xf32, #tpu.memory_space<vmem>>, vector<1x16xf32>,
      %get3A_788 = arith.index_cast %scan3A_116 : i32 to index
      %get3A_789 = arith.constant 768 : index
      %get3A_790 = tpu.vector_load %arg8[%get3A_788, %get3A_789] {strides = array<i32>} : memref<16x1024xf32, #tpu.memory_space<vmem>>, vector<1x16xf32>,
      %get3A_791 = vector.shape_cast %get3A_790 : vector<1x16xf32> to vector<16xf32>
      %get3A_792 = arith.index_cast %scan3A_116 : i32 to index
      %get3A_793 = arith.constant 768 : index
      %get3A_794 = tpu.vector_load %arg9[%get3A_792, %get3A_793] {strides = array<i32>} : memref<16x1024xf32, #tpu.memory_space<vmem>>, vector<1x16xf32>,
      %get3A_795 = vector.shape_cast %get3A_794 : vector<1x16xf32> to vector<16xf32>
      %add3A_796 = arith.addf %get3A_791, %get3A_795 : vector<16xf32>
      %swap3A_797 = arith.index_cast %scan3A_116 : i32 to index
      %swap3A_798 = arith.constant 768 : index
      %swap3A_799 = tpu.vector_load %arg8[%swap3A_797, %swap3A_798] {strides = array<i32>} : memref<16x1024xf32, #tpu.memory_space<vmem>>, vector<1x16xf32>,
      %swap3A_800 = vector.shape_cast %swap3A_799 : vector<1x16xf32> to vector<16xf32>
      %swap3A_801 = vector.shape_cast %add3A_796 : vector<16xf32> to vector<1x16xf32>
      tpu.vector_store %arg8[%swap3A_797, %swap3A_798], %swap3A_801 {strides = array<i32>} : memref<16x1024xf32, #tpu.memory_space<vmem>>, vector<1x16xf32>,
      %get3A_802 = arith.index_cast %scan3A_116 : i32 to index
      %get3A_803 = arith.constant 784 : index
      %get3A_804 = tpu.vector_load %arg8[%get3A_802, %get3A_803] {strides = array<i32>} : memref<16x1024xf32, #tpu.memory_space<vmem>>, vector<1x16xf32>,
      %get3A_805 = vector.shape_cast %get3A_804 : vector<1x16xf32> to vector<16xf32>
      %get3A_806 = arith.index_cast %scan3A_116 : i32 to index
      %get3A_807 = arith.constant 784 : index
      %get3A_808 = tpu.vector_load %arg9[%get3A_806, %get3A_807] {strides = array<i32>} : memref<16x1024xf32, #tpu.memory_space<vmem>>, vector<1x16xf32>,
      %get3A_809 = vector.shape_cast %get3A_808 : vector<1x16xf32> to vector<16xf32>
      %add3A_810 = arith.addf %get3A_805, %get3A_809 : vector<16xf32>
      %swap3A_811 = arith.index_cast %scan3A_116 : i32 to index
      %swap3A_812 = arith.constant 784 : index
      %swap3A_813 = tpu.vector_load %arg8[%swap3A_811, %swap3A_812] {strides = array<i32>} : memref<16x1024xf32, #tpu.memory_space<vmem>>, vector<1x16xf32>,
      %swap3A_814 = vector.shape_cast %swap3A_813 : vector<1x16xf32> to vector<16xf32>
      %swap3A_815 = vector.shape_cast %add3A_810 : vector<16xf32> to vector<1x16xf32>
      tpu.vector_store %arg8[%swap3A_811, %swap3A_812], %swap3A_815 {strides = array<i32>} : memref<16x1024xf32, #tpu.memory_space<vmem>>, vector<1x16xf32>,
      %get3A_816 = arith.index_cast %scan3A_116 : i32 to index
      %get3A_817 = arith.constant 800 : index
      %get3A_818 = tpu.vector_load %arg8[%get3A_816, %get3A_817] {strides = array<i32>} : memref<16x1024xf32, #tpu.memory_space<vmem>>, vector<1x16xf32>,
      %get3A_819 = vector.shape_cast %get3A_818 : vector<1x16xf32> to vector<16xf32>
      %get3A_820 = arith.index_cast %scan3A_116 : i32 to index
      %get3A_821 = arith.constant 800 : index
      %get3A_822 = tpu.vector_load %arg9[%get3A_820, %get3A_821] {strides = array<i32>} : memref<16x1024xf32, #tpu.memory_space<vmem>>, vector<1x16xf32>,
      %get3A_823 = vector.shape_cast %get3A_822 : vector<1x16xf32> to vector<16xf32>
      %add3A_824 = arith.addf %get3A_819, %get3A_823 : vector<16xf32>
      %swap3A_825 = arith.index_cast %scan3A_116 : i32 to index
      %swap3A_826 = arith.constant 800 : index
      %swap3A_827 = tpu.vector_load %arg8[%swap3A_825, %swap3A_826] {strides = array<i32>} : memref<16x1024xf32, #tpu.memory_space<vmem>>, vector<1x16xf32>,
      %swap3A_828 = vector.shape_cast %swap3A_827 : vector<1x16xf32> to vector<16xf32>
      %swap3A_829 = vector.shape_cast %add3A_824 : vector<16xf32> to vector<1x16xf32>
      tpu.vector_store %arg8[%swap3A_825, %swap3A_826], %swap3A_829 {strides = array<i32>} : memref<16x1024xf32, #tpu.memory_space<vmem>>, vector<1x16xf32>,
      %get3A_830 = arith.index_cast %scan3A_116 : i32 to index
      %get3A_831 = arith.constant 816 : index
      %get3A_832 = tpu.vector_load %arg8[%get3A_830, %get3A_831] {strides = array<i32>} : memref<16x1024xf32, #tpu.memory_space<vmem>>, vector<1x16xf32>,
      %get3A_833 = vector.shape_cast %get3A_832 : vector<1x16xf32> to vector<16xf32>
      %get3A_834 = arith.index_cast %scan3A_116 : i32 to index
      %get3A_835 = arith.constant 816 : index
      %get3A_836 = tpu.vector_load %arg9[%get3A_834, %get3A_835] {strides = array<i32>} : memref<16x1024xf32, #tpu.memory_space<vmem>>, vector<1x16xf32>,
      %get3A_837 = vector.shape_cast %get3A_836 : vector<1x16xf32> to vector<16xf32>
      %add3A_838 = arith.addf %get3A_833, %get3A_837 : vector<16xf32>
      %swap3A_839 = arith.index_cast %scan3A_116 : i32 to index
      %swap3A_840 = arith.constant 816 : index
      %swap3A_841 = tpu.vector_load %arg8[%swap3A_839, %swap3A_840] {strides = array<i32>} : memref<16x1024xf32, #tpu.memory_space<vmem>>, vector<1x16xf32>,
      %swap3A_842 = vector.shape_cast %swap3A_841 : vector<1x16xf32> to vector<16xf32>
      %swap3A_843 = vector.shape_cast %add3A_838 : vector<16xf32> to vector<1x16xf32>
      tpu.vector_store %arg8[%swap3A_839, %swap3A_840], %swap3A_843 {strides = array<i32>} : memref<16x1024xf32, #tpu.memory_space<vmem>>, vector<1x16xf32>,
      %get3A_844 = arith.index_cast %scan3A_116 : i32 to index
      %get3A_845 = arith.constant 832 : index
      %get3A_846 = tpu.vector_load %arg8[%get3A_844, %get3A_845] {strides = array<i32>} : memref<16x1024xf32, #tpu.memory_space<vmem>>, vector<1x16xf32>,
      %get3A_847 = vector.shape_cast %get3A_846 : vector<1x16xf32> to vector<16xf32>
      %get3A_848 = arith.index_cast %scan3A_116 : i32 to index
      %get3A_849 = arith.constant 832 : index
      %get3A_850 = tpu.vector_load %arg9[%get3A_848, %get3A_849] {strides = array<i32>} : memref<16x1024xf32, #tpu.memory_space<vmem>>, vector<1x16xf32>,
      %get3A_851 = vector.shape_cast %get3A_850 : vector<1x16xf32> to vector<16xf32>
      %add3A_852 = arith.addf %get3A_847, %get3A_851 : vector<16xf32>
      %swap3A_853 = arith.index_cast %scan3A_116 : i32 to index
      %swap3A_854 = arith.constant 832 : index
      %swap3A_855 = tpu.vector_load %arg8[%swap3A_853, %swap3A_854] {strides = array<i32>} : memref<16x1024xf32, #tpu.memory_space<vmem>>, vector<1x16xf32>,
      %swap3A_856 = vector.shape_cast %swap3A_855 : vector<1x16xf32> to vector<16xf32>
      %swap3A_857 = vector.shape_cast %add3A_852 : vector<16xf32> to vector<1x16xf32>
      tpu.vector_store %arg8[%swap3A_853, %swap3A_854], %swap3A_857 {strides = array<i32>} : memref<16x1024xf32, #tpu.memory_space<vmem>>, vector<1x16xf32>,
      %get3A_858 = arith.index_cast %scan3A_116 : i32 to index
      %get3A_859 = arith.constant 848 : index
      %get3A_860 = tpu.vector_load %arg8[%get3A_858, %get3A_859] {strides = array<i32>} : memref<16x1024xf32, #tpu.memory_space<vmem>>, vector<1x16xf32>,
      %get3A_861 = vector.shape_cast %get3A_860 : vector<1x16xf32> to vector<16xf32>
      %get3A_862 = arith.index_cast %scan3A_116 : i32 to index
      %get3A_863 = arith.constant 848 : index
      %get3A_864 = tpu.vector_load %arg9[%get3A_862, %get3A_863] {strides = array<i32>} : memref<16x1024xf32, #tpu.memory_space<vmem>>, vector<1x16xf32>,
      %get3A_865 = vector.shape_cast %get3A_864 : vector<1x16xf32> to vector<16xf32>
      %add3A_866 = arith.addf %get3A_861, %get3A_865 : vector<16xf32>
      %swap3A_867 = arith.index_cast %scan3A_116 : i32 to index
      %swap3A_868 = arith.constant 848 : index
      %swap3A_869 = tpu.vector_load %arg8[%swap3A_867, %swap3A_868] {strides = array<i32>} : memref<16x1024xf32, #tpu.memory_space<vmem>>, vector<1x16xf32>,
      %swap3A_870 = vector.shape_cast %swap3A_869 : vector<1x16xf32> to vector<16xf32>
      %swap3A_871 = vector.shape_cast %add3A_866 : vector<16xf32> to vector<1x16xf32>
      tpu.vector_store %arg8[%swap3A_867, %swap3A_868], %swap3A_871 {strides = array<i32>} : memref<16x1024xf32, #tpu.memory_space<vmem>>, vector<1x16xf32>,
      %get3A_872 = arith.index_cast %scan3A_116 : i32 to index
      %get3A_873 = arith.constant 864 : index
      %get3A_874 = tpu.vector_load %arg8[%get3A_872, %get3A_873] {strides = array<i32>} : memref<16x1024xf32, #tpu.memory_space<vmem>>, vector<1x16xf32>,
      %get3A_875 = vector.shape_cast %get3A_874 : vector<1x16xf32> to vector<16xf32>
      %get3A_876 = arith.index_cast %scan3A_116 : i32 to index
      %get3A_877 = arith.constant 864 : index
      %get3A_878 = tpu.vector_load %arg9[%get3A_876, %get3A_877] {strides = array<i32>} : memref<16x1024xf32, #tpu.memory_space<vmem>>, vector<1x16xf32>,
      %get3A_879 = vector.shape_cast %get3A_878 : vector<1x16xf32> to vector<16xf32>
      %add3A_880 = arith.addf %get3A_875, %get3A_879 : vector<16xf32>
      %swap3A_881 = arith.index_cast %scan3A_116 : i32 to index
      %swap3A_882 = arith.constant 864 : index
      %swap3A_883 = tpu.vector_load %arg8[%swap3A_881, %swap3A_882] {strides = array<i32>} : memref<16x1024xf32, #tpu.memory_space<vmem>>, vector<1x16xf32>,
      %swap3A_884 = vector.shape_cast %swap3A_883 : vector<1x16xf32> to vector<16xf32>
      %swap3A_885 = vector.shape_cast %add3A_880 : vector<16xf32> to vector<1x16xf32>
      tpu.vector_store %arg8[%swap3A_881, %swap3A_882], %swap3A_885 {strides = array<i32>} : memref<16x1024xf32, #tpu.memory_space<vmem>>, vector<1x16xf32>,
      %get3A_886 = arith.index_cast %scan3A_116 : i32 to index
      %get3A_887 = arith.constant 880 : index
      %get3A_888 = tpu.vector_load %arg8[%get3A_886, %get3A_887] {strides = array<i32>} : memref<16x1024xf32, #tpu.memory_space<vmem>>, vector<1x16xf32>,
      %get3A_889 = vector.shape_cast %get3A_888 : vector<1x16xf32> to vector<16xf32>
      %get3A_890 = arith.index_cast %scan3A_116 : i32 to index
      %get3A_891 = arith.constant 880 : index
      %get3A_892 = tpu.vector_load %arg9[%get3A_890, %get3A_891] {strides = array<i32>} : memref<16x1024xf32, #tpu.memory_space<vmem>>, vector<1x16xf32>,
      %get3A_893 = vector.shape_cast %get3A_892 : vector<1x16xf32> to vector<16xf32>
      %add3A_894 = arith.addf %get3A_889, %get3A_893 : vector<16xf32>
      %swap3A_895 = arith.index_cast %scan3A_116 : i32 to index
      %swap3A_896 = arith.constant 880 : index
      %swap3A_897 = tpu.vector_load %arg8[%swap3A_895, %swap3A_896] {strides = array<i32>} : memref<16x1024xf32, #tpu.memory_space<vmem>>, vector<1x16xf32>,
      %swap3A_898 = vector.shape_cast %swap3A_897 : vector<1x16xf32> to vector<16xf32>
      %swap3A_899 = vector.shape_cast %add3A_894 : vector<16xf32> to vector<1x16xf32>
      tpu.vector_store %arg8[%swap3A_895, %swap3A_896], %swap3A_899 {strides = array<i32>} : memref<16x1024xf32, #tpu.memory_space<vmem>>, vector<1x16xf32>,
      %get3A_900 = arith.index_cast %scan3A_116 : i32 to index
      %get3A_901 = arith.constant 896 : index
      %get3A_902 = tpu.vector_load %arg8[%get3A_900, %get3A_901] {strides = array<i32>} : memref<16x1024xf32, #tpu.memory_space<vmem>>, vector<1x16xf32>,
      %get3A_903 = vector.shape_cast %get3A_902 : vector<1x16xf32> to vector<16xf32>
      %get3A_904 = arith.index_cast %scan3A_116 : i32 to index
      %get3A_905 = arith.constant 896 : index
      %get3A_906 = tpu.vector_load %arg9[%get3A_904, %get3A_905] {strides = array<i32>} : memref<16x1024xf32, #tpu.memory_space<vmem>>, vector<1x16xf32>,
      %get3A_907 = vector.shape_cast %get3A_906 : vector<1x16xf32> to vector<16xf32>
      %add3A_908 = arith.addf %get3A_903, %get3A_907 : vector<16xf32>
      %swap3A_909 = arith.index_cast %scan3A_116 : i32 to index
      %swap3A_910 = arith.constant 896 : index
      %swap3A_911 = tpu.vector_load %arg8[%swap3A_909, %swap3A_910] {strides = array<i32>} : memref<16x1024xf32, #tpu.memory_space<vmem>>, vector<1x16xf32>,
      %swap3A_912 = vector.shape_cast %swap3A_911 : vector<1x16xf32> to vector<16xf32>
      %swap3A_913 = vector.shape_cast %add3A_908 : vector<16xf32> to vector<1x16xf32>
      tpu.vector_store %arg8[%swap3A_909, %swap3A_910], %swap3A_913 {strides = array<i32>} : memref<16x1024xf32, #tpu.memory_space<vmem>>, vector<1x16xf32>,
      %get3A_914 = arith.index_cast %scan3A_116 : i32 to index
      %get3A_915 = arith.constant 912 : index
      %get3A_916 = tpu.vector_load %arg8[%get3A_914, %get3A_915] {strides = array<i32>} : memref<16x1024xf32, #tpu.memory_space<vmem>>, vector<1x16xf32>,
      %get3A_917 = vector.shape_cast %get3A_916 : vector<1x16xf32> to vector<16xf32>
      %get3A_918 = arith.index_cast %scan3A_116 : i32 to index
      %get3A_919 = arith.constant 912 : index
      %get3A_920 = tpu.vector_load %arg9[%get3A_918, %get3A_919] {strides = array<i32>} : memref<16x1024xf32, #tpu.memory_space<vmem>>, vector<1x16xf32>,
      %get3A_921 = vector.shape_cast %get3A_920 : vector<1x16xf32> to vector<16xf32>
      %add3A_922 = arith.addf %get3A_917, %get3A_921 : vector<16xf32>
      %swap3A_923 = arith.index_cast %scan3A_116 : i32 to index
      %swap3A_924 = arith.constant 912 : index
      %swap3A_925 = tpu.vector_load %arg8[%swap3A_923, %swap3A_924] {strides = array<i32>} : memref<16x1024xf32, #tpu.memory_space<vmem>>, vector<1x16xf32>,
      %swap3A_926 = vector.shape_cast %swap3A_925 : vector<1x16xf32> to vector<16xf32>
      %swap3A_927 = vector.shape_cast %add3A_922 : vector<16xf32> to vector<1x16xf32>
      tpu.vector_store %arg8[%swap3A_923, %swap3A_924], %swap3A_927 {strides = array<i32>} : memref<16x1024xf32, #tpu.memory_space<vmem>>, vector<1x16xf32>,
      %get3A_928 = arith.index_cast %scan3A_116 : i32 to index
      %get3A_929 = arith.constant 928 : index
      %get3A_930 = tpu.vector_load %arg8[%get3A_928, %get3A_929] {strides = array<i32>} : memref<16x1024xf32, #tpu.memory_space<vmem>>, vector<1x16xf32>,
      %get3A_931 = vector.shape_cast %get3A_930 : vector<1x16xf32> to vector<16xf32>
      %get3A_932 = arith.index_cast %scan3A_116 : i32 to index
      %get3A_933 = arith.constant 928 : index
      %get3A_934 = tpu.vector_load %arg9[%get3A_932, %get3A_933] {strides = array<i32>} : memref<16x1024xf32, #tpu.memory_space<vmem>>, vector<1x16xf32>,
      %get3A_935 = vector.shape_cast %get3A_934 : vector<1x16xf32> to vector<16xf32>
      %add3A_936 = arith.addf %get3A_931, %get3A_935 : vector<16xf32>
      %swap3A_937 = arith.index_cast %scan3A_116 : i32 to index
      %swap3A_938 = arith.constant 928 : index
      %swap3A_939 = tpu.vector_load %arg8[%swap3A_937, %swap3A_938] {strides = array<i32>} : memref<16x1024xf32, #tpu.memory_space<vmem>>, vector<1x16xf32>,
      %swap3A_940 = vector.shape_cast %swap3A_939 : vector<1x16xf32> to vector<16xf32>
      %swap3A_941 = vector.shape_cast %add3A_936 : vector<16xf32> to vector<1x16xf32>
      tpu.vector_store %arg8[%swap3A_937, %swap3A_938], %swap3A_941 {strides = array<i32>} : memref<16x1024xf32, #tpu.memory_space<vmem>>, vector<1x16xf32>,
      %get3A_942 = arith.index_cast %scan3A_116 : i32 to index
      %get3A_943 = arith.constant 944 : index
      %get3A_944 = tpu.vector_load %arg8[%get3A_942, %get3A_943] {strides = array<i32>} : memref<16x1024xf32, #tpu.memory_space<vmem>>, vector<1x16xf32>,
      %get3A_945 = vector.shape_cast %get3A_944 : vector<1x16xf32> to vector<16xf32>
      %get3A_946 = arith.index_cast %scan3A_116 : i32 to index
      %get3A_947 = arith.constant 944 : index
      %get3A_948 = tpu.vector_load %arg9[%get3A_946, %get3A_947] {strides = array<i32>} : memref<16x1024xf32, #tpu.memory_space<vmem>>, vector<1x16xf32>,
      %get3A_949 = vector.shape_cast %get3A_948 : vector<1x16xf32> to vector<16xf32>
      %add3A_950 = arith.addf %get3A_945, %get3A_949 : vector<16xf32>
      %swap3A_951 = arith.index_cast %scan3A_116 : i32 to index
      %swap3A_952 = arith.constant 944 : index
      %swap3A_953 = tpu.vector_load %arg8[%swap3A_951, %swap3A_952] {strides = array<i32>} : memref<16x1024xf32, #tpu.memory_space<vmem>>, vector<1x16xf32>,
      %swap3A_954 = vector.shape_cast %swap3A_953 : vector<1x16xf32> to vector<16xf32>
      %swap3A_955 = vector.shape_cast %add3A_950 : vector<16xf32> to vector<1x16xf32>
      tpu.vector_store %arg8[%swap3A_951, %swap3A_952], %swap3A_955 {strides = array<i32>} : memref<16x1024xf32, #tpu.memory_space<vmem>>, vector<1x16xf32>,
      %get3A_956 = arith.index_cast %scan3A_116 : i32 to index
      %get3A_957 = arith.constant 960 : index
      %get3A_958 = tpu.vector_load %arg8[%get3A_956, %get3A_957] {strides = array<i32>} : memref<16x1024xf32, #tpu.memory_space<vmem>>, vector<1x16xf32>,
      %get3A_959 = vector.shape_cast %get3A_958 : vector<1x16xf32> to vector<16xf32>
      %get3A_960 = arith.index_cast %scan3A_116 : i32 to index
      %get3A_961 = arith.constant 960 : index
      %get3A_962 = tpu.vector_load %arg9[%get3A_960, %get3A_961] {strides = array<i32>} : memref<16x1024xf32, #tpu.memory_space<vmem>>, vector<1x16xf32>,
      %get3A_963 = vector.shape_cast %get3A_962 : vector<1x16xf32> to vector<16xf32>
      %add3A_964 = arith.addf %get3A_959, %get3A_963 : vector<16xf32>
      %swap3A_965 = arith.index_cast %scan3A_116 : i32 to index
      %swap3A_966 = arith.constant 960 : index
      %swap3A_967 = tpu.vector_load %arg8[%swap3A_965, %swap3A_966] {strides = array<i32>} : memref<16x1024xf32, #tpu.memory_space<vmem>>, vector<1x16xf32>,
      %swap3A_968 = vector.shape_cast %swap3A_967 : vector<1x16xf32> to vector<16xf32>
      %swap3A_969 = vector.shape_cast %add3A_964 : vector<16xf32> to vector<1x16xf32>
      tpu.vector_store %arg8[%swap3A_965, %swap3A_966], %swap3A_969 {strides = array<i32>} : memref<16x1024xf32, #tpu.memory_space<vmem>>, vector<1x16xf32>,
      %get3A_970 = arith.index_cast %scan3A_116 : i32 to index
      %get3A_971 = arith.constant 976 : index
      %get3A_972 = tpu.vector_load %arg8[%get3A_970, %get3A_971] {strides = array<i32>} : memref<16x1024xf32, #tpu.memory_space<vmem>>, vector<1x16xf32>,
      %get3A_973 = vector.shape_cast %get3A_972 : vector<1x16xf32> to vector<16xf32>
      %get3A_974 = arith.index_cast %scan3A_116 : i32 to index
      %get3A_975 = arith.constant 976 : index
      %get3A_976 = tpu.vector_load %arg9[%get3A_974, %get3A_975] {strides = array<i32>} : memref<16x1024xf32, #tpu.memory_space<vmem>>, vector<1x16xf32>,
      %get3A_977 = vector.shape_cast %get3A_976 : vector<1x16xf32> to vector<16xf32>
      %add3A_978 = arith.addf %get3A_973, %get3A_977 : vector<16xf32>
      %swap3A_979 = arith.index_cast %scan3A_116 : i32 to index
      %swap3A_980 = arith.constant 976 : index
      %swap3A_981 = tpu.vector_load %arg8[%swap3A_979, %swap3A_980] {strides = array<i32>} : memref<16x1024xf32, #tpu.memory_space<vmem>>, vector<1x16xf32>,
      %swap3A_982 = vector.shape_cast %swap3A_981 : vector<1x16xf32> to vector<16xf32>
      %swap3A_983 = vector.shape_cast %add3A_978 : vector<16xf32> to vector<1x16xf32>
      tpu.vector_store %arg8[%swap3A_979, %swap3A_980], %swap3A_983 {strides = array<i32>} : memref<16x1024xf32, #tpu.memory_space<vmem>>, vector<1x16xf32>,
      %get3A_984 = arith.index_cast %scan3A_116 : i32 to index
      %get3A_985 = arith.constant 992 : index
      %get3A_986 = tpu.vector_load %arg8[%get3A_984, %get3A_985] {strides = array<i32>} : memref<16x1024xf32, #tpu.memory_space<vmem>>, vector<1x16xf32>,
      %get3A_987 = vector.shape_cast %get3A_986 : vector<1x16xf32> to vector<16xf32>
      %get3A_988 = arith.index_cast %scan3A_116 : i32 to index
      %get3A_989 = arith.constant 992 : index
      %get3A_990 = tpu.vector_load %arg9[%get3A_988, %get3A_989] {strides = array<i32>} : memref<16x1024xf32, #tpu.memory_space<vmem>>, vector<1x16xf32>,
      %get3A_991 = vector.shape_cast %get3A_990 : vector<1x16xf32> to vector<16xf32>
      %add3A_992 = arith.addf %get3A_987, %get3A_991 : vector<16xf32>
      %swap3A_993 = arith.index_cast %scan3A_116 : i32 to index
      %swap3A_994 = arith.constant 992 : index
      %swap3A_995 = tpu.vector_load %arg8[%swap3A_993, %swap3A_994] {strides = array<i32>} : memref<16x1024xf32, #tpu.memory_space<vmem>>, vector<1x16xf32>,
      %swap3A_996 = vector.shape_cast %swap3A_995 : vector<1x16xf32> to vector<16xf32>
      %swap3A_997 = vector.shape_cast %add3A_992 : vector<16xf32> to vector<1x16xf32>
      tpu.vector_store %arg8[%swap3A_993, %swap3A_994], %swap3A_997 {strides = array<i32>} : memref<16x1024xf32, #tpu.memory_space<vmem>>, vector<1x16xf32>,
      %get3A_998 = arith.index_cast %scan3A_116 : i32 to index
      %get3A_999 = arith.constant 1008 : index
      %get3A_1000 = tpu.vector_load %arg8[%get3A_998, %get3A_999] {strides = array<i32>} : memref<16x1024xf32, #tpu.memory_space<vmem>>, vector<1x16xf32>,
      %get3A_1001 = vector.shape_cast %get3A_1000 : vector<1x16xf32> to vector<16xf32>
      %get3A_1002 = arith.index_cast %scan3A_116 : i32 to index
      %get3A_1003 = arith.constant 1008 : index
      %get3A_1004 = tpu.vector_load %arg9[%get3A_1002, %get3A_1003] {strides = array<i32>} : memref<16x1024xf32, #tpu.memory_space<vmem>>, vector<1x16xf32>,
      %get3A_1005 = vector.shape_cast %get3A_1004 : vector<1x16xf32> to vector<16xf32>
      %add3A_1006 = arith.addf %get3A_1001, %get3A_1005 : vector<16xf32>
      %swap3A_1007 = arith.index_cast %scan3A_116 : i32 to index
      %swap3A_1008 = arith.constant 1008 : index
      %swap3A_1009 = tpu.vector_load %arg8[%swap3A_1007, %swap3A_1008] {strides = array<i32>} : memref<16x1024xf32, #tpu.memory_space<vmem>>, vector<1x16xf32>,
      %swap3A_1010 = vector.shape_cast %swap3A_1009 : vector<1x16xf32> to vector<16xf32>
      %swap3A_1011 = vector.shape_cast %add3A_1006 : vector<16xf32> to vector<1x16xf32>
      tpu.vector_store %arg8[%swap3A_1007, %swap3A_1008], %swap3A_1011 {strides = array<i32>} : memref<16x1024xf32, #tpu.memory_space<vmem>>, vector<1x16xf32>,
      %scan3A_1012 = arith.constant 0 : i32
      scf.yield %scan3A_1012 : i32
    }
    %scan3A_36 = arith.constant 16 : i32
    %add3A_37 = arith.constant 0 : i32
    %add3A_38 = arith.addi %mul3A_2, %add3A_37 : i32
    "tpu.region"() ({
      %run_scoped3A = tpu.sem_alloc : memref<!tpu.dma_semaphore, #tpu.memory_space<semaphore_mem>>
      %dma_start3A_116 = arith.constant 0 : i32
      %dma_start3A_117 = tpu.memref_slice %arg5[%add3A_38, %dma_start3A_116] : memref<2048x1024xf32, #tpu.memory_space<hbm>> -> memref<16x1024xf32, #tpu.memory_space<hbm>>
      %dma_start3A_118 = arith.constant 0 : i32
      %dma_start3A_119 = tpu.memref_slice %arg5[%add3A_38, %dma_start3A_118] : memref<2048x1024xf32, #tpu.memory_space<hbm>> -> memref<16x1024xf32, #tpu.memory_space<hbm>>
      tpu.enqueue_dma source(%arg8 : memref<16x1024xf32, #tpu.memory_space<vmem>>) target(%dma_start3A_119 : memref<16x1024xf32, #tpu.memory_space<hbm>>) target_semaphore(%run_scoped3A : memref<!tpu.dma_semaphore, #tpu.memory_space<semaphore_mem>>)
      %dma_wait3A_120 = arith.constant 0 : i32
      %dma_wait3A_121 = tpu.memref_slice %arg5[%add3A_38, %dma_wait3A_120] : memref<2048x1024xf32, #tpu.memory_space<hbm>> -> memref<16x1024xf32, #tpu.memory_space<hbm>>
      %dma_wait3A_122 = arith.constant 0 : i32
      %dma_wait3A_123 = tpu.memref_slice %arg5[%add3A_38, %dma_wait3A_122] : memref<2048x1024xf32, #tpu.memory_space<hbm>> -> memref<16x1024xf32, #tpu.memory_space<hbm>>
      tpu.wait_dma2 semaphore(%run_scoped3A : memref<!tpu.dma_semaphore, #tpu.memory_space<semaphore_mem>>) src(%arg8 : memref<16x1024xf32, #tpu.memory_space<vmem>>) dst(%dma_wait3A_123 : memref<16x1024xf32, #tpu.memory_space<hbm>>)
      tpu.yield
    }) : () -> ()
    %dma_start3A_39 = arith.constant 32 : i32
    %dma_start3A_40 = tpu.memref_slice %arg6[%dma_start3A_39] : memref<64xi32, #tpu.memory_space<vmem>> -> memref<16xi32, #tpu.memory_space<vmem>>
    %dma_start3A_41 = arith.constant 0 : i32
    %dma_start3A_42 = arith.constant 0 : i32
    %dma_start3A_43 = tpu.memref_slice %arg2[%dma_start3A_41, %dma_start3A_42] : memref<6144x1024xf32, #tpu.memory_space<hbm>> -> memref<6144x1024xf32, #tpu.memory_space<hbm>>
    tpu.enqueue_indirect_dma source(%dma_start3A_43 : memref<6144x1024xf32, #tpu.memory_space<hbm>>) target(%arg8 : memref<16x1024xf32, #tpu.memory_space<vmem>>) offsets(%dma_start3A_40 : memref<16xi32, #tpu.memory_space<vmem>>) semaphore(%arg12 : memref<!tpu.dma_semaphore, #tpu.memory_space<semaphore_mem>>)
    %dma_start3A_44 = arith.constant 32 : i32
    %dma_start3A_45 = tpu.memref_slice %arg7[%dma_start3A_44] : memref<64xi32, #tpu.memory_space<vmem>> -> memref<16xi32, #tpu.memory_space<vmem>>
    %dma_start3A_46 = arith.constant 0 : i32
    %dma_start3A_47 = arith.constant 0 : i32
    %dma_start3A_48 = tpu.memref_slice %arg2[%dma_start3A_46, %dma_start3A_47] : memref<6144x1024xf32, #tpu.memory_space<hbm>> -> memref<6144x1024xf32, #tpu.memory_space<hbm>>
    tpu.enqueue_indirect_dma source(%dma_start3A_48 : memref<6144x1024xf32, #tpu.memory_space<hbm>>) target(%arg9 : memref<16x1024xf32, #tpu.memory_space<vmem>>) offsets(%dma_start3A_45 : memref<16xi32, #tpu.memory_space<vmem>>) semaphore(%arg13 : memref<!tpu.dma_semaphore, #tpu.memory_space<semaphore_mem>>)
    %dma_wait3A_49 = arith.constant 16 : i32
    %dma_wait3A_50 = tpu.memref_slice %arg6[%dma_wait3A_49] : memref<64xi32, #tpu.memory_space<vmem>> -> memref<16xi32, #tpu.memory_space<vmem>>
    %dma_wait3A_51 = arith.constant 0 : i32
    %dma_wait3A_52 = arith.constant 0 : i32
    %dma_wait3A_53 = tpu.memref_slice %arg2[%dma_wait3A_51, %dma_wait3A_52] : memref<6144x1024xf32, #tpu.memory_space<hbm>> -> memref<6144x1024xf32, #tpu.memory_space<hbm>>
    tpu.wait_indirect_dma semaphore(%arg14 : memref<!tpu.dma_semaphore, #tpu.memory_space<semaphore_mem>>) src(%dma_wait3A_53 : memref<6144x1024xf32, #tpu.memory_space<hbm>>) dst(%arg10 : memref<16x1024xf32, #tpu.memory_space<vmem>>)
    %dma_wait3A_54 = arith.constant 16 : i32
    %dma_wait3A_55 = tpu.memref_slice %arg7[%dma_wait3A_54] : memref<64xi32, #tpu.memory_space<vmem>> -> memref<16xi32, #tpu.memory_space<vmem>>
    %dma_wait3A_56 = arith.constant 0 : i32
    %dma_wait3A_57 = arith.constant 0 : i32
    %dma_wait3A_58 = tpu.memref_slice %arg2[%dma_wait3A_56, %dma_wait3A_57] : memref<6144x1024xf32, #tpu.memory_space<hbm>> -> memref<6144x1024xf32, #tpu.memory_space<hbm>>
    tpu.wait_indirect_dma semaphore(%arg15 : memref<!tpu.dma_semaphore, #tpu.memory_space<semaphore_mem>>) src(%dma_wait3A_58 : memref<6144x1024xf32, #tpu.memory_space<hbm>>) dst(%arg11 : memref<16x1024xf32, #tpu.memory_space<vmem>>)
    %scan3A_59 = arith.constant 0 : i32
    %scan3A_60 = arith.constant 0 : i32
    %scan3A_61 = arith.constant 16 : i32
    %scan3A_62 = arith.addi %scan3A_60, %scan3A_61 : i32
    %scan3A_63 = arith.constant 1 : i32
    %scan3A_64 = scf.for %scan3A_116 = %scan3A_60 to %scan3A_62 step %scan3A_63 iter_args(%scan3A_117 = %scan3A_59) -> (i32)  : i32 {
      %get3A = arith.index_cast %scan3A_116 : i32 to index
      %get3A_118 = arith.constant 0 : index
      %get3A_119 = tpu.vector_load %arg10[%get3A, %get3A_118] {strides = array<i32>} : memref<16x1024xf32, #tpu.memory_space<vmem>>, vector<1x16xf32>,
      %get3A_120 = vector.shape_cast %get3A_119 : vector<1x16xf32> to vector<16xf32>
      %get3A_121 = arith.index_cast %scan3A_116 : i32 to index
      %get3A_122 = arith.constant 0 : index
      %get3A_123 = tpu.vector_load %arg11[%get3A_121, %get3A_122] {strides = array<i32>} : memref<16x1024xf32, #tpu.memory_space<vmem>>, vector<1x16xf32>,
      %get3A_124 = vector.shape_cast %get3A_123 : vector<1x16xf32> to vector<16xf32>
      %add3A_125 = arith.addf %get3A_120, %get3A_124 : vector<16xf32>
      %swap3A = arith.index_cast %scan3A_116 : i32 to index
      %swap3A_126 = arith.constant 0 : index
      %swap3A_127 = tpu.vector_load %arg10[%swap3A, %swap3A_126] {strides = array<i32>} : memref<16x1024xf32, #tpu.memory_space<vmem>>, vector<1x16xf32>,
      %swap3A_128 = vector.shape_cast %swap3A_127 : vector<1x16xf32> to vector<16xf32>
      %swap3A_129 = vector.shape_cast %add3A_125 : vector<16xf32> to vector<1x16xf32>
      tpu.vector_store %arg10[%swap3A, %swap3A_126], %swap3A_129 {strides = array<i32>} : memref<16x1024xf32, #tpu.memory_space<vmem>>, vector<1x16xf32>,
      %get3A_130 = arith.index_cast %scan3A_116 : i32 to index
      %get3A_131 = arith.constant 16 : index
      %get3A_132 = tpu.vector_load %arg10[%get3A_130, %get3A_131] {strides = array<i32>} : memref<16x1024xf32, #tpu.memory_space<vmem>>, vector<1x16xf32>,
      %get3A_133 = vector.shape_cast %get3A_132 : vector<1x16xf32> to vector<16xf32>
      %get3A_134 = arith.index_cast %scan3A_116 : i32 to index
      %get3A_135 = arith.constant 16 : index
      %get3A_136 = tpu.vector_load %arg11[%get3A_134, %get3A_135] {strides = array<i32>} : memref<16x1024xf32, #tpu.memory_space<vmem>>, vector<1x16xf32>,
      %get3A_137 = vector.shape_cast %get3A_136 : vector<1x16xf32> to vector<16xf32>
      %add3A_138 = arith.addf %get3A_133, %get3A_137 : vector<16xf32>
      %swap3A_139 = arith.index_cast %scan3A_116 : i32 to index
      %swap3A_140 = arith.constant 16 : index
      %swap3A_141 = tpu.vector_load %arg10[%swap3A_139, %swap3A_140] {strides = array<i32>} : memref<16x1024xf32, #tpu.memory_space<vmem>>, vector<1x16xf32>,
      %swap3A_142 = vector.shape_cast %swap3A_141 : vector<1x16xf32> to vector<16xf32>
      %swap3A_143 = vector.shape_cast %add3A_138 : vector<16xf32> to vector<1x16xf32>
      tpu.vector_store %arg10[%swap3A_139, %swap3A_140], %swap3A_143 {strides = array<i32>} : memref<16x1024xf32, #tpu.memory_space<vmem>>, vector<1x16xf32>,
      %get3A_144 = arith.index_cast %scan3A_116 : i32 to index
      %get3A_145 = arith.constant 32 : index
      %get3A_146 = tpu.vector_load %arg10[%get3A_144, %get3A_145] {strides = array<i32>} : memref<16x1024xf32, #tpu.memory_space<vmem>>, vector<1x16xf32>,
      %get3A_147 = vector.shape_cast %get3A_146 : vector<1x16xf32> to vector<16xf32>
      %get3A_148 = arith.index_cast %scan3A_116 : i32 to index
      %get3A_149 = arith.constant 32 : index
      %get3A_150 = tpu.vector_load %arg11[%get3A_148, %get3A_149] {strides = array<i32>} : memref<16x1024xf32, #tpu.memory_space<vmem>>, vector<1x16xf32>,
      %get3A_151 = vector.shape_cast %get3A_150 : vector<1x16xf32> to vector<16xf32>
      %add3A_152 = arith.addf %get3A_147, %get3A_151 : vector<16xf32>
      %swap3A_153 = arith.index_cast %scan3A_116 : i32 to index
      %swap3A_154 = arith.constant 32 : index
      %swap3A_155 = tpu.vector_load %arg10[%swap3A_153, %swap3A_154] {strides = array<i32>} : memref<16x1024xf32, #tpu.memory_space<vmem>>, vector<1x16xf32>,
      %swap3A_156 = vector.shape_cast %swap3A_155 : vector<1x16xf32> to vector<16xf32>
      %swap3A_157 = vector.shape_cast %add3A_152 : vector<16xf32> to vector<1x16xf32>
      tpu.vector_store %arg10[%swap3A_153, %swap3A_154], %swap3A_157 {strides = array<i32>} : memref<16x1024xf32, #tpu.memory_space<vmem>>, vector<1x16xf32>,
      %get3A_158 = arith.index_cast %scan3A_116 : i32 to index
      %get3A_159 = arith.constant 48 : index
      %get3A_160 = tpu.vector_load %arg10[%get3A_158, %get3A_159] {strides = array<i32>} : memref<16x1024xf32, #tpu.memory_space<vmem>>, vector<1x16xf32>,
      %get3A_161 = vector.shape_cast %get3A_160 : vector<1x16xf32> to vector<16xf32>
      %get3A_162 = arith.index_cast %scan3A_116 : i32 to index
      %get3A_163 = arith.constant 48 : index
      %get3A_164 = tpu.vector_load %arg11[%get3A_162, %get3A_163] {strides = array<i32>} : memref<16x1024xf32, #tpu.memory_space<vmem>>, vector<1x16xf32>,
      %get3A_165 = vector.shape_cast %get3A_164 : vector<1x16xf32> to vector<16xf32>
      %add3A_166 = arith.addf %get3A_161, %get3A_165 : vector<16xf32>
      %swap3A_167 = arith.index_cast %scan3A_116 : i32 to index
      %swap3A_168 = arith.constant 48 : index
      %swap3A_169 = tpu.vector_load %arg10[%swap3A_167, %swap3A_168] {strides = array<i32>} : memref<16x1024xf32, #tpu.memory_space<vmem>>, vector<1x16xf32>,
      %swap3A_170 = vector.shape_cast %swap3A_169 : vector<1x16xf32> to vector<16xf32>
      %swap3A_171 = vector.shape_cast %add3A_166 : vector<16xf32> to vector<1x16xf32>
      tpu.vector_store %arg10[%swap3A_167, %swap3A_168], %swap3A_171 {strides = array<i32>} : memref<16x1024xf32, #tpu.memory_space<vmem>>, vector<1x16xf32>,
      %get3A_172 = arith.index_cast %scan3A_116 : i32 to index
      %get3A_173 = arith.constant 64 : index
      %get3A_174 = tpu.vector_load %arg10[%get3A_172, %get3A_173] {strides = array<i32>} : memref<16x1024xf32, #tpu.memory_space<vmem>>, vector<1x16xf32>,
      %get3A_175 = vector.shape_cast %get3A_174 : vector<1x16xf32> to vector<16xf32>
      %get3A_176 = arith.index_cast %scan3A_116 : i32 to index
      %get3A_177 = arith.constant 64 : index
      %get3A_178 = tpu.vector_load %arg11[%get3A_176, %get3A_177] {strides = array<i32>} : memref<16x1024xf32, #tpu.memory_space<vmem>>, vector<1x16xf32>,
      %get3A_179 = vector.shape_cast %get3A_178 : vector<1x16xf32> to vector<16xf32>
      %add3A_180 = arith.addf %get3A_175, %get3A_179 : vector<16xf32>
      %swap3A_181 = arith.index_cast %scan3A_116 : i32 to index
      %swap3A_182 = arith.constant 64 : index
      %swap3A_183 = tpu.vector_load %arg10[%swap3A_181, %swap3A_182] {strides = array<i32>} : memref<16x1024xf32, #tpu.memory_space<vmem>>, vector<1x16xf32>,
      %swap3A_184 = vector.shape_cast %swap3A_183 : vector<1x16xf32> to vector<16xf32>
      %swap3A_185 = vector.shape_cast %add3A_180 : vector<16xf32> to vector<1x16xf32>
      tpu.vector_store %arg10[%swap3A_181, %swap3A_182], %swap3A_185 {strides = array<i32>} : memref<16x1024xf32, #tpu.memory_space<vmem>>, vector<1x16xf32>,
      %get3A_186 = arith.index_cast %scan3A_116 : i32 to index
      %get3A_187 = arith.constant 80 : index
      %get3A_188 = tpu.vector_load %arg10[%get3A_186, %get3A_187] {strides = array<i32>} : memref<16x1024xf32, #tpu.memory_space<vmem>>, vector<1x16xf32>,
      %get3A_189 = vector.shape_cast %get3A_188 : vector<1x16xf32> to vector<16xf32>
      %get3A_190 = arith.index_cast %scan3A_116 : i32 to index
      %get3A_191 = arith.constant 80 : index
      %get3A_192 = tpu.vector_load %arg11[%get3A_190, %get3A_191] {strides = array<i32>} : memref<16x1024xf32, #tpu.memory_space<vmem>>, vector<1x16xf32>,
      %get3A_193 = vector.shape_cast %get3A_192 : vector<1x16xf32> to vector<16xf32>
      %add3A_194 = arith.addf %get3A_189, %get3A_193 : vector<16xf32>
      %swap3A_195 = arith.index_cast %scan3A_116 : i32 to index
      %swap3A_196 = arith.constant 80 : index
      %swap3A_197 = tpu.vector_load %arg10[%swap3A_195, %swap3A_196] {strides = array<i32>} : memref<16x1024xf32, #tpu.memory_space<vmem>>, vector<1x16xf32>,
      %swap3A_198 = vector.shape_cast %swap3A_197 : vector<1x16xf32> to vector<16xf32>
      %swap3A_199 = vector.shape_cast %add3A_194 : vector<16xf32> to vector<1x16xf32>
      tpu.vector_store %arg10[%swap3A_195, %swap3A_196], %swap3A_199 {strides = array<i32>} : memref<16x1024xf32, #tpu.memory_space<vmem>>, vector<1x16xf32>,
      %get3A_200 = arith.index_cast %scan3A_116 : i32 to index
      %get3A_201 = arith.constant 96 : index
      %get3A_202 = tpu.vector_load %arg10[%get3A_200, %get3A_201] {strides = array<i32>} : memref<16x1024xf32, #tpu.memory_space<vmem>>, vector<1x16xf32>,
      %get3A_203 = vector.shape_cast %get3A_202 : vector<1x16xf32> to vector<16xf32>
      %get3A_204 = arith.index_cast %scan3A_116 : i32 to index
      %get3A_205 = arith.constant 96 : index
      %get3A_206 = tpu.vector_load %arg11[%get3A_204, %get3A_205] {strides = array<i32>} : memref<16x1024xf32, #tpu.memory_space<vmem>>, vector<1x16xf32>,
      %get3A_207 = vector.shape_cast %get3A_206 : vector<1x16xf32> to vector<16xf32>
      %add3A_208 = arith.addf %get3A_203, %get3A_207 : vector<16xf32>
      %swap3A_209 = arith.index_cast %scan3A_116 : i32 to index
      %swap3A_210 = arith.constant 96 : index
      %swap3A_211 = tpu.vector_load %arg10[%swap3A_209, %swap3A_210] {strides = array<i32>} : memref<16x1024xf32, #tpu.memory_space<vmem>>, vector<1x16xf32>,
      %swap3A_212 = vector.shape_cast %swap3A_211 : vector<1x16xf32> to vector<16xf32>
      %swap3A_213 = vector.shape_cast %add3A_208 : vector<16xf32> to vector<1x16xf32>
      tpu.vector_store %arg10[%swap3A_209, %swap3A_210], %swap3A_213 {strides = array<i32>} : memref<16x1024xf32, #tpu.memory_space<vmem>>, vector<1x16xf32>,
      %get3A_214 = arith.index_cast %scan3A_116 : i32 to index
      %get3A_215 = arith.constant 112 : index
      %get3A_216 = tpu.vector_load %arg10[%get3A_214, %get3A_215] {strides = array<i32>} : memref<16x1024xf32, #tpu.memory_space<vmem>>, vector<1x16xf32>,
      %get3A_217 = vector.shape_cast %get3A_216 : vector<1x16xf32> to vector<16xf32>
      %get3A_218 = arith.index_cast %scan3A_116 : i32 to index
      %get3A_219 = arith.constant 112 : index
      %get3A_220 = tpu.vector_load %arg11[%get3A_218, %get3A_219] {strides = array<i32>} : memref<16x1024xf32, #tpu.memory_space<vmem>>, vector<1x16xf32>,
      %get3A_221 = vector.shape_cast %get3A_220 : vector<1x16xf32> to vector<16xf32>
      %add3A_222 = arith.addf %get3A_217, %get3A_221 : vector<16xf32>
      %swap3A_223 = arith.index_cast %scan3A_116 : i32 to index
      %swap3A_224 = arith.constant 112 : index
      %swap3A_225 = tpu.vector_load %arg10[%swap3A_223, %swap3A_224] {strides = array<i32>} : memref<16x1024xf32, #tpu.memory_space<vmem>>, vector<1x16xf32>,
      %swap3A_226 = vector.shape_cast %swap3A_225 : vector<1x16xf32> to vector<16xf32>
      %swap3A_227 = vector.shape_cast %add3A_222 : vector<16xf32> to vector<1x16xf32>
      tpu.vector_store %arg10[%swap3A_223, %swap3A_224], %swap3A_227 {strides = array<i32>} : memref<16x1024xf32, #tpu.memory_space<vmem>>, vector<1x16xf32>,
      %get3A_228 = arith.index_cast %scan3A_116 : i32 to index
      %get3A_229 = arith.constant 128 : index
      %get3A_230 = tpu.vector_load %arg10[%get3A_228, %get3A_229] {strides = array<i32>} : memref<16x1024xf32, #tpu.memory_space<vmem>>, vector<1x16xf32>,
      %get3A_231 = vector.shape_cast %get3A_230 : vector<1x16xf32> to vector<16xf32>
      %get3A_232 = arith.index_cast %scan3A_116 : i32 to index
      %get3A_233 = arith.constant 128 : index
      %get3A_234 = tpu.vector_load %arg11[%get3A_232, %get3A_233] {strides = array<i32>} : memref<16x1024xf32, #tpu.memory_space<vmem>>, vector<1x16xf32>,
      %get3A_235 = vector.shape_cast %get3A_234 : vector<1x16xf32> to vector<16xf32>
      %add3A_236 = arith.addf %get3A_231, %get3A_235 : vector<16xf32>
      %swap3A_237 = arith.index_cast %scan3A_116 : i32 to index
      %swap3A_238 = arith.constant 128 : index
      %swap3A_239 = tpu.vector_load %arg10[%swap3A_237, %swap3A_238] {strides = array<i32>} : memref<16x1024xf32, #tpu.memory_space<vmem>>, vector<1x16xf32>,
      %swap3A_240 = vector.shape_cast %swap3A_239 : vector<1x16xf32> to vector<16xf32>
      %swap3A_241 = vector.shape_cast %add3A_236 : vector<16xf32> to vector<1x16xf32>
      tpu.vector_store %arg10[%swap3A_237, %swap3A_238], %swap3A_241 {strides = array<i32>} : memref<16x1024xf32, #tpu.memory_space<vmem>>, vector<1x16xf32>,
      %get3A_242 = arith.index_cast %scan3A_116 : i32 to index
      %get3A_243 = arith.constant 144 : index
      %get3A_244 = tpu.vector_load %arg10[%get3A_242, %get3A_243] {strides = array<i32>} : memref<16x1024xf32, #tpu.memory_space<vmem>>, vector<1x16xf32>,
      %get3A_245 = vector.shape_cast %get3A_244 : vector<1x16xf32> to vector<16xf32>
      %get3A_246 = arith.index_cast %scan3A_116 : i32 to index
      %get3A_247 = arith.constant 144 : index
      %get3A_248 = tpu.vector_load %arg11[%get3A_246, %get3A_247] {strides = array<i32>} : memref<16x1024xf32, #tpu.memory_space<vmem>>, vector<1x16xf32>,
      %get3A_249 = vector.shape_cast %get3A_248 : vector<1x16xf32> to vector<16xf32>
      %add3A_250 = arith.addf %get3A_245, %get3A_249 : vector<16xf32>
      %swap3A_251 = arith.index_cast %scan3A_116 : i32 to index
      %swap3A_252 = arith.constant 144 : index
      %swap3A_253 = tpu.vector_load %arg10[%swap3A_251, %swap3A_252] {strides = array<i32>} : memref<16x1024xf32, #tpu.memory_space<vmem>>, vector<1x16xf32>,
      %swap3A_254 = vector.shape_cast %swap3A_253 : vector<1x16xf32> to vector<16xf32>
      %swap3A_255 = vector.shape_cast %add3A_250 : vector<16xf32> to vector<1x16xf32>
      tpu.vector_store %arg10[%swap3A_251, %swap3A_252], %swap3A_255 {strides = array<i32>} : memref<16x1024xf32, #tpu.memory_space<vmem>>, vector<1x16xf32>,
      %get3A_256 = arith.index_cast %scan3A_116 : i32 to index
      %get3A_257 = arith.constant 160 : index
      %get3A_258 = tpu.vector_load %arg10[%get3A_256, %get3A_257] {strides = array<i32>} : memref<16x1024xf32, #tpu.memory_space<vmem>>, vector<1x16xf32>,
      %get3A_259 = vector.shape_cast %get3A_258 : vector<1x16xf32> to vector<16xf32>
      %get3A_260 = arith.index_cast %scan3A_116 : i32 to index
      %get3A_261 = arith.constant 160 : index
      %get3A_262 = tpu.vector_load %arg11[%get3A_260, %get3A_261] {strides = array<i32>} : memref<16x1024xf32, #tpu.memory_space<vmem>>, vector<1x16xf32>,
      %get3A_263 = vector.shape_cast %get3A_262 : vector<1x16xf32> to vector<16xf32>
      %add3A_264 = arith.addf %get3A_259, %get3A_263 : vector<16xf32>
      %swap3A_265 = arith.index_cast %scan3A_116 : i32 to index
      %swap3A_266 = arith.constant 160 : index
      %swap3A_267 = tpu.vector_load %arg10[%swap3A_265, %swap3A_266] {strides = array<i32>} : memref<16x1024xf32, #tpu.memory_space<vmem>>, vector<1x16xf32>,
      %swap3A_268 = vector.shape_cast %swap3A_267 : vector<1x16xf32> to vector<16xf32>
      %swap3A_269 = vector.shape_cast %add3A_264 : vector<16xf32> to vector<1x16xf32>
      tpu.vector_store %arg10[%swap3A_265, %swap3A_266], %swap3A_269 {strides = array<i32>} : memref<16x1024xf32, #tpu.memory_space<vmem>>, vector<1x16xf32>,
      %get3A_270 = arith.index_cast %scan3A_116 : i32 to index
      %get3A_271 = arith.constant 176 : index
      %get3A_272 = tpu.vector_load %arg10[%get3A_270, %get3A_271] {strides = array<i32>} : memref<16x1024xf32, #tpu.memory_space<vmem>>, vector<1x16xf32>,
      %get3A_273 = vector.shape_cast %get3A_272 : vector<1x16xf32> to vector<16xf32>
      %get3A_274 = arith.index_cast %scan3A_116 : i32 to index
      %get3A_275 = arith.constant 176 : index
      %get3A_276 = tpu.vector_load %arg11[%get3A_274, %get3A_275] {strides = array<i32>} : memref<16x1024xf32, #tpu.memory_space<vmem>>, vector<1x16xf32>,
      %get3A_277 = vector.shape_cast %get3A_276 : vector<1x16xf32> to vector<16xf32>
      %add3A_278 = arith.addf %get3A_273, %get3A_277 : vector<16xf32>
      %swap3A_279 = arith.index_cast %scan3A_116 : i32 to index
      %swap3A_280 = arith.constant 176 : index
      %swap3A_281 = tpu.vector_load %arg10[%swap3A_279, %swap3A_280] {strides = array<i32>} : memref<16x1024xf32, #tpu.memory_space<vmem>>, vector<1x16xf32>,
      %swap3A_282 = vector.shape_cast %swap3A_281 : vector<1x16xf32> to vector<16xf32>
      %swap3A_283 = vector.shape_cast %add3A_278 : vector<16xf32> to vector<1x16xf32>
      tpu.vector_store %arg10[%swap3A_279, %swap3A_280], %swap3A_283 {strides = array<i32>} : memref<16x1024xf32, #tpu.memory_space<vmem>>, vector<1x16xf32>,
      %get3A_284 = arith.index_cast %scan3A_116 : i32 to index
      %get3A_285 = arith.constant 192 : index
      %get3A_286 = tpu.vector_load %arg10[%get3A_284, %get3A_285] {strides = array<i32>} : memref<16x1024xf32, #tpu.memory_space<vmem>>, vector<1x16xf32>,
      %get3A_287 = vector.shape_cast %get3A_286 : vector<1x16xf32> to vector<16xf32>
      %get3A_288 = arith.index_cast %scan3A_116 : i32 to index
      %get3A_289 = arith.constant 192 : index
      %get3A_290 = tpu.vector_load %arg11[%get3A_288, %get3A_289] {strides = array<i32>} : memref<16x1024xf32, #tpu.memory_space<vmem>>, vector<1x16xf32>,
      %get3A_291 = vector.shape_cast %get3A_290 : vector<1x16xf32> to vector<16xf32>
      %add3A_292 = arith.addf %get3A_287, %get3A_291 : vector<16xf32>
      %swap3A_293 = arith.index_cast %scan3A_116 : i32 to index
      %swap3A_294 = arith.constant 192 : index
      %swap3A_295 = tpu.vector_load %arg10[%swap3A_293, %swap3A_294] {strides = array<i32>} : memref<16x1024xf32, #tpu.memory_space<vmem>>, vector<1x16xf32>,
      %swap3A_296 = vector.shape_cast %swap3A_295 : vector<1x16xf32> to vector<16xf32>
      %swap3A_297 = vector.shape_cast %add3A_292 : vector<16xf32> to vector<1x16xf32>
      tpu.vector_store %arg10[%swap3A_293, %swap3A_294], %swap3A_297 {strides = array<i32>} : memref<16x1024xf32, #tpu.memory_space<vmem>>, vector<1x16xf32>,
      %get3A_298 = arith.index_cast %scan3A_116 : i32 to index
      %get3A_299 = arith.constant 208 : index
      %get3A_300 = tpu.vector_load %arg10[%get3A_298, %get3A_299] {strides = array<i32>} : memref<16x1024xf32, #tpu.memory_space<vmem>>, vector<1x16xf32>,
      %get3A_301 = vector.shape_cast %get3A_300 : vector<1x16xf32> to vector<16xf32>
      %get3A_302 = arith.index_cast %scan3A_116 : i32 to index
      %get3A_303 = arith.constant 208 : index
      %get3A_304 = tpu.vector_load %arg11[%get3A_302, %get3A_303] {strides = array<i32>} : memref<16x1024xf32, #tpu.memory_space<vmem>>, vector<1x16xf32>,
      %get3A_305 = vector.shape_cast %get3A_304 : vector<1x16xf32> to vector<16xf32>
      %add3A_306 = arith.addf %get3A_301, %get3A_305 : vector<16xf32>
      %swap3A_307 = arith.index_cast %scan3A_116 : i32 to index
      %swap3A_308 = arith.constant 208 : index
      %swap3A_309 = tpu.vector_load %arg10[%swap3A_307, %swap3A_308] {strides = array<i32>} : memref<16x1024xf32, #tpu.memory_space<vmem>>, vector<1x16xf32>,
      %swap3A_310 = vector.shape_cast %swap3A_309 : vector<1x16xf32> to vector<16xf32>
      %swap3A_311 = vector.shape_cast %add3A_306 : vector<16xf32> to vector<1x16xf32>
      tpu.vector_store %arg10[%swap3A_307, %swap3A_308], %swap3A_311 {strides = array<i32>} : memref<16x1024xf32, #tpu.memory_space<vmem>>, vector<1x16xf32>,
      %get3A_312 = arith.index_cast %scan3A_116 : i32 to index
      %get3A_313 = arith.constant 224 : index
      %get3A_314 = tpu.vector_load %arg10[%get3A_312, %get3A_313] {strides = array<i32>} : memref<16x1024xf32, #tpu.memory_space<vmem>>, vector<1x16xf32>,
      %get3A_315 = vector.shape_cast %get3A_314 : vector<1x16xf32> to vector<16xf32>
      %get3A_316 = arith.index_cast %scan3A_116 : i32 to index
      %get3A_317 = arith.constant 224 : index
      %get3A_318 = tpu.vector_load %arg11[%get3A_316, %get3A_317] {strides = array<i32>} : memref<16x1024xf32, #tpu.memory_space<vmem>>, vector<1x16xf32>,
      %get3A_319 = vector.shape_cast %get3A_318 : vector<1x16xf32> to vector<16xf32>
      %add3A_320 = arith.addf %get3A_315, %get3A_319 : vector<16xf32>
      %swap3A_321 = arith.index_cast %scan3A_116 : i32 to index
      %swap3A_322 = arith.constant 224 : index
      %swap3A_323 = tpu.vector_load %arg10[%swap3A_321, %swap3A_322] {strides = array<i32>} : memref<16x1024xf32, #tpu.memory_space<vmem>>, vector<1x16xf32>,
      %swap3A_324 = vector.shape_cast %swap3A_323 : vector<1x16xf32> to vector<16xf32>
      %swap3A_325 = vector.shape_cast %add3A_320 : vector<16xf32> to vector<1x16xf32>
      tpu.vector_store %arg10[%swap3A_321, %swap3A_322], %swap3A_325 {strides = array<i32>} : memref<16x1024xf32, #tpu.memory_space<vmem>>, vector<1x16xf32>,
      %get3A_326 = arith.index_cast %scan3A_116 : i32 to index
      %get3A_327 = arith.constant 240 : index
      %get3A_328 = tpu.vector_load %arg10[%get3A_326, %get3A_327] {strides = array<i32>} : memref<16x1024xf32, #tpu.memory_space<vmem>>, vector<1x16xf32>,
      %get3A_329 = vector.shape_cast %get3A_328 : vector<1x16xf32> to vector<16xf32>
      %get3A_330 = arith.index_cast %scan3A_116 : i32 to index
      %get3A_331 = arith.constant 240 : index
      %get3A_332 = tpu.vector_load %arg11[%get3A_330, %get3A_331] {strides = array<i32>} : memref<16x1024xf32, #tpu.memory_space<vmem>>, vector<1x16xf32>,
      %get3A_333 = vector.shape_cast %get3A_332 : vector<1x16xf32> to vector<16xf32>
      %add3A_334 = arith.addf %get3A_329, %get3A_333 : vector<16xf32>
      %swap3A_335 = arith.index_cast %scan3A_116 : i32 to index
      %swap3A_336 = arith.constant 240 : index
      %swap3A_337 = tpu.vector_load %arg10[%swap3A_335, %swap3A_336] {strides = array<i32>} : memref<16x1024xf32, #tpu.memory_space<vmem>>, vector<1x16xf32>,
      %swap3A_338 = vector.shape_cast %swap3A_337 : vector<1x16xf32> to vector<16xf32>
      %swap3A_339 = vector.shape_cast %add3A_334 : vector<16xf32> to vector<1x16xf32>
      tpu.vector_store %arg10[%swap3A_335, %swap3A_336], %swap3A_339 {strides = array<i32>} : memref<16x1024xf32, #tpu.memory_space<vmem>>, vector<1x16xf32>,
      %get3A_340 = arith.index_cast %scan3A_116 : i32 to index
      %get3A_341 = arith.constant 256 : index
      %get3A_342 = tpu.vector_load %arg10[%get3A_340, %get3A_341] {strides = array<i32>} : memref<16x1024xf32, #tpu.memory_space<vmem>>, vector<1x16xf32>,
      %get3A_343 = vector.shape_cast %get3A_342 : vector<1x16xf32> to vector<16xf32>
      %get3A_344 = arith.index_cast %scan3A_116 : i32 to index
      %get3A_345 = arith.constant 256 : index
      %get3A_346 = tpu.vector_load %arg11[%get3A_344, %get3A_345] {strides = array<i32>} : memref<16x1024xf32, #tpu.memory_space<vmem>>, vector<1x16xf32>,
      %get3A_347 = vector.shape_cast %get3A_346 : vector<1x16xf32> to vector<16xf32>
      %add3A_348 = arith.addf %get3A_343, %get3A_347 : vector<16xf32>
      %swap3A_349 = arith.index_cast %scan3A_116 : i32 to index
      %swap3A_350 = arith.constant 256 : index
      %swap3A_351 = tpu.vector_load %arg10[%swap3A_349, %swap3A_350] {strides = array<i32>} : memref<16x1024xf32, #tpu.memory_space<vmem>>, vector<1x16xf32>,
      %swap3A_352 = vector.shape_cast %swap3A_351 : vector<1x16xf32> to vector<16xf32>
      %swap3A_353 = vector.shape_cast %add3A_348 : vector<16xf32> to vector<1x16xf32>
      tpu.vector_store %arg10[%swap3A_349, %swap3A_350], %swap3A_353 {strides = array<i32>} : memref<16x1024xf32, #tpu.memory_space<vmem>>, vector<1x16xf32>,
      %get3A_354 = arith.index_cast %scan3A_116 : i32 to index
      %get3A_355 = arith.constant 272 : index
      %get3A_356 = tpu.vector_load %arg10[%get3A_354, %get3A_355] {strides = array<i32>} : memref<16x1024xf32, #tpu.memory_space<vmem>>, vector<1x16xf32>,
      %get3A_357 = vector.shape_cast %get3A_356 : vector<1x16xf32> to vector<16xf32>
      %get3A_358 = arith.index_cast %scan3A_116 : i32 to index
      %get3A_359 = arith.constant 272 : index
      %get3A_360 = tpu.vector_load %arg11[%get3A_358, %get3A_359] {strides = array<i32>} : memref<16x1024xf32, #tpu.memory_space<vmem>>, vector<1x16xf32>,
      %get3A_361 = vector.shape_cast %get3A_360 : vector<1x16xf32> to vector<16xf32>
      %add3A_362 = arith.addf %get3A_357, %get3A_361 : vector<16xf32>
      %swap3A_363 = arith.index_cast %scan3A_116 : i32 to index
      %swap3A_364 = arith.constant 272 : index
      %swap3A_365 = tpu.vector_load %arg10[%swap3A_363, %swap3A_364] {strides = array<i32>} : memref<16x1024xf32, #tpu.memory_space<vmem>>, vector<1x16xf32>,
      %swap3A_366 = vector.shape_cast %swap3A_365 : vector<1x16xf32> to vector<16xf32>
      %swap3A_367 = vector.shape_cast %add3A_362 : vector<16xf32> to vector<1x16xf32>
      tpu.vector_store %arg10[%swap3A_363, %swap3A_364], %swap3A_367 {strides = array<i32>} : memref<16x1024xf32, #tpu.memory_space<vmem>>, vector<1x16xf32>,
      %get3A_368 = arith.index_cast %scan3A_116 : i32 to index
      %get3A_369 = arith.constant 288 : index
      %get3A_370 = tpu.vector_load %arg10[%get3A_368, %get3A_369] {strides = array<i32>} : memref<16x1024xf32, #tpu.memory_space<vmem>>, vector<1x16xf32>,
      %get3A_371 = vector.shape_cast %get3A_370 : vector<1x16xf32> to vector<16xf32>
      %get3A_372 = arith.index_cast %scan3A_116 : i32 to index
      %get3A_373 = arith.constant 288 : index
      %get3A_374 = tpu.vector_load %arg11[%get3A_372, %get3A_373] {strides = array<i32>} : memref<16x1024xf32, #tpu.memory_space<vmem>>, vector<1x16xf32>,
      %get3A_375 = vector.shape_cast %get3A_374 : vector<1x16xf32> to vector<16xf32>
      %add3A_376 = arith.addf %get3A_371, %get3A_375 : vector<16xf32>
      %swap3A_377 = arith.index_cast %scan3A_116 : i32 to index
      %swap3A_378 = arith.constant 288 : index
      %swap3A_379 = tpu.vector_load %arg10[%swap3A_377, %swap3A_378] {strides = array<i32>} : memref<16x1024xf32, #tpu.memory_space<vmem>>, vector<1x16xf32>,
      %swap3A_380 = vector.shape_cast %swap3A_379 : vector<1x16xf32> to vector<16xf32>
      %swap3A_381 = vector.shape_cast %add3A_376 : vector<16xf32> to vector<1x16xf32>
      tpu.vector_store %arg10[%swap3A_377, %swap3A_378], %swap3A_381 {strides = array<i32>} : memref<16x1024xf32, #tpu.memory_space<vmem>>, vector<1x16xf32>,
      %get3A_382 = arith.index_cast %scan3A_116 : i32 to index
      %get3A_383 = arith.constant 304 : index
      %get3A_384 = tpu.vector_load %arg10[%get3A_382, %get3A_383] {strides = array<i32>} : memref<16x1024xf32, #tpu.memory_space<vmem>>, vector<1x16xf32>,
      %get3A_385 = vector.shape_cast %get3A_384 : vector<1x16xf32> to vector<16xf32>
      %get3A_386 = arith.index_cast %scan3A_116 : i32 to index
      %get3A_387 = arith.constant 304 : index
      %get3A_388 = tpu.vector_load %arg11[%get3A_386, %get3A_387] {strides = array<i32>} : memref<16x1024xf32, #tpu.memory_space<vmem>>, vector<1x16xf32>,
      %get3A_389 = vector.shape_cast %get3A_388 : vector<1x16xf32> to vector<16xf32>
      %add3A_390 = arith.addf %get3A_385, %get3A_389 : vector<16xf32>
      %swap3A_391 = arith.index_cast %scan3A_116 : i32 to index
      %swap3A_392 = arith.constant 304 : index
      %swap3A_393 = tpu.vector_load %arg10[%swap3A_391, %swap3A_392] {strides = array<i32>} : memref<16x1024xf32, #tpu.memory_space<vmem>>, vector<1x16xf32>,
      %swap3A_394 = vector.shape_cast %swap3A_393 : vector<1x16xf32> to vector<16xf32>
      %swap3A_395 = vector.shape_cast %add3A_390 : vector<16xf32> to vector<1x16xf32>
      tpu.vector_store %arg10[%swap3A_391, %swap3A_392], %swap3A_395 {strides = array<i32>} : memref<16x1024xf32, #tpu.memory_space<vmem>>, vector<1x16xf32>,
      %get3A_396 = arith.index_cast %scan3A_116 : i32 to index
      %get3A_397 = arith.constant 320 : index
      %get3A_398 = tpu.vector_load %arg10[%get3A_396, %get3A_397] {strides = array<i32>} : memref<16x1024xf32, #tpu.memory_space<vmem>>, vector<1x16xf32>,
      %get3A_399 = vector.shape_cast %get3A_398 : vector<1x16xf32> to vector<16xf32>
      %get3A_400 = arith.index_cast %scan3A_116 : i32 to index
      %get3A_401 = arith.constant 320 : index
      %get3A_402 = tpu.vector_load %arg11[%get3A_400, %get3A_401] {strides = array<i32>} : memref<16x1024xf32, #tpu.memory_space<vmem>>, vector<1x16xf32>,
      %get3A_403 = vector.shape_cast %get3A_402 : vector<1x16xf32> to vector<16xf32>
      %add3A_404 = arith.addf %get3A_399, %get3A_403 : vector<16xf32>
      %swap3A_405 = arith.index_cast %scan3A_116 : i32 to index
      %swap3A_406 = arith.constant 320 : index
      %swap3A_407 = tpu.vector_load %arg10[%swap3A_405, %swap3A_406] {strides = array<i32>} : memref<16x1024xf32, #tpu.memory_space<vmem>>, vector<1x16xf32>,
      %swap3A_408 = vector.shape_cast %swap3A_407 : vector<1x16xf32> to vector<16xf32>
      %swap3A_409 = vector.shape_cast %add3A_404 : vector<16xf32> to vector<1x16xf32>
      tpu.vector_store %arg10[%swap3A_405, %swap3A_406], %swap3A_409 {strides = array<i32>} : memref<16x1024xf32, #tpu.memory_space<vmem>>, vector<1x16xf32>,
      %get3A_410 = arith.index_cast %scan3A_116 : i32 to index
      %get3A_411 = arith.constant 336 : index
      %get3A_412 = tpu.vector_load %arg10[%get3A_410, %get3A_411] {strides = array<i32>} : memref<16x1024xf32, #tpu.memory_space<vmem>>, vector<1x16xf32>,
      %get3A_413 = vector.shape_cast %get3A_412 : vector<1x16xf32> to vector<16xf32>
      %get3A_414 = arith.index_cast %scan3A_116 : i32 to index
      %get3A_415 = arith.constant 336 : index
      %get3A_416 = tpu.vector_load %arg11[%get3A_414, %get3A_415] {strides = array<i32>} : memref<16x1024xf32, #tpu.memory_space<vmem>>, vector<1x16xf32>,
      %get3A_417 = vector.shape_cast %get3A_416 : vector<1x16xf32> to vector<16xf32>
      %add3A_418 = arith.addf %get3A_413, %get3A_417 : vector<16xf32>
      %swap3A_419 = arith.index_cast %scan3A_116 : i32 to index
      %swap3A_420 = arith.constant 336 : index
      %swap3A_421 = tpu.vector_load %arg10[%swap3A_419, %swap3A_420] {strides = array<i32>} : memref<16x1024xf32, #tpu.memory_space<vmem>>, vector<1x16xf32>,
      %swap3A_422 = vector.shape_cast %swap3A_421 : vector<1x16xf32> to vector<16xf32>
      %swap3A_423 = vector.shape_cast %add3A_418 : vector<16xf32> to vector<1x16xf32>
      tpu.vector_store %arg10[%swap3A_419, %swap3A_420], %swap3A_423 {strides = array<i32>} : memref<16x1024xf32, #tpu.memory_space<vmem>>, vector<1x16xf32>,
      %get3A_424 = arith.index_cast %scan3A_116 : i32 to index
      %get3A_425 = arith.constant 352 : index
      %get3A_426 = tpu.vector_load %arg10[%get3A_424, %get3A_425] {strides = array<i32>} : memref<16x1024xf32, #tpu.memory_space<vmem>>, vector<1x16xf32>,
      %get3A_427 = vector.shape_cast %get3A_426 : vector<1x16xf32> to vector<16xf32>
      %get3A_428 = arith.index_cast %scan3A_116 : i32 to index
      %get3A_429 = arith.constant 352 : index
      %get3A_430 = tpu.vector_load %arg11[%get3A_428, %get3A_429] {strides = array<i32>} : memref<16x1024xf32, #tpu.memory_space<vmem>>, vector<1x16xf32>,
      %get3A_431 = vector.shape_cast %get3A_430 : vector<1x16xf32> to vector<16xf32>
      %add3A_432 = arith.addf %get3A_427, %get3A_431 : vector<16xf32>
      %swap3A_433 = arith.index_cast %scan3A_116 : i32 to index
      %swap3A_434 = arith.constant 352 : index
      %swap3A_435 = tpu.vector_load %arg10[%swap3A_433, %swap3A_434] {strides = array<i32>} : memref<16x1024xf32, #tpu.memory_space<vmem>>, vector<1x16xf32>,
      %swap3A_436 = vector.shape_cast %swap3A_435 : vector<1x16xf32> to vector<16xf32>
      %swap3A_437 = vector.shape_cast %add3A_432 : vector<16xf32> to vector<1x16xf32>
      tpu.vector_store %arg10[%swap3A_433, %swap3A_434], %swap3A_437 {strides = array<i32>} : memref<16x1024xf32, #tpu.memory_space<vmem>>, vector<1x16xf32>,
      %get3A_438 = arith.index_cast %scan3A_116 : i32 to index
      %get3A_439 = arith.constant 368 : index
      %get3A_440 = tpu.vector_load %arg10[%get3A_438, %get3A_439] {strides = array<i32>} : memref<16x1024xf32, #tpu.memory_space<vmem>>, vector<1x16xf32>,
      %get3A_441 = vector.shape_cast %get3A_440 : vector<1x16xf32> to vector<16xf32>
      %get3A_442 = arith.index_cast %scan3A_116 : i32 to index
      %get3A_443 = arith.constant 368 : index
      %get3A_444 = tpu.vector_load %arg11[%get3A_442, %get3A_443] {strides = array<i32>} : memref<16x1024xf32, #tpu.memory_space<vmem>>, vector<1x16xf32>,
      %get3A_445 = vector.shape_cast %get3A_444 : vector<1x16xf32> to vector<16xf32>
      %add3A_446 = arith.addf %get3A_441, %get3A_445 : vector<16xf32>
      %swap3A_447 = arith.index_cast %scan3A_116 : i32 to index
      %swap3A_448 = arith.constant 368 : index
      %swap3A_449 = tpu.vector_load %arg10[%swap3A_447, %swap3A_448] {strides = array<i32>} : memref<16x1024xf32, #tpu.memory_space<vmem>>, vector<1x16xf32>,
      %swap3A_450 = vector.shape_cast %swap3A_449 : vector<1x16xf32> to vector<16xf32>
      %swap3A_451 = vector.shape_cast %add3A_446 : vector<16xf32> to vector<1x16xf32>
      tpu.vector_store %arg10[%swap3A_447, %swap3A_448], %swap3A_451 {strides = array<i32>} : memref<16x1024xf32, #tpu.memory_space<vmem>>, vector<1x16xf32>,
      %get3A_452 = arith.index_cast %scan3A_116 : i32 to index
      %get3A_453 = arith.constant 384 : index
      %get3A_454 = tpu.vector_load %arg10[%get3A_452, %get3A_453] {strides = array<i32>} : memref<16x1024xf32, #tpu.memory_space<vmem>>, vector<1x16xf32>,
      %get3A_455 = vector.shape_cast %get3A_454 : vector<1x16xf32> to vector<16xf32>
      %get3A_456 = arith.index_cast %scan3A_116 : i32 to index
      %get3A_457 = arith.constant 384 : index
      %get3A_458 = tpu.vector_load %arg11[%get3A_456, %get3A_457] {strides = array<i32>} : memref<16x1024xf32, #tpu.memory_space<vmem>>, vector<1x16xf32>,
      %get3A_459 = vector.shape_cast %get3A_458 : vector<1x16xf32> to vector<16xf32>
      %add3A_460 = arith.addf %get3A_455, %get3A_459 : vector<16xf32>
      %swap3A_461 = arith.index_cast %scan3A_116 : i32 to index
      %swap3A_462 = arith.constant 384 : index
      %swap3A_463 = tpu.vector_load %arg10[%swap3A_461, %swap3A_462] {strides = array<i32>} : memref<16x1024xf32, #tpu.memory_space<vmem>>, vector<1x16xf32>,
      %swap3A_464 = vector.shape_cast %swap3A_463 : vector<1x16xf32> to vector<16xf32>
      %swap3A_465 = vector.shape_cast %add3A_460 : vector<16xf32> to vector<1x16xf32>
      tpu.vector_store %arg10[%swap3A_461, %swap3A_462], %swap3A_465 {strides = array<i32>} : memref<16x1024xf32, #tpu.memory_space<vmem>>, vector<1x16xf32>,
      %get3A_466 = arith.index_cast %scan3A_116 : i32 to index
      %get3A_467 = arith.constant 400 : index
      %get3A_468 = tpu.vector_load %arg10[%get3A_466, %get3A_467] {strides = array<i32>} : memref<16x1024xf32, #tpu.memory_space<vmem>>, vector<1x16xf32>,
      %get3A_469 = vector.shape_cast %get3A_468 : vector<1x16xf32> to vector<16xf32>
      %get3A_470 = arith.index_cast %scan3A_116 : i32 to index
      %get3A_471 = arith.constant 400 : index
      %get3A_472 = tpu.vector_load %arg11[%get3A_470, %get3A_471] {strides = array<i32>} : memref<16x1024xf32, #tpu.memory_space<vmem>>, vector<1x16xf32>,
      %get3A_473 = vector.shape_cast %get3A_472 : vector<1x16xf32> to vector<16xf32>
      %add3A_474 = arith.addf %get3A_469, %get3A_473 : vector<16xf32>
      %swap3A_475 = arith.index_cast %scan3A_116 : i32 to index
      %swap3A_476 = arith.constant 400 : index
      %swap3A_477 = tpu.vector_load %arg10[%swap3A_475, %swap3A_476] {strides = array<i32>} : memref<16x1024xf32, #tpu.memory_space<vmem>>, vector<1x16xf32>,
      %swap3A_478 = vector.shape_cast %swap3A_477 : vector<1x16xf32> to vector<16xf32>
      %swap3A_479 = vector.shape_cast %add3A_474 : vector<16xf32> to vector<1x16xf32>
      tpu.vector_store %arg10[%swap3A_475, %swap3A_476], %swap3A_479 {strides = array<i32>} : memref<16x1024xf32, #tpu.memory_space<vmem>>, vector<1x16xf32>,
      %get3A_480 = arith.index_cast %scan3A_116 : i32 to index
      %get3A_481 = arith.constant 416 : index
      %get3A_482 = tpu.vector_load %arg10[%get3A_480, %get3A_481] {strides = array<i32>} : memref<16x1024xf32, #tpu.memory_space<vmem>>, vector<1x16xf32>,
      %get3A_483 = vector.shape_cast %get3A_482 : vector<1x16xf32> to vector<16xf32>
      %get3A_484 = arith.index_cast %scan3A_116 : i32 to index
      %get3A_485 = arith.constant 416 : index
      %get3A_486 = tpu.vector_load %arg11[%get3A_484, %get3A_485] {strides = array<i32>} : memref<16x1024xf32, #tpu.memory_space<vmem>>, vector<1x16xf32>,
      %get3A_487 = vector.shape_cast %get3A_486 : vector<1x16xf32> to vector<16xf32>
      %add3A_488 = arith.addf %get3A_483, %get3A_487 : vector<16xf32>
      %swap3A_489 = arith.index_cast %scan3A_116 : i32 to index
      %swap3A_490 = arith.constant 416 : index
      %swap3A_491 = tpu.vector_load %arg10[%swap3A_489, %swap3A_490] {strides = array<i32>} : memref<16x1024xf32, #tpu.memory_space<vmem>>, vector<1x16xf32>,
      %swap3A_492 = vector.shape_cast %swap3A_491 : vector<1x16xf32> to vector<16xf32>
      %swap3A_493 = vector.shape_cast %add3A_488 : vector<16xf32> to vector<1x16xf32>
      tpu.vector_store %arg10[%swap3A_489, %swap3A_490], %swap3A_493 {strides = array<i32>} : memref<16x1024xf32, #tpu.memory_space<vmem>>, vector<1x16xf32>,
      %get3A_494 = arith.index_cast %scan3A_116 : i32 to index
      %get3A_495 = arith.constant 432 : index
      %get3A_496 = tpu.vector_load %arg10[%get3A_494, %get3A_495] {strides = array<i32>} : memref<16x1024xf32, #tpu.memory_space<vmem>>, vector<1x16xf32>,
      %get3A_497 = vector.shape_cast %get3A_496 : vector<1x16xf32> to vector<16xf32>
      %get3A_498 = arith.index_cast %scan3A_116 : i32 to index
      %get3A_499 = arith.constant 432 : index
      %get3A_500 = tpu.vector_load %arg11[%get3A_498, %get3A_499] {strides = array<i32>} : memref<16x1024xf32, #tpu.memory_space<vmem>>, vector<1x16xf32>,
      %get3A_501 = vector.shape_cast %get3A_500 : vector<1x16xf32> to vector<16xf32>
      %add3A_502 = arith.addf %get3A_497, %get3A_501 : vector<16xf32>
      %swap3A_503 = arith.index_cast %scan3A_116 : i32 to index
      %swap3A_504 = arith.constant 432 : index
      %swap3A_505 = tpu.vector_load %arg10[%swap3A_503, %swap3A_504] {strides = array<i32>} : memref<16x1024xf32, #tpu.memory_space<vmem>>, vector<1x16xf32>,
      %swap3A_506 = vector.shape_cast %swap3A_505 : vector<1x16xf32> to vector<16xf32>
      %swap3A_507 = vector.shape_cast %add3A_502 : vector<16xf32> to vector<1x16xf32>
      tpu.vector_store %arg10[%swap3A_503, %swap3A_504], %swap3A_507 {strides = array<i32>} : memref<16x1024xf32, #tpu.memory_space<vmem>>, vector<1x16xf32>,
      %get3A_508 = arith.index_cast %scan3A_116 : i32 to index
      %get3A_509 = arith.constant 448 : index
      %get3A_510 = tpu.vector_load %arg10[%get3A_508, %get3A_509] {strides = array<i32>} : memref<16x1024xf32, #tpu.memory_space<vmem>>, vector<1x16xf32>,
      %get3A_511 = vector.shape_cast %get3A_510 : vector<1x16xf32> to vector<16xf32>
      %get3A_512 = arith.index_cast %scan3A_116 : i32 to index
      %get3A_513 = arith.constant 448 : index
      %get3A_514 = tpu.vector_load %arg11[%get3A_512, %get3A_513] {strides = array<i32>} : memref<16x1024xf32, #tpu.memory_space<vmem>>, vector<1x16xf32>,
      %get3A_515 = vector.shape_cast %get3A_514 : vector<1x16xf32> to vector<16xf32>
      %add3A_516 = arith.addf %get3A_511, %get3A_515 : vector<16xf32>
      %swap3A_517 = arith.index_cast %scan3A_116 : i32 to index
      %swap3A_518 = arith.constant 448 : index
      %swap3A_519 = tpu.vector_load %arg10[%swap3A_517, %swap3A_518] {strides = array<i32>} : memref<16x1024xf32, #tpu.memory_space<vmem>>, vector<1x16xf32>,
      %swap3A_520 = vector.shape_cast %swap3A_519 : vector<1x16xf32> to vector<16xf32>
      %swap3A_521 = vector.shape_cast %add3A_516 : vector<16xf32> to vector<1x16xf32>
      tpu.vector_store %arg10[%swap3A_517, %swap3A_518], %swap3A_521 {strides = array<i32>} : memref<16x1024xf32, #tpu.memory_space<vmem>>, vector<1x16xf32>,
      %get3A_522 = arith.index_cast %scan3A_116 : i32 to index
      %get3A_523 = arith.constant 464 : index
      %get3A_524 = tpu.vector_load %arg10[%get3A_522, %get3A_523] {strides = array<i32>} : memref<16x1024xf32, #tpu.memory_space<vmem>>, vector<1x16xf32>,
      %get3A_525 = vector.shape_cast %get3A_524 : vector<1x16xf32> to vector<16xf32>
      %get3A_526 = arith.index_cast %scan3A_116 : i32 to index
      %get3A_527 = arith.constant 464 : index
      %get3A_528 = tpu.vector_load %arg11[%get3A_526, %get3A_527] {strides = array<i32>} : memref<16x1024xf32, #tpu.memory_space<vmem>>, vector<1x16xf32>,
      %get3A_529 = vector.shape_cast %get3A_528 : vector<1x16xf32> to vector<16xf32>
      %add3A_530 = arith.addf %get3A_525, %get3A_529 : vector<16xf32>
      %swap3A_531 = arith.index_cast %scan3A_116 : i32 to index
      %swap3A_532 = arith.constant 464 : index
      %swap3A_533 = tpu.vector_load %arg10[%swap3A_531, %swap3A_532] {strides = array<i32>} : memref<16x1024xf32, #tpu.memory_space<vmem>>, vector<1x16xf32>,
      %swap3A_534 = vector.shape_cast %swap3A_533 : vector<1x16xf32> to vector<16xf32>
      %swap3A_535 = vector.shape_cast %add3A_530 : vector<16xf32> to vector<1x16xf32>
      tpu.vector_store %arg10[%swap3A_531, %swap3A_532], %swap3A_535 {strides = array<i32>} : memref<16x1024xf32, #tpu.memory_space<vmem>>, vector<1x16xf32>,
      %get3A_536 = arith.index_cast %scan3A_116 : i32 to index
      %get3A_537 = arith.constant 480 : index
      %get3A_538 = tpu.vector_load %arg10[%get3A_536, %get3A_537] {strides = array<i32>} : memref<16x1024xf32, #tpu.memory_space<vmem>>, vector<1x16xf32>,
      %get3A_539 = vector.shape_cast %get3A_538 : vector<1x16xf32> to vector<16xf32>
      %get3A_540 = arith.index_cast %scan3A_116 : i32 to index
      %get3A_541 = arith.constant 480 : index
      %get3A_542 = tpu.vector_load %arg11[%get3A_540, %get3A_541] {strides = array<i32>} : memref<16x1024xf32, #tpu.memory_space<vmem>>, vector<1x16xf32>,
      %get3A_543 = vector.shape_cast %get3A_542 : vector<1x16xf32> to vector<16xf32>
      %add3A_544 = arith.addf %get3A_539, %get3A_543 : vector<16xf32>
      %swap3A_545 = arith.index_cast %scan3A_116 : i32 to index
      %swap3A_546 = arith.constant 480 : index
      %swap3A_547 = tpu.vector_load %arg10[%swap3A_545, %swap3A_546] {strides = array<i32>} : memref<16x1024xf32, #tpu.memory_space<vmem>>, vector<1x16xf32>,
      %swap3A_548 = vector.shape_cast %swap3A_547 : vector<1x16xf32> to vector<16xf32>
      %swap3A_549 = vector.shape_cast %add3A_544 : vector<16xf32> to vector<1x16xf32>
      tpu.vector_store %arg10[%swap3A_545, %swap3A_546], %swap3A_549 {strides = array<i32>} : memref<16x1024xf32, #tpu.memory_space<vmem>>, vector<1x16xf32>,
      %get3A_550 = arith.index_cast %scan3A_116 : i32 to index
      %get3A_551 = arith.constant 496 : index
      %get3A_552 = tpu.vector_load %arg10[%get3A_550, %get3A_551] {strides = array<i32>} : memref<16x1024xf32, #tpu.memory_space<vmem>>, vector<1x16xf32>,
      %get3A_553 = vector.shape_cast %get3A_552 : vector<1x16xf32> to vector<16xf32>
      %get3A_554 = arith.index_cast %scan3A_116 : i32 to index
      %get3A_555 = arith.constant 496 : index
      %get3A_556 = tpu.vector_load %arg11[%get3A_554, %get3A_555] {strides = array<i32>} : memref<16x1024xf32, #tpu.memory_space<vmem>>, vector<1x16xf32>,
      %get3A_557 = vector.shape_cast %get3A_556 : vector<1x16xf32> to vector<16xf32>
      %add3A_558 = arith.addf %get3A_553, %get3A_557 : vector<16xf32>
      %swap3A_559 = arith.index_cast %scan3A_116 : i32 to index
      %swap3A_560 = arith.constant 496 : index
      %swap3A_561 = tpu.vector_load %arg10[%swap3A_559, %swap3A_560] {strides = array<i32>} : memref<16x1024xf32, #tpu.memory_space<vmem>>, vector<1x16xf32>,
      %swap3A_562 = vector.shape_cast %swap3A_561 : vector<1x16xf32> to vector<16xf32>
      %swap3A_563 = vector.shape_cast %add3A_558 : vector<16xf32> to vector<1x16xf32>
      tpu.vector_store %arg10[%swap3A_559, %swap3A_560], %swap3A_563 {strides = array<i32>} : memref<16x1024xf32, #tpu.memory_space<vmem>>, vector<1x16xf32>,
      %get3A_564 = arith.index_cast %scan3A_116 : i32 to index
      %get3A_565 = arith.constant 512 : index
      %get3A_566 = tpu.vector_load %arg10[%get3A_564, %get3A_565] {strides = array<i32>} : memref<16x1024xf32, #tpu.memory_space<vmem>>, vector<1x16xf32>,
      %get3A_567 = vector.shape_cast %get3A_566 : vector<1x16xf32> to vector<16xf32>
      %get3A_568 = arith.index_cast %scan3A_116 : i32 to index
      %get3A_569 = arith.constant 512 : index
      %get3A_570 = tpu.vector_load %arg11[%get3A_568, %get3A_569] {strides = array<i32>} : memref<16x1024xf32, #tpu.memory_space<vmem>>, vector<1x16xf32>,
      %get3A_571 = vector.shape_cast %get3A_570 : vector<1x16xf32> to vector<16xf32>
      %add3A_572 = arith.addf %get3A_567, %get3A_571 : vector<16xf32>
      %swap3A_573 = arith.index_cast %scan3A_116 : i32 to index
      %swap3A_574 = arith.constant 512 : index
      %swap3A_575 = tpu.vector_load %arg10[%swap3A_573, %swap3A_574] {strides = array<i32>} : memref<16x1024xf32, #tpu.memory_space<vmem>>, vector<1x16xf32>,
      %swap3A_576 = vector.shape_cast %swap3A_575 : vector<1x16xf32> to vector<16xf32>
      %swap3A_577 = vector.shape_cast %add3A_572 : vector<16xf32> to vector<1x16xf32>
      tpu.vector_store %arg10[%swap3A_573, %swap3A_574], %swap3A_577 {strides = array<i32>} : memref<16x1024xf32, #tpu.memory_space<vmem>>, vector<1x16xf32>,
      %get3A_578 = arith.index_cast %scan3A_116 : i32 to index
      %get3A_579 = arith.constant 528 : index
      %get3A_580 = tpu.vector_load %arg10[%get3A_578, %get3A_579] {strides = array<i32>} : memref<16x1024xf32, #tpu.memory_space<vmem>>, vector<1x16xf32>,
      %get3A_581 = vector.shape_cast %get3A_580 : vector<1x16xf32> to vector<16xf32>
      %get3A_582 = arith.index_cast %scan3A_116 : i32 to index
      %get3A_583 = arith.constant 528 : index
      %get3A_584 = tpu.vector_load %arg11[%get3A_582, %get3A_583] {strides = array<i32>} : memref<16x1024xf32, #tpu.memory_space<vmem>>, vector<1x16xf32>,
      %get3A_585 = vector.shape_cast %get3A_584 : vector<1x16xf32> to vector<16xf32>
      %add3A_586 = arith.addf %get3A_581, %get3A_585 : vector<16xf32>
      %swap3A_587 = arith.index_cast %scan3A_116 : i32 to index
      %swap3A_588 = arith.constant 528 : index
      %swap3A_589 = tpu.vector_load %arg10[%swap3A_587, %swap3A_588] {strides = array<i32>} : memref<16x1024xf32, #tpu.memory_space<vmem>>, vector<1x16xf32>,
      %swap3A_590 = vector.shape_cast %swap3A_589 : vector<1x16xf32> to vector<16xf32>
      %swap3A_591 = vector.shape_cast %add3A_586 : vector<16xf32> to vector<1x16xf32>
      tpu.vector_store %arg10[%swap3A_587, %swap3A_588], %swap3A_591 {strides = array<i32>} : memref<16x1024xf32, #tpu.memory_space<vmem>>, vector<1x16xf32>,
      %get3A_592 = arith.index_cast %scan3A_116 : i32 to index
      %get3A_593 = arith.constant 544 : index
      %get3A_594 = tpu.vector_load %arg10[%get3A_592, %get3A_593] {strides = array<i32>} : memref<16x1024xf32, #tpu.memory_space<vmem>>, vector<1x16xf32>,
      %get3A_595 = vector.shape_cast %get3A_594 : vector<1x16xf32> to vector<16xf32>
      %get3A_596 = arith.index_cast %scan3A_116 : i32 to index
      %get3A_597 = arith.constant 544 : index
      %get3A_598 = tpu.vector_load %arg11[%get3A_596, %get3A_597] {strides = array<i32>} : memref<16x1024xf32, #tpu.memory_space<vmem>>, vector<1x16xf32>,
      %get3A_599 = vector.shape_cast %get3A_598 : vector<1x16xf32> to vector<16xf32>
      %add3A_600 = arith.addf %get3A_595, %get3A_599 : vector<16xf32>
      %swap3A_601 = arith.index_cast %scan3A_116 : i32 to index
      %swap3A_602 = arith.constant 544 : index
      %swap3A_603 = tpu.vector_load %arg10[%swap3A_601, %swap3A_602] {strides = array<i32>} : memref<16x1024xf32, #tpu.memory_space<vmem>>, vector<1x16xf32>,
      %swap3A_604 = vector.shape_cast %swap3A_603 : vector<1x16xf32> to vector<16xf32>
      %swap3A_605 = vector.shape_cast %add3A_600 : vector<16xf32> to vector<1x16xf32>
      tpu.vector_store %arg10[%swap3A_601, %swap3A_602], %swap3A_605 {strides = array<i32>} : memref<16x1024xf32, #tpu.memory_space<vmem>>, vector<1x16xf32>,
      %get3A_606 = arith.index_cast %scan3A_116 : i32 to index
      %get3A_607 = arith.constant 560 : index
      %get3A_608 = tpu.vector_load %arg10[%get3A_606, %get3A_607] {strides = array<i32>} : memref<16x1024xf32, #tpu.memory_space<vmem>>, vector<1x16xf32>,
      %get3A_609 = vector.shape_cast %get3A_608 : vector<1x16xf32> to vector<16xf32>
      %get3A_610 = arith.index_cast %scan3A_116 : i32 to index
      %get3A_611 = arith.constant 560 : index
      %get3A_612 = tpu.vector_load %arg11[%get3A_610, %get3A_611] {strides = array<i32>} : memref<16x1024xf32, #tpu.memory_space<vmem>>, vector<1x16xf32>,
      %get3A_613 = vector.shape_cast %get3A_612 : vector<1x16xf32> to vector<16xf32>
      %add3A_614 = arith.addf %get3A_609, %get3A_613 : vector<16xf32>
      %swap3A_615 = arith.index_cast %scan3A_116 : i32 to index
      %swap3A_616 = arith.constant 560 : index
      %swap3A_617 = tpu.vector_load %arg10[%swap3A_615, %swap3A_616] {strides = array<i32>} : memref<16x1024xf32, #tpu.memory_space<vmem>>, vector<1x16xf32>,
      %swap3A_618 = vector.shape_cast %swap3A_617 : vector<1x16xf32> to vector<16xf32>
      %swap3A_619 = vector.shape_cast %add3A_614 : vector<16xf32> to vector<1x16xf32>
      tpu.vector_store %arg10[%swap3A_615, %swap3A_616], %swap3A_619 {strides = array<i32>} : memref<16x1024xf32, #tpu.memory_space<vmem>>, vector<1x16xf32>,
      %get3A_620 = arith.index_cast %scan3A_116 : i32 to index
      %get3A_621 = arith.constant 576 : index
      %get3A_622 = tpu.vector_load %arg10[%get3A_620, %get3A_621] {strides = array<i32>} : memref<16x1024xf32, #tpu.memory_space<vmem>>, vector<1x16xf32>,
      %get3A_623 = vector.shape_cast %get3A_622 : vector<1x16xf32> to vector<16xf32>
      %get3A_624 = arith.index_cast %scan3A_116 : i32 to index
      %get3A_625 = arith.constant 576 : index
      %get3A_626 = tpu.vector_load %arg11[%get3A_624, %get3A_625] {strides = array<i32>} : memref<16x1024xf32, #tpu.memory_space<vmem>>, vector<1x16xf32>,
      %get3A_627 = vector.shape_cast %get3A_626 : vector<1x16xf32> to vector<16xf32>
      %add3A_628 = arith.addf %get3A_623, %get3A_627 : vector<16xf32>
      %swap3A_629 = arith.index_cast %scan3A_116 : i32 to index
      %swap3A_630 = arith.constant 576 : index
      %swap3A_631 = tpu.vector_load %arg10[%swap3A_629, %swap3A_630] {strides = array<i32>} : memref<16x1024xf32, #tpu.memory_space<vmem>>, vector<1x16xf32>,
      %swap3A_632 = vector.shape_cast %swap3A_631 : vector<1x16xf32> to vector<16xf32>
      %swap3A_633 = vector.shape_cast %add3A_628 : vector<16xf32> to vector<1x16xf32>
      tpu.vector_store %arg10[%swap3A_629, %swap3A_630], %swap3A_633 {strides = array<i32>} : memref<16x1024xf32, #tpu.memory_space<vmem>>, vector<1x16xf32>,
      %get3A_634 = arith.index_cast %scan3A_116 : i32 to index
      %get3A_635 = arith.constant 592 : index
      %get3A_636 = tpu.vector_load %arg10[%get3A_634, %get3A_635] {strides = array<i32>} : memref<16x1024xf32, #tpu.memory_space<vmem>>, vector<1x16xf32>,
      %get3A_637 = vector.shape_cast %get3A_636 : vector<1x16xf32> to vector<16xf32>
      %get3A_638 = arith.index_cast %scan3A_116 : i32 to index
      %get3A_639 = arith.constant 592 : index
      %get3A_640 = tpu.vector_load %arg11[%get3A_638, %get3A_639] {strides = array<i32>} : memref<16x1024xf32, #tpu.memory_space<vmem>>, vector<1x16xf32>,
      %get3A_641 = vector.shape_cast %get3A_640 : vector<1x16xf32> to vector<16xf32>
      %add3A_642 = arith.addf %get3A_637, %get3A_641 : vector<16xf32>
      %swap3A_643 = arith.index_cast %scan3A_116 : i32 to index
      %swap3A_644 = arith.constant 592 : index
      %swap3A_645 = tpu.vector_load %arg10[%swap3A_643, %swap3A_644] {strides = array<i32>} : memref<16x1024xf32, #tpu.memory_space<vmem>>, vector<1x16xf32>,
      %swap3A_646 = vector.shape_cast %swap3A_645 : vector<1x16xf32> to vector<16xf32>
      %swap3A_647 = vector.shape_cast %add3A_642 : vector<16xf32> to vector<1x16xf32>
      tpu.vector_store %arg10[%swap3A_643, %swap3A_644], %swap3A_647 {strides = array<i32>} : memref<16x1024xf32, #tpu.memory_space<vmem>>, vector<1x16xf32>,
      %get3A_648 = arith.index_cast %scan3A_116 : i32 to index
      %get3A_649 = arith.constant 608 : index
      %get3A_650 = tpu.vector_load %arg10[%get3A_648, %get3A_649] {strides = array<i32>} : memref<16x1024xf32, #tpu.memory_space<vmem>>, vector<1x16xf32>,
      %get3A_651 = vector.shape_cast %get3A_650 : vector<1x16xf32> to vector<16xf32>
      %get3A_652 = arith.index_cast %scan3A_116 : i32 to index
      %get3A_653 = arith.constant 608 : index
      %get3A_654 = tpu.vector_load %arg11[%get3A_652, %get3A_653] {strides = array<i32>} : memref<16x1024xf32, #tpu.memory_space<vmem>>, vector<1x16xf32>,
      %get3A_655 = vector.shape_cast %get3A_654 : vector<1x16xf32> to vector<16xf32>
      %add3A_656 = arith.addf %get3A_651, %get3A_655 : vector<16xf32>
      %swap3A_657 = arith.index_cast %scan3A_116 : i32 to index
      %swap3A_658 = arith.constant 608 : index
      %swap3A_659 = tpu.vector_load %arg10[%swap3A_657, %swap3A_658] {strides = array<i32>} : memref<16x1024xf32, #tpu.memory_space<vmem>>, vector<1x16xf32>,
      %swap3A_660 = vector.shape_cast %swap3A_659 : vector<1x16xf32> to vector<16xf32>
      %swap3A_661 = vector.shape_cast %add3A_656 : vector<16xf32> to vector<1x16xf32>
      tpu.vector_store %arg10[%swap3A_657, %swap3A_658], %swap3A_661 {strides = array<i32>} : memref<16x1024xf32, #tpu.memory_space<vmem>>, vector<1x16xf32>,
      %get3A_662 = arith.index_cast %scan3A_116 : i32 to index
      %get3A_663 = arith.constant 624 : index
      %get3A_664 = tpu.vector_load %arg10[%get3A_662, %get3A_663] {strides = array<i32>} : memref<16x1024xf32, #tpu.memory_space<vmem>>, vector<1x16xf32>,
      %get3A_665 = vector.shape_cast %get3A_664 : vector<1x16xf32> to vector<16xf32>
      %get3A_666 = arith.index_cast %scan3A_116 : i32 to index
      %get3A_667 = arith.constant 624 : index
      %get3A_668 = tpu.vector_load %arg11[%get3A_666, %get3A_667] {strides = array<i32>} : memref<16x1024xf32, #tpu.memory_space<vmem>>, vector<1x16xf32>,
      %get3A_669 = vector.shape_cast %get3A_668 : vector<1x16xf32> to vector<16xf32>
      %add3A_670 = arith.addf %get3A_665, %get3A_669 : vector<16xf32>
      %swap3A_671 = arith.index_cast %scan3A_116 : i32 to index
      %swap3A_672 = arith.constant 624 : index
      %swap3A_673 = tpu.vector_load %arg10[%swap3A_671, %swap3A_672] {strides = array<i32>} : memref<16x1024xf32, #tpu.memory_space<vmem>>, vector<1x16xf32>,
      %swap3A_674 = vector.shape_cast %swap3A_673 : vector<1x16xf32> to vector<16xf32>
      %swap3A_675 = vector.shape_cast %add3A_670 : vector<16xf32> to vector<1x16xf32>
      tpu.vector_store %arg10[%swap3A_671, %swap3A_672], %swap3A_675 {strides = array<i32>} : memref<16x1024xf32, #tpu.memory_space<vmem>>, vector<1x16xf32>,
      %get3A_676 = arith.index_cast %scan3A_116 : i32 to index
      %get3A_677 = arith.constant 640 : index
      %get3A_678 = tpu.vector_load %arg10[%get3A_676, %get3A_677] {strides = array<i32>} : memref<16x1024xf32, #tpu.memory_space<vmem>>, vector<1x16xf32>,
      %get3A_679 = vector.shape_cast %get3A_678 : vector<1x16xf32> to vector<16xf32>
      %get3A_680 = arith.index_cast %scan3A_116 : i32 to index
      %get3A_681 = arith.constant 640 : index
      %get3A_682 = tpu.vector_load %arg11[%get3A_680, %get3A_681] {strides = array<i32>} : memref<16x1024xf32, #tpu.memory_space<vmem>>, vector<1x16xf32>,
      %get3A_683 = vector.shape_cast %get3A_682 : vector<1x16xf32> to vector<16xf32>
      %add3A_684 = arith.addf %get3A_679, %get3A_683 : vector<16xf32>
      %swap3A_685 = arith.index_cast %scan3A_116 : i32 to index
      %swap3A_686 = arith.constant 640 : index
      %swap3A_687 = tpu.vector_load %arg10[%swap3A_685, %swap3A_686] {strides = array<i32>} : memref<16x1024xf32, #tpu.memory_space<vmem>>, vector<1x16xf32>,
      %swap3A_688 = vector.shape_cast %swap3A_687 : vector<1x16xf32> to vector<16xf32>
      %swap3A_689 = vector.shape_cast %add3A_684 : vector<16xf32> to vector<1x16xf32>
      tpu.vector_store %arg10[%swap3A_685, %swap3A_686], %swap3A_689 {strides = array<i32>} : memref<16x1024xf32, #tpu.memory_space<vmem>>, vector<1x16xf32>,
      %get3A_690 = arith.index_cast %scan3A_116 : i32 to index
      %get3A_691 = arith.constant 656 : index
      %get3A_692 = tpu.vector_load %arg10[%get3A_690, %get3A_691] {strides = array<i32>} : memref<16x1024xf32, #tpu.memory_space<vmem>>, vector<1x16xf32>,
      %get3A_693 = vector.shape_cast %get3A_692 : vector<1x16xf32> to vector<16xf32>
      %get3A_694 = arith.index_cast %scan3A_116 : i32 to index
      %get3A_695 = arith.constant 656 : index
      %get3A_696 = tpu.vector_load %arg11[%get3A_694, %get3A_695] {strides = array<i32>} : memref<16x1024xf32, #tpu.memory_space<vmem>>, vector<1x16xf32>,
      %get3A_697 = vector.shape_cast %get3A_696 : vector<1x16xf32> to vector<16xf32>
      %add3A_698 = arith.addf %get3A_693, %get3A_697 : vector<16xf32>
      %swap3A_699 = arith.index_cast %scan3A_116 : i32 to index
      %swap3A_700 = arith.constant 656 : index
      %swap3A_701 = tpu.vector_load %arg10[%swap3A_699, %swap3A_700] {strides = array<i32>} : memref<16x1024xf32, #tpu.memory_space<vmem>>, vector<1x16xf32>,
      %swap3A_702 = vector.shape_cast %swap3A_701 : vector<1x16xf32> to vector<16xf32>
      %swap3A_703 = vector.shape_cast %add3A_698 : vector<16xf32> to vector<1x16xf32>
      tpu.vector_store %arg10[%swap3A_699, %swap3A_700], %swap3A_703 {strides = array<i32>} : memref<16x1024xf32, #tpu.memory_space<vmem>>, vector<1x16xf32>,
      %get3A_704 = arith.index_cast %scan3A_116 : i32 to index
      %get3A_705 = arith.constant 672 : index
      %get3A_706 = tpu.vector_load %arg10[%get3A_704, %get3A_705] {strides = array<i32>} : memref<16x1024xf32, #tpu.memory_space<vmem>>, vector<1x16xf32>,
      %get3A_707 = vector.shape_cast %get3A_706 : vector<1x16xf32> to vector<16xf32>
      %get3A_708 = arith.index_cast %scan3A_116 : i32 to index
      %get3A_709 = arith.constant 672 : index
      %get3A_710 = tpu.vector_load %arg11[%get3A_708, %get3A_709] {strides = array<i32>} : memref<16x1024xf32, #tpu.memory_space<vmem>>, vector<1x16xf32>,
      %get3A_711 = vector.shape_cast %get3A_710 : vector<1x16xf32> to vector<16xf32>
      %add3A_712 = arith.addf %get3A_707, %get3A_711 : vector<16xf32>
      %swap3A_713 = arith.index_cast %scan3A_116 : i32 to index
      %swap3A_714 = arith.constant 672 : index
      %swap3A_715 = tpu.vector_load %arg10[%swap3A_713, %swap3A_714] {strides = array<i32>} : memref<16x1024xf32, #tpu.memory_space<vmem>>, vector<1x16xf32>,
      %swap3A_716 = vector.shape_cast %swap3A_715 : vector<1x16xf32> to vector<16xf32>
      %swap3A_717 = vector.shape_cast %add3A_712 : vector<16xf32> to vector<1x16xf32>
      tpu.vector_store %arg10[%swap3A_713, %swap3A_714], %swap3A_717 {strides = array<i32>} : memref<16x1024xf32, #tpu.memory_space<vmem>>, vector<1x16xf32>,
      %get3A_718 = arith.index_cast %scan3A_116 : i32 to index
      %get3A_719 = arith.constant 688 : index
      %get3A_720 = tpu.vector_load %arg10[%get3A_718, %get3A_719] {strides = array<i32>} : memref<16x1024xf32, #tpu.memory_space<vmem>>, vector<1x16xf32>,
      %get3A_721 = vector.shape_cast %get3A_720 : vector<1x16xf32> to vector<16xf32>
      %get3A_722 = arith.index_cast %scan3A_116 : i32 to index
      %get3A_723 = arith.constant 688 : index
      %get3A_724 = tpu.vector_load %arg11[%get3A_722, %get3A_723] {strides = array<i32>} : memref<16x1024xf32, #tpu.memory_space<vmem>>, vector<1x16xf32>,
      %get3A_725 = vector.shape_cast %get3A_724 : vector<1x16xf32> to vector<16xf32>
      %add3A_726 = arith.addf %get3A_721, %get3A_725 : vector<16xf32>
      %swap3A_727 = arith.index_cast %scan3A_116 : i32 to index
      %swap3A_728 = arith.constant 688 : index
      %swap3A_729 = tpu.vector_load %arg10[%swap3A_727, %swap3A_728] {strides = array<i32>} : memref<16x1024xf32, #tpu.memory_space<vmem>>, vector<1x16xf32>,
      %swap3A_730 = vector.shape_cast %swap3A_729 : vector<1x16xf32> to vector<16xf32>
      %swap3A_731 = vector.shape_cast %add3A_726 : vector<16xf32> to vector<1x16xf32>
      tpu.vector_store %arg10[%swap3A_727, %swap3A_728], %swap3A_731 {strides = array<i32>} : memref<16x1024xf32, #tpu.memory_space<vmem>>, vector<1x16xf32>,
      %get3A_732 = arith.index_cast %scan3A_116 : i32 to index
      %get3A_733 = arith.constant 704 : index
      %get3A_734 = tpu.vector_load %arg10[%get3A_732, %get3A_733] {strides = array<i32>} : memref<16x1024xf32, #tpu.memory_space<vmem>>, vector<1x16xf32>,
      %get3A_735 = vector.shape_cast %get3A_734 : vector<1x16xf32> to vector<16xf32>
      %get3A_736 = arith.index_cast %scan3A_116 : i32 to index
      %get3A_737 = arith.constant 704 : index
      %get3A_738 = tpu.vector_load %arg11[%get3A_736, %get3A_737] {strides = array<i32>} : memref<16x1024xf32, #tpu.memory_space<vmem>>, vector<1x16xf32>,
      %get3A_739 = vector.shape_cast %get3A_738 : vector<1x16xf32> to vector<16xf32>
      %add3A_740 = arith.addf %get3A_735, %get3A_739 : vector<16xf32>
      %swap3A_741 = arith.index_cast %scan3A_116 : i32 to index
      %swap3A_742 = arith.constant 704 : index
      %swap3A_743 = tpu.vector_load %arg10[%swap3A_741, %swap3A_742] {strides = array<i32>} : memref<16x1024xf32, #tpu.memory_space<vmem>>, vector<1x16xf32>,
      %swap3A_744 = vector.shape_cast %swap3A_743 : vector<1x16xf32> to vector<16xf32>
      %swap3A_745 = vector.shape_cast %add3A_740 : vector<16xf32> to vector<1x16xf32>
      tpu.vector_store %arg10[%swap3A_741, %swap3A_742], %swap3A_745 {strides = array<i32>} : memref<16x1024xf32, #tpu.memory_space<vmem>>, vector<1x16xf32>,
      %get3A_746 = arith.index_cast %scan3A_116 : i32 to index
      %get3A_747 = arith.constant 720 : index
      %get3A_748 = tpu.vector_load %arg10[%get3A_746, %get3A_747] {strides = array<i32>} : memref<16x1024xf32, #tpu.memory_space<vmem>>, vector<1x16xf32>,
      %get3A_749 = vector.shape_cast %get3A_748 : vector<1x16xf32> to vector<16xf32>
      %get3A_750 = arith.index_cast %scan3A_116 : i32 to index
      %get3A_751 = arith.constant 720 : index
      %get3A_752 = tpu.vector_load %arg11[%get3A_750, %get3A_751] {strides = array<i32>} : memref<16x1024xf32, #tpu.memory_space<vmem>>, vector<1x16xf32>,
      %get3A_753 = vector.shape_cast %get3A_752 : vector<1x16xf32> to vector<16xf32>
      %add3A_754 = arith.addf %get3A_749, %get3A_753 : vector<16xf32>
      %swap3A_755 = arith.index_cast %scan3A_116 : i32 to index
      %swap3A_756 = arith.constant 720 : index
      %swap3A_757 = tpu.vector_load %arg10[%swap3A_755, %swap3A_756] {strides = array<i32>} : memref<16x1024xf32, #tpu.memory_space<vmem>>, vector<1x16xf32>,
      %swap3A_758 = vector.shape_cast %swap3A_757 : vector<1x16xf32> to vector<16xf32>
      %swap3A_759 = vector.shape_cast %add3A_754 : vector<16xf32> to vector<1x16xf32>
      tpu.vector_store %arg10[%swap3A_755, %swap3A_756], %swap3A_759 {strides = array<i32>} : memref<16x1024xf32, #tpu.memory_space<vmem>>, vector<1x16xf32>,
      %get3A_760 = arith.index_cast %scan3A_116 : i32 to index
      %get3A_761 = arith.constant 736 : index
      %get3A_762 = tpu.vector_load %arg10[%get3A_760, %get3A_761] {strides = array<i32>} : memref<16x1024xf32, #tpu.memory_space<vmem>>, vector<1x16xf32>,
      %get3A_763 = vector.shape_cast %get3A_762 : vector<1x16xf32> to vector<16xf32>
      %get3A_764 = arith.index_cast %scan3A_116 : i32 to index
      %get3A_765 = arith.constant 736 : index
      %get3A_766 = tpu.vector_load %arg11[%get3A_764, %get3A_765] {strides = array<i32>} : memref<16x1024xf32, #tpu.memory_space<vmem>>, vector<1x16xf32>,
      %get3A_767 = vector.shape_cast %get3A_766 : vector<1x16xf32> to vector<16xf32>
      %add3A_768 = arith.addf %get3A_763, %get3A_767 : vector<16xf32>
      %swap3A_769 = arith.index_cast %scan3A_116 : i32 to index
      %swap3A_770 = arith.constant 736 : index
      %swap3A_771 = tpu.vector_load %arg10[%swap3A_769, %swap3A_770] {strides = array<i32>} : memref<16x1024xf32, #tpu.memory_space<vmem>>, vector<1x16xf32>,
      %swap3A_772 = vector.shape_cast %swap3A_771 : vector<1x16xf32> to vector<16xf32>
      %swap3A_773 = vector.shape_cast %add3A_768 : vector<16xf32> to vector<1x16xf32>
      tpu.vector_store %arg10[%swap3A_769, %swap3A_770], %swap3A_773 {strides = array<i32>} : memref<16x1024xf32, #tpu.memory_space<vmem>>, vector<1x16xf32>,
      %get3A_774 = arith.index_cast %scan3A_116 : i32 to index
      %get3A_775 = arith.constant 752 : index
      %get3A_776 = tpu.vector_load %arg10[%get3A_774, %get3A_775] {strides = array<i32>} : memref<16x1024xf32, #tpu.memory_space<vmem>>, vector<1x16xf32>,
      %get3A_777 = vector.shape_cast %get3A_776 : vector<1x16xf32> to vector<16xf32>
      %get3A_778 = arith.index_cast %scan3A_116 : i32 to index
      %get3A_779 = arith.constant 752 : index
      %get3A_780 = tpu.vector_load %arg11[%get3A_778, %get3A_779] {strides = array<i32>} : memref<16x1024xf32, #tpu.memory_space<vmem>>, vector<1x16xf32>,
      %get3A_781 = vector.shape_cast %get3A_780 : vector<1x16xf32> to vector<16xf32>
      %add3A_782 = arith.addf %get3A_777, %get3A_781 : vector<16xf32>
      %swap3A_783 = arith.index_cast %scan3A_116 : i32 to index
      %swap3A_784 = arith.constant 752 : index
      %swap3A_785 = tpu.vector_load %arg10[%swap3A_783, %swap3A_784] {strides = array<i32>} : memref<16x1024xf32, #tpu.memory_space<vmem>>, vector<1x16xf32>,
      %swap3A_786 = vector.shape_cast %swap3A_785 : vector<1x16xf32> to vector<16xf32>
      %swap3A_787 = vector.shape_cast %add3A_782 : vector<16xf32> to vector<1x16xf32>
      tpu.vector_store %arg10[%swap3A_783, %swap3A_784], %swap3A_787 {strides = array<i32>} : memref<16x1024xf32, #tpu.memory_space<vmem>>, vector<1x16xf32>,
      %get3A_788 = arith.index_cast %scan3A_116 : i32 to index
      %get3A_789 = arith.constant 768 : index
      %get3A_790 = tpu.vector_load %arg10[%get3A_788, %get3A_789] {strides = array<i32>} : memref<16x1024xf32, #tpu.memory_space<vmem>>, vector<1x16xf32>,
      %get3A_791 = vector.shape_cast %get3A_790 : vector<1x16xf32> to vector<16xf32>
      %get3A_792 = arith.index_cast %scan3A_116 : i32 to index
      %get3A_793 = arith.constant 768 : index
      %get3A_794 = tpu.vector_load %arg11[%get3A_792, %get3A_793] {strides = array<i32>} : memref<16x1024xf32, #tpu.memory_space<vmem>>, vector<1x16xf32>,
      %get3A_795 = vector.shape_cast %get3A_794 : vector<1x16xf32> to vector<16xf32>
      %add3A_796 = arith.addf %get3A_791, %get3A_795 : vector<16xf32>
      %swap3A_797 = arith.index_cast %scan3A_116 : i32 to index
      %swap3A_798 = arith.constant 768 : index
      %swap3A_799 = tpu.vector_load %arg10[%swap3A_797, %swap3A_798] {strides = array<i32>} : memref<16x1024xf32, #tpu.memory_space<vmem>>, vector<1x16xf32>,
      %swap3A_800 = vector.shape_cast %swap3A_799 : vector<1x16xf32> to vector<16xf32>
      %swap3A_801 = vector.shape_cast %add3A_796 : vector<16xf32> to vector<1x16xf32>
      tpu.vector_store %arg10[%swap3A_797, %swap3A_798], %swap3A_801 {strides = array<i32>} : memref<16x1024xf32, #tpu.memory_space<vmem>>, vector<1x16xf32>,
      %get3A_802 = arith.index_cast %scan3A_116 : i32 to index
      %get3A_803 = arith.constant 784 : index
      %get3A_804 = tpu.vector_load %arg10[%get3A_802, %get3A_803] {strides = array<i32>} : memref<16x1024xf32, #tpu.memory_space<vmem>>, vector<1x16xf32>,
      %get3A_805 = vector.shape_cast %get3A_804 : vector<1x16xf32> to vector<16xf32>
      %get3A_806 = arith.index_cast %scan3A_116 : i32 to index
      %get3A_807 = arith.constant 784 : index
      %get3A_808 = tpu.vector_load %arg11[%get3A_806, %get3A_807] {strides = array<i32>} : memref<16x1024xf32, #tpu.memory_space<vmem>>, vector<1x16xf32>,
      %get3A_809 = vector.shape_cast %get3A_808 : vector<1x16xf32> to vector<16xf32>
      %add3A_810 = arith.addf %get3A_805, %get3A_809 : vector<16xf32>
      %swap3A_811 = arith.index_cast %scan3A_116 : i32 to index
      %swap3A_812 = arith.constant 784 : index
      %swap3A_813 = tpu.vector_load %arg10[%swap3A_811, %swap3A_812] {strides = array<i32>} : memref<16x1024xf32, #tpu.memory_space<vmem>>, vector<1x16xf32>,
      %swap3A_814 = vector.shape_cast %swap3A_813 : vector<1x16xf32> to vector<16xf32>
      %swap3A_815 = vector.shape_cast %add3A_810 : vector<16xf32> to vector<1x16xf32>
      tpu.vector_store %arg10[%swap3A_811, %swap3A_812], %swap3A_815 {strides = array<i32>} : memref<16x1024xf32, #tpu.memory_space<vmem>>, vector<1x16xf32>,
      %get3A_816 = arith.index_cast %scan3A_116 : i32 to index
      %get3A_817 = arith.constant 800 : index
      %get3A_818 = tpu.vector_load %arg10[%get3A_816, %get3A_817] {strides = array<i32>} : memref<16x1024xf32, #tpu.memory_space<vmem>>, vector<1x16xf32>,
      %get3A_819 = vector.shape_cast %get3A_818 : vector<1x16xf32> to vector<16xf32>
      %get3A_820 = arith.index_cast %scan3A_116 : i32 to index
      %get3A_821 = arith.constant 800 : index
      %get3A_822 = tpu.vector_load %arg11[%get3A_820, %get3A_821] {strides = array<i32>} : memref<16x1024xf32, #tpu.memory_space<vmem>>, vector<1x16xf32>,
      %get3A_823 = vector.shape_cast %get3A_822 : vector<1x16xf32> to vector<16xf32>
      %add3A_824 = arith.addf %get3A_819, %get3A_823 : vector<16xf32>
      %swap3A_825 = arith.index_cast %scan3A_116 : i32 to index
      %swap3A_826 = arith.constant 800 : index
      %swap3A_827 = tpu.vector_load %arg10[%swap3A_825, %swap3A_826] {strides = array<i32>} : memref<16x1024xf32, #tpu.memory_space<vmem>>, vector<1x16xf32>,
      %swap3A_828 = vector.shape_cast %swap3A_827 : vector<1x16xf32> to vector<16xf32>
      %swap3A_829 = vector.shape_cast %add3A_824 : vector<16xf32> to vector<1x16xf32>
      tpu.vector_store %arg10[%swap3A_825, %swap3A_826], %swap3A_829 {strides = array<i32>} : memref<16x1024xf32, #tpu.memory_space<vmem>>, vector<1x16xf32>,
      %get3A_830 = arith.index_cast %scan3A_116 : i32 to index
      %get3A_831 = arith.constant 816 : index
      %get3A_832 = tpu.vector_load %arg10[%get3A_830, %get3A_831] {strides = array<i32>} : memref<16x1024xf32, #tpu.memory_space<vmem>>, vector<1x16xf32>,
      %get3A_833 = vector.shape_cast %get3A_832 : vector<1x16xf32> to vector<16xf32>
      %get3A_834 = arith.index_cast %scan3A_116 : i32 to index
      %get3A_835 = arith.constant 816 : index
      %get3A_836 = tpu.vector_load %arg11[%get3A_834, %get3A_835] {strides = array<i32>} : memref<16x1024xf32, #tpu.memory_space<vmem>>, vector<1x16xf32>,
      %get3A_837 = vector.shape_cast %get3A_836 : vector<1x16xf32> to vector<16xf32>
      %add3A_838 = arith.addf %get3A_833, %get3A_837 : vector<16xf32>
      %swap3A_839 = arith.index_cast %scan3A_116 : i32 to index
      %swap3A_840 = arith.constant 816 : index
      %swap3A_841 = tpu.vector_load %arg10[%swap3A_839, %swap3A_840] {strides = array<i32>} : memref<16x1024xf32, #tpu.memory_space<vmem>>, vector<1x16xf32>,
      %swap3A_842 = vector.shape_cast %swap3A_841 : vector<1x16xf32> to vector<16xf32>
      %swap3A_843 = vector.shape_cast %add3A_838 : vector<16xf32> to vector<1x16xf32>
      tpu.vector_store %arg10[%swap3A_839, %swap3A_840], %swap3A_843 {strides = array<i32>} : memref<16x1024xf32, #tpu.memory_space<vmem>>, vector<1x16xf32>,
      %get3A_844 = arith.index_cast %scan3A_116 : i32 to index
      %get3A_845 = arith.constant 832 : index
      %get3A_846 = tpu.vector_load %arg10[%get3A_844, %get3A_845] {strides = array<i32>} : memref<16x1024xf32, #tpu.memory_space<vmem>>, vector<1x16xf32>,
      %get3A_847 = vector.shape_cast %get3A_846 : vector<1x16xf32> to vector<16xf32>
      %get3A_848 = arith.index_cast %scan3A_116 : i32 to index
      %get3A_849 = arith.constant 832 : index
      %get3A_850 = tpu.vector_load %arg11[%get3A_848, %get3A_849] {strides = array<i32>} : memref<16x1024xf32, #tpu.memory_space<vmem>>, vector<1x16xf32>,
      %get3A_851 = vector.shape_cast %get3A_850 : vector<1x16xf32> to vector<16xf32>
      %add3A_852 = arith.addf %get3A_847, %get3A_851 : vector<16xf32>
      %swap3A_853 = arith.index_cast %scan3A_116 : i32 to index
      %swap3A_854 = arith.constant 832 : index
      %swap3A_855 = tpu.vector_load %arg10[%swap3A_853, %swap3A_854] {strides = array<i32>} : memref<16x1024xf32, #tpu.memory_space<vmem>>, vector<1x16xf32>,
      %swap3A_856 = vector.shape_cast %swap3A_855 : vector<1x16xf32> to vector<16xf32>
      %swap3A_857 = vector.shape_cast %add3A_852 : vector<16xf32> to vector<1x16xf32>
      tpu.vector_store %arg10[%swap3A_853, %swap3A_854], %swap3A_857 {strides = array<i32>} : memref<16x1024xf32, #tpu.memory_space<vmem>>, vector<1x16xf32>,
      %get3A_858 = arith.index_cast %scan3A_116 : i32 to index
      %get3A_859 = arith.constant 848 : index
      %get3A_860 = tpu.vector_load %arg10[%get3A_858, %get3A_859] {strides = array<i32>} : memref<16x1024xf32, #tpu.memory_space<vmem>>, vector<1x16xf32>,
      %get3A_861 = vector.shape_cast %get3A_860 : vector<1x16xf32> to vector<16xf32>
      %get3A_862 = arith.index_cast %scan3A_116 : i32 to index
      %get3A_863 = arith.constant 848 : index
      %get3A_864 = tpu.vector_load %arg11[%get3A_862, %get3A_863] {strides = array<i32>} : memref<16x1024xf32, #tpu.memory_space<vmem>>, vector<1x16xf32>,
      %get3A_865 = vector.shape_cast %get3A_864 : vector<1x16xf32> to vector<16xf32>
      %add3A_866 = arith.addf %get3A_861, %get3A_865 : vector<16xf32>
      %swap3A_867 = arith.index_cast %scan3A_116 : i32 to index
      %swap3A_868 = arith.constant 848 : index
      %swap3A_869 = tpu.vector_load %arg10[%swap3A_867, %swap3A_868] {strides = array<i32>} : memref<16x1024xf32, #tpu.memory_space<vmem>>, vector<1x16xf32>,
      %swap3A_870 = vector.shape_cast %swap3A_869 : vector<1x16xf32> to vector<16xf32>
      %swap3A_871 = vector.shape_cast %add3A_866 : vector<16xf32> to vector<1x16xf32>
      tpu.vector_store %arg10[%swap3A_867, %swap3A_868], %swap3A_871 {strides = array<i32>} : memref<16x1024xf32, #tpu.memory_space<vmem>>, vector<1x16xf32>,
      %get3A_872 = arith.index_cast %scan3A_116 : i32 to index
      %get3A_873 = arith.constant 864 : index
      %get3A_874 = tpu.vector_load %arg10[%get3A_872, %get3A_873] {strides = array<i32>} : memref<16x1024xf32, #tpu.memory_space<vmem>>, vector<1x16xf32>,
      %get3A_875 = vector.shape_cast %get3A_874 : vector<1x16xf32> to vector<16xf32>
      %get3A_876 = arith.index_cast %scan3A_116 : i32 to index
      %get3A_877 = arith.constant 864 : index
      %get3A_878 = tpu.vector_load %arg11[%get3A_876, %get3A_877] {strides = array<i32>} : memref<16x1024xf32, #tpu.memory_space<vmem>>, vector<1x16xf32>,
      %get3A_879 = vector.shape_cast %get3A_878 : vector<1x16xf32> to vector<16xf32>
      %add3A_880 = arith.addf %get3A_875, %get3A_879 : vector<16xf32>
      %swap3A_881 = arith.index_cast %scan3A_116 : i32 to index
      %swap3A_882 = arith.constant 864 : index
      %swap3A_883 = tpu.vector_load %arg10[%swap3A_881, %swap3A_882] {strides = array<i32>} : memref<16x1024xf32, #tpu.memory_space<vmem>>, vector<1x16xf32>,
      %swap3A_884 = vector.shape_cast %swap3A_883 : vector<1x16xf32> to vector<16xf32>
      %swap3A_885 = vector.shape_cast %add3A_880 : vector<16xf32> to vector<1x16xf32>
      tpu.vector_store %arg10[%swap3A_881, %swap3A_882], %swap3A_885 {strides = array<i32>} : memref<16x1024xf32, #tpu.memory_space<vmem>>, vector<1x16xf32>,
      %get3A_886 = arith.index_cast %scan3A_116 : i32 to index
      %get3A_887 = arith.constant 880 : index
      %get3A_888 = tpu.vector_load %arg10[%get3A_886, %get3A_887] {strides = array<i32>} : memref<16x1024xf32, #tpu.memory_space<vmem>>, vector<1x16xf32>,
      %get3A_889 = vector.shape_cast %get3A_888 : vector<1x16xf32> to vector<16xf32>
      %get3A_890 = arith.index_cast %scan3A_116 : i32 to index
      %get3A_891 = arith.constant 880 : index
      %get3A_892 = tpu.vector_load %arg11[%get3A_890, %get3A_891] {strides = array<i32>} : memref<16x1024xf32, #tpu.memory_space<vmem>>, vector<1x16xf32>,
      %get3A_893 = vector.shape_cast %get3A_892 : vector<1x16xf32> to vector<16xf32>
      %add3A_894 = arith.addf %get3A_889, %get3A_893 : vector<16xf32>
      %swap3A_895 = arith.index_cast %scan3A_116 : i32 to index
      %swap3A_896 = arith.constant 880 : index
      %swap3A_897 = tpu.vector_load %arg10[%swap3A_895, %swap3A_896] {strides = array<i32>} : memref<16x1024xf32, #tpu.memory_space<vmem>>, vector<1x16xf32>,
      %swap3A_898 = vector.shape_cast %swap3A_897 : vector<1x16xf32> to vector<16xf32>
      %swap3A_899 = vector.shape_cast %add3A_894 : vector<16xf32> to vector<1x16xf32>
      tpu.vector_store %arg10[%swap3A_895, %swap3A_896], %swap3A_899 {strides = array<i32>} : memref<16x1024xf32, #tpu.memory_space<vmem>>, vector<1x16xf32>,
      %get3A_900 = arith.index_cast %scan3A_116 : i32 to index
      %get3A_901 = arith.constant 896 : index
      %get3A_902 = tpu.vector_load %arg10[%get3A_900, %get3A_901] {strides = array<i32>} : memref<16x1024xf32, #tpu.memory_space<vmem>>, vector<1x16xf32>,
      %get3A_903 = vector.shape_cast %get3A_902 : vector<1x16xf32> to vector<16xf32>
      %get3A_904 = arith.index_cast %scan3A_116 : i32 to index
      %get3A_905 = arith.constant 896 : index
      %get3A_906 = tpu.vector_load %arg11[%get3A_904, %get3A_905] {strides = array<i32>} : memref<16x1024xf32, #tpu.memory_space<vmem>>, vector<1x16xf32>,
      %get3A_907 = vector.shape_cast %get3A_906 : vector<1x16xf32> to vector<16xf32>
      %add3A_908 = arith.addf %get3A_903, %get3A_907 : vector<16xf32>
      %swap3A_909 = arith.index_cast %scan3A_116 : i32 to index
      %swap3A_910 = arith.constant 896 : index
      %swap3A_911 = tpu.vector_load %arg10[%swap3A_909, %swap3A_910] {strides = array<i32>} : memref<16x1024xf32, #tpu.memory_space<vmem>>, vector<1x16xf32>,
      %swap3A_912 = vector.shape_cast %swap3A_911 : vector<1x16xf32> to vector<16xf32>
      %swap3A_913 = vector.shape_cast %add3A_908 : vector<16xf32> to vector<1x16xf32>
      tpu.vector_store %arg10[%swap3A_909, %swap3A_910], %swap3A_913 {strides = array<i32>} : memref<16x1024xf32, #tpu.memory_space<vmem>>, vector<1x16xf32>,
      %get3A_914 = arith.index_cast %scan3A_116 : i32 to index
      %get3A_915 = arith.constant 912 : index
      %get3A_916 = tpu.vector_load %arg10[%get3A_914, %get3A_915] {strides = array<i32>} : memref<16x1024xf32, #tpu.memory_space<vmem>>, vector<1x16xf32>,
      %get3A_917 = vector.shape_cast %get3A_916 : vector<1x16xf32> to vector<16xf32>
      %get3A_918 = arith.index_cast %scan3A_116 : i32 to index
      %get3A_919 = arith.constant 912 : index
      %get3A_920 = tpu.vector_load %arg11[%get3A_918, %get3A_919] {strides = array<i32>} : memref<16x1024xf32, #tpu.memory_space<vmem>>, vector<1x16xf32>,
      %get3A_921 = vector.shape_cast %get3A_920 : vector<1x16xf32> to vector<16xf32>
      %add3A_922 = arith.addf %get3A_917, %get3A_921 : vector<16xf32>
      %swap3A_923 = arith.index_cast %scan3A_116 : i32 to index
      %swap3A_924 = arith.constant 912 : index
      %swap3A_925 = tpu.vector_load %arg10[%swap3A_923, %swap3A_924] {strides = array<i32>} : memref<16x1024xf32, #tpu.memory_space<vmem>>, vector<1x16xf32>,
      %swap3A_926 = vector.shape_cast %swap3A_925 : vector<1x16xf32> to vector<16xf32>
      %swap3A_927 = vector.shape_cast %add3A_922 : vector<16xf32> to vector<1x16xf32>
      tpu.vector_store %arg10[%swap3A_923, %swap3A_924], %swap3A_927 {strides = array<i32>} : memref<16x1024xf32, #tpu.memory_space<vmem>>, vector<1x16xf32>,
      %get3A_928 = arith.index_cast %scan3A_116 : i32 to index
      %get3A_929 = arith.constant 928 : index
      %get3A_930 = tpu.vector_load %arg10[%get3A_928, %get3A_929] {strides = array<i32>} : memref<16x1024xf32, #tpu.memory_space<vmem>>, vector<1x16xf32>,
      %get3A_931 = vector.shape_cast %get3A_930 : vector<1x16xf32> to vector<16xf32>
      %get3A_932 = arith.index_cast %scan3A_116 : i32 to index
      %get3A_933 = arith.constant 928 : index
      %get3A_934 = tpu.vector_load %arg11[%get3A_932, %get3A_933] {strides = array<i32>} : memref<16x1024xf32, #tpu.memory_space<vmem>>, vector<1x16xf32>,
      %get3A_935 = vector.shape_cast %get3A_934 : vector<1x16xf32> to vector<16xf32>
      %add3A_936 = arith.addf %get3A_931, %get3A_935 : vector<16xf32>
      %swap3A_937 = arith.index_cast %scan3A_116 : i32 to index
      %swap3A_938 = arith.constant 928 : index
      %swap3A_939 = tpu.vector_load %arg10[%swap3A_937, %swap3A_938] {strides = array<i32>} : memref<16x1024xf32, #tpu.memory_space<vmem>>, vector<1x16xf32>,
      %swap3A_940 = vector.shape_cast %swap3A_939 : vector<1x16xf32> to vector<16xf32>
      %swap3A_941 = vector.shape_cast %add3A_936 : vector<16xf32> to vector<1x16xf32>
      tpu.vector_store %arg10[%swap3A_937, %swap3A_938], %swap3A_941 {strides = array<i32>} : memref<16x1024xf32, #tpu.memory_space<vmem>>, vector<1x16xf32>,
      %get3A_942 = arith.index_cast %scan3A_116 : i32 to index
      %get3A_943 = arith.constant 944 : index
      %get3A_944 = tpu.vector_load %arg10[%get3A_942, %get3A_943] {strides = array<i32>} : memref<16x1024xf32, #tpu.memory_space<vmem>>, vector<1x16xf32>,
      %get3A_945 = vector.shape_cast %get3A_944 : vector<1x16xf32> to vector<16xf32>
      %get3A_946 = arith.index_cast %scan3A_116 : i32 to index
      %get3A_947 = arith.constant 944 : index
      %get3A_948 = tpu.vector_load %arg11[%get3A_946, %get3A_947] {strides = array<i32>} : memref<16x1024xf32, #tpu.memory_space<vmem>>, vector<1x16xf32>,
      %get3A_949 = vector.shape_cast %get3A_948 : vector<1x16xf32> to vector<16xf32>
      %add3A_950 = arith.addf %get3A_945, %get3A_949 : vector<16xf32>
      %swap3A_951 = arith.index_cast %scan3A_116 : i32 to index
      %swap3A_952 = arith.constant 944 : index
      %swap3A_953 = tpu.vector_load %arg10[%swap3A_951, %swap3A_952] {strides = array<i32>} : memref<16x1024xf32, #tpu.memory_space<vmem>>, vector<1x16xf32>,
      %swap3A_954 = vector.shape_cast %swap3A_953 : vector<1x16xf32> to vector<16xf32>
      %swap3A_955 = vector.shape_cast %add3A_950 : vector<16xf32> to vector<1x16xf32>
      tpu.vector_store %arg10[%swap3A_951, %swap3A_952], %swap3A_955 {strides = array<i32>} : memref<16x1024xf32, #tpu.memory_space<vmem>>, vector<1x16xf32>,
      %get3A_956 = arith.index_cast %scan3A_116 : i32 to index
      %get3A_957 = arith.constant 960 : index
      %get3A_958 = tpu.vector_load %arg10[%get3A_956, %get3A_957] {strides = array<i32>} : memref<16x1024xf32, #tpu.memory_space<vmem>>, vector<1x16xf32>,
      %get3A_959 = vector.shape_cast %get3A_958 : vector<1x16xf32> to vector<16xf32>
      %get3A_960 = arith.index_cast %scan3A_116 : i32 to index
      %get3A_961 = arith.constant 960 : index
      %get3A_962 = tpu.vector_load %arg11[%get3A_960, %get3A_961] {strides = array<i32>} : memref<16x1024xf32, #tpu.memory_space<vmem>>, vector<1x16xf32>,
      %get3A_963 = vector.shape_cast %get3A_962 : vector<1x16xf32> to vector<16xf32>
      %add3A_964 = arith.addf %get3A_959, %get3A_963 : vector<16xf32>
      %swap3A_965 = arith.index_cast %scan3A_116 : i32 to index
      %swap3A_966 = arith.constant 960 : index
      %swap3A_967 = tpu.vector_load %arg10[%swap3A_965, %swap3A_966] {strides = array<i32>} : memref<16x1024xf32, #tpu.memory_space<vmem>>, vector<1x16xf32>,
      %swap3A_968 = vector.shape_cast %swap3A_967 : vector<1x16xf32> to vector<16xf32>
      %swap3A_969 = vector.shape_cast %add3A_964 : vector<16xf32> to vector<1x16xf32>
      tpu.vector_store %arg10[%swap3A_965, %swap3A_966], %swap3A_969 {strides = array<i32>} : memref<16x1024xf32, #tpu.memory_space<vmem>>, vector<1x16xf32>,
      %get3A_970 = arith.index_cast %scan3A_116 : i32 to index
      %get3A_971 = arith.constant 976 : index
      %get3A_972 = tpu.vector_load %arg10[%get3A_970, %get3A_971] {strides = array<i32>} : memref<16x1024xf32, #tpu.memory_space<vmem>>, vector<1x16xf32>,
      %get3A_973 = vector.shape_cast %get3A_972 : vector<1x16xf32> to vector<16xf32>
      %get3A_974 = arith.index_cast %scan3A_116 : i32 to index
      %get3A_975 = arith.constant 976 : index
      %get3A_976 = tpu.vector_load %arg11[%get3A_974, %get3A_975] {strides = array<i32>} : memref<16x1024xf32, #tpu.memory_space<vmem>>, vector<1x16xf32>,
      %get3A_977 = vector.shape_cast %get3A_976 : vector<1x16xf32> to vector<16xf32>
      %add3A_978 = arith.addf %get3A_973, %get3A_977 : vector<16xf32>
      %swap3A_979 = arith.index_cast %scan3A_116 : i32 to index
      %swap3A_980 = arith.constant 976 : index
      %swap3A_981 = tpu.vector_load %arg10[%swap3A_979, %swap3A_980] {strides = array<i32>} : memref<16x1024xf32, #tpu.memory_space<vmem>>, vector<1x16xf32>,
      %swap3A_982 = vector.shape_cast %swap3A_981 : vector<1x16xf32> to vector<16xf32>
      %swap3A_983 = vector.shape_cast %add3A_978 : vector<16xf32> to vector<1x16xf32>
      tpu.vector_store %arg10[%swap3A_979, %swap3A_980], %swap3A_983 {strides = array<i32>} : memref<16x1024xf32, #tpu.memory_space<vmem>>, vector<1x16xf32>,
      %get3A_984 = arith.index_cast %scan3A_116 : i32 to index
      %get3A_985 = arith.constant 992 : index
      %get3A_986 = tpu.vector_load %arg10[%get3A_984, %get3A_985] {strides = array<i32>} : memref<16x1024xf32, #tpu.memory_space<vmem>>, vector<1x16xf32>,
      %get3A_987 = vector.shape_cast %get3A_986 : vector<1x16xf32> to vector<16xf32>
      %get3A_988 = arith.index_cast %scan3A_116 : i32 to index
      %get3A_989 = arith.constant 992 : index
      %get3A_990 = tpu.vector_load %arg11[%get3A_988, %get3A_989] {strides = array<i32>} : memref<16x1024xf32, #tpu.memory_space<vmem>>, vector<1x16xf32>,
      %get3A_991 = vector.shape_cast %get3A_990 : vector<1x16xf32> to vector<16xf32>
      %add3A_992 = arith.addf %get3A_987, %get3A_991 : vector<16xf32>
      %swap3A_993 = arith.index_cast %scan3A_116 : i32 to index
      %swap3A_994 = arith.constant 992 : index
      %swap3A_995 = tpu.vector_load %arg10[%swap3A_993, %swap3A_994] {strides = array<i32>} : memref<16x1024xf32, #tpu.memory_space<vmem>>, vector<1x16xf32>,
      %swap3A_996 = vector.shape_cast %swap3A_995 : vector<1x16xf32> to vector<16xf32>
      %swap3A_997 = vector.shape_cast %add3A_992 : vector<16xf32> to vector<1x16xf32>
      tpu.vector_store %arg10[%swap3A_993, %swap3A_994], %swap3A_997 {strides = array<i32>} : memref<16x1024xf32, #tpu.memory_space<vmem>>, vector<1x16xf32>,
      %get3A_998 = arith.index_cast %scan3A_116 : i32 to index
      %get3A_999 = arith.constant 1008 : index
      %get3A_1000 = tpu.vector_load %arg10[%get3A_998, %get3A_999] {strides = array<i32>} : memref<16x1024xf32, #tpu.memory_space<vmem>>, vector<1x16xf32>,
      %get3A_1001 = vector.shape_cast %get3A_1000 : vector<1x16xf32> to vector<16xf32>
      %get3A_1002 = arith.index_cast %scan3A_116 : i32 to index
      %get3A_1003 = arith.constant 1008 : index
      %get3A_1004 = tpu.vector_load %arg11[%get3A_1002, %get3A_1003] {strides = array<i32>} : memref<16x1024xf32, #tpu.memory_space<vmem>>, vector<1x16xf32>,
      %get3A_1005 = vector.shape_cast %get3A_1004 : vector<1x16xf32> to vector<16xf32>
      %add3A_1006 = arith.addf %get3A_1001, %get3A_1005 : vector<16xf32>
      %swap3A_1007 = arith.index_cast %scan3A_116 : i32 to index
      %swap3A_1008 = arith.constant 1008 : index
      %swap3A_1009 = tpu.vector_load %arg10[%swap3A_1007, %swap3A_1008] {strides = array<i32>} : memref<16x1024xf32, #tpu.memory_space<vmem>>, vector<1x16xf32>,
      %swap3A_1010 = vector.shape_cast %swap3A_1009 : vector<1x16xf32> to vector<16xf32>
      %swap3A_1011 = vector.shape_cast %add3A_1006 : vector<16xf32> to vector<1x16xf32>
      tpu.vector_store %arg10[%swap3A_1007, %swap3A_1008], %swap3A_1011 {strides = array<i32>} : memref<16x1024xf32, #tpu.memory_space<vmem>>, vector<1x16xf32>,
      %scan3A_1012 = arith.constant 0 : i32
      scf.yield %scan3A_1012 : i32
    }
    %scan3A_65 = arith.constant 16 : i32
    %add3A_66 = arith.constant 16 : i32
    %add3A_67 = arith.addi %mul3A_2, %add3A_66 : i32
    "tpu.region"() ({
      %run_scoped3A = tpu.sem_alloc : memref<!tpu.dma_semaphore, #tpu.memory_space<semaphore_mem>>
      %dma_start3A_116 = arith.constant 0 : i32
      %dma_start3A_117 = tpu.memref_slice %arg5[%add3A_67, %dma_start3A_116] : memref<2048x1024xf32, #tpu.memory_space<hbm>> -> memref<16x1024xf32, #tpu.memory_space<hbm>>
      %dma_start3A_118 = arith.constant 0 : i32
      %dma_start3A_119 = tpu.memref_slice %arg5[%add3A_67, %dma_start3A_118] : memref<2048x1024xf32, #tpu.memory_space<hbm>> -> memref<16x1024xf32, #tpu.memory_space<hbm>>
      tpu.enqueue_dma source(%arg10 : memref<16x1024xf32, #tpu.memory_space<vmem>>) target(%dma_start3A_119 : memref<16x1024xf32, #tpu.memory_space<hbm>>) target_semaphore(%run_scoped3A : memref<!tpu.dma_semaphore, #tpu.memory_space<semaphore_mem>>)
      %dma_wait3A_120 = arith.constant 0 : i32
      %dma_wait3A_121 = tpu.memref_slice %arg5[%add3A_67, %dma_wait3A_120] : memref<2048x1024xf32, #tpu.memory_space<hbm>> -> memref<16x1024xf32, #tpu.memory_space<hbm>>
      %dma_wait3A_122 = arith.constant 0 : i32
      %dma_wait3A_123 = tpu.memref_slice %arg5[%add3A_67, %dma_wait3A_122] : memref<2048x1024xf32, #tpu.memory_space<hbm>> -> memref<16x1024xf32, #tpu.memory_space<hbm>>
      tpu.wait_dma2 semaphore(%run_scoped3A : memref<!tpu.dma_semaphore, #tpu.memory_space<semaphore_mem>>) src(%arg10 : memref<16x1024xf32, #tpu.memory_space<vmem>>) dst(%dma_wait3A_123 : memref<16x1024xf32, #tpu.memory_space<hbm>>)
      tpu.yield
    }) : () -> ()
    %dma_start3A_68 = arith.constant 48 : i32
    %dma_start3A_69 = tpu.memref_slice %arg6[%dma_start3A_68] : memref<64xi32, #tpu.memory_space<vmem>> -> memref<16xi32, #tpu.memory_space<vmem>>
    %dma_start3A_70 = arith.constant 0 : i32
    %dma_start3A_71 = arith.constant 0 : i32
    %dma_start3A_72 = tpu.memref_slice %arg2[%dma_start3A_70, %dma_start3A_71] : memref<6144x1024xf32, #tpu.memory_space<hbm>> -> memref<6144x1024xf32, #tpu.memory_space<hbm>>
    tpu.enqueue_indirect_dma source(%dma_start3A_72 : memref<6144x1024xf32, #tpu.memory_space<hbm>>) target(%arg10 : memref<16x1024xf32, #tpu.memory_space<vmem>>) offsets(%dma_start3A_69 : memref<16xi32, #tpu.memory_space<vmem>>) semaphore(%arg14 : memref<!tpu.dma_semaphore, #tpu.memory_space<semaphore_mem>>)
    %dma_start3A_73 = arith.constant 48 : i32
    %dma_start3A_74 = tpu.memref_slice %arg7[%dma_start3A_73] : memref<64xi32, #tpu.memory_space<vmem>> -> memref<16xi32, #tpu.memory_space<vmem>>
    %dma_start3A_75 = arith.constant 0 : i32
    %dma_start3A_76 = arith.constant 0 : i32
    %dma_start3A_77 = tpu.memref_slice %arg2[%dma_start3A_75, %dma_start3A_76] : memref<6144x1024xf32, #tpu.memory_space<hbm>> -> memref<6144x1024xf32, #tpu.memory_space<hbm>>
    tpu.enqueue_indirect_dma source(%dma_start3A_77 : memref<6144x1024xf32, #tpu.memory_space<hbm>>) target(%arg11 : memref<16x1024xf32, #tpu.memory_space<vmem>>) offsets(%dma_start3A_74 : memref<16xi32, #tpu.memory_space<vmem>>) semaphore(%arg15 : memref<!tpu.dma_semaphore, #tpu.memory_space<semaphore_mem>>)
    %dma_wait3A_78 = arith.constant 32 : i32
    %dma_wait3A_79 = tpu.memref_slice %arg6[%dma_wait3A_78] : memref<64xi32, #tpu.memory_space<vmem>> -> memref<16xi32, #tpu.memory_space<vmem>>
    %dma_wait3A_80 = arith.constant 0 : i32
    %dma_wait3A_81 = arith.constant 0 : i32
    %dma_wait3A_82 = tpu.memref_slice %arg2[%dma_wait3A_80, %dma_wait3A_81] : memref<6144x1024xf32, #tpu.memory_space<hbm>> -> memref<6144x1024xf32, #tpu.memory_space<hbm>>
    tpu.wait_indirect_dma semaphore(%arg12 : memref<!tpu.dma_semaphore, #tpu.memory_space<semaphore_mem>>) src(%dma_wait3A_82 : memref<6144x1024xf32, #tpu.memory_space<hbm>>) dst(%arg8 : memref<16x1024xf32, #tpu.memory_space<vmem>>)
    %dma_wait3A_83 = arith.constant 32 : i32
    %dma_wait3A_84 = tpu.memref_slice %arg7[%dma_wait3A_83] : memref<64xi32, #tpu.memory_space<vmem>> -> memref<16xi32, #tpu.memory_space<vmem>>
    %dma_wait3A_85 = arith.constant 0 : i32
    %dma_wait3A_86 = arith.constant 0 : i32
    %dma_wait3A_87 = tpu.memref_slice %arg2[%dma_wait3A_85, %dma_wait3A_86] : memref<6144x1024xf32, #tpu.memory_space<hbm>> -> memref<6144x1024xf32, #tpu.memory_space<hbm>>
    tpu.wait_indirect_dma semaphore(%arg13 : memref<!tpu.dma_semaphore, #tpu.memory_space<semaphore_mem>>) src(%dma_wait3A_87 : memref<6144x1024xf32, #tpu.memory_space<hbm>>) dst(%arg9 : memref<16x1024xf32, #tpu.memory_space<vmem>>)
    %scan3A_88 = arith.constant 0 : i32
    %scan3A_89 = arith.constant 0 : i32
    %scan3A_90 = arith.constant 16 : i32
    %scan3A_91 = arith.addi %scan3A_89, %scan3A_90 : i32
    %scan3A_92 = arith.constant 1 : i32
    %scan3A_93 = scf.for %scan3A_116 = %scan3A_89 to %scan3A_91 step %scan3A_92 iter_args(%scan3A_117 = %scan3A_88) -> (i32)  : i32 {
      %get3A = arith.index_cast %scan3A_116 : i32 to index
      %get3A_118 = arith.constant 0 : index
      %get3A_119 = tpu.vector_load %arg8[%get3A, %get3A_118] {strides = array<i32>} : memref<16x1024xf32, #tpu.memory_space<vmem>>, vector<1x16xf32>,
      %get3A_120 = vector.shape_cast %get3A_119 : vector<1x16xf32> to vector<16xf32>
      %get3A_121 = arith.index_cast %scan3A_116 : i32 to index
      %get3A_122 = arith.constant 0 : index
      %get3A_123 = tpu.vector_load %arg9[%get3A_121, %get3A_122] {strides = array<i32>} : memref<16x1024xf32, #tpu.memory_space<vmem>>, vector<1x16xf32>,
      %get3A_124 = vector.shape_cast %get3A_123 : vector<1x16xf32> to vector<16xf32>
      %add3A_125 = arith.addf %get3A_120, %get3A_124 : vector<16xf32>
      %swap3A = arith.index_cast %scan3A_116 : i32 to index
      %swap3A_126 = arith.constant 0 : index
      %swap3A_127 = tpu.vector_load %arg8[%swap3A, %swap3A_126] {strides = array<i32>} : memref<16x1024xf32, #tpu.memory_space<vmem>>, vector<1x16xf32>,
      %swap3A_128 = vector.shape_cast %swap3A_127 : vector<1x16xf32> to vector<16xf32>
      %swap3A_129 = vector.shape_cast %add3A_125 : vector<16xf32> to vector<1x16xf32>
      tpu.vector_store %arg8[%swap3A, %swap3A_126], %swap3A_129 {strides = array<i32>} : memref<16x1024xf32, #tpu.memory_space<vmem>>, vector<1x16xf32>,
      %get3A_130 = arith.index_cast %scan3A_116 : i32 to index
      %get3A_131 = arith.constant 16 : index
      %get3A_132 = tpu.vector_load %arg8[%get3A_130, %get3A_131] {strides = array<i32>} : memref<16x1024xf32, #tpu.memory_space<vmem>>, vector<1x16xf32>,
      %get3A_133 = vector.shape_cast %get3A_132 : vector<1x16xf32> to vector<16xf32>
      %get3A_134 = arith.index_cast %scan3A_116 : i32 to index
      %get3A_135 = arith.constant 16 : index
      %get3A_136 = tpu.vector_load %arg9[%get3A_134, %get3A_135] {strides = array<i32>} : memref<16x1024xf32, #tpu.memory_space<vmem>>, vector<1x16xf32>,
      %get3A_137 = vector.shape_cast %get3A_136 : vector<1x16xf32> to vector<16xf32>
      %add3A_138 = arith.addf %get3A_133, %get3A_137 : vector<16xf32>
      %swap3A_139 = arith.index_cast %scan3A_116 : i32 to index
      %swap3A_140 = arith.constant 16 : index
      %swap3A_141 = tpu.vector_load %arg8[%swap3A_139, %swap3A_140] {strides = array<i32>} : memref<16x1024xf32, #tpu.memory_space<vmem>>, vector<1x16xf32>,
      %swap3A_142 = vector.shape_cast %swap3A_141 : vector<1x16xf32> to vector<16xf32>
      %swap3A_143 = vector.shape_cast %add3A_138 : vector<16xf32> to vector<1x16xf32>
      tpu.vector_store %arg8[%swap3A_139, %swap3A_140], %swap3A_143 {strides = array<i32>} : memref<16x1024xf32, #tpu.memory_space<vmem>>, vector<1x16xf32>,
      %get3A_144 = arith.index_cast %scan3A_116 : i32 to index
      %get3A_145 = arith.constant 32 : index
      %get3A_146 = tpu.vector_load %arg8[%get3A_144, %get3A_145] {strides = array<i32>} : memref<16x1024xf32, #tpu.memory_space<vmem>>, vector<1x16xf32>,
      %get3A_147 = vector.shape_cast %get3A_146 : vector<1x16xf32> to vector<16xf32>
      %get3A_148 = arith.index_cast %scan3A_116 : i32 to index
      %get3A_149 = arith.constant 32 : index
      %get3A_150 = tpu.vector_load %arg9[%get3A_148, %get3A_149] {strides = array<i32>} : memref<16x1024xf32, #tpu.memory_space<vmem>>, vector<1x16xf32>,
      %get3A_151 = vector.shape_cast %get3A_150 : vector<1x16xf32> to vector<16xf32>
      %add3A_152 = arith.addf %get3A_147, %get3A_151 : vector<16xf32>
      %swap3A_153 = arith.index_cast %scan3A_116 : i32 to index
      %swap3A_154 = arith.constant 32 : index
      %swap3A_155 = tpu.vector_load %arg8[%swap3A_153, %swap3A_154] {strides = array<i32>} : memref<16x1024xf32, #tpu.memory_space<vmem>>, vector<1x16xf32>,
      %swap3A_156 = vector.shape_cast %swap3A_155 : vector<1x16xf32> to vector<16xf32>
      %swap3A_157 = vector.shape_cast %add3A_152 : vector<16xf32> to vector<1x16xf32>
      tpu.vector_store %arg8[%swap3A_153, %swap3A_154], %swap3A_157 {strides = array<i32>} : memref<16x1024xf32, #tpu.memory_space<vmem>>, vector<1x16xf32>,
      %get3A_158 = arith.index_cast %scan3A_116 : i32 to index
      %get3A_159 = arith.constant 48 : index
      %get3A_160 = tpu.vector_load %arg8[%get3A_158, %get3A_159] {strides = array<i32>} : memref<16x1024xf32, #tpu.memory_space<vmem>>, vector<1x16xf32>,
      %get3A_161 = vector.shape_cast %get3A_160 : vector<1x16xf32> to vector<16xf32>
      %get3A_162 = arith.index_cast %scan3A_116 : i32 to index
      %get3A_163 = arith.constant 48 : index
      %get3A_164 = tpu.vector_load %arg9[%get3A_162, %get3A_163] {strides = array<i32>} : memref<16x1024xf32, #tpu.memory_space<vmem>>, vector<1x16xf32>,
      %get3A_165 = vector.shape_cast %get3A_164 : vector<1x16xf32> to vector<16xf32>
      %add3A_166 = arith.addf %get3A_161, %get3A_165 : vector<16xf32>
      %swap3A_167 = arith.index_cast %scan3A_116 : i32 to index
      %swap3A_168 = arith.constant 48 : index
      %swap3A_169 = tpu.vector_load %arg8[%swap3A_167, %swap3A_168] {strides = array<i32>} : memref<16x1024xf32, #tpu.memory_space<vmem>>, vector<1x16xf32>,
      %swap3A_170 = vector.shape_cast %swap3A_169 : vector<1x16xf32> to vector<16xf32>
      %swap3A_171 = vector.shape_cast %add3A_166 : vector<16xf32> to vector<1x16xf32>
      tpu.vector_store %arg8[%swap3A_167, %swap3A_168], %swap3A_171 {strides = array<i32>} : memref<16x1024xf32, #tpu.memory_space<vmem>>, vector<1x16xf32>,
      %get3A_172 = arith.index_cast %scan3A_116 : i32 to index
      %get3A_173 = arith.constant 64 : index
      %get3A_174 = tpu.vector_load %arg8[%get3A_172, %get3A_173] {strides = array<i32>} : memref<16x1024xf32, #tpu.memory_space<vmem>>, vector<1x16xf32>,
      %get3A_175 = vector.shape_cast %get3A_174 : vector<1x16xf32> to vector<16xf32>
      %get3A_176 = arith.index_cast %scan3A_116 : i32 to index
      %get3A_177 = arith.constant 64 : index
      %get3A_178 = tpu.vector_load %arg9[%get3A_176, %get3A_177] {strides = array<i32>} : memref<16x1024xf32, #tpu.memory_space<vmem>>, vector<1x16xf32>,
      %get3A_179 = vector.shape_cast %get3A_178 : vector<1x16xf32> to vector<16xf32>
      %add3A_180 = arith.addf %get3A_175, %get3A_179 : vector<16xf32>
      %swap3A_181 = arith.index_cast %scan3A_116 : i32 to index
      %swap3A_182 = arith.constant 64 : index
      %swap3A_183 = tpu.vector_load %arg8[%swap3A_181, %swap3A_182] {strides = array<i32>} : memref<16x1024xf32, #tpu.memory_space<vmem>>, vector<1x16xf32>,
      %swap3A_184 = vector.shape_cast %swap3A_183 : vector<1x16xf32> to vector<16xf32>
      %swap3A_185 = vector.shape_cast %add3A_180 : vector<16xf32> to vector<1x16xf32>
      tpu.vector_store %arg8[%swap3A_181, %swap3A_182], %swap3A_185 {strides = array<i32>} : memref<16x1024xf32, #tpu.memory_space<vmem>>, vector<1x16xf32>,
      %get3A_186 = arith.index_cast %scan3A_116 : i32 to index
      %get3A_187 = arith.constant 80 : index
      %get3A_188 = tpu.vector_load %arg8[%get3A_186, %get3A_187] {strides = array<i32>} : memref<16x1024xf32, #tpu.memory_space<vmem>>, vector<1x16xf32>,
      %get3A_189 = vector.shape_cast %get3A_188 : vector<1x16xf32> to vector<16xf32>
      %get3A_190 = arith.index_cast %scan3A_116 : i32 to index
      %get3A_191 = arith.constant 80 : index
      %get3A_192 = tpu.vector_load %arg9[%get3A_190, %get3A_191] {strides = array<i32>} : memref<16x1024xf32, #tpu.memory_space<vmem>>, vector<1x16xf32>,
      %get3A_193 = vector.shape_cast %get3A_192 : vector<1x16xf32> to vector<16xf32>
      %add3A_194 = arith.addf %get3A_189, %get3A_193 : vector<16xf32>
      %swap3A_195 = arith.index_cast %scan3A_116 : i32 to index
      %swap3A_196 = arith.constant 80 : index
      %swap3A_197 = tpu.vector_load %arg8[%swap3A_195, %swap3A_196] {strides = array<i32>} : memref<16x1024xf32, #tpu.memory_space<vmem>>, vector<1x16xf32>,
      %swap3A_198 = vector.shape_cast %swap3A_197 : vector<1x16xf32> to vector<16xf32>
      %swap3A_199 = vector.shape_cast %add3A_194 : vector<16xf32> to vector<1x16xf32>
      tpu.vector_store %arg8[%swap3A_195, %swap3A_196], %swap3A_199 {strides = array<i32>} : memref<16x1024xf32, #tpu.memory_space<vmem>>, vector<1x16xf32>,
      %get3A_200 = arith.index_cast %scan3A_116 : i32 to index
      %get3A_201 = arith.constant 96 : index
      %get3A_202 = tpu.vector_load %arg8[%get3A_200, %get3A_201] {strides = array<i32>} : memref<16x1024xf32, #tpu.memory_space<vmem>>, vector<1x16xf32>,
      %get3A_203 = vector.shape_cast %get3A_202 : vector<1x16xf32> to vector<16xf32>
      %get3A_204 = arith.index_cast %scan3A_116 : i32 to index
      %get3A_205 = arith.constant 96 : index
      %get3A_206 = tpu.vector_load %arg9[%get3A_204, %get3A_205] {strides = array<i32>} : memref<16x1024xf32, #tpu.memory_space<vmem>>, vector<1x16xf32>,
      %get3A_207 = vector.shape_cast %get3A_206 : vector<1x16xf32> to vector<16xf32>
      %add3A_208 = arith.addf %get3A_203, %get3A_207 : vector<16xf32>
      %swap3A_209 = arith.index_cast %scan3A_116 : i32 to index
      %swap3A_210 = arith.constant 96 : index
      %swap3A_211 = tpu.vector_load %arg8[%swap3A_209, %swap3A_210] {strides = array<i32>} : memref<16x1024xf32, #tpu.memory_space<vmem>>, vector<1x16xf32>,
      %swap3A_212 = vector.shape_cast %swap3A_211 : vector<1x16xf32> to vector<16xf32>
      %swap3A_213 = vector.shape_cast %add3A_208 : vector<16xf32> to vector<1x16xf32>
      tpu.vector_store %arg8[%swap3A_209, %swap3A_210], %swap3A_213 {strides = array<i32>} : memref<16x1024xf32, #tpu.memory_space<vmem>>, vector<1x16xf32>,
      %get3A_214 = arith.index_cast %scan3A_116 : i32 to index
      %get3A_215 = arith.constant 112 : index
      %get3A_216 = tpu.vector_load %arg8[%get3A_214, %get3A_215] {strides = array<i32>} : memref<16x1024xf32, #tpu.memory_space<vmem>>, vector<1x16xf32>,
      %get3A_217 = vector.shape_cast %get3A_216 : vector<1x16xf32> to vector<16xf32>
      %get3A_218 = arith.index_cast %scan3A_116 : i32 to index
      %get3A_219 = arith.constant 112 : index
      %get3A_220 = tpu.vector_load %arg9[%get3A_218, %get3A_219] {strides = array<i32>} : memref<16x1024xf32, #tpu.memory_space<vmem>>, vector<1x16xf32>,
      %get3A_221 = vector.shape_cast %get3A_220 : vector<1x16xf32> to vector<16xf32>
      %add3A_222 = arith.addf %get3A_217, %get3A_221 : vector<16xf32>
      %swap3A_223 = arith.index_cast %scan3A_116 : i32 to index
      %swap3A_224 = arith.constant 112 : index
      %swap3A_225 = tpu.vector_load %arg8[%swap3A_223, %swap3A_224] {strides = array<i32>} : memref<16x1024xf32, #tpu.memory_space<vmem>>, vector<1x16xf32>,
      %swap3A_226 = vector.shape_cast %swap3A_225 : vector<1x16xf32> to vector<16xf32>
      %swap3A_227 = vector.shape_cast %add3A_222 : vector<16xf32> to vector<1x16xf32>
      tpu.vector_store %arg8[%swap3A_223, %swap3A_224], %swap3A_227 {strides = array<i32>} : memref<16x1024xf32, #tpu.memory_space<vmem>>, vector<1x16xf32>,
      %get3A_228 = arith.index_cast %scan3A_116 : i32 to index
      %get3A_229 = arith.constant 128 : index
      %get3A_230 = tpu.vector_load %arg8[%get3A_228, %get3A_229] {strides = array<i32>} : memref<16x1024xf32, #tpu.memory_space<vmem>>, vector<1x16xf32>,
      %get3A_231 = vector.shape_cast %get3A_230 : vector<1x16xf32> to vector<16xf32>
      %get3A_232 = arith.index_cast %scan3A_116 : i32 to index
      %get3A_233 = arith.constant 128 : index
      %get3A_234 = tpu.vector_load %arg9[%get3A_232, %get3A_233] {strides = array<i32>} : memref<16x1024xf32, #tpu.memory_space<vmem>>, vector<1x16xf32>,
      %get3A_235 = vector.shape_cast %get3A_234 : vector<1x16xf32> to vector<16xf32>
      %add3A_236 = arith.addf %get3A_231, %get3A_235 : vector<16xf32>
      %swap3A_237 = arith.index_cast %scan3A_116 : i32 to index
      %swap3A_238 = arith.constant 128 : index
      %swap3A_239 = tpu.vector_load %arg8[%swap3A_237, %swap3A_238] {strides = array<i32>} : memref<16x1024xf32, #tpu.memory_space<vmem>>, vector<1x16xf32>,
      %swap3A_240 = vector.shape_cast %swap3A_239 : vector<1x16xf32> to vector<16xf32>
      %swap3A_241 = vector.shape_cast %add3A_236 : vector<16xf32> to vector<1x16xf32>
      tpu.vector_store %arg8[%swap3A_237, %swap3A_238], %swap3A_241 {strides = array<i32>} : memref<16x1024xf32, #tpu.memory_space<vmem>>, vector<1x16xf32>,
      %get3A_242 = arith.index_cast %scan3A_116 : i32 to index
      %get3A_243 = arith.constant 144 : index
      %get3A_244 = tpu.vector_load %arg8[%get3A_242, %get3A_243] {strides = array<i32>} : memref<16x1024xf32, #tpu.memory_space<vmem>>, vector<1x16xf32>,
      %get3A_245 = vector.shape_cast %get3A_244 : vector<1x16xf32> to vector<16xf32>
      %get3A_246 = arith.index_cast %scan3A_116 : i32 to index
      %get3A_247 = arith.constant 144 : index
      %get3A_248 = tpu.vector_load %arg9[%get3A_246, %get3A_247] {strides = array<i32>} : memref<16x1024xf32, #tpu.memory_space<vmem>>, vector<1x16xf32>,
      %get3A_249 = vector.shape_cast %get3A_248 : vector<1x16xf32> to vector<16xf32>
      %add3A_250 = arith.addf %get3A_245, %get3A_249 : vector<16xf32>
      %swap3A_251 = arith.index_cast %scan3A_116 : i32 to index
      %swap3A_252 = arith.constant 144 : index
      %swap3A_253 = tpu.vector_load %arg8[%swap3A_251, %swap3A_252] {strides = array<i32>} : memref<16x1024xf32, #tpu.memory_space<vmem>>, vector<1x16xf32>,
      %swap3A_254 = vector.shape_cast %swap3A_253 : vector<1x16xf32> to vector<16xf32>
      %swap3A_255 = vector.shape_cast %add3A_250 : vector<16xf32> to vector<1x16xf32>
      tpu.vector_store %arg8[%swap3A_251, %swap3A_252], %swap3A_255 {strides = array<i32>} : memref<16x1024xf32, #tpu.memory_space<vmem>>, vector<1x16xf32>,
      %get3A_256 = arith.index_cast %scan3A_116 : i32 to index
      %get3A_257 = arith.constant 160 : index
      %get3A_258 = tpu.vector_load %arg8[%get3A_256, %get3A_257] {strides = array<i32>} : memref<16x1024xf32, #tpu.memory_space<vmem>>, vector<1x16xf32>,
      %get3A_259 = vector.shape_cast %get3A_258 : vector<1x16xf32> to vector<16xf32>
      %get3A_260 = arith.index_cast %scan3A_116 : i32 to index
      %get3A_261 = arith.constant 160 : index
      %get3A_262 = tpu.vector_load %arg9[%get3A_260, %get3A_261] {strides = array<i32>} : memref<16x1024xf32, #tpu.memory_space<vmem>>, vector<1x16xf32>,
      %get3A_263 = vector.shape_cast %get3A_262 : vector<1x16xf32> to vector<16xf32>
      %add3A_264 = arith.addf %get3A_259, %get3A_263 : vector<16xf32>
      %swap3A_265 = arith.index_cast %scan3A_116 : i32 to index
      %swap3A_266 = arith.constant 160 : index
      %swap3A_267 = tpu.vector_load %arg8[%swap3A_265, %swap3A_266] {strides = array<i32>} : memref<16x1024xf32, #tpu.memory_space<vmem>>, vector<1x16xf32>,
      %swap3A_268 = vector.shape_cast %swap3A_267 : vector<1x16xf32> to vector<16xf32>
      %swap3A_269 = vector.shape_cast %add3A_264 : vector<16xf32> to vector<1x16xf32>
      tpu.vector_store %arg8[%swap3A_265, %swap3A_266], %swap3A_269 {strides = array<i32>} : memref<16x1024xf32, #tpu.memory_space<vmem>>, vector<1x16xf32>,
      %get3A_270 = arith.index_cast %scan3A_116 : i32 to index
      %get3A_271 = arith.constant 176 : index
      %get3A_272 = tpu.vector_load %arg8[%get3A_270, %get3A_271] {strides = array<i32>} : memref<16x1024xf32, #tpu.memory_space<vmem>>, vector<1x16xf32>,
      %get3A_273 = vector.shape_cast %get3A_272 : vector<1x16xf32> to vector<16xf32>
      %get3A_274 = arith.index_cast %scan3A_116 : i32 to index
      %get3A_275 = arith.constant 176 : index
      %get3A_276 = tpu.vector_load %arg9[%get3A_274, %get3A_275] {strides = array<i32>} : memref<16x1024xf32, #tpu.memory_space<vmem>>, vector<1x16xf32>,
      %get3A_277 = vector.shape_cast %get3A_276 : vector<1x16xf32> to vector<16xf32>
      %add3A_278 = arith.addf %get3A_273, %get3A_277 : vector<16xf32>
      %swap3A_279 = arith.index_cast %scan3A_116 : i32 to index
      %swap3A_280 = arith.constant 176 : index
      %swap3A_281 = tpu.vector_load %arg8[%swap3A_279, %swap3A_280] {strides = array<i32>} : memref<16x1024xf32, #tpu.memory_space<vmem>>, vector<1x16xf32>,
      %swap3A_282 = vector.shape_cast %swap3A_281 : vector<1x16xf32> to vector<16xf32>
      %swap3A_283 = vector.shape_cast %add3A_278 : vector<16xf32> to vector<1x16xf32>
      tpu.vector_store %arg8[%swap3A_279, %swap3A_280], %swap3A_283 {strides = array<i32>} : memref<16x1024xf32, #tpu.memory_space<vmem>>, vector<1x16xf32>,
      %get3A_284 = arith.index_cast %scan3A_116 : i32 to index
      %get3A_285 = arith.constant 192 : index
      %get3A_286 = tpu.vector_load %arg8[%get3A_284, %get3A_285] {strides = array<i32>} : memref<16x1024xf32, #tpu.memory_space<vmem>>, vector<1x16xf32>,
      %get3A_287 = vector.shape_cast %get3A_286 : vector<1x16xf32> to vector<16xf32>
      %get3A_288 = arith.index_cast %scan3A_116 : i32 to index
      %get3A_289 = arith.constant 192 : index
      %get3A_290 = tpu.vector_load %arg9[%get3A_288, %get3A_289] {strides = array<i32>} : memref<16x1024xf32, #tpu.memory_space<vmem>>, vector<1x16xf32>,
      %get3A_291 = vector.shape_cast %get3A_290 : vector<1x16xf32> to vector<16xf32>
      %add3A_292 = arith.addf %get3A_287, %get3A_291 : vector<16xf32>
      %swap3A_293 = arith.index_cast %scan3A_116 : i32 to index
      %swap3A_294 = arith.constant 192 : index
      %swap3A_295 = tpu.vector_load %arg8[%swap3A_293, %swap3A_294] {strides = array<i32>} : memref<16x1024xf32, #tpu.memory_space<vmem>>, vector<1x16xf32>,
      %swap3A_296 = vector.shape_cast %swap3A_295 : vector<1x16xf32> to vector<16xf32>
      %swap3A_297 = vector.shape_cast %add3A_292 : vector<16xf32> to vector<1x16xf32>
      tpu.vector_store %arg8[%swap3A_293, %swap3A_294], %swap3A_297 {strides = array<i32>} : memref<16x1024xf32, #tpu.memory_space<vmem>>, vector<1x16xf32>,
      %get3A_298 = arith.index_cast %scan3A_116 : i32 to index
      %get3A_299 = arith.constant 208 : index
      %get3A_300 = tpu.vector_load %arg8[%get3A_298, %get3A_299] {strides = array<i32>} : memref<16x1024xf32, #tpu.memory_space<vmem>>, vector<1x16xf32>,
      %get3A_301 = vector.shape_cast %get3A_300 : vector<1x16xf32> to vector<16xf32>
      %get3A_302 = arith.index_cast %scan3A_116 : i32 to index
      %get3A_303 = arith.constant 208 : index
      %get3A_304 = tpu.vector_load %arg9[%get3A_302, %get3A_303] {strides = array<i32>} : memref<16x1024xf32, #tpu.memory_space<vmem>>, vector<1x16xf32>,
      %get3A_305 = vector.shape_cast %get3A_304 : vector<1x16xf32> to vector<16xf32>
      %add3A_306 = arith.addf %get3A_301, %get3A_305 : vector<16xf32>
      %swap3A_307 = arith.index_cast %scan3A_116 : i32 to index
      %swap3A_308 = arith.constant 208 : index
      %swap3A_309 = tpu.vector_load %arg8[%swap3A_307, %swap3A_308] {strides = array<i32>} : memref<16x1024xf32, #tpu.memory_space<vmem>>, vector<1x16xf32>,
      %swap3A_310 = vector.shape_cast %swap3A_309 : vector<1x16xf32> to vector<16xf32>
      %swap3A_311 = vector.shape_cast %add3A_306 : vector<16xf32> to vector<1x16xf32>
      tpu.vector_store %arg8[%swap3A_307, %swap3A_308], %swap3A_311 {strides = array<i32>} : memref<16x1024xf32, #tpu.memory_space<vmem>>, vector<1x16xf32>,
      %get3A_312 = arith.index_cast %scan3A_116 : i32 to index
      %get3A_313 = arith.constant 224 : index
      %get3A_314 = tpu.vector_load %arg8[%get3A_312, %get3A_313] {strides = array<i32>} : memref<16x1024xf32, #tpu.memory_space<vmem>>, vector<1x16xf32>,
      %get3A_315 = vector.shape_cast %get3A_314 : vector<1x16xf32> to vector<16xf32>
      %get3A_316 = arith.index_cast %scan3A_116 : i32 to index
      %get3A_317 = arith.constant 224 : index
      %get3A_318 = tpu.vector_load %arg9[%get3A_316, %get3A_317] {strides = array<i32>} : memref<16x1024xf32, #tpu.memory_space<vmem>>, vector<1x16xf32>,
      %get3A_319 = vector.shape_cast %get3A_318 : vector<1x16xf32> to vector<16xf32>
      %add3A_320 = arith.addf %get3A_315, %get3A_319 : vector<16xf32>
      %swap3A_321 = arith.index_cast %scan3A_116 : i32 to index
      %swap3A_322 = arith.constant 224 : index
      %swap3A_323 = tpu.vector_load %arg8[%swap3A_321, %swap3A_322] {strides = array<i32>} : memref<16x1024xf32, #tpu.memory_space<vmem>>, vector<1x16xf32>,
      %swap3A_324 = vector.shape_cast %swap3A_323 : vector<1x16xf32> to vector<16xf32>
      %swap3A_325 = vector.shape_cast %add3A_320 : vector<16xf32> to vector<1x16xf32>
      tpu.vector_store %arg8[%swap3A_321, %swap3A_322], %swap3A_325 {strides = array<i32>} : memref<16x1024xf32, #tpu.memory_space<vmem>>, vector<1x16xf32>,
      %get3A_326 = arith.index_cast %scan3A_116 : i32 to index
      %get3A_327 = arith.constant 240 : index
      %get3A_328 = tpu.vector_load %arg8[%get3A_326, %get3A_327] {strides = array<i32>} : memref<16x1024xf32, #tpu.memory_space<vmem>>, vector<1x16xf32>,
      %get3A_329 = vector.shape_cast %get3A_328 : vector<1x16xf32> to vector<16xf32>
      %get3A_330 = arith.index_cast %scan3A_116 : i32 to index
      %get3A_331 = arith.constant 240 : index
      %get3A_332 = tpu.vector_load %arg9[%get3A_330, %get3A_331] {strides = array<i32>} : memref<16x1024xf32, #tpu.memory_space<vmem>>, vector<1x16xf32>,
      %get3A_333 = vector.shape_cast %get3A_332 : vector<1x16xf32> to vector<16xf32>
      %add3A_334 = arith.addf %get3A_329, %get3A_333 : vector<16xf32>
      %swap3A_335 = arith.index_cast %scan3A_116 : i32 to index
      %swap3A_336 = arith.constant 240 : index
      %swap3A_337 = tpu.vector_load %arg8[%swap3A_335, %swap3A_336] {strides = array<i32>} : memref<16x1024xf32, #tpu.memory_space<vmem>>, vector<1x16xf32>,
      %swap3A_338 = vector.shape_cast %swap3A_337 : vector<1x16xf32> to vector<16xf32>
      %swap3A_339 = vector.shape_cast %add3A_334 : vector<16xf32> to vector<1x16xf32>
      tpu.vector_store %arg8[%swap3A_335, %swap3A_336], %swap3A_339 {strides = array<i32>} : memref<16x1024xf32, #tpu.memory_space<vmem>>, vector<1x16xf32>,
      %get3A_340 = arith.index_cast %scan3A_116 : i32 to index
      %get3A_341 = arith.constant 256 : index
      %get3A_342 = tpu.vector_load %arg8[%get3A_340, %get3A_341] {strides = array<i32>} : memref<16x1024xf32, #tpu.memory_space<vmem>>, vector<1x16xf32>,
      %get3A_343 = vector.shape_cast %get3A_342 : vector<1x16xf32> to vector<16xf32>
      %get3A_344 = arith.index_cast %scan3A_116 : i32 to index
      %get3A_345 = arith.constant 256 : index
      %get3A_346 = tpu.vector_load %arg9[%get3A_344, %get3A_345] {strides = array<i32>} : memref<16x1024xf32, #tpu.memory_space<vmem>>, vector<1x16xf32>,
      %get3A_347 = vector.shape_cast %get3A_346 : vector<1x16xf32> to vector<16xf32>
      %add3A_348 = arith.addf %get3A_343, %get3A_347 : vector<16xf32>
      %swap3A_349 = arith.index_cast %scan3A_116 : i32 to index
      %swap3A_350 = arith.constant 256 : index
      %swap3A_351 = tpu.vector_load %arg8[%swap3A_349, %swap3A_350] {strides = array<i32>} : memref<16x1024xf32, #tpu.memory_space<vmem>>, vector<1x16xf32>,
      %swap3A_352 = vector.shape_cast %swap3A_351 : vector<1x16xf32> to vector<16xf32>
      %swap3A_353 = vector.shape_cast %add3A_348 : vector<16xf32> to vector<1x16xf32>
      tpu.vector_store %arg8[%swap3A_349, %swap3A_350], %swap3A_353 {strides = array<i32>} : memref<16x1024xf32, #tpu.memory_space<vmem>>, vector<1x16xf32>,
      %get3A_354 = arith.index_cast %scan3A_116 : i32 to index
      %get3A_355 = arith.constant 272 : index
      %get3A_356 = tpu.vector_load %arg8[%get3A_354, %get3A_355] {strides = array<i32>} : memref<16x1024xf32, #tpu.memory_space<vmem>>, vector<1x16xf32>,
      %get3A_357 = vector.shape_cast %get3A_356 : vector<1x16xf32> to vector<16xf32>
      %get3A_358 = arith.index_cast %scan3A_116 : i32 to index
      %get3A_359 = arith.constant 272 : index
      %get3A_360 = tpu.vector_load %arg9[%get3A_358, %get3A_359] {strides = array<i32>} : memref<16x1024xf32, #tpu.memory_space<vmem>>, vector<1x16xf32>,
      %get3A_361 = vector.shape_cast %get3A_360 : vector<1x16xf32> to vector<16xf32>
      %add3A_362 = arith.addf %get3A_357, %get3A_361 : vector<16xf32>
      %swap3A_363 = arith.index_cast %scan3A_116 : i32 to index
      %swap3A_364 = arith.constant 272 : index
      %swap3A_365 = tpu.vector_load %arg8[%swap3A_363, %swap3A_364] {strides = array<i32>} : memref<16x1024xf32, #tpu.memory_space<vmem>>, vector<1x16xf32>,
      %swap3A_366 = vector.shape_cast %swap3A_365 : vector<1x16xf32> to vector<16xf32>
      %swap3A_367 = vector.shape_cast %add3A_362 : vector<16xf32> to vector<1x16xf32>
      tpu.vector_store %arg8[%swap3A_363, %swap3A_364], %swap3A_367 {strides = array<i32>} : memref<16x1024xf32, #tpu.memory_space<vmem>>, vector<1x16xf32>,
      %get3A_368 = arith.index_cast %scan3A_116 : i32 to index
      %get3A_369 = arith.constant 288 : index
      %get3A_370 = tpu.vector_load %arg8[%get3A_368, %get3A_369] {strides = array<i32>} : memref<16x1024xf32, #tpu.memory_space<vmem>>, vector<1x16xf32>,
      %get3A_371 = vector.shape_cast %get3A_370 : vector<1x16xf32> to vector<16xf32>
      %get3A_372 = arith.index_cast %scan3A_116 : i32 to index
      %get3A_373 = arith.constant 288 : index
      %get3A_374 = tpu.vector_load %arg9[%get3A_372, %get3A_373] {strides = array<i32>} : memref<16x1024xf32, #tpu.memory_space<vmem>>, vector<1x16xf32>,
      %get3A_375 = vector.shape_cast %get3A_374 : vector<1x16xf32> to vector<16xf32>
      %add3A_376 = arith.addf %get3A_371, %get3A_375 : vector<16xf32>
      %swap3A_377 = arith.index_cast %scan3A_116 : i32 to index
      %swap3A_378 = arith.constant 288 : index
      %swap3A_379 = tpu.vector_load %arg8[%swap3A_377, %swap3A_378] {strides = array<i32>} : memref<16x1024xf32, #tpu.memory_space<vmem>>, vector<1x16xf32>,
      %swap3A_380 = vector.shape_cast %swap3A_379 : vector<1x16xf32> to vector<16xf32>
      %swap3A_381 = vector.shape_cast %add3A_376 : vector<16xf32> to vector<1x16xf32>
      tpu.vector_store %arg8[%swap3A_377, %swap3A_378], %swap3A_381 {strides = array<i32>} : memref<16x1024xf32, #tpu.memory_space<vmem>>, vector<1x16xf32>,
      %get3A_382 = arith.index_cast %scan3A_116 : i32 to index
      %get3A_383 = arith.constant 304 : index
      %get3A_384 = tpu.vector_load %arg8[%get3A_382, %get3A_383] {strides = array<i32>} : memref<16x1024xf32, #tpu.memory_space<vmem>>, vector<1x16xf32>,
      %get3A_385 = vector.shape_cast %get3A_384 : vector<1x16xf32> to vector<16xf32>
      %get3A_386 = arith.index_cast %scan3A_116 : i32 to index
      %get3A_387 = arith.constant 304 : index
      %get3A_388 = tpu.vector_load %arg9[%get3A_386, %get3A_387] {strides = array<i32>} : memref<16x1024xf32, #tpu.memory_space<vmem>>, vector<1x16xf32>,
      %get3A_389 = vector.shape_cast %get3A_388 : vector<1x16xf32> to vector<16xf32>
      %add3A_390 = arith.addf %get3A_385, %get3A_389 : vector<16xf32>
      %swap3A_391 = arith.index_cast %scan3A_116 : i32 to index
      %swap3A_392 = arith.constant 304 : index
      %swap3A_393 = tpu.vector_load %arg8[%swap3A_391, %swap3A_392] {strides = array<i32>} : memref<16x1024xf32, #tpu.memory_space<vmem>>, vector<1x16xf32>,
      %swap3A_394 = vector.shape_cast %swap3A_393 : vector<1x16xf32> to vector<16xf32>
      %swap3A_395 = vector.shape_cast %add3A_390 : vector<16xf32> to vector<1x16xf32>
      tpu.vector_store %arg8[%swap3A_391, %swap3A_392], %swap3A_395 {strides = array<i32>} : memref<16x1024xf32, #tpu.memory_space<vmem>>, vector<1x16xf32>,
      %get3A_396 = arith.index_cast %scan3A_116 : i32 to index
      %get3A_397 = arith.constant 320 : index
      %get3A_398 = tpu.vector_load %arg8[%get3A_396, %get3A_397] {strides = array<i32>} : memref<16x1024xf32, #tpu.memory_space<vmem>>, vector<1x16xf32>,
      %get3A_399 = vector.shape_cast %get3A_398 : vector<1x16xf32> to vector<16xf32>
      %get3A_400 = arith.index_cast %scan3A_116 : i32 to index
      %get3A_401 = arith.constant 320 : index
      %get3A_402 = tpu.vector_load %arg9[%get3A_400, %get3A_401] {strides = array<i32>} : memref<16x1024xf32, #tpu.memory_space<vmem>>, vector<1x16xf32>,
      %get3A_403 = vector.shape_cast %get3A_402 : vector<1x16xf32> to vector<16xf32>
      %add3A_404 = arith.addf %get3A_399, %get3A_403 : vector<16xf32>
      %swap3A_405 = arith.index_cast %scan3A_116 : i32 to index
      %swap3A_406 = arith.constant 320 : index
      %swap3A_407 = tpu.vector_load %arg8[%swap3A_405, %swap3A_406] {strides = array<i32>} : memref<16x1024xf32, #tpu.memory_space<vmem>>, vector<1x16xf32>,
      %swap3A_408 = vector.shape_cast %swap3A_407 : vector<1x16xf32> to vector<16xf32>
      %swap3A_409 = vector.shape_cast %add3A_404 : vector<16xf32> to vector<1x16xf32>
      tpu.vector_store %arg8[%swap3A_405, %swap3A_406], %swap3A_409 {strides = array<i32>} : memref<16x1024xf32, #tpu.memory_space<vmem>>, vector<1x16xf32>,
      %get3A_410 = arith.index_cast %scan3A_116 : i32 to index
      %get3A_411 = arith.constant 336 : index
      %get3A_412 = tpu.vector_load %arg8[%get3A_410, %get3A_411] {strides = array<i32>} : memref<16x1024xf32, #tpu.memory_space<vmem>>, vector<1x16xf32>,
      %get3A_413 = vector.shape_cast %get3A_412 : vector<1x16xf32> to vector<16xf32>
      %get3A_414 = arith.index_cast %scan3A_116 : i32 to index
      %get3A_415 = arith.constant 336 : index
      %get3A_416 = tpu.vector_load %arg9[%get3A_414, %get3A_415] {strides = array<i32>} : memref<16x1024xf32, #tpu.memory_space<vmem>>, vector<1x16xf32>,
      %get3A_417 = vector.shape_cast %get3A_416 : vector<1x16xf32> to vector<16xf32>
      %add3A_418 = arith.addf %get3A_413, %get3A_417 : vector<16xf32>
      %swap3A_419 = arith.index_cast %scan3A_116 : i32 to index
      %swap3A_420 = arith.constant 336 : index
      %swap3A_421 = tpu.vector_load %arg8[%swap3A_419, %swap3A_420] {strides = array<i32>} : memref<16x1024xf32, #tpu.memory_space<vmem>>, vector<1x16xf32>,
      %swap3A_422 = vector.shape_cast %swap3A_421 : vector<1x16xf32> to vector<16xf32>
      %swap3A_423 = vector.shape_cast %add3A_418 : vector<16xf32> to vector<1x16xf32>
      tpu.vector_store %arg8[%swap3A_419, %swap3A_420], %swap3A_423 {strides = array<i32>} : memref<16x1024xf32, #tpu.memory_space<vmem>>, vector<1x16xf32>,
      %get3A_424 = arith.index_cast %scan3A_116 : i32 to index
      %get3A_425 = arith.constant 352 : index
      %get3A_426 = tpu.vector_load %arg8[%get3A_424, %get3A_425] {strides = array<i32>} : memref<16x1024xf32, #tpu.memory_space<vmem>>, vector<1x16xf32>,
      %get3A_427 = vector.shape_cast %get3A_426 : vector<1x16xf32> to vector<16xf32>
      %get3A_428 = arith.index_cast %scan3A_116 : i32 to index
      %get3A_429 = arith.constant 352 : index
      %get3A_430 = tpu.vector_load %arg9[%get3A_428, %get3A_429] {strides = array<i32>} : memref<16x1024xf32, #tpu.memory_space<vmem>>, vector<1x16xf32>,
      %get3A_431 = vector.shape_cast %get3A_430 : vector<1x16xf32> to vector<16xf32>
      %add3A_432 = arith.addf %get3A_427, %get3A_431 : vector<16xf32>
      %swap3A_433 = arith.index_cast %scan3A_116 : i32 to index
      %swap3A_434 = arith.constant 352 : index
      %swap3A_435 = tpu.vector_load %arg8[%swap3A_433, %swap3A_434] {strides = array<i32>} : memref<16x1024xf32, #tpu.memory_space<vmem>>, vector<1x16xf32>,
      %swap3A_436 = vector.shape_cast %swap3A_435 : vector<1x16xf32> to vector<16xf32>
      %swap3A_437 = vector.shape_cast %add3A_432 : vector<16xf32> to vector<1x16xf32>
      tpu.vector_store %arg8[%swap3A_433, %swap3A_434], %swap3A_437 {strides = array<i32>} : memref<16x1024xf32, #tpu.memory_space<vmem>>, vector<1x16xf32>,
      %get3A_438 = arith.index_cast %scan3A_116 : i32 to index
      %get3A_439 = arith.constant 368 : index
      %get3A_440 = tpu.vector_load %arg8[%get3A_438, %get3A_439] {strides = array<i32>} : memref<16x1024xf32, #tpu.memory_space<vmem>>, vector<1x16xf32>,
      %get3A_441 = vector.shape_cast %get3A_440 : vector<1x16xf32> to vector<16xf32>
      %get3A_442 = arith.index_cast %scan3A_116 : i32 to index
      %get3A_443 = arith.constant 368 : index
      %get3A_444 = tpu.vector_load %arg9[%get3A_442, %get3A_443] {strides = array<i32>} : memref<16x1024xf32, #tpu.memory_space<vmem>>, vector<1x16xf32>,
      %get3A_445 = vector.shape_cast %get3A_444 : vector<1x16xf32> to vector<16xf32>
      %add3A_446 = arith.addf %get3A_441, %get3A_445 : vector<16xf32>
      %swap3A_447 = arith.index_cast %scan3A_116 : i32 to index
      %swap3A_448 = arith.constant 368 : index
      %swap3A_449 = tpu.vector_load %arg8[%swap3A_447, %swap3A_448] {strides = array<i32>} : memref<16x1024xf32, #tpu.memory_space<vmem>>, vector<1x16xf32>,
      %swap3A_450 = vector.shape_cast %swap3A_449 : vector<1x16xf32> to vector<16xf32>
      %swap3A_451 = vector.shape_cast %add3A_446 : vector<16xf32> to vector<1x16xf32>
      tpu.vector_store %arg8[%swap3A_447, %swap3A_448], %swap3A_451 {strides = array<i32>} : memref<16x1024xf32, #tpu.memory_space<vmem>>, vector<1x16xf32>,
      %get3A_452 = arith.index_cast %scan3A_116 : i32 to index
      %get3A_453 = arith.constant 384 : index
      %get3A_454 = tpu.vector_load %arg8[%get3A_452, %get3A_453] {strides = array<i32>} : memref<16x1024xf32, #tpu.memory_space<vmem>>, vector<1x16xf32>,
      %get3A_455 = vector.shape_cast %get3A_454 : vector<1x16xf32> to vector<16xf32>
      %get3A_456 = arith.index_cast %scan3A_116 : i32 to index
      %get3A_457 = arith.constant 384 : index
      %get3A_458 = tpu.vector_load %arg9[%get3A_456, %get3A_457] {strides = array<i32>} : memref<16x1024xf32, #tpu.memory_space<vmem>>, vector<1x16xf32>,
      %get3A_459 = vector.shape_cast %get3A_458 : vector<1x16xf32> to vector<16xf32>
      %add3A_460 = arith.addf %get3A_455, %get3A_459 : vector<16xf32>
      %swap3A_461 = arith.index_cast %scan3A_116 : i32 to index
      %swap3A_462 = arith.constant 384 : index
      %swap3A_463 = tpu.vector_load %arg8[%swap3A_461, %swap3A_462] {strides = array<i32>} : memref<16x1024xf32, #tpu.memory_space<vmem>>, vector<1x16xf32>,
      %swap3A_464 = vector.shape_cast %swap3A_463 : vector<1x16xf32> to vector<16xf32>
      %swap3A_465 = vector.shape_cast %add3A_460 : vector<16xf32> to vector<1x16xf32>
      tpu.vector_store %arg8[%swap3A_461, %swap3A_462], %swap3A_465 {strides = array<i32>} : memref<16x1024xf32, #tpu.memory_space<vmem>>, vector<1x16xf32>,
      %get3A_466 = arith.index_cast %scan3A_116 : i32 to index
      %get3A_467 = arith.constant 400 : index
      %get3A_468 = tpu.vector_load %arg8[%get3A_466, %get3A_467] {strides = array<i32>} : memref<16x1024xf32, #tpu.memory_space<vmem>>, vector<1x16xf32>,
      %get3A_469 = vector.shape_cast %get3A_468 : vector<1x16xf32> to vector<16xf32>
      %get3A_470 = arith.index_cast %scan3A_116 : i32 to index
      %get3A_471 = arith.constant 400 : index
      %get3A_472 = tpu.vector_load %arg9[%get3A_470, %get3A_471] {strides = array<i32>} : memref<16x1024xf32, #tpu.memory_space<vmem>>, vector<1x16xf32>,
      %get3A_473 = vector.shape_cast %get3A_472 : vector<1x16xf32> to vector<16xf32>
      %add3A_474 = arith.addf %get3A_469, %get3A_473 : vector<16xf32>
      %swap3A_475 = arith.index_cast %scan3A_116 : i32 to index
      %swap3A_476 = arith.constant 400 : index
      %swap3A_477 = tpu.vector_load %arg8[%swap3A_475, %swap3A_476] {strides = array<i32>} : memref<16x1024xf32, #tpu.memory_space<vmem>>, vector<1x16xf32>,
      %swap3A_478 = vector.shape_cast %swap3A_477 : vector<1x16xf32> to vector<16xf32>
      %swap3A_479 = vector.shape_cast %add3A_474 : vector<16xf32> to vector<1x16xf32>
      tpu.vector_store %arg8[%swap3A_475, %swap3A_476], %swap3A_479 {strides = array<i32>} : memref<16x1024xf32, #tpu.memory_space<vmem>>, vector<1x16xf32>,
      %get3A_480 = arith.index_cast %scan3A_116 : i32 to index
      %get3A_481 = arith.constant 416 : index
      %get3A_482 = tpu.vector_load %arg8[%get3A_480, %get3A_481] {strides = array<i32>} : memref<16x1024xf32, #tpu.memory_space<vmem>>, vector<1x16xf32>,
      %get3A_483 = vector.shape_cast %get3A_482 : vector<1x16xf32> to vector<16xf32>
      %get3A_484 = arith.index_cast %scan3A_116 : i32 to index
      %get3A_485 = arith.constant 416 : index
      %get3A_486 = tpu.vector_load %arg9[%get3A_484, %get3A_485] {strides = array<i32>} : memref<16x1024xf32, #tpu.memory_space<vmem>>, vector<1x16xf32>,
      %get3A_487 = vector.shape_cast %get3A_486 : vector<1x16xf32> to vector<16xf32>
      %add3A_488 = arith.addf %get3A_483, %get3A_487 : vector<16xf32>
      %swap3A_489 = arith.index_cast %scan3A_116 : i32 to index
      %swap3A_490 = arith.constant 416 : index
      %swap3A_491 = tpu.vector_load %arg8[%swap3A_489, %swap3A_490] {strides = array<i32>} : memref<16x1024xf32, #tpu.memory_space<vmem>>, vector<1x16xf32>,
      %swap3A_492 = vector.shape_cast %swap3A_491 : vector<1x16xf32> to vector<16xf32>
      %swap3A_493 = vector.shape_cast %add3A_488 : vector<16xf32> to vector<1x16xf32>
      tpu.vector_store %arg8[%swap3A_489, %swap3A_490], %swap3A_493 {strides = array<i32>} : memref<16x1024xf32, #tpu.memory_space<vmem>>, vector<1x16xf32>,
      %get3A_494 = arith.index_cast %scan3A_116 : i32 to index
      %get3A_495 = arith.constant 432 : index
      %get3A_496 = tpu.vector_load %arg8[%get3A_494, %get3A_495] {strides = array<i32>} : memref<16x1024xf32, #tpu.memory_space<vmem>>, vector<1x16xf32>,
      %get3A_497 = vector.shape_cast %get3A_496 : vector<1x16xf32> to vector<16xf32>
      %get3A_498 = arith.index_cast %scan3A_116 : i32 to index
      %get3A_499 = arith.constant 432 : index
      %get3A_500 = tpu.vector_load %arg9[%get3A_498, %get3A_499] {strides = array<i32>} : memref<16x1024xf32, #tpu.memory_space<vmem>>, vector<1x16xf32>,
      %get3A_501 = vector.shape_cast %get3A_500 : vector<1x16xf32> to vector<16xf32>
      %add3A_502 = arith.addf %get3A_497, %get3A_501 : vector<16xf32>
      %swap3A_503 = arith.index_cast %scan3A_116 : i32 to index
      %swap3A_504 = arith.constant 432 : index
      %swap3A_505 = tpu.vector_load %arg8[%swap3A_503, %swap3A_504] {strides = array<i32>} : memref<16x1024xf32, #tpu.memory_space<vmem>>, vector<1x16xf32>,
      %swap3A_506 = vector.shape_cast %swap3A_505 : vector<1x16xf32> to vector<16xf32>
      %swap3A_507 = vector.shape_cast %add3A_502 : vector<16xf32> to vector<1x16xf32>
      tpu.vector_store %arg8[%swap3A_503, %swap3A_504], %swap3A_507 {strides = array<i32>} : memref<16x1024xf32, #tpu.memory_space<vmem>>, vector<1x16xf32>,
      %get3A_508 = arith.index_cast %scan3A_116 : i32 to index
      %get3A_509 = arith.constant 448 : index
      %get3A_510 = tpu.vector_load %arg8[%get3A_508, %get3A_509] {strides = array<i32>} : memref<16x1024xf32, #tpu.memory_space<vmem>>, vector<1x16xf32>,
      %get3A_511 = vector.shape_cast %get3A_510 : vector<1x16xf32> to vector<16xf32>
      %get3A_512 = arith.index_cast %scan3A_116 : i32 to index
      %get3A_513 = arith.constant 448 : index
      %get3A_514 = tpu.vector_load %arg9[%get3A_512, %get3A_513] {strides = array<i32>} : memref<16x1024xf32, #tpu.memory_space<vmem>>, vector<1x16xf32>,
      %get3A_515 = vector.shape_cast %get3A_514 : vector<1x16xf32> to vector<16xf32>
      %add3A_516 = arith.addf %get3A_511, %get3A_515 : vector<16xf32>
      %swap3A_517 = arith.index_cast %scan3A_116 : i32 to index
      %swap3A_518 = arith.constant 448 : index
      %swap3A_519 = tpu.vector_load %arg8[%swap3A_517, %swap3A_518] {strides = array<i32>} : memref<16x1024xf32, #tpu.memory_space<vmem>>, vector<1x16xf32>,
      %swap3A_520 = vector.shape_cast %swap3A_519 : vector<1x16xf32> to vector<16xf32>
      %swap3A_521 = vector.shape_cast %add3A_516 : vector<16xf32> to vector<1x16xf32>
      tpu.vector_store %arg8[%swap3A_517, %swap3A_518], %swap3A_521 {strides = array<i32>} : memref<16x1024xf32, #tpu.memory_space<vmem>>, vector<1x16xf32>,
      %get3A_522 = arith.index_cast %scan3A_116 : i32 to index
      %get3A_523 = arith.constant 464 : index
      %get3A_524 = tpu.vector_load %arg8[%get3A_522, %get3A_523] {strides = array<i32>} : memref<16x1024xf32, #tpu.memory_space<vmem>>, vector<1x16xf32>,
      %get3A_525 = vector.shape_cast %get3A_524 : vector<1x16xf32> to vector<16xf32>
      %get3A_526 = arith.index_cast %scan3A_116 : i32 to index
      %get3A_527 = arith.constant 464 : index
      %get3A_528 = tpu.vector_load %arg9[%get3A_526, %get3A_527] {strides = array<i32>} : memref<16x1024xf32, #tpu.memory_space<vmem>>, vector<1x16xf32>,
      %get3A_529 = vector.shape_cast %get3A_528 : vector<1x16xf32> to vector<16xf32>
      %add3A_530 = arith.addf %get3A_525, %get3A_529 : vector<16xf32>
      %swap3A_531 = arith.index_cast %scan3A_116 : i32 to index
      %swap3A_532 = arith.constant 464 : index
      %swap3A_533 = tpu.vector_load %arg8[%swap3A_531, %swap3A_532] {strides = array<i32>} : memref<16x1024xf32, #tpu.memory_space<vmem>>, vector<1x16xf32>,
      %swap3A_534 = vector.shape_cast %swap3A_533 : vector<1x16xf32> to vector<16xf32>
      %swap3A_535 = vector.shape_cast %add3A_530 : vector<16xf32> to vector<1x16xf32>
      tpu.vector_store %arg8[%swap3A_531, %swap3A_532], %swap3A_535 {strides = array<i32>} : memref<16x1024xf32, #tpu.memory_space<vmem>>, vector<1x16xf32>,
      %get3A_536 = arith.index_cast %scan3A_116 : i32 to index
      %get3A_537 = arith.constant 480 : index
      %get3A_538 = tpu.vector_load %arg8[%get3A_536, %get3A_537] {strides = array<i32>} : memref<16x1024xf32, #tpu.memory_space<vmem>>, vector<1x16xf32>,
      %get3A_539 = vector.shape_cast %get3A_538 : vector<1x16xf32> to vector<16xf32>
      %get3A_540 = arith.index_cast %scan3A_116 : i32 to index
      %get3A_541 = arith.constant 480 : index
      %get3A_542 = tpu.vector_load %arg9[%get3A_540, %get3A_541] {strides = array<i32>} : memref<16x1024xf32, #tpu.memory_space<vmem>>, vector<1x16xf32>,
      %get3A_543 = vector.shape_cast %get3A_542 : vector<1x16xf32> to vector<16xf32>
      %add3A_544 = arith.addf %get3A_539, %get3A_543 : vector<16xf32>
      %swap3A_545 = arith.index_cast %scan3A_116 : i32 to index
      %swap3A_546 = arith.constant 480 : index
      %swap3A_547 = tpu.vector_load %arg8[%swap3A_545, %swap3A_546] {strides = array<i32>} : memref<16x1024xf32, #tpu.memory_space<vmem>>, vector<1x16xf32>,
      %swap3A_548 = vector.shape_cast %swap3A_547 : vector<1x16xf32> to vector<16xf32>
      %swap3A_549 = vector.shape_cast %add3A_544 : vector<16xf32> to vector<1x16xf32>
      tpu.vector_store %arg8[%swap3A_545, %swap3A_546], %swap3A_549 {strides = array<i32>} : memref<16x1024xf32, #tpu.memory_space<vmem>>, vector<1x16xf32>,
      %get3A_550 = arith.index_cast %scan3A_116 : i32 to index
      %get3A_551 = arith.constant 496 : index
      %get3A_552 = tpu.vector_load %arg8[%get3A_550, %get3A_551] {strides = array<i32>} : memref<16x1024xf32, #tpu.memory_space<vmem>>, vector<1x16xf32>,
      %get3A_553 = vector.shape_cast %get3A_552 : vector<1x16xf32> to vector<16xf32>
      %get3A_554 = arith.index_cast %scan3A_116 : i32 to index
      %get3A_555 = arith.constant 496 : index
      %get3A_556 = tpu.vector_load %arg9[%get3A_554, %get3A_555] {strides = array<i32>} : memref<16x1024xf32, #tpu.memory_space<vmem>>, vector<1x16xf32>,
      %get3A_557 = vector.shape_cast %get3A_556 : vector<1x16xf32> to vector<16xf32>
      %add3A_558 = arith.addf %get3A_553, %get3A_557 : vector<16xf32>
      %swap3A_559 = arith.index_cast %scan3A_116 : i32 to index
      %swap3A_560 = arith.constant 496 : index
      %swap3A_561 = tpu.vector_load %arg8[%swap3A_559, %swap3A_560] {strides = array<i32>} : memref<16x1024xf32, #tpu.memory_space<vmem>>, vector<1x16xf32>,
      %swap3A_562 = vector.shape_cast %swap3A_561 : vector<1x16xf32> to vector<16xf32>
      %swap3A_563 = vector.shape_cast %add3A_558 : vector<16xf32> to vector<1x16xf32>
      tpu.vector_store %arg8[%swap3A_559, %swap3A_560], %swap3A_563 {strides = array<i32>} : memref<16x1024xf32, #tpu.memory_space<vmem>>, vector<1x16xf32>,
      %get3A_564 = arith.index_cast %scan3A_116 : i32 to index
      %get3A_565 = arith.constant 512 : index
      %get3A_566 = tpu.vector_load %arg8[%get3A_564, %get3A_565] {strides = array<i32>} : memref<16x1024xf32, #tpu.memory_space<vmem>>, vector<1x16xf32>,
      %get3A_567 = vector.shape_cast %get3A_566 : vector<1x16xf32> to vector<16xf32>
      %get3A_568 = arith.index_cast %scan3A_116 : i32 to index
      %get3A_569 = arith.constant 512 : index
      %get3A_570 = tpu.vector_load %arg9[%get3A_568, %get3A_569] {strides = array<i32>} : memref<16x1024xf32, #tpu.memory_space<vmem>>, vector<1x16xf32>,
      %get3A_571 = vector.shape_cast %get3A_570 : vector<1x16xf32> to vector<16xf32>
      %add3A_572 = arith.addf %get3A_567, %get3A_571 : vector<16xf32>
      %swap3A_573 = arith.index_cast %scan3A_116 : i32 to index
      %swap3A_574 = arith.constant 512 : index
      %swap3A_575 = tpu.vector_load %arg8[%swap3A_573, %swap3A_574] {strides = array<i32>} : memref<16x1024xf32, #tpu.memory_space<vmem>>, vector<1x16xf32>,
      %swap3A_576 = vector.shape_cast %swap3A_575 : vector<1x16xf32> to vector<16xf32>
      %swap3A_577 = vector.shape_cast %add3A_572 : vector<16xf32> to vector<1x16xf32>
      tpu.vector_store %arg8[%swap3A_573, %swap3A_574], %swap3A_577 {strides = array<i32>} : memref<16x1024xf32, #tpu.memory_space<vmem>>, vector<1x16xf32>,
      %get3A_578 = arith.index_cast %scan3A_116 : i32 to index
      %get3A_579 = arith.constant 528 : index
      %get3A_580 = tpu.vector_load %arg8[%get3A_578, %get3A_579] {strides = array<i32>} : memref<16x1024xf32, #tpu.memory_space<vmem>>, vector<1x16xf32>,
      %get3A_581 = vector.shape_cast %get3A_580 : vector<1x16xf32> to vector<16xf32>
      %get3A_582 = arith.index_cast %scan3A_116 : i32 to index
      %get3A_583 = arith.constant 528 : index
      %get3A_584 = tpu.vector_load %arg9[%get3A_582, %get3A_583] {strides = array<i32>} : memref<16x1024xf32, #tpu.memory_space<vmem>>, vector<1x16xf32>,
      %get3A_585 = vector.shape_cast %get3A_584 : vector<1x16xf32> to vector<16xf32>
      %add3A_586 = arith.addf %get3A_581, %get3A_585 : vector<16xf32>
      %swap3A_587 = arith.index_cast %scan3A_116 : i32 to index
      %swap3A_588 = arith.constant 528 : index
      %swap3A_589 = tpu.vector_load %arg8[%swap3A_587, %swap3A_588] {strides = array<i32>} : memref<16x1024xf32, #tpu.memory_space<vmem>>, vector<1x16xf32>,
      %swap3A_590 = vector.shape_cast %swap3A_589 : vector<1x16xf32> to vector<16xf32>
      %swap3A_591 = vector.shape_cast %add3A_586 : vector<16xf32> to vector<1x16xf32>
      tpu.vector_store %arg8[%swap3A_587, %swap3A_588], %swap3A_591 {strides = array<i32>} : memref<16x1024xf32, #tpu.memory_space<vmem>>, vector<1x16xf32>,
      %get3A_592 = arith.index_cast %scan3A_116 : i32 to index
      %get3A_593 = arith.constant 544 : index
      %get3A_594 = tpu.vector_load %arg8[%get3A_592, %get3A_593] {strides = array<i32>} : memref<16x1024xf32, #tpu.memory_space<vmem>>, vector<1x16xf32>,
      %get3A_595 = vector.shape_cast %get3A_594 : vector<1x16xf32> to vector<16xf32>
      %get3A_596 = arith.index_cast %scan3A_116 : i32 to index
      %get3A_597 = arith.constant 544 : index
      %get3A_598 = tpu.vector_load %arg9[%get3A_596, %get3A_597] {strides = array<i32>} : memref<16x1024xf32, #tpu.memory_space<vmem>>, vector<1x16xf32>,
      %get3A_599 = vector.shape_cast %get3A_598 : vector<1x16xf32> to vector<16xf32>
      %add3A_600 = arith.addf %get3A_595, %get3A_599 : vector<16xf32>
      %swap3A_601 = arith.index_cast %scan3A_116 : i32 to index
      %swap3A_602 = arith.constant 544 : index
      %swap3A_603 = tpu.vector_load %arg8[%swap3A_601, %swap3A_602] {strides = array<i32>} : memref<16x1024xf32, #tpu.memory_space<vmem>>, vector<1x16xf32>,
      %swap3A_604 = vector.shape_cast %swap3A_603 : vector<1x16xf32> to vector<16xf32>
      %swap3A_605 = vector.shape_cast %add3A_600 : vector<16xf32> to vector<1x16xf32>
      tpu.vector_store %arg8[%swap3A_601, %swap3A_602], %swap3A_605 {strides = array<i32>} : memref<16x1024xf32, #tpu.memory_space<vmem>>, vector<1x16xf32>,
      %get3A_606 = arith.index_cast %scan3A_116 : i32 to index
      %get3A_607 = arith.constant 560 : index
      %get3A_608 = tpu.vector_load %arg8[%get3A_606, %get3A_607] {strides = array<i32>} : memref<16x1024xf32, #tpu.memory_space<vmem>>, vector<1x16xf32>,
      %get3A_609 = vector.shape_cast %get3A_608 : vector<1x16xf32> to vector<16xf32>
      %get3A_610 = arith.index_cast %scan3A_116 : i32 to index
      %get3A_611 = arith.constant 560 : index
      %get3A_612 = tpu.vector_load %arg9[%get3A_610, %get3A_611] {strides = array<i32>} : memref<16x1024xf32, #tpu.memory_space<vmem>>, vector<1x16xf32>,
      %get3A_613 = vector.shape_cast %get3A_612 : vector<1x16xf32> to vector<16xf32>
      %add3A_614 = arith.addf %get3A_609, %get3A_613 : vector<16xf32>
      %swap3A_615 = arith.index_cast %scan3A_116 : i32 to index
      %swap3A_616 = arith.constant 560 : index
      %swap3A_617 = tpu.vector_load %arg8[%swap3A_615, %swap3A_616] {strides = array<i32>} : memref<16x1024xf32, #tpu.memory_space<vmem>>, vector<1x16xf32>,
      %swap3A_618 = vector.shape_cast %swap3A_617 : vector<1x16xf32> to vector<16xf32>
      %swap3A_619 = vector.shape_cast %add3A_614 : vector<16xf32> to vector<1x16xf32>
      tpu.vector_store %arg8[%swap3A_615, %swap3A_616], %swap3A_619 {strides = array<i32>} : memref<16x1024xf32, #tpu.memory_space<vmem>>, vector<1x16xf32>,
      %get3A_620 = arith.index_cast %scan3A_116 : i32 to index
      %get3A_621 = arith.constant 576 : index
      %get3A_622 = tpu.vector_load %arg8[%get3A_620, %get3A_621] {strides = array<i32>} : memref<16x1024xf32, #tpu.memory_space<vmem>>, vector<1x16xf32>,
      %get3A_623 = vector.shape_cast %get3A_622 : vector<1x16xf32> to vector<16xf32>
      %get3A_624 = arith.index_cast %scan3A_116 : i32 to index
      %get3A_625 = arith.constant 576 : index
      %get3A_626 = tpu.vector_load %arg9[%get3A_624, %get3A_625] {strides = array<i32>} : memref<16x1024xf32, #tpu.memory_space<vmem>>, vector<1x16xf32>,
      %get3A_627 = vector.shape_cast %get3A_626 : vector<1x16xf32> to vector<16xf32>
      %add3A_628 = arith.addf %get3A_623, %get3A_627 : vector<16xf32>
      %swap3A_629 = arith.index_cast %scan3A_116 : i32 to index
      %swap3A_630 = arith.constant 576 : index
      %swap3A_631 = tpu.vector_load %arg8[%swap3A_629, %swap3A_630] {strides = array<i32>} : memref<16x1024xf32, #tpu.memory_space<vmem>>, vector<1x16xf32>,
      %swap3A_632 = vector.shape_cast %swap3A_631 : vector<1x16xf32> to vector<16xf32>
      %swap3A_633 = vector.shape_cast %add3A_628 : vector<16xf32> to vector<1x16xf32>
      tpu.vector_store %arg8[%swap3A_629, %swap3A_630], %swap3A_633 {strides = array<i32>} : memref<16x1024xf32, #tpu.memory_space<vmem>>, vector<1x16xf32>,
      %get3A_634 = arith.index_cast %scan3A_116 : i32 to index
      %get3A_635 = arith.constant 592 : index
      %get3A_636 = tpu.vector_load %arg8[%get3A_634, %get3A_635] {strides = array<i32>} : memref<16x1024xf32, #tpu.memory_space<vmem>>, vector<1x16xf32>,
      %get3A_637 = vector.shape_cast %get3A_636 : vector<1x16xf32> to vector<16xf32>
      %get3A_638 = arith.index_cast %scan3A_116 : i32 to index
      %get3A_639 = arith.constant 592 : index
      %get3A_640 = tpu.vector_load %arg9[%get3A_638, %get3A_639] {strides = array<i32>} : memref<16x1024xf32, #tpu.memory_space<vmem>>, vector<1x16xf32>,
      %get3A_641 = vector.shape_cast %get3A_640 : vector<1x16xf32> to vector<16xf32>
      %add3A_642 = arith.addf %get3A_637, %get3A_641 : vector<16xf32>
      %swap3A_643 = arith.index_cast %scan3A_116 : i32 to index
      %swap3A_644 = arith.constant 592 : index
      %swap3A_645 = tpu.vector_load %arg8[%swap3A_643, %swap3A_644] {strides = array<i32>} : memref<16x1024xf32, #tpu.memory_space<vmem>>, vector<1x16xf32>,
      %swap3A_646 = vector.shape_cast %swap3A_645 : vector<1x16xf32> to vector<16xf32>
      %swap3A_647 = vector.shape_cast %add3A_642 : vector<16xf32> to vector<1x16xf32>
      tpu.vector_store %arg8[%swap3A_643, %swap3A_644], %swap3A_647 {strides = array<i32>} : memref<16x1024xf32, #tpu.memory_space<vmem>>, vector<1x16xf32>,
      %get3A_648 = arith.index_cast %scan3A_116 : i32 to index
      %get3A_649 = arith.constant 608 : index
      %get3A_650 = tpu.vector_load %arg8[%get3A_648, %get3A_649] {strides = array<i32>} : memref<16x1024xf32, #tpu.memory_space<vmem>>, vector<1x16xf32>,
      %get3A_651 = vector.shape_cast %get3A_650 : vector<1x16xf32> to vector<16xf32>
      %get3A_652 = arith.index_cast %scan3A_116 : i32 to index
      %get3A_653 = arith.constant 608 : index
      %get3A_654 = tpu.vector_load %arg9[%get3A_652, %get3A_653] {strides = array<i32>} : memref<16x1024xf32, #tpu.memory_space<vmem>>, vector<1x16xf32>,
      %get3A_655 = vector.shape_cast %get3A_654 : vector<1x16xf32> to vector<16xf32>
      %add3A_656 = arith.addf %get3A_651, %get3A_655 : vector<16xf32>
      %swap3A_657 = arith.index_cast %scan3A_116 : i32 to index
      %swap3A_658 = arith.constant 608 : index
      %swap3A_659 = tpu.vector_load %arg8[%swap3A_657, %swap3A_658] {strides = array<i32>} : memref<16x1024xf32, #tpu.memory_space<vmem>>, vector<1x16xf32>,
      %swap3A_660 = vector.shape_cast %swap3A_659 : vector<1x16xf32> to vector<16xf32>
      %swap3A_661 = vector.shape_cast %add3A_656 : vector<16xf32> to vector<1x16xf32>
      tpu.vector_store %arg8[%swap3A_657, %swap3A_658], %swap3A_661 {strides = array<i32>} : memref<16x1024xf32, #tpu.memory_space<vmem>>, vector<1x16xf32>,
      %get3A_662 = arith.index_cast %scan3A_116 : i32 to index
      %get3A_663 = arith.constant 624 : index
      %get3A_664 = tpu.vector_load %arg8[%get3A_662, %get3A_663] {strides = array<i32>} : memref<16x1024xf32, #tpu.memory_space<vmem>>, vector<1x16xf32>,
      %get3A_665 = vector.shape_cast %get3A_664 : vector<1x16xf32> to vector<16xf32>
      %get3A_666 = arith.index_cast %scan3A_116 : i32 to index
      %get3A_667 = arith.constant 624 : index
      %get3A_668 = tpu.vector_load %arg9[%get3A_666, %get3A_667] {strides = array<i32>} : memref<16x1024xf32, #tpu.memory_space<vmem>>, vector<1x16xf32>,
      %get3A_669 = vector.shape_cast %get3A_668 : vector<1x16xf32> to vector<16xf32>
      %add3A_670 = arith.addf %get3A_665, %get3A_669 : vector<16xf32>
      %swap3A_671 = arith.index_cast %scan3A_116 : i32 to index
      %swap3A_672 = arith.constant 624 : index
      %swap3A_673 = tpu.vector_load %arg8[%swap3A_671, %swap3A_672] {strides = array<i32>} : memref<16x1024xf32, #tpu.memory_space<vmem>>, vector<1x16xf32>,
      %swap3A_674 = vector.shape_cast %swap3A_673 : vector<1x16xf32> to vector<16xf32>
      %swap3A_675 = vector.shape_cast %add3A_670 : vector<16xf32> to vector<1x16xf32>
      tpu.vector_store %arg8[%swap3A_671, %swap3A_672], %swap3A_675 {strides = array<i32>} : memref<16x1024xf32, #tpu.memory_space<vmem>>, vector<1x16xf32>,
      %get3A_676 = arith.index_cast %scan3A_116 : i32 to index
      %get3A_677 = arith.constant 640 : index
      %get3A_678 = tpu.vector_load %arg8[%get3A_676, %get3A_677] {strides = array<i32>} : memref<16x1024xf32, #tpu.memory_space<vmem>>, vector<1x16xf32>,
      %get3A_679 = vector.shape_cast %get3A_678 : vector<1x16xf32> to vector<16xf32>
      %get3A_680 = arith.index_cast %scan3A_116 : i32 to index
      %get3A_681 = arith.constant 640 : index
      %get3A_682 = tpu.vector_load %arg9[%get3A_680, %get3A_681] {strides = array<i32>} : memref<16x1024xf32, #tpu.memory_space<vmem>>, vector<1x16xf32>,
      %get3A_683 = vector.shape_cast %get3A_682 : vector<1x16xf32> to vector<16xf32>
      %add3A_684 = arith.addf %get3A_679, %get3A_683 : vector<16xf32>
      %swap3A_685 = arith.index_cast %scan3A_116 : i32 to index
      %swap3A_686 = arith.constant 640 : index
      %swap3A_687 = tpu.vector_load %arg8[%swap3A_685, %swap3A_686] {strides = array<i32>} : memref<16x1024xf32, #tpu.memory_space<vmem>>, vector<1x16xf32>,
      %swap3A_688 = vector.shape_cast %swap3A_687 : vector<1x16xf32> to vector<16xf32>
      %swap3A_689 = vector.shape_cast %add3A_684 : vector<16xf32> to vector<1x16xf32>
      tpu.vector_store %arg8[%swap3A_685, %swap3A_686], %swap3A_689 {strides = array<i32>} : memref<16x1024xf32, #tpu.memory_space<vmem>>, vector<1x16xf32>,
      %get3A_690 = arith.index_cast %scan3A_116 : i32 to index
      %get3A_691 = arith.constant 656 : index
      %get3A_692 = tpu.vector_load %arg8[%get3A_690, %get3A_691] {strides = array<i32>} : memref<16x1024xf32, #tpu.memory_space<vmem>>, vector<1x16xf32>,
      %get3A_693 = vector.shape_cast %get3A_692 : vector<1x16xf32> to vector<16xf32>
      %get3A_694 = arith.index_cast %scan3A_116 : i32 to index
      %get3A_695 = arith.constant 656 : index
      %get3A_696 = tpu.vector_load %arg9[%get3A_694, %get3A_695] {strides = array<i32>} : memref<16x1024xf32, #tpu.memory_space<vmem>>, vector<1x16xf32>,
      %get3A_697 = vector.shape_cast %get3A_696 : vector<1x16xf32> to vector<16xf32>
      %add3A_698 = arith.addf %get3A_693, %get3A_697 : vector<16xf32>
      %swap3A_699 = arith.index_cast %scan3A_116 : i32 to index
      %swap3A_700 = arith.constant 656 : index
      %swap3A_701 = tpu.vector_load %arg8[%swap3A_699, %swap3A_700] {strides = array<i32>} : memref<16x1024xf32, #tpu.memory_space<vmem>>, vector<1x16xf32>,
      %swap3A_702 = vector.shape_cast %swap3A_701 : vector<1x16xf32> to vector<16xf32>
      %swap3A_703 = vector.shape_cast %add3A_698 : vector<16xf32> to vector<1x16xf32>
      tpu.vector_store %arg8[%swap3A_699, %swap3A_700], %swap3A_703 {strides = array<i32>} : memref<16x1024xf32, #tpu.memory_space<vmem>>, vector<1x16xf32>,
      %get3A_704 = arith.index_cast %scan3A_116 : i32 to index
      %get3A_705 = arith.constant 672 : index
      %get3A_706 = tpu.vector_load %arg8[%get3A_704, %get3A_705] {strides = array<i32>} : memref<16x1024xf32, #tpu.memory_space<vmem>>, vector<1x16xf32>,
      %get3A_707 = vector.shape_cast %get3A_706 : vector<1x16xf32> to vector<16xf32>
      %get3A_708 = arith.index_cast %scan3A_116 : i32 to index
      %get3A_709 = arith.constant 672 : index
      %get3A_710 = tpu.vector_load %arg9[%get3A_708, %get3A_709] {strides = array<i32>} : memref<16x1024xf32, #tpu.memory_space<vmem>>, vector<1x16xf32>,
      %get3A_711 = vector.shape_cast %get3A_710 : vector<1x16xf32> to vector<16xf32>
      %add3A_712 = arith.addf %get3A_707, %get3A_711 : vector<16xf32>
      %swap3A_713 = arith.index_cast %scan3A_116 : i32 to index
      %swap3A_714 = arith.constant 672 : index
      %swap3A_715 = tpu.vector_load %arg8[%swap3A_713, %swap3A_714] {strides = array<i32>} : memref<16x1024xf32, #tpu.memory_space<vmem>>, vector<1x16xf32>,
      %swap3A_716 = vector.shape_cast %swap3A_715 : vector<1x16xf32> to vector<16xf32>
      %swap3A_717 = vector.shape_cast %add3A_712 : vector<16xf32> to vector<1x16xf32>
      tpu.vector_store %arg8[%swap3A_713, %swap3A_714], %swap3A_717 {strides = array<i32>} : memref<16x1024xf32, #tpu.memory_space<vmem>>, vector<1x16xf32>,
      %get3A_718 = arith.index_cast %scan3A_116 : i32 to index
      %get3A_719 = arith.constant 688 : index
      %get3A_720 = tpu.vector_load %arg8[%get3A_718, %get3A_719] {strides = array<i32>} : memref<16x1024xf32, #tpu.memory_space<vmem>>, vector<1x16xf32>,
      %get3A_721 = vector.shape_cast %get3A_720 : vector<1x16xf32> to vector<16xf32>
      %get3A_722 = arith.index_cast %scan3A_116 : i32 to index
      %get3A_723 = arith.constant 688 : index
      %get3A_724 = tpu.vector_load %arg9[%get3A_722, %get3A_723] {strides = array<i32>} : memref<16x1024xf32, #tpu.memory_space<vmem>>, vector<1x16xf32>,
      %get3A_725 = vector.shape_cast %get3A_724 : vector<1x16xf32> to vector<16xf32>
      %add3A_726 = arith.addf %get3A_721, %get3A_725 : vector<16xf32>
      %swap3A_727 = arith.index_cast %scan3A_116 : i32 to index
      %swap3A_728 = arith.constant 688 : index
      %swap3A_729 = tpu.vector_load %arg8[%swap3A_727, %swap3A_728] {strides = array<i32>} : memref<16x1024xf32, #tpu.memory_space<vmem>>, vector<1x16xf32>,
      %swap3A_730 = vector.shape_cast %swap3A_729 : vector<1x16xf32> to vector<16xf32>
      %swap3A_731 = vector.shape_cast %add3A_726 : vector<16xf32> to vector<1x16xf32>
      tpu.vector_store %arg8[%swap3A_727, %swap3A_728], %swap3A_731 {strides = array<i32>} : memref<16x1024xf32, #tpu.memory_space<vmem>>, vector<1x16xf32>,
      %get3A_732 = arith.index_cast %scan3A_116 : i32 to index
      %get3A_733 = arith.constant 704 : index
      %get3A_734 = tpu.vector_load %arg8[%get3A_732, %get3A_733] {strides = array<i32>} : memref<16x1024xf32, #tpu.memory_space<vmem>>, vector<1x16xf32>,
      %get3A_735 = vector.shape_cast %get3A_734 : vector<1x16xf32> to vector<16xf32>
      %get3A_736 = arith.index_cast %scan3A_116 : i32 to index
      %get3A_737 = arith.constant 704 : index
      %get3A_738 = tpu.vector_load %arg9[%get3A_736, %get3A_737] {strides = array<i32>} : memref<16x1024xf32, #tpu.memory_space<vmem>>, vector<1x16xf32>,
      %get3A_739 = vector.shape_cast %get3A_738 : vector<1x16xf32> to vector<16xf32>
      %add3A_740 = arith.addf %get3A_735, %get3A_739 : vector<16xf32>
      %swap3A_741 = arith.index_cast %scan3A_116 : i32 to index
      %swap3A_742 = arith.constant 704 : index
      %swap3A_743 = tpu.vector_load %arg8[%swap3A_741, %swap3A_742] {strides = array<i32>} : memref<16x1024xf32, #tpu.memory_space<vmem>>, vector<1x16xf32>,
      %swap3A_744 = vector.shape_cast %swap3A_743 : vector<1x16xf32> to vector<16xf32>
      %swap3A_745 = vector.shape_cast %add3A_740 : vector<16xf32> to vector<1x16xf32>
      tpu.vector_store %arg8[%swap3A_741, %swap3A_742], %swap3A_745 {strides = array<i32>} : memref<16x1024xf32, #tpu.memory_space<vmem>>, vector<1x16xf32>,
      %get3A_746 = arith.index_cast %scan3A_116 : i32 to index
      %get3A_747 = arith.constant 720 : index
      %get3A_748 = tpu.vector_load %arg8[%get3A_746, %get3A_747] {strides = array<i32>} : memref<16x1024xf32, #tpu.memory_space<vmem>>, vector<1x16xf32>,
      %get3A_749 = vector.shape_cast %get3A_748 : vector<1x16xf32> to vector<16xf32>
      %get3A_750 = arith.index_cast %scan3A_116 : i32 to index
      %get3A_751 = arith.constant 720 : index
      %get3A_752 = tpu.vector_load %arg9[%get3A_750, %get3A_751] {strides = array<i32>} : memref<16x1024xf32, #tpu.memory_space<vmem>>, vector<1x16xf32>,
      %get3A_753 = vector.shape_cast %get3A_752 : vector<1x16xf32> to vector<16xf32>
      %add3A_754 = arith.addf %get3A_749, %get3A_753 : vector<16xf32>
      %swap3A_755 = arith.index_cast %scan3A_116 : i32 to index
      %swap3A_756 = arith.constant 720 : index
      %swap3A_757 = tpu.vector_load %arg8[%swap3A_755, %swap3A_756] {strides = array<i32>} : memref<16x1024xf32, #tpu.memory_space<vmem>>, vector<1x16xf32>,
      %swap3A_758 = vector.shape_cast %swap3A_757 : vector<1x16xf32> to vector<16xf32>
      %swap3A_759 = vector.shape_cast %add3A_754 : vector<16xf32> to vector<1x16xf32>
      tpu.vector_store %arg8[%swap3A_755, %swap3A_756], %swap3A_759 {strides = array<i32>} : memref<16x1024xf32, #tpu.memory_space<vmem>>, vector<1x16xf32>,
      %get3A_760 = arith.index_cast %scan3A_116 : i32 to index
      %get3A_761 = arith.constant 736 : index
      %get3A_762 = tpu.vector_load %arg8[%get3A_760, %get3A_761] {strides = array<i32>} : memref<16x1024xf32, #tpu.memory_space<vmem>>, vector<1x16xf32>,
      %get3A_763 = vector.shape_cast %get3A_762 : vector<1x16xf32> to vector<16xf32>
      %get3A_764 = arith.index_cast %scan3A_116 : i32 to index
      %get3A_765 = arith.constant 736 : index
      %get3A_766 = tpu.vector_load %arg9[%get3A_764, %get3A_765] {strides = array<i32>} : memref<16x1024xf32, #tpu.memory_space<vmem>>, vector<1x16xf32>,
      %get3A_767 = vector.shape_cast %get3A_766 : vector<1x16xf32> to vector<16xf32>
      %add3A_768 = arith.addf %get3A_763, %get3A_767 : vector<16xf32>
      %swap3A_769 = arith.index_cast %scan3A_116 : i32 to index
      %swap3A_770 = arith.constant 736 : index
      %swap3A_771 = tpu.vector_load %arg8[%swap3A_769, %swap3A_770] {strides = array<i32>} : memref<16x1024xf32, #tpu.memory_space<vmem>>, vector<1x16xf32>,
      %swap3A_772 = vector.shape_cast %swap3A_771 : vector<1x16xf32> to vector<16xf32>
      %swap3A_773 = vector.shape_cast %add3A_768 : vector<16xf32> to vector<1x16xf32>
      tpu.vector_store %arg8[%swap3A_769, %swap3A_770], %swap3A_773 {strides = array<i32>} : memref<16x1024xf32, #tpu.memory_space<vmem>>, vector<1x16xf32>,
      %get3A_774 = arith.index_cast %scan3A_116 : i32 to index
      %get3A_775 = arith.constant 752 : index
      %get3A_776 = tpu.vector_load %arg8[%get3A_774, %get3A_775] {strides = array<i32>} : memref<16x1024xf32, #tpu.memory_space<vmem>>, vector<1x16xf32>,
      %get3A_777 = vector.shape_cast %get3A_776 : vector<1x16xf32> to vector<16xf32>
      %get3A_778 = arith.index_cast %scan3A_116 : i32 to index
      %get3A_779 = arith.constant 752 : index
      %get3A_780 = tpu.vector_load %arg9[%get3A_778, %get3A_779] {strides = array<i32>} : memref<16x1024xf32, #tpu.memory_space<vmem>>, vector<1x16xf32>,
      %get3A_781 = vector.shape_cast %get3A_780 : vector<1x16xf32> to vector<16xf32>
      %add3A_782 = arith.addf %get3A_777, %get3A_781 : vector<16xf32>
      %swap3A_783 = arith.index_cast %scan3A_116 : i32 to index
      %swap3A_784 = arith.constant 752 : index
      %swap3A_785 = tpu.vector_load %arg8[%swap3A_783, %swap3A_784] {strides = array<i32>} : memref<16x1024xf32, #tpu.memory_space<vmem>>, vector<1x16xf32>,
      %swap3A_786 = vector.shape_cast %swap3A_785 : vector<1x16xf32> to vector<16xf32>
      %swap3A_787 = vector.shape_cast %add3A_782 : vector<16xf32> to vector<1x16xf32>
      tpu.vector_store %arg8[%swap3A_783, %swap3A_784], %swap3A_787 {strides = array<i32>} : memref<16x1024xf32, #tpu.memory_space<vmem>>, vector<1x16xf32>,
      %get3A_788 = arith.index_cast %scan3A_116 : i32 to index
      %get3A_789 = arith.constant 768 : index
      %get3A_790 = tpu.vector_load %arg8[%get3A_788, %get3A_789] {strides = array<i32>} : memref<16x1024xf32, #tpu.memory_space<vmem>>, vector<1x16xf32>,
      %get3A_791 = vector.shape_cast %get3A_790 : vector<1x16xf32> to vector<16xf32>
      %get3A_792 = arith.index_cast %scan3A_116 : i32 to index
      %get3A_793 = arith.constant 768 : index
      %get3A_794 = tpu.vector_load %arg9[%get3A_792, %get3A_793] {strides = array<i32>} : memref<16x1024xf32, #tpu.memory_space<vmem>>, vector<1x16xf32>,
      %get3A_795 = vector.shape_cast %get3A_794 : vector<1x16xf32> to vector<16xf32>
      %add3A_796 = arith.addf %get3A_791, %get3A_795 : vector<16xf32>
      %swap3A_797 = arith.index_cast %scan3A_116 : i32 to index
      %swap3A_798 = arith.constant 768 : index
      %swap3A_799 = tpu.vector_load %arg8[%swap3A_797, %swap3A_798] {strides = array<i32>} : memref<16x1024xf32, #tpu.memory_space<vmem>>, vector<1x16xf32>,
      %swap3A_800 = vector.shape_cast %swap3A_799 : vector<1x16xf32> to vector<16xf32>
      %swap3A_801 = vector.shape_cast %add3A_796 : vector<16xf32> to vector<1x16xf32>
      tpu.vector_store %arg8[%swap3A_797, %swap3A_798], %swap3A_801 {strides = array<i32>} : memref<16x1024xf32, #tpu.memory_space<vmem>>, vector<1x16xf32>,
      %get3A_802 = arith.index_cast %scan3A_116 : i32 to index
      %get3A_803 = arith.constant 784 : index
      %get3A_804 = tpu.vector_load %arg8[%get3A_802, %get3A_803] {strides = array<i32>} : memref<16x1024xf32, #tpu.memory_space<vmem>>, vector<1x16xf32>,
      %get3A_805 = vector.shape_cast %get3A_804 : vector<1x16xf32> to vector<16xf32>
      %get3A_806 = arith.index_cast %scan3A_116 : i32 to index
      %get3A_807 = arith.constant 784 : index
      %get3A_808 = tpu.vector_load %arg9[%get3A_806, %get3A_807] {strides = array<i32>} : memref<16x1024xf32, #tpu.memory_space<vmem>>, vector<1x16xf32>,
      %get3A_809 = vector.shape_cast %get3A_808 : vector<1x16xf32> to vector<16xf32>
      %add3A_810 = arith.addf %get3A_805, %get3A_809 : vector<16xf32>
      %swap3A_811 = arith.index_cast %scan3A_116 : i32 to index
      %swap3A_812 = arith.constant 784 : index
      %swap3A_813 = tpu.vector_load %arg8[%swap3A_811, %swap3A_812] {strides = array<i32>} : memref<16x1024xf32, #tpu.memory_space<vmem>>, vector<1x16xf32>,
      %swap3A_814 = vector.shape_cast %swap3A_813 : vector<1x16xf32> to vector<16xf32>
      %swap3A_815 = vector.shape_cast %add3A_810 : vector<16xf32> to vector<1x16xf32>
      tpu.vector_store %arg8[%swap3A_811, %swap3A_812], %swap3A_815 {strides = array<i32>} : memref<16x1024xf32, #tpu.memory_space<vmem>>, vector<1x16xf32>,
      %get3A_816 = arith.index_cast %scan3A_116 : i32 to index
      %get3A_817 = arith.constant 800 : index
      %get3A_818 = tpu.vector_load %arg8[%get3A_816, %get3A_817] {strides = array<i32>} : memref<16x1024xf32, #tpu.memory_space<vmem>>, vector<1x16xf32>,
      %get3A_819 = vector.shape_cast %get3A_818 : vector<1x16xf32> to vector<16xf32>
      %get3A_820 = arith.index_cast %scan3A_116 : i32 to index
      %get3A_821 = arith.constant 800 : index
      %get3A_822 = tpu.vector_load %arg9[%get3A_820, %get3A_821] {strides = array<i32>} : memref<16x1024xf32, #tpu.memory_space<vmem>>, vector<1x16xf32>,
      %get3A_823 = vector.shape_cast %get3A_822 : vector<1x16xf32> to vector<16xf32>
      %add3A_824 = arith.addf %get3A_819, %get3A_823 : vector<16xf32>
      %swap3A_825 = arith.index_cast %scan3A_116 : i32 to index
      %swap3A_826 = arith.constant 800 : index
      %swap3A_827 = tpu.vector_load %arg8[%swap3A_825, %swap3A_826] {strides = array<i32>} : memref<16x1024xf32, #tpu.memory_space<vmem>>, vector<1x16xf32>,
      %swap3A_828 = vector.shape_cast %swap3A_827 : vector<1x16xf32> to vector<16xf32>
      %swap3A_829 = vector.shape_cast %add3A_824 : vector<16xf32> to vector<1x16xf32>
      tpu.vector_store %arg8[%swap3A_825, %swap3A_826], %swap3A_829 {strides = array<i32>} : memref<16x1024xf32, #tpu.memory_space<vmem>>, vector<1x16xf32>,
      %get3A_830 = arith.index_cast %scan3A_116 : i32 to index
      %get3A_831 = arith.constant 816 : index
      %get3A_832 = tpu.vector_load %arg8[%get3A_830, %get3A_831] {strides = array<i32>} : memref<16x1024xf32, #tpu.memory_space<vmem>>, vector<1x16xf32>,
      %get3A_833 = vector.shape_cast %get3A_832 : vector<1x16xf32> to vector<16xf32>
      %get3A_834 = arith.index_cast %scan3A_116 : i32 to index
      %get3A_835 = arith.constant 816 : index
      %get3A_836 = tpu.vector_load %arg9[%get3A_834, %get3A_835] {strides = array<i32>} : memref<16x1024xf32, #tpu.memory_space<vmem>>, vector<1x16xf32>,
      %get3A_837 = vector.shape_cast %get3A_836 : vector<1x16xf32> to vector<16xf32>
      %add3A_838 = arith.addf %get3A_833, %get3A_837 : vector<16xf32>
      %swap3A_839 = arith.index_cast %scan3A_116 : i32 to index
      %swap3A_840 = arith.constant 816 : index
      %swap3A_841 = tpu.vector_load %arg8[%swap3A_839, %swap3A_840] {strides = array<i32>} : memref<16x1024xf32, #tpu.memory_space<vmem>>, vector<1x16xf32>,
      %swap3A_842 = vector.shape_cast %swap3A_841 : vector<1x16xf32> to vector<16xf32>
      %swap3A_843 = vector.shape_cast %add3A_838 : vector<16xf32> to vector<1x16xf32>
      tpu.vector_store %arg8[%swap3A_839, %swap3A_840], %swap3A_843 {strides = array<i32>} : memref<16x1024xf32, #tpu.memory_space<vmem>>, vector<1x16xf32>,
      %get3A_844 = arith.index_cast %scan3A_116 : i32 to index
      %get3A_845 = arith.constant 832 : index
      %get3A_846 = tpu.vector_load %arg8[%get3A_844, %get3A_845] {strides = array<i32>} : memref<16x1024xf32, #tpu.memory_space<vmem>>, vector<1x16xf32>,
      %get3A_847 = vector.shape_cast %get3A_846 : vector<1x16xf32> to vector<16xf32>
      %get3A_848 = arith.index_cast %scan3A_116 : i32 to index
      %get3A_849 = arith.constant 832 : index
      %get3A_850 = tpu.vector_load %arg9[%get3A_848, %get3A_849] {strides = array<i32>} : memref<16x1024xf32, #tpu.memory_space<vmem>>, vector<1x16xf32>,
      %get3A_851 = vector.shape_cast %get3A_850 : vector<1x16xf32> to vector<16xf32>
      %add3A_852 = arith.addf %get3A_847, %get3A_851 : vector<16xf32>
      %swap3A_853 = arith.index_cast %scan3A_116 : i32 to index
      %swap3A_854 = arith.constant 832 : index
      %swap3A_855 = tpu.vector_load %arg8[%swap3A_853, %swap3A_854] {strides = array<i32>} : memref<16x1024xf32, #tpu.memory_space<vmem>>, vector<1x16xf32>,
      %swap3A_856 = vector.shape_cast %swap3A_855 : vector<1x16xf32> to vector<16xf32>
      %swap3A_857 = vector.shape_cast %add3A_852 : vector<16xf32> to vector<1x16xf32>
      tpu.vector_store %arg8[%swap3A_853, %swap3A_854], %swap3A_857 {strides = array<i32>} : memref<16x1024xf32, #tpu.memory_space<vmem>>, vector<1x16xf32>,
      %get3A_858 = arith.index_cast %scan3A_116 : i32 to index
      %get3A_859 = arith.constant 848 : index
      %get3A_860 = tpu.vector_load %arg8[%get3A_858, %get3A_859] {strides = array<i32>} : memref<16x1024xf32, #tpu.memory_space<vmem>>, vector<1x16xf32>,
      %get3A_861 = vector.shape_cast %get3A_860 : vector<1x16xf32> to vector<16xf32>
      %get3A_862 = arith.index_cast %scan3A_116 : i32 to index
      %get3A_863 = arith.constant 848 : index
      %get3A_864 = tpu.vector_load %arg9[%get3A_862, %get3A_863] {strides = array<i32>} : memref<16x1024xf32, #tpu.memory_space<vmem>>, vector<1x16xf32>,
      %get3A_865 = vector.shape_cast %get3A_864 : vector<1x16xf32> to vector<16xf32>
      %add3A_866 = arith.addf %get3A_861, %get3A_865 : vector<16xf32>
      %swap3A_867 = arith.index_cast %scan3A_116 : i32 to index
      %swap3A_868 = arith.constant 848 : index
      %swap3A_869 = tpu.vector_load %arg8[%swap3A_867, %swap3A_868] {strides = array<i32>} : memref<16x1024xf32, #tpu.memory_space<vmem>>, vector<1x16xf32>,
      %swap3A_870 = vector.shape_cast %swap3A_869 : vector<1x16xf32> to vector<16xf32>
      %swap3A_871 = vector.shape_cast %add3A_866 : vector<16xf32> to vector<1x16xf32>
      tpu.vector_store %arg8[%swap3A_867, %swap3A_868], %swap3A_871 {strides = array<i32>} : memref<16x1024xf32, #tpu.memory_space<vmem>>, vector<1x16xf32>,
      %get3A_872 = arith.index_cast %scan3A_116 : i32 to index
      %get3A_873 = arith.constant 864 : index
      %get3A_874 = tpu.vector_load %arg8[%get3A_872, %get3A_873] {strides = array<i32>} : memref<16x1024xf32, #tpu.memory_space<vmem>>, vector<1x16xf32>,
      %get3A_875 = vector.shape_cast %get3A_874 : vector<1x16xf32> to vector<16xf32>
      %get3A_876 = arith.index_cast %scan3A_116 : i32 to index
      %get3A_877 = arith.constant 864 : index
      %get3A_878 = tpu.vector_load %arg9[%get3A_876, %get3A_877] {strides = array<i32>} : memref<16x1024xf32, #tpu.memory_space<vmem>>, vector<1x16xf32>,
      %get3A_879 = vector.shape_cast %get3A_878 : vector<1x16xf32> to vector<16xf32>
      %add3A_880 = arith.addf %get3A_875, %get3A_879 : vector<16xf32>
      %swap3A_881 = arith.index_cast %scan3A_116 : i32 to index
      %swap3A_882 = arith.constant 864 : index
      %swap3A_883 = tpu.vector_load %arg8[%swap3A_881, %swap3A_882] {strides = array<i32>} : memref<16x1024xf32, #tpu.memory_space<vmem>>, vector<1x16xf32>,
      %swap3A_884 = vector.shape_cast %swap3A_883 : vector<1x16xf32> to vector<16xf32>
      %swap3A_885 = vector.shape_cast %add3A_880 : vector<16xf32> to vector<1x16xf32>
      tpu.vector_store %arg8[%swap3A_881, %swap3A_882], %swap3A_885 {strides = array<i32>} : memref<16x1024xf32, #tpu.memory_space<vmem>>, vector<1x16xf32>,
      %get3A_886 = arith.index_cast %scan3A_116 : i32 to index
      %get3A_887 = arith.constant 880 : index
      %get3A_888 = tpu.vector_load %arg8[%get3A_886, %get3A_887] {strides = array<i32>} : memref<16x1024xf32, #tpu.memory_space<vmem>>, vector<1x16xf32>,
      %get3A_889 = vector.shape_cast %get3A_888 : vector<1x16xf32> to vector<16xf32>
      %get3A_890 = arith.index_cast %scan3A_116 : i32 to index
      %get3A_891 = arith.constant 880 : index
      %get3A_892 = tpu.vector_load %arg9[%get3A_890, %get3A_891] {strides = array<i32>} : memref<16x1024xf32, #tpu.memory_space<vmem>>, vector<1x16xf32>,
      %get3A_893 = vector.shape_cast %get3A_892 : vector<1x16xf32> to vector<16xf32>
      %add3A_894 = arith.addf %get3A_889, %get3A_893 : vector<16xf32>
      %swap3A_895 = arith.index_cast %scan3A_116 : i32 to index
      %swap3A_896 = arith.constant 880 : index
      %swap3A_897 = tpu.vector_load %arg8[%swap3A_895, %swap3A_896] {strides = array<i32>} : memref<16x1024xf32, #tpu.memory_space<vmem>>, vector<1x16xf32>,
      %swap3A_898 = vector.shape_cast %swap3A_897 : vector<1x16xf32> to vector<16xf32>
      %swap3A_899 = vector.shape_cast %add3A_894 : vector<16xf32> to vector<1x16xf32>
      tpu.vector_store %arg8[%swap3A_895, %swap3A_896], %swap3A_899 {strides = array<i32>} : memref<16x1024xf32, #tpu.memory_space<vmem>>, vector<1x16xf32>,
      %get3A_900 = arith.index_cast %scan3A_116 : i32 to index
      %get3A_901 = arith.constant 896 : index
      %get3A_902 = tpu.vector_load %arg8[%get3A_900, %get3A_901] {strides = array<i32>} : memref<16x1024xf32, #tpu.memory_space<vmem>>, vector<1x16xf32>,
      %get3A_903 = vector.shape_cast %get3A_902 : vector<1x16xf32> to vector<16xf32>
      %get3A_904 = arith.index_cast %scan3A_116 : i32 to index
      %get3A_905 = arith.constant 896 : index
      %get3A_906 = tpu.vector_load %arg9[%get3A_904, %get3A_905] {strides = array<i32>} : memref<16x1024xf32, #tpu.memory_space<vmem>>, vector<1x16xf32>,
      %get3A_907 = vector.shape_cast %get3A_906 : vector<1x16xf32> to vector<16xf32>
      %add3A_908 = arith.addf %get3A_903, %get3A_907 : vector<16xf32>
      %swap3A_909 = arith.index_cast %scan3A_116 : i32 to index
      %swap3A_910 = arith.constant 896 : index
      %swap3A_911 = tpu.vector_load %arg8[%swap3A_909, %swap3A_910] {strides = array<i32>} : memref<16x1024xf32, #tpu.memory_space<vmem>>, vector<1x16xf32>,
      %swap3A_912 = vector.shape_cast %swap3A_911 : vector<1x16xf32> to vector<16xf32>
      %swap3A_913 = vector.shape_cast %add3A_908 : vector<16xf32> to vector<1x16xf32>
      tpu.vector_store %arg8[%swap3A_909, %swap3A_910], %swap3A_913 {strides = array<i32>} : memref<16x1024xf32, #tpu.memory_space<vmem>>, vector<1x16xf32>,
      %get3A_914 = arith.index_cast %scan3A_116 : i32 to index
      %get3A_915 = arith.constant 912 : index
      %get3A_916 = tpu.vector_load %arg8[%get3A_914, %get3A_915] {strides = array<i32>} : memref<16x1024xf32, #tpu.memory_space<vmem>>, vector<1x16xf32>,
      %get3A_917 = vector.shape_cast %get3A_916 : vector<1x16xf32> to vector<16xf32>
      %get3A_918 = arith.index_cast %scan3A_116 : i32 to index
      %get3A_919 = arith.constant 912 : index
      %get3A_920 = tpu.vector_load %arg9[%get3A_918, %get3A_919] {strides = array<i32>} : memref<16x1024xf32, #tpu.memory_space<vmem>>, vector<1x16xf32>,
      %get3A_921 = vector.shape_cast %get3A_920 : vector<1x16xf32> to vector<16xf32>
      %add3A_922 = arith.addf %get3A_917, %get3A_921 : vector<16xf32>
      %swap3A_923 = arith.index_cast %scan3A_116 : i32 to index
      %swap3A_924 = arith.constant 912 : index
      %swap3A_925 = tpu.vector_load %arg8[%swap3A_923, %swap3A_924] {strides = array<i32>} : memref<16x1024xf32, #tpu.memory_space<vmem>>, vector<1x16xf32>,
      %swap3A_926 = vector.shape_cast %swap3A_925 : vector<1x16xf32> to vector<16xf32>
      %swap3A_927 = vector.shape_cast %add3A_922 : vector<16xf32> to vector<1x16xf32>
      tpu.vector_store %arg8[%swap3A_923, %swap3A_924], %swap3A_927 {strides = array<i32>} : memref<16x1024xf32, #tpu.memory_space<vmem>>, vector<1x16xf32>,
      %get3A_928 = arith.index_cast %scan3A_116 : i32 to index
      %get3A_929 = arith.constant 928 : index
      %get3A_930 = tpu.vector_load %arg8[%get3A_928, %get3A_929] {strides = array<i32>} : memref<16x1024xf32, #tpu.memory_space<vmem>>, vector<1x16xf32>,
      %get3A_931 = vector.shape_cast %get3A_930 : vector<1x16xf32> to vector<16xf32>
      %get3A_932 = arith.index_cast %scan3A_116 : i32 to index
      %get3A_933 = arith.constant 928 : index
      %get3A_934 = tpu.vector_load %arg9[%get3A_932, %get3A_933] {strides = array<i32>} : memref<16x1024xf32, #tpu.memory_space<vmem>>, vector<1x16xf32>,
      %get3A_935 = vector.shape_cast %get3A_934 : vector<1x16xf32> to vector<16xf32>
      %add3A_936 = arith.addf %get3A_931, %get3A_935 : vector<16xf32>
      %swap3A_937 = arith.index_cast %scan3A_116 : i32 to index
      %swap3A_938 = arith.constant 928 : index
      %swap3A_939 = tpu.vector_load %arg8[%swap3A_937, %swap3A_938] {strides = array<i32>} : memref<16x1024xf32, #tpu.memory_space<vmem>>, vector<1x16xf32>,
      %swap3A_940 = vector.shape_cast %swap3A_939 : vector<1x16xf32> to vector<16xf32>
      %swap3A_941 = vector.shape_cast %add3A_936 : vector<16xf32> to vector<1x16xf32>
      tpu.vector_store %arg8[%swap3A_937, %swap3A_938], %swap3A_941 {strides = array<i32>} : memref<16x1024xf32, #tpu.memory_space<vmem>>, vector<1x16xf32>,
      %get3A_942 = arith.index_cast %scan3A_116 : i32 to index
      %get3A_943 = arith.constant 944 : index
      %get3A_944 = tpu.vector_load %arg8[%get3A_942, %get3A_943] {strides = array<i32>} : memref<16x1024xf32, #tpu.memory_space<vmem>>, vector<1x16xf32>,
      %get3A_945 = vector.shape_cast %get3A_944 : vector<1x16xf32> to vector<16xf32>
      %get3A_946 = arith.index_cast %scan3A_116 : i32 to index
      %get3A_947 = arith.constant 944 : index
      %get3A_948 = tpu.vector_load %arg9[%get3A_946, %get3A_947] {strides = array<i32>} : memref<16x1024xf32, #tpu.memory_space<vmem>>, vector<1x16xf32>,
      %get3A_949 = vector.shape_cast %get3A_948 : vector<1x16xf32> to vector<16xf32>
      %add3A_950 = arith.addf %get3A_945, %get3A_949 : vector<16xf32>
      %swap3A_951 = arith.index_cast %scan3A_116 : i32 to index
      %swap3A_952 = arith.constant 944 : index
      %swap3A_953 = tpu.vector_load %arg8[%swap3A_951, %swap3A_952] {strides = array<i32>} : memref<16x1024xf32, #tpu.memory_space<vmem>>, vector<1x16xf32>,
      %swap3A_954 = vector.shape_cast %swap3A_953 : vector<1x16xf32> to vector<16xf32>
      %swap3A_955 = vector.shape_cast %add3A_950 : vector<16xf32> to vector<1x16xf32>
      tpu.vector_store %arg8[%swap3A_951, %swap3A_952], %swap3A_955 {strides = array<i32>} : memref<16x1024xf32, #tpu.memory_space<vmem>>, vector<1x16xf32>,
      %get3A_956 = arith.index_cast %scan3A_116 : i32 to index
      %get3A_957 = arith.constant 960 : index
      %get3A_958 = tpu.vector_load %arg8[%get3A_956, %get3A_957] {strides = array<i32>} : memref<16x1024xf32, #tpu.memory_space<vmem>>, vector<1x16xf32>,
      %get3A_959 = vector.shape_cast %get3A_958 : vector<1x16xf32> to vector<16xf32>
      %get3A_960 = arith.index_cast %scan3A_116 : i32 to index
      %get3A_961 = arith.constant 960 : index
      %get3A_962 = tpu.vector_load %arg9[%get3A_960, %get3A_961] {strides = array<i32>} : memref<16x1024xf32, #tpu.memory_space<vmem>>, vector<1x16xf32>,
      %get3A_963 = vector.shape_cast %get3A_962 : vector<1x16xf32> to vector<16xf32>
      %add3A_964 = arith.addf %get3A_959, %get3A_963 : vector<16xf32>
      %swap3A_965 = arith.index_cast %scan3A_116 : i32 to index
      %swap3A_966 = arith.constant 960 : index
      %swap3A_967 = tpu.vector_load %arg8[%swap3A_965, %swap3A_966] {strides = array<i32>} : memref<16x1024xf32, #tpu.memory_space<vmem>>, vector<1x16xf32>,
      %swap3A_968 = vector.shape_cast %swap3A_967 : vector<1x16xf32> to vector<16xf32>
      %swap3A_969 = vector.shape_cast %add3A_964 : vector<16xf32> to vector<1x16xf32>
      tpu.vector_store %arg8[%swap3A_965, %swap3A_966], %swap3A_969 {strides = array<i32>} : memref<16x1024xf32, #tpu.memory_space<vmem>>, vector<1x16xf32>,
      %get3A_970 = arith.index_cast %scan3A_116 : i32 to index
      %get3A_971 = arith.constant 976 : index
      %get3A_972 = tpu.vector_load %arg8[%get3A_970, %get3A_971] {strides = array<i32>} : memref<16x1024xf32, #tpu.memory_space<vmem>>, vector<1x16xf32>,
      %get3A_973 = vector.shape_cast %get3A_972 : vector<1x16xf32> to vector<16xf32>
      %get3A_974 = arith.index_cast %scan3A_116 : i32 to index
      %get3A_975 = arith.constant 976 : index
      %get3A_976 = tpu.vector_load %arg9[%get3A_974, %get3A_975] {strides = array<i32>} : memref<16x1024xf32, #tpu.memory_space<vmem>>, vector<1x16xf32>,
      %get3A_977 = vector.shape_cast %get3A_976 : vector<1x16xf32> to vector<16xf32>
      %add3A_978 = arith.addf %get3A_973, %get3A_977 : vector<16xf32>
      %swap3A_979 = arith.index_cast %scan3A_116 : i32 to index
      %swap3A_980 = arith.constant 976 : index
      %swap3A_981 = tpu.vector_load %arg8[%swap3A_979, %swap3A_980] {strides = array<i32>} : memref<16x1024xf32, #tpu.memory_space<vmem>>, vector<1x16xf32>,
      %swap3A_982 = vector.shape_cast %swap3A_981 : vector<1x16xf32> to vector<16xf32>
      %swap3A_983 = vector.shape_cast %add3A_978 : vector<16xf32> to vector<1x16xf32>
      tpu.vector_store %arg8[%swap3A_979, %swap3A_980], %swap3A_983 {strides = array<i32>} : memref<16x1024xf32, #tpu.memory_space<vmem>>, vector<1x16xf32>,
      %get3A_984 = arith.index_cast %scan3A_116 : i32 to index
      %get3A_985 = arith.constant 992 : index
      %get3A_986 = tpu.vector_load %arg8[%get3A_984, %get3A_985] {strides = array<i32>} : memref<16x1024xf32, #tpu.memory_space<vmem>>, vector<1x16xf32>,
      %get3A_987 = vector.shape_cast %get3A_986 : vector<1x16xf32> to vector<16xf32>
      %get3A_988 = arith.index_cast %scan3A_116 : i32 to index
      %get3A_989 = arith.constant 992 : index
      %get3A_990 = tpu.vector_load %arg9[%get3A_988, %get3A_989] {strides = array<i32>} : memref<16x1024xf32, #tpu.memory_space<vmem>>, vector<1x16xf32>,
      %get3A_991 = vector.shape_cast %get3A_990 : vector<1x16xf32> to vector<16xf32>
      %add3A_992 = arith.addf %get3A_987, %get3A_991 : vector<16xf32>
      %swap3A_993 = arith.index_cast %scan3A_116 : i32 to index
      %swap3A_994 = arith.constant 992 : index
      %swap3A_995 = tpu.vector_load %arg8[%swap3A_993, %swap3A_994] {strides = array<i32>} : memref<16x1024xf32, #tpu.memory_space<vmem>>, vector<1x16xf32>,
      %swap3A_996 = vector.shape_cast %swap3A_995 : vector<1x16xf32> to vector<16xf32>
      %swap3A_997 = vector.shape_cast %add3A_992 : vector<16xf32> to vector<1x16xf32>
      tpu.vector_store %arg8[%swap3A_993, %swap3A_994], %swap3A_997 {strides = array<i32>} : memref<16x1024xf32, #tpu.memory_space<vmem>>, vector<1x16xf32>,
      %get3A_998 = arith.index_cast %scan3A_116 : i32 to index
      %get3A_999 = arith.constant 1008 : index
      %get3A_1000 = tpu.vector_load %arg8[%get3A_998, %get3A_999] {strides = array<i32>} : memref<16x1024xf32, #tpu.memory_space<vmem>>, vector<1x16xf32>,
      %get3A_1001 = vector.shape_cast %get3A_1000 : vector<1x16xf32> to vector<16xf32>
      %get3A_1002 = arith.index_cast %scan3A_116 : i32 to index
      %get3A_1003 = arith.constant 1008 : index
      %get3A_1004 = tpu.vector_load %arg9[%get3A_1002, %get3A_1003] {strides = array<i32>} : memref<16x1024xf32, #tpu.memory_space<vmem>>, vector<1x16xf32>,
      %get3A_1005 = vector.shape_cast %get3A_1004 : vector<1x16xf32> to vector<16xf32>
      %add3A_1006 = arith.addf %get3A_1001, %get3A_1005 : vector<16xf32>
      %swap3A_1007 = arith.index_cast %scan3A_116 : i32 to index
      %swap3A_1008 = arith.constant 1008 : index
      %swap3A_1009 = tpu.vector_load %arg8[%swap3A_1007, %swap3A_1008] {strides = array<i32>} : memref<16x1024xf32, #tpu.memory_space<vmem>>, vector<1x16xf32>,
      %swap3A_1010 = vector.shape_cast %swap3A_1009 : vector<1x16xf32> to vector<16xf32>
      %swap3A_1011 = vector.shape_cast %add3A_1006 : vector<16xf32> to vector<1x16xf32>
      tpu.vector_store %arg8[%swap3A_1007, %swap3A_1008], %swap3A_1011 {strides = array<i32>} : memref<16x1024xf32, #tpu.memory_space<vmem>>, vector<1x16xf32>,
      %scan3A_1012 = arith.constant 0 : i32
      scf.yield %scan3A_1012 : i32
    }
    %scan3A_94 = arith.constant 16 : i32
    %add3A_95 = arith.constant 32 : i32
    %add3A_96 = arith.addi %mul3A_2, %add3A_95 : i32
    "tpu.region"() ({
      %run_scoped3A = tpu.sem_alloc : memref<!tpu.dma_semaphore, #tpu.memory_space<semaphore_mem>>
      %dma_start3A_116 = arith.constant 0 : i32
      %dma_start3A_117 = tpu.memref_slice %arg5[%add3A_96, %dma_start3A_116] : memref<2048x1024xf32, #tpu.memory_space<hbm>> -> memref<16x1024xf32, #tpu.memory_space<hbm>>
      %dma_start3A_118 = arith.constant 0 : i32
      %dma_start3A_119 = tpu.memref_slice %arg5[%add3A_96, %dma_start3A_118] : memref<2048x1024xf32, #tpu.memory_space<hbm>> -> memref<16x1024xf32, #tpu.memory_space<hbm>>
      tpu.enqueue_dma source(%arg8 : memref<16x1024xf32, #tpu.memory_space<vmem>>) target(%dma_start3A_119 : memref<16x1024xf32, #tpu.memory_space<hbm>>) target_semaphore(%run_scoped3A : memref<!tpu.dma_semaphore, #tpu.memory_space<semaphore_mem>>)
      %dma_wait3A_120 = arith.constant 0 : i32
      %dma_wait3A_121 = tpu.memref_slice %arg5[%add3A_96, %dma_wait3A_120] : memref<2048x1024xf32, #tpu.memory_space<hbm>> -> memref<16x1024xf32, #tpu.memory_space<hbm>>
      %dma_wait3A_122 = arith.constant 0 : i32
      %dma_wait3A_123 = tpu.memref_slice %arg5[%add3A_96, %dma_wait3A_122] : memref<2048x1024xf32, #tpu.memory_space<hbm>> -> memref<16x1024xf32, #tpu.memory_space<hbm>>
      tpu.wait_dma2 semaphore(%run_scoped3A : memref<!tpu.dma_semaphore, #tpu.memory_space<semaphore_mem>>) src(%arg8 : memref<16x1024xf32, #tpu.memory_space<vmem>>) dst(%dma_wait3A_123 : memref<16x1024xf32, #tpu.memory_space<hbm>>)
      tpu.yield
    }) : () -> ()
    %dma_wait3A_97 = arith.constant 48 : i32
    %dma_wait3A_98 = tpu.memref_slice %arg6[%dma_wait3A_97] : memref<64xi32, #tpu.memory_space<vmem>> -> memref<16xi32, #tpu.memory_space<vmem>>
    %dma_wait3A_99 = arith.constant 0 : i32
    %dma_wait3A_100 = arith.constant 0 : i32
    %dma_wait3A_101 = tpu.memref_slice %arg2[%dma_wait3A_99, %dma_wait3A_100] : memref<6144x1024xf32, #tpu.memory_space<hbm>> -> memref<6144x1024xf32, #tpu.memory_space<hbm>>
    tpu.wait_indirect_dma semaphore(%arg14 : memref<!tpu.dma_semaphore, #tpu.memory_space<semaphore_mem>>) src(%dma_wait3A_101 : memref<6144x1024xf32, #tpu.memory_space<hbm>>) dst(%arg10 : memref<16x1024xf32, #tpu.memory_space<vmem>>)
    %dma_wait3A_102 = arith.constant 48 : i32
    %dma_wait3A_103 = tpu.memref_slice %arg7[%dma_wait3A_102] : memref<64xi32, #tpu.memory_space<vmem>> -> memref<16xi32, #tpu.memory_space<vmem>>
    %dma_wait3A_104 = arith.constant 0 : i32
    %dma_wait3A_105 = arith.constant 0 : i32
    %dma_wait3A_106 = tpu.memref_slice %arg2[%dma_wait3A_104, %dma_wait3A_105] : memref<6144x1024xf32, #tpu.memory_space<hbm>> -> memref<6144x1024xf32, #tpu.memory_space<hbm>>
    tpu.wait_indirect_dma semaphore(%arg15 : memref<!tpu.dma_semaphore, #tpu.memory_space<semaphore_mem>>) src(%dma_wait3A_106 : memref<6144x1024xf32, #tpu.memory_space<hbm>>) dst(%arg11 : memref<16x1024xf32, #tpu.memory_space<vmem>>)
    %scan3A_107 = arith.constant 0 : i32
    %scan3A_108 = arith.constant 0 : i32
    %scan3A_109 = arith.constant 16 : i32
    %scan3A_110 = arith.addi %scan3A_108, %scan3A_109 : i32
    %scan3A_111 = arith.constant 1 : i32
    %scan3A_112 = scf.for %scan3A_116 = %scan3A_108 to %scan3A_110 step %scan3A_111 iter_args(%scan3A_117 = %scan3A_107) -> (i32)  : i32 {
      %get3A = arith.index_cast %scan3A_116 : i32 to index
      %get3A_118 = arith.constant 0 : index
      %get3A_119 = tpu.vector_load %arg10[%get3A, %get3A_118] {strides = array<i32>} : memref<16x1024xf32, #tpu.memory_space<vmem>>, vector<1x16xf32>,
      %get3A_120 = vector.shape_cast %get3A_119 : vector<1x16xf32> to vector<16xf32>
      %get3A_121 = arith.index_cast %scan3A_116 : i32 to index
      %get3A_122 = arith.constant 0 : index
      %get3A_123 = tpu.vector_load %arg11[%get3A_121, %get3A_122] {strides = array<i32>} : memref<16x1024xf32, #tpu.memory_space<vmem>>, vector<1x16xf32>,
      %get3A_124 = vector.shape_cast %get3A_123 : vector<1x16xf32> to vector<16xf32>
      %add3A_125 = arith.addf %get3A_120, %get3A_124 : vector<16xf32>
      %swap3A = arith.index_cast %scan3A_116 : i32 to index
      %swap3A_126 = arith.constant 0 : index
      %swap3A_127 = tpu.vector_load %arg10[%swap3A, %swap3A_126] {strides = array<i32>} : memref<16x1024xf32, #tpu.memory_space<vmem>>, vector<1x16xf32>,
      %swap3A_128 = vector.shape_cast %swap3A_127 : vector<1x16xf32> to vector<16xf32>
      %swap3A_129 = vector.shape_cast %add3A_125 : vector<16xf32> to vector<1x16xf32>
      tpu.vector_store %arg10[%swap3A, %swap3A_126], %swap3A_129 {strides = array<i32>} : memref<16x1024xf32, #tpu.memory_space<vmem>>, vector<1x16xf32>,
      %get3A_130 = arith.index_cast %scan3A_116 : i32 to index
      %get3A_131 = arith.constant 16 : index
      %get3A_132 = tpu.vector_load %arg10[%get3A_130, %get3A_131] {strides = array<i32>} : memref<16x1024xf32, #tpu.memory_space<vmem>>, vector<1x16xf32>,
      %get3A_133 = vector.shape_cast %get3A_132 : vector<1x16xf32> to vector<16xf32>
      %get3A_134 = arith.index_cast %scan3A_116 : i32 to index
      %get3A_135 = arith.constant 16 : index
      %get3A_136 = tpu.vector_load %arg11[%get3A_134, %get3A_135] {strides = array<i32>} : memref<16x1024xf32, #tpu.memory_space<vmem>>, vector<1x16xf32>,
      %get3A_137 = vector.shape_cast %get3A_136 : vector<1x16xf32> to vector<16xf32>
      %add3A_138 = arith.addf %get3A_133, %get3A_137 : vector<16xf32>
      %swap3A_139 = arith.index_cast %scan3A_116 : i32 to index
      %swap3A_140 = arith.constant 16 : index
      %swap3A_141 = tpu.vector_load %arg10[%swap3A_139, %swap3A_140] {strides = array<i32>} : memref<16x1024xf32, #tpu.memory_space<vmem>>, vector<1x16xf32>,
      %swap3A_142 = vector.shape_cast %swap3A_141 : vector<1x16xf32> to vector<16xf32>
      %swap3A_143 = vector.shape_cast %add3A_138 : vector<16xf32> to vector<1x16xf32>
      tpu.vector_store %arg10[%swap3A_139, %swap3A_140], %swap3A_143 {strides = array<i32>} : memref<16x1024xf32, #tpu.memory_space<vmem>>, vector<1x16xf32>,
      %get3A_144 = arith.index_cast %scan3A_116 : i32 to index
      %get3A_145 = arith.constant 32 : index
      %get3A_146 = tpu.vector_load %arg10[%get3A_144, %get3A_145] {strides = array<i32>} : memref<16x1024xf32, #tpu.memory_space<vmem>>, vector<1x16xf32>,
      %get3A_147 = vector.shape_cast %get3A_146 : vector<1x16xf32> to vector<16xf32>
      %get3A_148 = arith.index_cast %scan3A_116 : i32 to index
      %get3A_149 = arith.constant 32 : index
      %get3A_150 = tpu.vector_load %arg11[%get3A_148, %get3A_149] {strides = array<i32>} : memref<16x1024xf32, #tpu.memory_space<vmem>>, vector<1x16xf32>,
      %get3A_151 = vector.shape_cast %get3A_150 : vector<1x16xf32> to vector<16xf32>
      %add3A_152 = arith.addf %get3A_147, %get3A_151 : vector<16xf32>
      %swap3A_153 = arith.index_cast %scan3A_116 : i32 to index
      %swap3A_154 = arith.constant 32 : index
      %swap3A_155 = tpu.vector_load %arg10[%swap3A_153, %swap3A_154] {strides = array<i32>} : memref<16x1024xf32, #tpu.memory_space<vmem>>, vector<1x16xf32>,
      %swap3A_156 = vector.shape_cast %swap3A_155 : vector<1x16xf32> to vector<16xf32>
      %swap3A_157 = vector.shape_cast %add3A_152 : vector<16xf32> to vector<1x16xf32>
      tpu.vector_store %arg10[%swap3A_153, %swap3A_154], %swap3A_157 {strides = array<i32>} : memref<16x1024xf32, #tpu.memory_space<vmem>>, vector<1x16xf32>,
      %get3A_158 = arith.index_cast %scan3A_116 : i32 to index
      %get3A_159 = arith.constant 48 : index
      %get3A_160 = tpu.vector_load %arg10[%get3A_158, %get3A_159] {strides = array<i32>} : memref<16x1024xf32, #tpu.memory_space<vmem>>, vector<1x16xf32>,
      %get3A_161 = vector.shape_cast %get3A_160 : vector<1x16xf32> to vector<16xf32>
      %get3A_162 = arith.index_cast %scan3A_116 : i32 to index
      %get3A_163 = arith.constant 48 : index
      %get3A_164 = tpu.vector_load %arg11[%get3A_162, %get3A_163] {strides = array<i32>} : memref<16x1024xf32, #tpu.memory_space<vmem>>, vector<1x16xf32>,
      %get3A_165 = vector.shape_cast %get3A_164 : vector<1x16xf32> to vector<16xf32>
      %add3A_166 = arith.addf %get3A_161, %get3A_165 : vector<16xf32>
      %swap3A_167 = arith.index_cast %scan3A_116 : i32 to index
      %swap3A_168 = arith.constant 48 : index
      %swap3A_169 = tpu.vector_load %arg10[%swap3A_167, %swap3A_168] {strides = array<i32>} : memref<16x1024xf32, #tpu.memory_space<vmem>>, vector<1x16xf32>,
      %swap3A_170 = vector.shape_cast %swap3A_169 : vector<1x16xf32> to vector<16xf32>
      %swap3A_171 = vector.shape_cast %add3A_166 : vector<16xf32> to vector<1x16xf32>
      tpu.vector_store %arg10[%swap3A_167, %swap3A_168], %swap3A_171 {strides = array<i32>} : memref<16x1024xf32, #tpu.memory_space<vmem>>, vector<1x16xf32>,
      %get3A_172 = arith.index_cast %scan3A_116 : i32 to index
      %get3A_173 = arith.constant 64 : index
      %get3A_174 = tpu.vector_load %arg10[%get3A_172, %get3A_173] {strides = array<i32>} : memref<16x1024xf32, #tpu.memory_space<vmem>>, vector<1x16xf32>,
      %get3A_175 = vector.shape_cast %get3A_174 : vector<1x16xf32> to vector<16xf32>
      %get3A_176 = arith.index_cast %scan3A_116 : i32 to index
      %get3A_177 = arith.constant 64 : index
      %get3A_178 = tpu.vector_load %arg11[%get3A_176, %get3A_177] {strides = array<i32>} : memref<16x1024xf32, #tpu.memory_space<vmem>>, vector<1x16xf32>,
      %get3A_179 = vector.shape_cast %get3A_178 : vector<1x16xf32> to vector<16xf32>
      %add3A_180 = arith.addf %get3A_175, %get3A_179 : vector<16xf32>
      %swap3A_181 = arith.index_cast %scan3A_116 : i32 to index
      %swap3A_182 = arith.constant 64 : index
      %swap3A_183 = tpu.vector_load %arg10[%swap3A_181, %swap3A_182] {strides = array<i32>} : memref<16x1024xf32, #tpu.memory_space<vmem>>, vector<1x16xf32>,
      %swap3A_184 = vector.shape_cast %swap3A_183 : vector<1x16xf32> to vector<16xf32>
      %swap3A_185 = vector.shape_cast %add3A_180 : vector<16xf32> to vector<1x16xf32>
      tpu.vector_store %arg10[%swap3A_181, %swap3A_182], %swap3A_185 {strides = array<i32>} : memref<16x1024xf32, #tpu.memory_space<vmem>>, vector<1x16xf32>,
      %get3A_186 = arith.index_cast %scan3A_116 : i32 to index
      %get3A_187 = arith.constant 80 : index
      %get3A_188 = tpu.vector_load %arg10[%get3A_186, %get3A_187] {strides = array<i32>} : memref<16x1024xf32, #tpu.memory_space<vmem>>, vector<1x16xf32>,
      %get3A_189 = vector.shape_cast %get3A_188 : vector<1x16xf32> to vector<16xf32>
      %get3A_190 = arith.index_cast %scan3A_116 : i32 to index
      %get3A_191 = arith.constant 80 : index
      %get3A_192 = tpu.vector_load %arg11[%get3A_190, %get3A_191] {strides = array<i32>} : memref<16x1024xf32, #tpu.memory_space<vmem>>, vector<1x16xf32>,
      %get3A_193 = vector.shape_cast %get3A_192 : vector<1x16xf32> to vector<16xf32>
      %add3A_194 = arith.addf %get3A_189, %get3A_193 : vector<16xf32>
      %swap3A_195 = arith.index_cast %scan3A_116 : i32 to index
      %swap3A_196 = arith.constant 80 : index
      %swap3A_197 = tpu.vector_load %arg10[%swap3A_195, %swap3A_196] {strides = array<i32>} : memref<16x1024xf32, #tpu.memory_space<vmem>>, vector<1x16xf32>,
      %swap3A_198 = vector.shape_cast %swap3A_197 : vector<1x16xf32> to vector<16xf32>
      %swap3A_199 = vector.shape_cast %add3A_194 : vector<16xf32> to vector<1x16xf32>
      tpu.vector_store %arg10[%swap3A_195, %swap3A_196], %swap3A_199 {strides = array<i32>} : memref<16x1024xf32, #tpu.memory_space<vmem>>, vector<1x16xf32>,
      %get3A_200 = arith.index_cast %scan3A_116 : i32 to index
      %get3A_201 = arith.constant 96 : index
      %get3A_202 = tpu.vector_load %arg10[%get3A_200, %get3A_201] {strides = array<i32>} : memref<16x1024xf32, #tpu.memory_space<vmem>>, vector<1x16xf32>,
      %get3A_203 = vector.shape_cast %get3A_202 : vector<1x16xf32> to vector<16xf32>
      %get3A_204 = arith.index_cast %scan3A_116 : i32 to index
      %get3A_205 = arith.constant 96 : index
      %get3A_206 = tpu.vector_load %arg11[%get3A_204, %get3A_205] {strides = array<i32>} : memref<16x1024xf32, #tpu.memory_space<vmem>>, vector<1x16xf32>,
      %get3A_207 = vector.shape_cast %get3A_206 : vector<1x16xf32> to vector<16xf32>
      %add3A_208 = arith.addf %get3A_203, %get3A_207 : vector<16xf32>
      %swap3A_209 = arith.index_cast %scan3A_116 : i32 to index
      %swap3A_210 = arith.constant 96 : index
      %swap3A_211 = tpu.vector_load %arg10[%swap3A_209, %swap3A_210] {strides = array<i32>} : memref<16x1024xf32, #tpu.memory_space<vmem>>, vector<1x16xf32>,
      %swap3A_212 = vector.shape_cast %swap3A_211 : vector<1x16xf32> to vector<16xf32>
      %swap3A_213 = vector.shape_cast %add3A_208 : vector<16xf32> to vector<1x16xf32>
      tpu.vector_store %arg10[%swap3A_209, %swap3A_210], %swap3A_213 {strides = array<i32>} : memref<16x1024xf32, #tpu.memory_space<vmem>>, vector<1x16xf32>,
      %get3A_214 = arith.index_cast %scan3A_116 : i32 to index
      %get3A_215 = arith.constant 112 : index
      %get3A_216 = tpu.vector_load %arg10[%get3A_214, %get3A_215] {strides = array<i32>} : memref<16x1024xf32, #tpu.memory_space<vmem>>, vector<1x16xf32>,
      %get3A_217 = vector.shape_cast %get3A_216 : vector<1x16xf32> to vector<16xf32>
      %get3A_218 = arith.index_cast %scan3A_116 : i32 to index
      %get3A_219 = arith.constant 112 : index
      %get3A_220 = tpu.vector_load %arg11[%get3A_218, %get3A_219] {strides = array<i32>} : memref<16x1024xf32, #tpu.memory_space<vmem>>, vector<1x16xf32>,
      %get3A_221 = vector.shape_cast %get3A_220 : vector<1x16xf32> to vector<16xf32>
      %add3A_222 = arith.addf %get3A_217, %get3A_221 : vector<16xf32>
      %swap3A_223 = arith.index_cast %scan3A_116 : i32 to index
      %swap3A_224 = arith.constant 112 : index
      %swap3A_225 = tpu.vector_load %arg10[%swap3A_223, %swap3A_224] {strides = array<i32>} : memref<16x1024xf32, #tpu.memory_space<vmem>>, vector<1x16xf32>,
      %swap3A_226 = vector.shape_cast %swap3A_225 : vector<1x16xf32> to vector<16xf32>
      %swap3A_227 = vector.shape_cast %add3A_222 : vector<16xf32> to vector<1x16xf32>
      tpu.vector_store %arg10[%swap3A_223, %swap3A_224], %swap3A_227 {strides = array<i32>} : memref<16x1024xf32, #tpu.memory_space<vmem>>, vector<1x16xf32>,
      %get3A_228 = arith.index_cast %scan3A_116 : i32 to index
      %get3A_229 = arith.constant 128 : index
      %get3A_230 = tpu.vector_load %arg10[%get3A_228, %get3A_229] {strides = array<i32>} : memref<16x1024xf32, #tpu.memory_space<vmem>>, vector<1x16xf32>,
      %get3A_231 = vector.shape_cast %get3A_230 : vector<1x16xf32> to vector<16xf32>
      %get3A_232 = arith.index_cast %scan3A_116 : i32 to index
      %get3A_233 = arith.constant 128 : index
      %get3A_234 = tpu.vector_load %arg11[%get3A_232, %get3A_233] {strides = array<i32>} : memref<16x1024xf32, #tpu.memory_space<vmem>>, vector<1x16xf32>,
      %get3A_235 = vector.shape_cast %get3A_234 : vector<1x16xf32> to vector<16xf32>
      %add3A_236 = arith.addf %get3A_231, %get3A_235 : vector<16xf32>
      %swap3A_237 = arith.index_cast %scan3A_116 : i32 to index
      %swap3A_238 = arith.constant 128 : index
      %swap3A_239 = tpu.vector_load %arg10[%swap3A_237, %swap3A_238] {strides = array<i32>} : memref<16x1024xf32, #tpu.memory_space<vmem>>, vector<1x16xf32>,
      %swap3A_240 = vector.shape_cast %swap3A_239 : vector<1x16xf32> to vector<16xf32>
      %swap3A_241 = vector.shape_cast %add3A_236 : vector<16xf32> to vector<1x16xf32>
      tpu.vector_store %arg10[%swap3A_237, %swap3A_238], %swap3A_241 {strides = array<i32>} : memref<16x1024xf32, #tpu.memory_space<vmem>>, vector<1x16xf32>,
      %get3A_242 = arith.index_cast %scan3A_116 : i32 to index
      %get3A_243 = arith.constant 144 : index
      %get3A_244 = tpu.vector_load %arg10[%get3A_242, %get3A_243] {strides = array<i32>} : memref<16x1024xf32, #tpu.memory_space<vmem>>, vector<1x16xf32>,
      %get3A_245 = vector.shape_cast %get3A_244 : vector<1x16xf32> to vector<16xf32>
      %get3A_246 = arith.index_cast %scan3A_116 : i32 to index
      %get3A_247 = arith.constant 144 : index
      %get3A_248 = tpu.vector_load %arg11[%get3A_246, %get3A_247] {strides = array<i32>} : memref<16x1024xf32, #tpu.memory_space<vmem>>, vector<1x16xf32>,
      %get3A_249 = vector.shape_cast %get3A_248 : vector<1x16xf32> to vector<16xf32>
      %add3A_250 = arith.addf %get3A_245, %get3A_249 : vector<16xf32>
      %swap3A_251 = arith.index_cast %scan3A_116 : i32 to index
      %swap3A_252 = arith.constant 144 : index
      %swap3A_253 = tpu.vector_load %arg10[%swap3A_251, %swap3A_252] {strides = array<i32>} : memref<16x1024xf32, #tpu.memory_space<vmem>>, vector<1x16xf32>,
      %swap3A_254 = vector.shape_cast %swap3A_253 : vector<1x16xf32> to vector<16xf32>
      %swap3A_255 = vector.shape_cast %add3A_250 : vector<16xf32> to vector<1x16xf32>
      tpu.vector_store %arg10[%swap3A_251, %swap3A_252], %swap3A_255 {strides = array<i32>} : memref<16x1024xf32, #tpu.memory_space<vmem>>, vector<1x16xf32>,
      %get3A_256 = arith.index_cast %scan3A_116 : i32 to index
      %get3A_257 = arith.constant 160 : index
      %get3A_258 = tpu.vector_load %arg10[%get3A_256, %get3A_257] {strides = array<i32>} : memref<16x1024xf32, #tpu.memory_space<vmem>>, vector<1x16xf32>,
      %get3A_259 = vector.shape_cast %get3A_258 : vector<1x16xf32> to vector<16xf32>
      %get3A_260 = arith.index_cast %scan3A_116 : i32 to index
      %get3A_261 = arith.constant 160 : index
      %get3A_262 = tpu.vector_load %arg11[%get3A_260, %get3A_261] {strides = array<i32>} : memref<16x1024xf32, #tpu.memory_space<vmem>>, vector<1x16xf32>,
      %get3A_263 = vector.shape_cast %get3A_262 : vector<1x16xf32> to vector<16xf32>
      %add3A_264 = arith.addf %get3A_259, %get3A_263 : vector<16xf32>
      %swap3A_265 = arith.index_cast %scan3A_116 : i32 to index
      %swap3A_266 = arith.constant 160 : index
      %swap3A_267 = tpu.vector_load %arg10[%swap3A_265, %swap3A_266] {strides = array<i32>} : memref<16x1024xf32, #tpu.memory_space<vmem>>, vector<1x16xf32>,
      %swap3A_268 = vector.shape_cast %swap3A_267 : vector<1x16xf32> to vector<16xf32>
      %swap3A_269 = vector.shape_cast %add3A_264 : vector<16xf32> to vector<1x16xf32>
      tpu.vector_store %arg10[%swap3A_265, %swap3A_266], %swap3A_269 {strides = array<i32>} : memref<16x1024xf32, #tpu.memory_space<vmem>>, vector<1x16xf32>,
      %get3A_270 = arith.index_cast %scan3A_116 : i32 to index
      %get3A_271 = arith.constant 176 : index
      %get3A_272 = tpu.vector_load %arg10[%get3A_270, %get3A_271] {strides = array<i32>} : memref<16x1024xf32, #tpu.memory_space<vmem>>, vector<1x16xf32>,
      %get3A_273 = vector.shape_cast %get3A_272 : vector<1x16xf32> to vector<16xf32>
      %get3A_274 = arith.index_cast %scan3A_116 : i32 to index
      %get3A_275 = arith.constant 176 : index
      %get3A_276 = tpu.vector_load %arg11[%get3A_274, %get3A_275] {strides = array<i32>} : memref<16x1024xf32, #tpu.memory_space<vmem>>, vector<1x16xf32>,
      %get3A_277 = vector.shape_cast %get3A_276 : vector<1x16xf32> to vector<16xf32>
      %add3A_278 = arith.addf %get3A_273, %get3A_277 : vector<16xf32>
      %swap3A_279 = arith.index_cast %scan3A_116 : i32 to index
      %swap3A_280 = arith.constant 176 : index
      %swap3A_281 = tpu.vector_load %arg10[%swap3A_279, %swap3A_280] {strides = array<i32>} : memref<16x1024xf32, #tpu.memory_space<vmem>>, vector<1x16xf32>,
      %swap3A_282 = vector.shape_cast %swap3A_281 : vector<1x16xf32> to vector<16xf32>
      %swap3A_283 = vector.shape_cast %add3A_278 : vector<16xf32> to vector<1x16xf32>
      tpu.vector_store %arg10[%swap3A_279, %swap3A_280], %swap3A_283 {strides = array<i32>} : memref<16x1024xf32, #tpu.memory_space<vmem>>, vector<1x16xf32>,
      %get3A_284 = arith.index_cast %scan3A_116 : i32 to index
      %get3A_285 = arith.constant 192 : index
      %get3A_286 = tpu.vector_load %arg10[%get3A_284, %get3A_285] {strides = array<i32>} : memref<16x1024xf32, #tpu.memory_space<vmem>>, vector<1x16xf32>,
      %get3A_287 = vector.shape_cast %get3A_286 : vector<1x16xf32> to vector<16xf32>
      %get3A_288 = arith.index_cast %scan3A_116 : i32 to index
      %get3A_289 = arith.constant 192 : index
      %get3A_290 = tpu.vector_load %arg11[%get3A_288, %get3A_289] {strides = array<i32>} : memref<16x1024xf32, #tpu.memory_space<vmem>>, vector<1x16xf32>,
      %get3A_291 = vector.shape_cast %get3A_290 : vector<1x16xf32> to vector<16xf32>
      %add3A_292 = arith.addf %get3A_287, %get3A_291 : vector<16xf32>
      %swap3A_293 = arith.index_cast %scan3A_116 : i32 to index
      %swap3A_294 = arith.constant 192 : index
      %swap3A_295 = tpu.vector_load %arg10[%swap3A_293, %swap3A_294] {strides = array<i32>} : memref<16x1024xf32, #tpu.memory_space<vmem>>, vector<1x16xf32>,
      %swap3A_296 = vector.shape_cast %swap3A_295 : vector<1x16xf32> to vector<16xf32>
      %swap3A_297 = vector.shape_cast %add3A_292 : vector<16xf32> to vector<1x16xf32>
      tpu.vector_store %arg10[%swap3A_293, %swap3A_294], %swap3A_297 {strides = array<i32>} : memref<16x1024xf32, #tpu.memory_space<vmem>>, vector<1x16xf32>,
      %get3A_298 = arith.index_cast %scan3A_116 : i32 to index
      %get3A_299 = arith.constant 208 : index
      %get3A_300 = tpu.vector_load %arg10[%get3A_298, %get3A_299] {strides = array<i32>} : memref<16x1024xf32, #tpu.memory_space<vmem>>, vector<1x16xf32>,
      %get3A_301 = vector.shape_cast %get3A_300 : vector<1x16xf32> to vector<16xf32>
      %get3A_302 = arith.index_cast %scan3A_116 : i32 to index
      %get3A_303 = arith.constant 208 : index
      %get3A_304 = tpu.vector_load %arg11[%get3A_302, %get3A_303] {strides = array<i32>} : memref<16x1024xf32, #tpu.memory_space<vmem>>, vector<1x16xf32>,
      %get3A_305 = vector.shape_cast %get3A_304 : vector<1x16xf32> to vector<16xf32>
      %add3A_306 = arith.addf %get3A_301, %get3A_305 : vector<16xf32>
      %swap3A_307 = arith.index_cast %scan3A_116 : i32 to index
      %swap3A_308 = arith.constant 208 : index
      %swap3A_309 = tpu.vector_load %arg10[%swap3A_307, %swap3A_308] {strides = array<i32>} : memref<16x1024xf32, #tpu.memory_space<vmem>>, vector<1x16xf32>,
      %swap3A_310 = vector.shape_cast %swap3A_309 : vector<1x16xf32> to vector<16xf32>
      %swap3A_311 = vector.shape_cast %add3A_306 : vector<16xf32> to vector<1x16xf32>
      tpu.vector_store %arg10[%swap3A_307, %swap3A_308], %swap3A_311 {strides = array<i32>} : memref<16x1024xf32, #tpu.memory_space<vmem>>, vector<1x16xf32>,
      %get3A_312 = arith.index_cast %scan3A_116 : i32 to index
      %get3A_313 = arith.constant 224 : index
      %get3A_314 = tpu.vector_load %arg10[%get3A_312, %get3A_313] {strides = array<i32>} : memref<16x1024xf32, #tpu.memory_space<vmem>>, vector<1x16xf32>,
      %get3A_315 = vector.shape_cast %get3A_314 : vector<1x16xf32> to vector<16xf32>
      %get3A_316 = arith.index_cast %scan3A_116 : i32 to index
      %get3A_317 = arith.constant 224 : index
      %get3A_318 = tpu.vector_load %arg11[%get3A_316, %get3A_317] {strides = array<i32>} : memref<16x1024xf32, #tpu.memory_space<vmem>>, vector<1x16xf32>,
      %get3A_319 = vector.shape_cast %get3A_318 : vector<1x16xf32> to vector<16xf32>
      %add3A_320 = arith.addf %get3A_315, %get3A_319 : vector<16xf32>
      %swap3A_321 = arith.index_cast %scan3A_116 : i32 to index
      %swap3A_322 = arith.constant 224 : index
      %swap3A_323 = tpu.vector_load %arg10[%swap3A_321, %swap3A_322] {strides = array<i32>} : memref<16x1024xf32, #tpu.memory_space<vmem>>, vector<1x16xf32>,
      %swap3A_324 = vector.shape_cast %swap3A_323 : vector<1x16xf32> to vector<16xf32>
      %swap3A_325 = vector.shape_cast %add3A_320 : vector<16xf32> to vector<1x16xf32>
      tpu.vector_store %arg10[%swap3A_321, %swap3A_322], %swap3A_325 {strides = array<i32>} : memref<16x1024xf32, #tpu.memory_space<vmem>>, vector<1x16xf32>,
      %get3A_326 = arith.index_cast %scan3A_116 : i32 to index
      %get3A_327 = arith.constant 240 : index
      %get3A_328 = tpu.vector_load %arg10[%get3A_326, %get3A_327] {strides = array<i32>} : memref<16x1024xf32, #tpu.memory_space<vmem>>, vector<1x16xf32>,
      %get3A_329 = vector.shape_cast %get3A_328 : vector<1x16xf32> to vector<16xf32>
      %get3A_330 = arith.index_cast %scan3A_116 : i32 to index
      %get3A_331 = arith.constant 240 : index
      %get3A_332 = tpu.vector_load %arg11[%get3A_330, %get3A_331] {strides = array<i32>} : memref<16x1024xf32, #tpu.memory_space<vmem>>, vector<1x16xf32>,
      %get3A_333 = vector.shape_cast %get3A_332 : vector<1x16xf32> to vector<16xf32>
      %add3A_334 = arith.addf %get3A_329, %get3A_333 : vector<16xf32>
      %swap3A_335 = arith.index_cast %scan3A_116 : i32 to index
      %swap3A_336 = arith.constant 240 : index
      %swap3A_337 = tpu.vector_load %arg10[%swap3A_335, %swap3A_336] {strides = array<i32>} : memref<16x1024xf32, #tpu.memory_space<vmem>>, vector<1x16xf32>,
      %swap3A_338 = vector.shape_cast %swap3A_337 : vector<1x16xf32> to vector<16xf32>
      %swap3A_339 = vector.shape_cast %add3A_334 : vector<16xf32> to vector<1x16xf32>
      tpu.vector_store %arg10[%swap3A_335, %swap3A_336], %swap3A_339 {strides = array<i32>} : memref<16x1024xf32, #tpu.memory_space<vmem>>, vector<1x16xf32>,
      %get3A_340 = arith.index_cast %scan3A_116 : i32 to index
      %get3A_341 = arith.constant 256 : index
      %get3A_342 = tpu.vector_load %arg10[%get3A_340, %get3A_341] {strides = array<i32>} : memref<16x1024xf32, #tpu.memory_space<vmem>>, vector<1x16xf32>,
      %get3A_343 = vector.shape_cast %get3A_342 : vector<1x16xf32> to vector<16xf32>
      %get3A_344 = arith.index_cast %scan3A_116 : i32 to index
      %get3A_345 = arith.constant 256 : index
      %get3A_346 = tpu.vector_load %arg11[%get3A_344, %get3A_345] {strides = array<i32>} : memref<16x1024xf32, #tpu.memory_space<vmem>>, vector<1x16xf32>,
      %get3A_347 = vector.shape_cast %get3A_346 : vector<1x16xf32> to vector<16xf32>
      %add3A_348 = arith.addf %get3A_343, %get3A_347 : vector<16xf32>
      %swap3A_349 = arith.index_cast %scan3A_116 : i32 to index
      %swap3A_350 = arith.constant 256 : index
      %swap3A_351 = tpu.vector_load %arg10[%swap3A_349, %swap3A_350] {strides = array<i32>} : memref<16x1024xf32, #tpu.memory_space<vmem>>, vector<1x16xf32>,
      %swap3A_352 = vector.shape_cast %swap3A_351 : vector<1x16xf32> to vector<16xf32>
      %swap3A_353 = vector.shape_cast %add3A_348 : vector<16xf32> to vector<1x16xf32>
      tpu.vector_store %arg10[%swap3A_349, %swap3A_350], %swap3A_353 {strides = array<i32>} : memref<16x1024xf32, #tpu.memory_space<vmem>>, vector<1x16xf32>,
      %get3A_354 = arith.index_cast %scan3A_116 : i32 to index
      %get3A_355 = arith.constant 272 : index
      %get3A_356 = tpu.vector_load %arg10[%get3A_354, %get3A_355] {strides = array<i32>} : memref<16x1024xf32, #tpu.memory_space<vmem>>, vector<1x16xf32>,
      %get3A_357 = vector.shape_cast %get3A_356 : vector<1x16xf32> to vector<16xf32>
      %get3A_358 = arith.index_cast %scan3A_116 : i32 to index
      %get3A_359 = arith.constant 272 : index
      %get3A_360 = tpu.vector_load %arg11[%get3A_358, %get3A_359] {strides = array<i32>} : memref<16x1024xf32, #tpu.memory_space<vmem>>, vector<1x16xf32>,
      %get3A_361 = vector.shape_cast %get3A_360 : vector<1x16xf32> to vector<16xf32>
      %add3A_362 = arith.addf %get3A_357, %get3A_361 : vector<16xf32>
      %swap3A_363 = arith.index_cast %scan3A_116 : i32 to index
      %swap3A_364 = arith.constant 272 : index
      %swap3A_365 = tpu.vector_load %arg10[%swap3A_363, %swap3A_364] {strides = array<i32>} : memref<16x1024xf32, #tpu.memory_space<vmem>>, vector<1x16xf32>,
      %swap3A_366 = vector.shape_cast %swap3A_365 : vector<1x16xf32> to vector<16xf32>
      %swap3A_367 = vector.shape_cast %add3A_362 : vector<16xf32> to vector<1x16xf32>
      tpu.vector_store %arg10[%swap3A_363, %swap3A_364], %swap3A_367 {strides = array<i32>} : memref<16x1024xf32, #tpu.memory_space<vmem>>, vector<1x16xf32>,
      %get3A_368 = arith.index_cast %scan3A_116 : i32 to index
      %get3A_369 = arith.constant 288 : index
      %get3A_370 = tpu.vector_load %arg10[%get3A_368, %get3A_369] {strides = array<i32>} : memref<16x1024xf32, #tpu.memory_space<vmem>>, vector<1x16xf32>,
      %get3A_371 = vector.shape_cast %get3A_370 : vector<1x16xf32> to vector<16xf32>
      %get3A_372 = arith.index_cast %scan3A_116 : i32 to index
      %get3A_373 = arith.constant 288 : index
      %get3A_374 = tpu.vector_load %arg11[%get3A_372, %get3A_373] {strides = array<i32>} : memref<16x1024xf32, #tpu.memory_space<vmem>>, vector<1x16xf32>,
      %get3A_375 = vector.shape_cast %get3A_374 : vector<1x16xf32> to vector<16xf32>
      %add3A_376 = arith.addf %get3A_371, %get3A_375 : vector<16xf32>
      %swap3A_377 = arith.index_cast %scan3A_116 : i32 to index
      %swap3A_378 = arith.constant 288 : index
      %swap3A_379 = tpu.vector_load %arg10[%swap3A_377, %swap3A_378] {strides = array<i32>} : memref<16x1024xf32, #tpu.memory_space<vmem>>, vector<1x16xf32>,
      %swap3A_380 = vector.shape_cast %swap3A_379 : vector<1x16xf32> to vector<16xf32>
      %swap3A_381 = vector.shape_cast %add3A_376 : vector<16xf32> to vector<1x16xf32>
      tpu.vector_store %arg10[%swap3A_377, %swap3A_378], %swap3A_381 {strides = array<i32>} : memref<16x1024xf32, #tpu.memory_space<vmem>>, vector<1x16xf32>,
      %get3A_382 = arith.index_cast %scan3A_116 : i32 to index
      %get3A_383 = arith.constant 304 : index
      %get3A_384 = tpu.vector_load %arg10[%get3A_382, %get3A_383] {strides = array<i32>} : memref<16x1024xf32, #tpu.memory_space<vmem>>, vector<1x16xf32>,
      %get3A_385 = vector.shape_cast %get3A_384 : vector<1x16xf32> to vector<16xf32>
      %get3A_386 = arith.index_cast %scan3A_116 : i32 to index
      %get3A_387 = arith.constant 304 : index
      %get3A_388 = tpu.vector_load %arg11[%get3A_386, %get3A_387] {strides = array<i32>} : memref<16x1024xf32, #tpu.memory_space<vmem>>, vector<1x16xf32>,
      %get3A_389 = vector.shape_cast %get3A_388 : vector<1x16xf32> to vector<16xf32>
      %add3A_390 = arith.addf %get3A_385, %get3A_389 : vector<16xf32>
      %swap3A_391 = arith.index_cast %scan3A_116 : i32 to index
      %swap3A_392 = arith.constant 304 : index
      %swap3A_393 = tpu.vector_load %arg10[%swap3A_391, %swap3A_392] {strides = array<i32>} : memref<16x1024xf32, #tpu.memory_space<vmem>>, vector<1x16xf32>,
      %swap3A_394 = vector.shape_cast %swap3A_393 : vector<1x16xf32> to vector<16xf32>
      %swap3A_395 = vector.shape_cast %add3A_390 : vector<16xf32> to vector<1x16xf32>
      tpu.vector_store %arg10[%swap3A_391, %swap3A_392], %swap3A_395 {strides = array<i32>} : memref<16x1024xf32, #tpu.memory_space<vmem>>, vector<1x16xf32>,
      %get3A_396 = arith.index_cast %scan3A_116 : i32 to index
      %get3A_397 = arith.constant 320 : index
      %get3A_398 = tpu.vector_load %arg10[%get3A_396, %get3A_397] {strides = array<i32>} : memref<16x1024xf32, #tpu.memory_space<vmem>>, vector<1x16xf32>,
      %get3A_399 = vector.shape_cast %get3A_398 : vector<1x16xf32> to vector<16xf32>
      %get3A_400 = arith.index_cast %scan3A_116 : i32 to index
      %get3A_401 = arith.constant 320 : index
      %get3A_402 = tpu.vector_load %arg11[%get3A_400, %get3A_401] {strides = array<i32>} : memref<16x1024xf32, #tpu.memory_space<vmem>>, vector<1x16xf32>,
      %get3A_403 = vector.shape_cast %get3A_402 : vector<1x16xf32> to vector<16xf32>
      %add3A_404 = arith.addf %get3A_399, %get3A_403 : vector<16xf32>
      %swap3A_405 = arith.index_cast %scan3A_116 : i32 to index
      %swap3A_406 = arith.constant 320 : index
      %swap3A_407 = tpu.vector_load %arg10[%swap3A_405, %swap3A_406] {strides = array<i32>} : memref<16x1024xf32, #tpu.memory_space<vmem>>, vector<1x16xf32>,
      %swap3A_408 = vector.shape_cast %swap3A_407 : vector<1x16xf32> to vector<16xf32>
      %swap3A_409 = vector.shape_cast %add3A_404 : vector<16xf32> to vector<1x16xf32>
      tpu.vector_store %arg10[%swap3A_405, %swap3A_406], %swap3A_409 {strides = array<i32>} : memref<16x1024xf32, #tpu.memory_space<vmem>>, vector<1x16xf32>,
      %get3A_410 = arith.index_cast %scan3A_116 : i32 to index
      %get3A_411 = arith.constant 336 : index
      %get3A_412 = tpu.vector_load %arg10[%get3A_410, %get3A_411] {strides = array<i32>} : memref<16x1024xf32, #tpu.memory_space<vmem>>, vector<1x16xf32>,
      %get3A_413 = vector.shape_cast %get3A_412 : vector<1x16xf32> to vector<16xf32>
      %get3A_414 = arith.index_cast %scan3A_116 : i32 to index
      %get3A_415 = arith.constant 336 : index
      %get3A_416 = tpu.vector_load %arg11[%get3A_414, %get3A_415] {strides = array<i32>} : memref<16x1024xf32, #tpu.memory_space<vmem>>, vector<1x16xf32>,
      %get3A_417 = vector.shape_cast %get3A_416 : vector<1x16xf32> to vector<16xf32>
      %add3A_418 = arith.addf %get3A_413, %get3A_417 : vector<16xf32>
      %swap3A_419 = arith.index_cast %scan3A_116 : i32 to index
      %swap3A_420 = arith.constant 336 : index
      %swap3A_421 = tpu.vector_load %arg10[%swap3A_419, %swap3A_420] {strides = array<i32>} : memref<16x1024xf32, #tpu.memory_space<vmem>>, vector<1x16xf32>,
      %swap3A_422 = vector.shape_cast %swap3A_421 : vector<1x16xf32> to vector<16xf32>
      %swap3A_423 = vector.shape_cast %add3A_418 : vector<16xf32> to vector<1x16xf32>
      tpu.vector_store %arg10[%swap3A_419, %swap3A_420], %swap3A_423 {strides = array<i32>} : memref<16x1024xf32, #tpu.memory_space<vmem>>, vector<1x16xf32>,
      %get3A_424 = arith.index_cast %scan3A_116 : i32 to index
      %get3A_425 = arith.constant 352 : index
      %get3A_426 = tpu.vector_load %arg10[%get3A_424, %get3A_425] {strides = array<i32>} : memref<16x1024xf32, #tpu.memory_space<vmem>>, vector<1x16xf32>,
      %get3A_427 = vector.shape_cast %get3A_426 : vector<1x16xf32> to vector<16xf32>
      %get3A_428 = arith.index_cast %scan3A_116 : i32 to index
      %get3A_429 = arith.constant 352 : index
      %get3A_430 = tpu.vector_load %arg11[%get3A_428, %get3A_429] {strides = array<i32>} : memref<16x1024xf32, #tpu.memory_space<vmem>>, vector<1x16xf32>,
      %get3A_431 = vector.shape_cast %get3A_430 : vector<1x16xf32> to vector<16xf32>
      %add3A_432 = arith.addf %get3A_427, %get3A_431 : vector<16xf32>
      %swap3A_433 = arith.index_cast %scan3A_116 : i32 to index
      %swap3A_434 = arith.constant 352 : index
      %swap3A_435 = tpu.vector_load %arg10[%swap3A_433, %swap3A_434] {strides = array<i32>} : memref<16x1024xf32, #tpu.memory_space<vmem>>, vector<1x16xf32>,
      %swap3A_436 = vector.shape_cast %swap3A_435 : vector<1x16xf32> to vector<16xf32>
      %swap3A_437 = vector.shape_cast %add3A_432 : vector<16xf32> to vector<1x16xf32>
      tpu.vector_store %arg10[%swap3A_433, %swap3A_434], %swap3A_437 {strides = array<i32>} : memref<16x1024xf32, #tpu.memory_space<vmem>>, vector<1x16xf32>,
      %get3A_438 = arith.index_cast %scan3A_116 : i32 to index
      %get3A_439 = arith.constant 368 : index
      %get3A_440 = tpu.vector_load %arg10[%get3A_438, %get3A_439] {strides = array<i32>} : memref<16x1024xf32, #tpu.memory_space<vmem>>, vector<1x16xf32>,
      %get3A_441 = vector.shape_cast %get3A_440 : vector<1x16xf32> to vector<16xf32>
      %get3A_442 = arith.index_cast %scan3A_116 : i32 to index
      %get3A_443 = arith.constant 368 : index
      %get3A_444 = tpu.vector_load %arg11[%get3A_442, %get3A_443] {strides = array<i32>} : memref<16x1024xf32, #tpu.memory_space<vmem>>, vector<1x16xf32>,
      %get3A_445 = vector.shape_cast %get3A_444 : vector<1x16xf32> to vector<16xf32>
      %add3A_446 = arith.addf %get3A_441, %get3A_445 : vector<16xf32>
      %swap3A_447 = arith.index_cast %scan3A_116 : i32 to index
      %swap3A_448 = arith.constant 368 : index
      %swap3A_449 = tpu.vector_load %arg10[%swap3A_447, %swap3A_448] {strides = array<i32>} : memref<16x1024xf32, #tpu.memory_space<vmem>>, vector<1x16xf32>,
      %swap3A_450 = vector.shape_cast %swap3A_449 : vector<1x16xf32> to vector<16xf32>
      %swap3A_451 = vector.shape_cast %add3A_446 : vector<16xf32> to vector<1x16xf32>
      tpu.vector_store %arg10[%swap3A_447, %swap3A_448], %swap3A_451 {strides = array<i32>} : memref<16x1024xf32, #tpu.memory_space<vmem>>, vector<1x16xf32>,
      %get3A_452 = arith.index_cast %scan3A_116 : i32 to index
      %get3A_453 = arith.constant 384 : index
      %get3A_454 = tpu.vector_load %arg10[%get3A_452, %get3A_453] {strides = array<i32>} : memref<16x1024xf32, #tpu.memory_space<vmem>>, vector<1x16xf32>,
      %get3A_455 = vector.shape_cast %get3A_454 : vector<1x16xf32> to vector<16xf32>
      %get3A_456 = arith.index_cast %scan3A_116 : i32 to index
      %get3A_457 = arith.constant 384 : index
      %get3A_458 = tpu.vector_load %arg11[%get3A_456, %get3A_457] {strides = array<i32>} : memref<16x1024xf32, #tpu.memory_space<vmem>>, vector<1x16xf32>,
      %get3A_459 = vector.shape_cast %get3A_458 : vector<1x16xf32> to vector<16xf32>
      %add3A_460 = arith.addf %get3A_455, %get3A_459 : vector<16xf32>
      %swap3A_461 = arith.index_cast %scan3A_116 : i32 to index
      %swap3A_462 = arith.constant 384 : index
      %swap3A_463 = tpu.vector_load %arg10[%swap3A_461, %swap3A_462] {strides = array<i32>} : memref<16x1024xf32, #tpu.memory_space<vmem>>, vector<1x16xf32>,
      %swap3A_464 = vector.shape_cast %swap3A_463 : vector<1x16xf32> to vector<16xf32>
      %swap3A_465 = vector.shape_cast %add3A_460 : vector<16xf32> to vector<1x16xf32>
      tpu.vector_store %arg10[%swap3A_461, %swap3A_462], %swap3A_465 {strides = array<i32>} : memref<16x1024xf32, #tpu.memory_space<vmem>>, vector<1x16xf32>,
      %get3A_466 = arith.index_cast %scan3A_116 : i32 to index
      %get3A_467 = arith.constant 400 : index
      %get3A_468 = tpu.vector_load %arg10[%get3A_466, %get3A_467] {strides = array<i32>} : memref<16x1024xf32, #tpu.memory_space<vmem>>, vector<1x16xf32>,
      %get3A_469 = vector.shape_cast %get3A_468 : vector<1x16xf32> to vector<16xf32>
      %get3A_470 = arith.index_cast %scan3A_116 : i32 to index
      %get3A_471 = arith.constant 400 : index
      %get3A_472 = tpu.vector_load %arg11[%get3A_470, %get3A_471] {strides = array<i32>} : memref<16x1024xf32, #tpu.memory_space<vmem>>, vector<1x16xf32>,
      %get3A_473 = vector.shape_cast %get3A_472 : vector<1x16xf32> to vector<16xf32>
      %add3A_474 = arith.addf %get3A_469, %get3A_473 : vector<16xf32>
      %swap3A_475 = arith.index_cast %scan3A_116 : i32 to index
      %swap3A_476 = arith.constant 400 : index
      %swap3A_477 = tpu.vector_load %arg10[%swap3A_475, %swap3A_476] {strides = array<i32>} : memref<16x1024xf32, #tpu.memory_space<vmem>>, vector<1x16xf32>,
      %swap3A_478 = vector.shape_cast %swap3A_477 : vector<1x16xf32> to vector<16xf32>
      %swap3A_479 = vector.shape_cast %add3A_474 : vector<16xf32> to vector<1x16xf32>
      tpu.vector_store %arg10[%swap3A_475, %swap3A_476], %swap3A_479 {strides = array<i32>} : memref<16x1024xf32, #tpu.memory_space<vmem>>, vector<1x16xf32>,
      %get3A_480 = arith.index_cast %scan3A_116 : i32 to index
      %get3A_481 = arith.constant 416 : index
      %get3A_482 = tpu.vector_load %arg10[%get3A_480, %get3A_481] {strides = array<i32>} : memref<16x1024xf32, #tpu.memory_space<vmem>>, vector<1x16xf32>,
      %get3A_483 = vector.shape_cast %get3A_482 : vector<1x16xf32> to vector<16xf32>
      %get3A_484 = arith.index_cast %scan3A_116 : i32 to index
      %get3A_485 = arith.constant 416 : index
      %get3A_486 = tpu.vector_load %arg11[%get3A_484, %get3A_485] {strides = array<i32>} : memref<16x1024xf32, #tpu.memory_space<vmem>>, vector<1x16xf32>,
      %get3A_487 = vector.shape_cast %get3A_486 : vector<1x16xf32> to vector<16xf32>
      %add3A_488 = arith.addf %get3A_483, %get3A_487 : vector<16xf32>
      %swap3A_489 = arith.index_cast %scan3A_116 : i32 to index
      %swap3A_490 = arith.constant 416 : index
      %swap3A_491 = tpu.vector_load %arg10[%swap3A_489, %swap3A_490] {strides = array<i32>} : memref<16x1024xf32, #tpu.memory_space<vmem>>, vector<1x16xf32>,
      %swap3A_492 = vector.shape_cast %swap3A_491 : vector<1x16xf32> to vector<16xf32>
      %swap3A_493 = vector.shape_cast %add3A_488 : vector<16xf32> to vector<1x16xf32>
      tpu.vector_store %arg10[%swap3A_489, %swap3A_490], %swap3A_493 {strides = array<i32>} : memref<16x1024xf32, #tpu.memory_space<vmem>>, vector<1x16xf32>,
      %get3A_494 = arith.index_cast %scan3A_116 : i32 to index
      %get3A_495 = arith.constant 432 : index
      %get3A_496 = tpu.vector_load %arg10[%get3A_494, %get3A_495] {strides = array<i32>} : memref<16x1024xf32, #tpu.memory_space<vmem>>, vector<1x16xf32>,
      %get3A_497 = vector.shape_cast %get3A_496 : vector<1x16xf32> to vector<16xf32>
      %get3A_498 = arith.index_cast %scan3A_116 : i32 to index
      %get3A_499 = arith.constant 432 : index
      %get3A_500 = tpu.vector_load %arg11[%get3A_498, %get3A_499] {strides = array<i32>} : memref<16x1024xf32, #tpu.memory_space<vmem>>, vector<1x16xf32>,
      %get3A_501 = vector.shape_cast %get3A_500 : vector<1x16xf32> to vector<16xf32>
      %add3A_502 = arith.addf %get3A_497, %get3A_501 : vector<16xf32>
      %swap3A_503 = arith.index_cast %scan3A_116 : i32 to index
      %swap3A_504 = arith.constant 432 : index
      %swap3A_505 = tpu.vector_load %arg10[%swap3A_503, %swap3A_504] {strides = array<i32>} : memref<16x1024xf32, #tpu.memory_space<vmem>>, vector<1x16xf32>,
      %swap3A_506 = vector.shape_cast %swap3A_505 : vector<1x16xf32> to vector<16xf32>
      %swap3A_507 = vector.shape_cast %add3A_502 : vector<16xf32> to vector<1x16xf32>
      tpu.vector_store %arg10[%swap3A_503, %swap3A_504], %swap3A_507 {strides = array<i32>} : memref<16x1024xf32, #tpu.memory_space<vmem>>, vector<1x16xf32>,
      %get3A_508 = arith.index_cast %scan3A_116 : i32 to index
      %get3A_509 = arith.constant 448 : index
      %get3A_510 = tpu.vector_load %arg10[%get3A_508, %get3A_509] {strides = array<i32>} : memref<16x1024xf32, #tpu.memory_space<vmem>>, vector<1x16xf32>,
      %get3A_511 = vector.shape_cast %get3A_510 : vector<1x16xf32> to vector<16xf32>
      %get3A_512 = arith.index_cast %scan3A_116 : i32 to index
      %get3A_513 = arith.constant 448 : index
      %get3A_514 = tpu.vector_load %arg11[%get3A_512, %get3A_513] {strides = array<i32>} : memref<16x1024xf32, #tpu.memory_space<vmem>>, vector<1x16xf32>,
      %get3A_515 = vector.shape_cast %get3A_514 : vector<1x16xf32> to vector<16xf32>
      %add3A_516 = arith.addf %get3A_511, %get3A_515 : vector<16xf32>
      %swap3A_517 = arith.index_cast %scan3A_116 : i32 to index
      %swap3A_518 = arith.constant 448 : index
      %swap3A_519 = tpu.vector_load %arg10[%swap3A_517, %swap3A_518] {strides = array<i32>} : memref<16x1024xf32, #tpu.memory_space<vmem>>, vector<1x16xf32>,
      %swap3A_520 = vector.shape_cast %swap3A_519 : vector<1x16xf32> to vector<16xf32>
      %swap3A_521 = vector.shape_cast %add3A_516 : vector<16xf32> to vector<1x16xf32>
      tpu.vector_store %arg10[%swap3A_517, %swap3A_518], %swap3A_521 {strides = array<i32>} : memref<16x1024xf32, #tpu.memory_space<vmem>>, vector<1x16xf32>,
      %get3A_522 = arith.index_cast %scan3A_116 : i32 to index
      %get3A_523 = arith.constant 464 : index
      %get3A_524 = tpu.vector_load %arg10[%get3A_522, %get3A_523] {strides = array<i32>} : memref<16x1024xf32, #tpu.memory_space<vmem>>, vector<1x16xf32>,
      %get3A_525 = vector.shape_cast %get3A_524 : vector<1x16xf32> to vector<16xf32>
      %get3A_526 = arith.index_cast %scan3A_116 : i32 to index
      %get3A_527 = arith.constant 464 : index
      %get3A_528 = tpu.vector_load %arg11[%get3A_526, %get3A_527] {strides = array<i32>} : memref<16x1024xf32, #tpu.memory_space<vmem>>, vector<1x16xf32>,
      %get3A_529 = vector.shape_cast %get3A_528 : vector<1x16xf32> to vector<16xf32>
      %add3A_530 = arith.addf %get3A_525, %get3A_529 : vector<16xf32>
      %swap3A_531 = arith.index_cast %scan3A_116 : i32 to index
      %swap3A_532 = arith.constant 464 : index
      %swap3A_533 = tpu.vector_load %arg10[%swap3A_531, %swap3A_532] {strides = array<i32>} : memref<16x1024xf32, #tpu.memory_space<vmem>>, vector<1x16xf32>,
      %swap3A_534 = vector.shape_cast %swap3A_533 : vector<1x16xf32> to vector<16xf32>
      %swap3A_535 = vector.shape_cast %add3A_530 : vector<16xf32> to vector<1x16xf32>
      tpu.vector_store %arg10[%swap3A_531, %swap3A_532], %swap3A_535 {strides = array<i32>} : memref<16x1024xf32, #tpu.memory_space<vmem>>, vector<1x16xf32>,
      %get3A_536 = arith.index_cast %scan3A_116 : i32 to index
      %get3A_537 = arith.constant 480 : index
      %get3A_538 = tpu.vector_load %arg10[%get3A_536, %get3A_537] {strides = array<i32>} : memref<16x1024xf32, #tpu.memory_space<vmem>>, vector<1x16xf32>,
      %get3A_539 = vector.shape_cast %get3A_538 : vector<1x16xf32> to vector<16xf32>
      %get3A_540 = arith.index_cast %scan3A_116 : i32 to index
      %get3A_541 = arith.constant 480 : index
      %get3A_542 = tpu.vector_load %arg11[%get3A_540, %get3A_541] {strides = array<i32>} : memref<16x1024xf32, #tpu.memory_space<vmem>>, vector<1x16xf32>,
      %get3A_543 = vector.shape_cast %get3A_542 : vector<1x16xf32> to vector<16xf32>
      %add3A_544 = arith.addf %get3A_539, %get3A_543 : vector<16xf32>
      %swap3A_545 = arith.index_cast %scan3A_116 : i32 to index
      %swap3A_546 = arith.constant 480 : index
      %swap3A_547 = tpu.vector_load %arg10[%swap3A_545, %swap3A_546] {strides = array<i32>} : memref<16x1024xf32, #tpu.memory_space<vmem>>, vector<1x16xf32>,
      %swap3A_548 = vector.shape_cast %swap3A_547 : vector<1x16xf32> to vector<16xf32>
      %swap3A_549 = vector.shape_cast %add3A_544 : vector<16xf32> to vector<1x16xf32>
      tpu.vector_store %arg10[%swap3A_545, %swap3A_546], %swap3A_549 {strides = array<i32>} : memref<16x1024xf32, #tpu.memory_space<vmem>>, vector<1x16xf32>,
      %get3A_550 = arith.index_cast %scan3A_116 : i32 to index
      %get3A_551 = arith.constant 496 : index
      %get3A_552 = tpu.vector_load %arg10[%get3A_550, %get3A_551] {strides = array<i32>} : memref<16x1024xf32, #tpu.memory_space<vmem>>, vector<1x16xf32>,
      %get3A_553 = vector.shape_cast %get3A_552 : vector<1x16xf32> to vector<16xf32>
      %get3A_554 = arith.index_cast %scan3A_116 : i32 to index
      %get3A_555 = arith.constant 496 : index
      %get3A_556 = tpu.vector_load %arg11[%get3A_554, %get3A_555] {strides = array<i32>} : memref<16x1024xf32, #tpu.memory_space<vmem>>, vector<1x16xf32>,
      %get3A_557 = vector.shape_cast %get3A_556 : vector<1x16xf32> to vector<16xf32>
      %add3A_558 = arith.addf %get3A_553, %get3A_557 : vector<16xf32>
      %swap3A_559 = arith.index_cast %scan3A_116 : i32 to index
      %swap3A_560 = arith.constant 496 : index
      %swap3A_561 = tpu.vector_load %arg10[%swap3A_559, %swap3A_560] {strides = array<i32>} : memref<16x1024xf32, #tpu.memory_space<vmem>>, vector<1x16xf32>,
      %swap3A_562 = vector.shape_cast %swap3A_561 : vector<1x16xf32> to vector<16xf32>
      %swap3A_563 = vector.shape_cast %add3A_558 : vector<16xf32> to vector<1x16xf32>
      tpu.vector_store %arg10[%swap3A_559, %swap3A_560], %swap3A_563 {strides = array<i32>} : memref<16x1024xf32, #tpu.memory_space<vmem>>, vector<1x16xf32>,
      %get3A_564 = arith.index_cast %scan3A_116 : i32 to index
      %get3A_565 = arith.constant 512 : index
      %get3A_566 = tpu.vector_load %arg10[%get3A_564, %get3A_565] {strides = array<i32>} : memref<16x1024xf32, #tpu.memory_space<vmem>>, vector<1x16xf32>,
      %get3A_567 = vector.shape_cast %get3A_566 : vector<1x16xf32> to vector<16xf32>
      %get3A_568 = arith.index_cast %scan3A_116 : i32 to index
      %get3A_569 = arith.constant 512 : index
      %get3A_570 = tpu.vector_load %arg11[%get3A_568, %get3A_569] {strides = array<i32>} : memref<16x1024xf32, #tpu.memory_space<vmem>>, vector<1x16xf32>,
      %get3A_571 = vector.shape_cast %get3A_570 : vector<1x16xf32> to vector<16xf32>
      %add3A_572 = arith.addf %get3A_567, %get3A_571 : vector<16xf32>
      %swap3A_573 = arith.index_cast %scan3A_116 : i32 to index
      %swap3A_574 = arith.constant 512 : index
      %swap3A_575 = tpu.vector_load %arg10[%swap3A_573, %swap3A_574] {strides = array<i32>} : memref<16x1024xf32, #tpu.memory_space<vmem>>, vector<1x16xf32>,
      %swap3A_576 = vector.shape_cast %swap3A_575 : vector<1x16xf32> to vector<16xf32>
      %swap3A_577 = vector.shape_cast %add3A_572 : vector<16xf32> to vector<1x16xf32>
      tpu.vector_store %arg10[%swap3A_573, %swap3A_574], %swap3A_577 {strides = array<i32>} : memref<16x1024xf32, #tpu.memory_space<vmem>>, vector<1x16xf32>,
      %get3A_578 = arith.index_cast %scan3A_116 : i32 to index
      %get3A_579 = arith.constant 528 : index
      %get3A_580 = tpu.vector_load %arg10[%get3A_578, %get3A_579] {strides = array<i32>} : memref<16x1024xf32, #tpu.memory_space<vmem>>, vector<1x16xf32>,
      %get3A_581 = vector.shape_cast %get3A_580 : vector<1x16xf32> to vector<16xf32>
      %get3A_582 = arith.index_cast %scan3A_116 : i32 to index
      %get3A_583 = arith.constant 528 : index
      %get3A_584 = tpu.vector_load %arg11[%get3A_582, %get3A_583] {strides = array<i32>} : memref<16x1024xf32, #tpu.memory_space<vmem>>, vector<1x16xf32>,
      %get3A_585 = vector.shape_cast %get3A_584 : vector<1x16xf32> to vector<16xf32>
      %add3A_586 = arith.addf %get3A_581, %get3A_585 : vector<16xf32>
      %swap3A_587 = arith.index_cast %scan3A_116 : i32 to index
      %swap3A_588 = arith.constant 528 : index
      %swap3A_589 = tpu.vector_load %arg10[%swap3A_587, %swap3A_588] {strides = array<i32>} : memref<16x1024xf32, #tpu.memory_space<vmem>>, vector<1x16xf32>,
      %swap3A_590 = vector.shape_cast %swap3A_589 : vector<1x16xf32> to vector<16xf32>
      %swap3A_591 = vector.shape_cast %add3A_586 : vector<16xf32> to vector<1x16xf32>
      tpu.vector_store %arg10[%swap3A_587, %swap3A_588], %swap3A_591 {strides = array<i32>} : memref<16x1024xf32, #tpu.memory_space<vmem>>, vector<1x16xf32>,
      %get3A_592 = arith.index_cast %scan3A_116 : i32 to index
      %get3A_593 = arith.constant 544 : index
      %get3A_594 = tpu.vector_load %arg10[%get3A_592, %get3A_593] {strides = array<i32>} : memref<16x1024xf32, #tpu.memory_space<vmem>>, vector<1x16xf32>,
      %get3A_595 = vector.shape_cast %get3A_594 : vector<1x16xf32> to vector<16xf32>
      %get3A_596 = arith.index_cast %scan3A_116 : i32 to index
      %get3A_597 = arith.constant 544 : index
      %get3A_598 = tpu.vector_load %arg11[%get3A_596, %get3A_597] {strides = array<i32>} : memref<16x1024xf32, #tpu.memory_space<vmem>>, vector<1x16xf32>,
      %get3A_599 = vector.shape_cast %get3A_598 : vector<1x16xf32> to vector<16xf32>
      %add3A_600 = arith.addf %get3A_595, %get3A_599 : vector<16xf32>
      %swap3A_601 = arith.index_cast %scan3A_116 : i32 to index
      %swap3A_602 = arith.constant 544 : index
      %swap3A_603 = tpu.vector_load %arg10[%swap3A_601, %swap3A_602] {strides = array<i32>} : memref<16x1024xf32, #tpu.memory_space<vmem>>, vector<1x16xf32>,
      %swap3A_604 = vector.shape_cast %swap3A_603 : vector<1x16xf32> to vector<16xf32>
      %swap3A_605 = vector.shape_cast %add3A_600 : vector<16xf32> to vector<1x16xf32>
      tpu.vector_store %arg10[%swap3A_601, %swap3A_602], %swap3A_605 {strides = array<i32>} : memref<16x1024xf32, #tpu.memory_space<vmem>>, vector<1x16xf32>,
      %get3A_606 = arith.index_cast %scan3A_116 : i32 to index
      %get3A_607 = arith.constant 560 : index
      %get3A_608 = tpu.vector_load %arg10[%get3A_606, %get3A_607] {strides = array<i32>} : memref<16x1024xf32, #tpu.memory_space<vmem>>, vector<1x16xf32>,
      %get3A_609 = vector.shape_cast %get3A_608 : vector<1x16xf32> to vector<16xf32>
      %get3A_610 = arith.index_cast %scan3A_116 : i32 to index
      %get3A_611 = arith.constant 560 : index
      %get3A_612 = tpu.vector_load %arg11[%get3A_610, %get3A_611] {strides = array<i32>} : memref<16x1024xf32, #tpu.memory_space<vmem>>, vector<1x16xf32>,
      %get3A_613 = vector.shape_cast %get3A_612 : vector<1x16xf32> to vector<16xf32>
      %add3A_614 = arith.addf %get3A_609, %get3A_613 : vector<16xf32>
      %swap3A_615 = arith.index_cast %scan3A_116 : i32 to index
      %swap3A_616 = arith.constant 560 : index
      %swap3A_617 = tpu.vector_load %arg10[%swap3A_615, %swap3A_616] {strides = array<i32>} : memref<16x1024xf32, #tpu.memory_space<vmem>>, vector<1x16xf32>,
      %swap3A_618 = vector.shape_cast %swap3A_617 : vector<1x16xf32> to vector<16xf32>
      %swap3A_619 = vector.shape_cast %add3A_614 : vector<16xf32> to vector<1x16xf32>
      tpu.vector_store %arg10[%swap3A_615, %swap3A_616], %swap3A_619 {strides = array<i32>} : memref<16x1024xf32, #tpu.memory_space<vmem>>, vector<1x16xf32>,
      %get3A_620 = arith.index_cast %scan3A_116 : i32 to index
      %get3A_621 = arith.constant 576 : index
      %get3A_622 = tpu.vector_load %arg10[%get3A_620, %get3A_621] {strides = array<i32>} : memref<16x1024xf32, #tpu.memory_space<vmem>>, vector<1x16xf32>,
      %get3A_623 = vector.shape_cast %get3A_622 : vector<1x16xf32> to vector<16xf32>
      %get3A_624 = arith.index_cast %scan3A_116 : i32 to index
      %get3A_625 = arith.constant 576 : index
      %get3A_626 = tpu.vector_load %arg11[%get3A_624, %get3A_625] {strides = array<i32>} : memref<16x1024xf32, #tpu.memory_space<vmem>>, vector<1x16xf32>,
      %get3A_627 = vector.shape_cast %get3A_626 : vector<1x16xf32> to vector<16xf32>
      %add3A_628 = arith.addf %get3A_623, %get3A_627 : vector<16xf32>
      %swap3A_629 = arith.index_cast %scan3A_116 : i32 to index
      %swap3A_630 = arith.constant 576 : index
      %swap3A_631 = tpu.vector_load %arg10[%swap3A_629, %swap3A_630] {strides = array<i32>} : memref<16x1024xf32, #tpu.memory_space<vmem>>, vector<1x16xf32>,
      %swap3A_632 = vector.shape_cast %swap3A_631 : vector<1x16xf32> to vector<16xf32>
      %swap3A_633 = vector.shape_cast %add3A_628 : vector<16xf32> to vector<1x16xf32>
      tpu.vector_store %arg10[%swap3A_629, %swap3A_630], %swap3A_633 {strides = array<i32>} : memref<16x1024xf32, #tpu.memory_space<vmem>>, vector<1x16xf32>,
      %get3A_634 = arith.index_cast %scan3A_116 : i32 to index
      %get3A_635 = arith.constant 592 : index
      %get3A_636 = tpu.vector_load %arg10[%get3A_634, %get3A_635] {strides = array<i32>} : memref<16x1024xf32, #tpu.memory_space<vmem>>, vector<1x16xf32>,
      %get3A_637 = vector.shape_cast %get3A_636 : vector<1x16xf32> to vector<16xf32>
      %get3A_638 = arith.index_cast %scan3A_116 : i32 to index
      %get3A_639 = arith.constant 592 : index
      %get3A_640 = tpu.vector_load %arg11[%get3A_638, %get3A_639] {strides = array<i32>} : memref<16x1024xf32, #tpu.memory_space<vmem>>, vector<1x16xf32>,
      %get3A_641 = vector.shape_cast %get3A_640 : vector<1x16xf32> to vector<16xf32>
      %add3A_642 = arith.addf %get3A_637, %get3A_641 : vector<16xf32>
      %swap3A_643 = arith.index_cast %scan3A_116 : i32 to index
      %swap3A_644 = arith.constant 592 : index
      %swap3A_645 = tpu.vector_load %arg10[%swap3A_643, %swap3A_644] {strides = array<i32>} : memref<16x1024xf32, #tpu.memory_space<vmem>>, vector<1x16xf32>,
      %swap3A_646 = vector.shape_cast %swap3A_645 : vector<1x16xf32> to vector<16xf32>
      %swap3A_647 = vector.shape_cast %add3A_642 : vector<16xf32> to vector<1x16xf32>
      tpu.vector_store %arg10[%swap3A_643, %swap3A_644], %swap3A_647 {strides = array<i32>} : memref<16x1024xf32, #tpu.memory_space<vmem>>, vector<1x16xf32>,
      %get3A_648 = arith.index_cast %scan3A_116 : i32 to index
      %get3A_649 = arith.constant 608 : index
      %get3A_650 = tpu.vector_load %arg10[%get3A_648, %get3A_649] {strides = array<i32>} : memref<16x1024xf32, #tpu.memory_space<vmem>>, vector<1x16xf32>,
      %get3A_651 = vector.shape_cast %get3A_650 : vector<1x16xf32> to vector<16xf32>
      %get3A_652 = arith.index_cast %scan3A_116 : i32 to index
      %get3A_653 = arith.constant 608 : index
      %get3A_654 = tpu.vector_load %arg11[%get3A_652, %get3A_653] {strides = array<i32>} : memref<16x1024xf32, #tpu.memory_space<vmem>>, vector<1x16xf32>,
      %get3A_655 = vector.shape_cast %get3A_654 : vector<1x16xf32> to vector<16xf32>
      %add3A_656 = arith.addf %get3A_651, %get3A_655 : vector<16xf32>
      %swap3A_657 = arith.index_cast %scan3A_116 : i32 to index
      %swap3A_658 = arith.constant 608 : index
      %swap3A_659 = tpu.vector_load %arg10[%swap3A_657, %swap3A_658] {strides = array<i32>} : memref<16x1024xf32, #tpu.memory_space<vmem>>, vector<1x16xf32>,
      %swap3A_660 = vector.shape_cast %swap3A_659 : vector<1x16xf32> to vector<16xf32>
      %swap3A_661 = vector.shape_cast %add3A_656 : vector<16xf32> to vector<1x16xf32>
      tpu.vector_store %arg10[%swap3A_657, %swap3A_658], %swap3A_661 {strides = array<i32>} : memref<16x1024xf32, #tpu.memory_space<vmem>>, vector<1x16xf32>,
      %get3A_662 = arith.index_cast %scan3A_116 : i32 to index
      %get3A_663 = arith.constant 624 : index
      %get3A_664 = tpu.vector_load %arg10[%get3A_662, %get3A_663] {strides = array<i32>} : memref<16x1024xf32, #tpu.memory_space<vmem>>, vector<1x16xf32>,
      %get3A_665 = vector.shape_cast %get3A_664 : vector<1x16xf32> to vector<16xf32>
      %get3A_666 = arith.index_cast %scan3A_116 : i32 to index
      %get3A_667 = arith.constant 624 : index
      %get3A_668 = tpu.vector_load %arg11[%get3A_666, %get3A_667] {strides = array<i32>} : memref<16x1024xf32, #tpu.memory_space<vmem>>, vector<1x16xf32>,
      %get3A_669 = vector.shape_cast %get3A_668 : vector<1x16xf32> to vector<16xf32>
      %add3A_670 = arith.addf %get3A_665, %get3A_669 : vector<16xf32>
      %swap3A_671 = arith.index_cast %scan3A_116 : i32 to index
      %swap3A_672 = arith.constant 624 : index
      %swap3A_673 = tpu.vector_load %arg10[%swap3A_671, %swap3A_672] {strides = array<i32>} : memref<16x1024xf32, #tpu.memory_space<vmem>>, vector<1x16xf32>,
      %swap3A_674 = vector.shape_cast %swap3A_673 : vector<1x16xf32> to vector<16xf32>
      %swap3A_675 = vector.shape_cast %add3A_670 : vector<16xf32> to vector<1x16xf32>
      tpu.vector_store %arg10[%swap3A_671, %swap3A_672], %swap3A_675 {strides = array<i32>} : memref<16x1024xf32, #tpu.memory_space<vmem>>, vector<1x16xf32>,
      %get3A_676 = arith.index_cast %scan3A_116 : i32 to index
      %get3A_677 = arith.constant 640 : index
      %get3A_678 = tpu.vector_load %arg10[%get3A_676, %get3A_677] {strides = array<i32>} : memref<16x1024xf32, #tpu.memory_space<vmem>>, vector<1x16xf32>,
      %get3A_679 = vector.shape_cast %get3A_678 : vector<1x16xf32> to vector<16xf32>
      %get3A_680 = arith.index_cast %scan3A_116 : i32 to index
      %get3A_681 = arith.constant 640 : index
      %get3A_682 = tpu.vector_load %arg11[%get3A_680, %get3A_681] {strides = array<i32>} : memref<16x1024xf32, #tpu.memory_space<vmem>>, vector<1x16xf32>,
      %get3A_683 = vector.shape_cast %get3A_682 : vector<1x16xf32> to vector<16xf32>
      %add3A_684 = arith.addf %get3A_679, %get3A_683 : vector<16xf32>
      %swap3A_685 = arith.index_cast %scan3A_116 : i32 to index
      %swap3A_686 = arith.constant 640 : index
      %swap3A_687 = tpu.vector_load %arg10[%swap3A_685, %swap3A_686] {strides = array<i32>} : memref<16x1024xf32, #tpu.memory_space<vmem>>, vector<1x16xf32>,
      %swap3A_688 = vector.shape_cast %swap3A_687 : vector<1x16xf32> to vector<16xf32>
      %swap3A_689 = vector.shape_cast %add3A_684 : vector<16xf32> to vector<1x16xf32>
      tpu.vector_store %arg10[%swap3A_685, %swap3A_686], %swap3A_689 {strides = array<i32>} : memref<16x1024xf32, #tpu.memory_space<vmem>>, vector<1x16xf32>,
      %get3A_690 = arith.index_cast %scan3A_116 : i32 to index
      %get3A_691 = arith.constant 656 : index
      %get3A_692 = tpu.vector_load %arg10[%get3A_690, %get3A_691] {strides = array<i32>} : memref<16x1024xf32, #tpu.memory_space<vmem>>, vector<1x16xf32>,
      %get3A_693 = vector.shape_cast %get3A_692 : vector<1x16xf32> to vector<16xf32>
      %get3A_694 = arith.index_cast %scan3A_116 : i32 to index
      %get3A_695 = arith.constant 656 : index
      %get3A_696 = tpu.vector_load %arg11[%get3A_694, %get3A_695] {strides = array<i32>} : memref<16x1024xf32, #tpu.memory_space<vmem>>, vector<1x16xf32>,
      %get3A_697 = vector.shape_cast %get3A_696 : vector<1x16xf32> to vector<16xf32>
      %add3A_698 = arith.addf %get3A_693, %get3A_697 : vector<16xf32>
      %swap3A_699 = arith.index_cast %scan3A_116 : i32 to index
      %swap3A_700 = arith.constant 656 : index
      %swap3A_701 = tpu.vector_load %arg10[%swap3A_699, %swap3A_700] {strides = array<i32>} : memref<16x1024xf32, #tpu.memory_space<vmem>>, vector<1x16xf32>,
      %swap3A_702 = vector.shape_cast %swap3A_701 : vector<1x16xf32> to vector<16xf32>
      %swap3A_703 = vector.shape_cast %add3A_698 : vector<16xf32> to vector<1x16xf32>
      tpu.vector_store %arg10[%swap3A_699, %swap3A_700], %swap3A_703 {strides = array<i32>} : memref<16x1024xf32, #tpu.memory_space<vmem>>, vector<1x16xf32>,
      %get3A_704 = arith.index_cast %scan3A_116 : i32 to index
      %get3A_705 = arith.constant 672 : index
      %get3A_706 = tpu.vector_load %arg10[%get3A_704, %get3A_705] {strides = array<i32>} : memref<16x1024xf32, #tpu.memory_space<vmem>>, vector<1x16xf32>,
      %get3A_707 = vector.shape_cast %get3A_706 : vector<1x16xf32> to vector<16xf32>
      %get3A_708 = arith.index_cast %scan3A_116 : i32 to index
      %get3A_709 = arith.constant 672 : index
      %get3A_710 = tpu.vector_load %arg11[%get3A_708, %get3A_709] {strides = array<i32>} : memref<16x1024xf32, #tpu.memory_space<vmem>>, vector<1x16xf32>,
      %get3A_711 = vector.shape_cast %get3A_710 : vector<1x16xf32> to vector<16xf32>
      %add3A_712 = arith.addf %get3A_707, %get3A_711 : vector<16xf32>
      %swap3A_713 = arith.index_cast %scan3A_116 : i32 to index
      %swap3A_714 = arith.constant 672 : index
      %swap3A_715 = tpu.vector_load %arg10[%swap3A_713, %swap3A_714] {strides = array<i32>} : memref<16x1024xf32, #tpu.memory_space<vmem>>, vector<1x16xf32>,
      %swap3A_716 = vector.shape_cast %swap3A_715 : vector<1x16xf32> to vector<16xf32>
      %swap3A_717 = vector.shape_cast %add3A_712 : vector<16xf32> to vector<1x16xf32>
      tpu.vector_store %arg10[%swap3A_713, %swap3A_714], %swap3A_717 {strides = array<i32>} : memref<16x1024xf32, #tpu.memory_space<vmem>>, vector<1x16xf32>,
      %get3A_718 = arith.index_cast %scan3A_116 : i32 to index
      %get3A_719 = arith.constant 688 : index
      %get3A_720 = tpu.vector_load %arg10[%get3A_718, %get3A_719] {strides = array<i32>} : memref<16x1024xf32, #tpu.memory_space<vmem>>, vector<1x16xf32>,
      %get3A_721 = vector.shape_cast %get3A_720 : vector<1x16xf32> to vector<16xf32>
      %get3A_722 = arith.index_cast %scan3A_116 : i32 to index
      %get3A_723 = arith.constant 688 : index
      %get3A_724 = tpu.vector_load %arg11[%get3A_722, %get3A_723] {strides = array<i32>} : memref<16x1024xf32, #tpu.memory_space<vmem>>, vector<1x16xf32>,
      %get3A_725 = vector.shape_cast %get3A_724 : vector<1x16xf32> to vector<16xf32>
      %add3A_726 = arith.addf %get3A_721, %get3A_725 : vector<16xf32>
      %swap3A_727 = arith.index_cast %scan3A_116 : i32 to index
      %swap3A_728 = arith.constant 688 : index
      %swap3A_729 = tpu.vector_load %arg10[%swap3A_727, %swap3A_728] {strides = array<i32>} : memref<16x1024xf32, #tpu.memory_space<vmem>>, vector<1x16xf32>,
      %swap3A_730 = vector.shape_cast %swap3A_729 : vector<1x16xf32> to vector<16xf32>
      %swap3A_731 = vector.shape_cast %add3A_726 : vector<16xf32> to vector<1x16xf32>
      tpu.vector_store %arg10[%swap3A_727, %swap3A_728], %swap3A_731 {strides = array<i32>} : memref<16x1024xf32, #tpu.memory_space<vmem>>, vector<1x16xf32>,
      %get3A_732 = arith.index_cast %scan3A_116 : i32 to index
      %get3A_733 = arith.constant 704 : index
      %get3A_734 = tpu.vector_load %arg10[%get3A_732, %get3A_733] {strides = array<i32>} : memref<16x1024xf32, #tpu.memory_space<vmem>>, vector<1x16xf32>,
      %get3A_735 = vector.shape_cast %get3A_734 : vector<1x16xf32> to vector<16xf32>
      %get3A_736 = arith.index_cast %scan3A_116 : i32 to index
      %get3A_737 = arith.constant 704 : index
      %get3A_738 = tpu.vector_load %arg11[%get3A_736, %get3A_737] {strides = array<i32>} : memref<16x1024xf32, #tpu.memory_space<vmem>>, vector<1x16xf32>,
      %get3A_739 = vector.shape_cast %get3A_738 : vector<1x16xf32> to vector<16xf32>
      %add3A_740 = arith.addf %get3A_735, %get3A_739 : vector<16xf32>
      %swap3A_741 = arith.index_cast %scan3A_116 : i32 to index
      %swap3A_742 = arith.constant 704 : index
      %swap3A_743 = tpu.vector_load %arg10[%swap3A_741, %swap3A_742] {strides = array<i32>} : memref<16x1024xf32, #tpu.memory_space<vmem>>, vector<1x16xf32>,
      %swap3A_744 = vector.shape_cast %swap3A_743 : vector<1x16xf32> to vector<16xf32>
      %swap3A_745 = vector.shape_cast %add3A_740 : vector<16xf32> to vector<1x16xf32>
      tpu.vector_store %arg10[%swap3A_741, %swap3A_742], %swap3A_745 {strides = array<i32>} : memref<16x1024xf32, #tpu.memory_space<vmem>>, vector<1x16xf32>,
      %get3A_746 = arith.index_cast %scan3A_116 : i32 to index
      %get3A_747 = arith.constant 720 : index
      %get3A_748 = tpu.vector_load %arg10[%get3A_746, %get3A_747] {strides = array<i32>} : memref<16x1024xf32, #tpu.memory_space<vmem>>, vector<1x16xf32>,
      %get3A_749 = vector.shape_cast %get3A_748 : vector<1x16xf32> to vector<16xf32>
      %get3A_750 = arith.index_cast %scan3A_116 : i32 to index
      %get3A_751 = arith.constant 720 : index
      %get3A_752 = tpu.vector_load %arg11[%get3A_750, %get3A_751] {strides = array<i32>} : memref<16x1024xf32, #tpu.memory_space<vmem>>, vector<1x16xf32>,
      %get3A_753 = vector.shape_cast %get3A_752 : vector<1x16xf32> to vector<16xf32>
      %add3A_754 = arith.addf %get3A_749, %get3A_753 : vector<16xf32>
      %swap3A_755 = arith.index_cast %scan3A_116 : i32 to index
      %swap3A_756 = arith.constant 720 : index
      %swap3A_757 = tpu.vector_load %arg10[%swap3A_755, %swap3A_756] {strides = array<i32>} : memref<16x1024xf32, #tpu.memory_space<vmem>>, vector<1x16xf32>,
      %swap3A_758 = vector.shape_cast %swap3A_757 : vector<1x16xf32> to vector<16xf32>
      %swap3A_759 = vector.shape_cast %add3A_754 : vector<16xf32> to vector<1x16xf32>
      tpu.vector_store %arg10[%swap3A_755, %swap3A_756], %swap3A_759 {strides = array<i32>} : memref<16x1024xf32, #tpu.memory_space<vmem>>, vector<1x16xf32>,
      %get3A_760 = arith.index_cast %scan3A_116 : i32 to index
      %get3A_761 = arith.constant 736 : index
      %get3A_762 = tpu.vector_load %arg10[%get3A_760, %get3A_761] {strides = array<i32>} : memref<16x1024xf32, #tpu.memory_space<vmem>>, vector<1x16xf32>,
      %get3A_763 = vector.shape_cast %get3A_762 : vector<1x16xf32> to vector<16xf32>
      %get3A_764 = arith.index_cast %scan3A_116 : i32 to index
      %get3A_765 = arith.constant 736 : index
      %get3A_766 = tpu.vector_load %arg11[%get3A_764, %get3A_765] {strides = array<i32>} : memref<16x1024xf32, #tpu.memory_space<vmem>>, vector<1x16xf32>,
      %get3A_767 = vector.shape_cast %get3A_766 : vector<1x16xf32> to vector<16xf32>
      %add3A_768 = arith.addf %get3A_763, %get3A_767 : vector<16xf32>
      %swap3A_769 = arith.index_cast %scan3A_116 : i32 to index
      %swap3A_770 = arith.constant 736 : index
      %swap3A_771 = tpu.vector_load %arg10[%swap3A_769, %swap3A_770] {strides = array<i32>} : memref<16x1024xf32, #tpu.memory_space<vmem>>, vector<1x16xf32>,
      %swap3A_772 = vector.shape_cast %swap3A_771 : vector<1x16xf32> to vector<16xf32>
      %swap3A_773 = vector.shape_cast %add3A_768 : vector<16xf32> to vector<1x16xf32>
      tpu.vector_store %arg10[%swap3A_769, %swap3A_770], %swap3A_773 {strides = array<i32>} : memref<16x1024xf32, #tpu.memory_space<vmem>>, vector<1x16xf32>,
      %get3A_774 = arith.index_cast %scan3A_116 : i32 to index
      %get3A_775 = arith.constant 752 : index
      %get3A_776 = tpu.vector_load %arg10[%get3A_774, %get3A_775] {strides = array<i32>} : memref<16x1024xf32, #tpu.memory_space<vmem>>, vector<1x16xf32>,
      %get3A_777 = vector.shape_cast %get3A_776 : vector<1x16xf32> to vector<16xf32>
      %get3A_778 = arith.index_cast %scan3A_116 : i32 to index
      %get3A_779 = arith.constant 752 : index
      %get3A_780 = tpu.vector_load %arg11[%get3A_778, %get3A_779] {strides = array<i32>} : memref<16x1024xf32, #tpu.memory_space<vmem>>, vector<1x16xf32>,
      %get3A_781 = vector.shape_cast %get3A_780 : vector<1x16xf32> to vector<16xf32>
      %add3A_782 = arith.addf %get3A_777, %get3A_781 : vector<16xf32>
      %swap3A_783 = arith.index_cast %scan3A_116 : i32 to index
      %swap3A_784 = arith.constant 752 : index
      %swap3A_785 = tpu.vector_load %arg10[%swap3A_783, %swap3A_784] {strides = array<i32>} : memref<16x1024xf32, #tpu.memory_space<vmem>>, vector<1x16xf32>,
      %swap3A_786 = vector.shape_cast %swap3A_785 : vector<1x16xf32> to vector<16xf32>
      %swap3A_787 = vector.shape_cast %add3A_782 : vector<16xf32> to vector<1x16xf32>
      tpu.vector_store %arg10[%swap3A_783, %swap3A_784], %swap3A_787 {strides = array<i32>} : memref<16x1024xf32, #tpu.memory_space<vmem>>, vector<1x16xf32>,
      %get3A_788 = arith.index_cast %scan3A_116 : i32 to index
      %get3A_789 = arith.constant 768 : index
      %get3A_790 = tpu.vector_load %arg10[%get3A_788, %get3A_789] {strides = array<i32>} : memref<16x1024xf32, #tpu.memory_space<vmem>>, vector<1x16xf32>,
      %get3A_791 = vector.shape_cast %get3A_790 : vector<1x16xf32> to vector<16xf32>
      %get3A_792 = arith.index_cast %scan3A_116 : i32 to index
      %get3A_793 = arith.constant 768 : index
      %get3A_794 = tpu.vector_load %arg11[%get3A_792, %get3A_793] {strides = array<i32>} : memref<16x1024xf32, #tpu.memory_space<vmem>>, vector<1x16xf32>,
      %get3A_795 = vector.shape_cast %get3A_794 : vector<1x16xf32> to vector<16xf32>
      %add3A_796 = arith.addf %get3A_791, %get3A_795 : vector<16xf32>
      %swap3A_797 = arith.index_cast %scan3A_116 : i32 to index
      %swap3A_798 = arith.constant 768 : index
      %swap3A_799 = tpu.vector_load %arg10[%swap3A_797, %swap3A_798] {strides = array<i32>} : memref<16x1024xf32, #tpu.memory_space<vmem>>, vector<1x16xf32>,
      %swap3A_800 = vector.shape_cast %swap3A_799 : vector<1x16xf32> to vector<16xf32>
      %swap3A_801 = vector.shape_cast %add3A_796 : vector<16xf32> to vector<1x16xf32>
      tpu.vector_store %arg10[%swap3A_797, %swap3A_798], %swap3A_801 {strides = array<i32>} : memref<16x1024xf32, #tpu.memory_space<vmem>>, vector<1x16xf32>,
      %get3A_802 = arith.index_cast %scan3A_116 : i32 to index
      %get3A_803 = arith.constant 784 : index
      %get3A_804 = tpu.vector_load %arg10[%get3A_802, %get3A_803] {strides = array<i32>} : memref<16x1024xf32, #tpu.memory_space<vmem>>, vector<1x16xf32>,
      %get3A_805 = vector.shape_cast %get3A_804 : vector<1x16xf32> to vector<16xf32>
      %get3A_806 = arith.index_cast %scan3A_116 : i32 to index
      %get3A_807 = arith.constant 784 : index
      %get3A_808 = tpu.vector_load %arg11[%get3A_806, %get3A_807] {strides = array<i32>} : memref<16x1024xf32, #tpu.memory_space<vmem>>, vector<1x16xf32>,
      %get3A_809 = vector.shape_cast %get3A_808 : vector<1x16xf32> to vector<16xf32>
      %add3A_810 = arith.addf %get3A_805, %get3A_809 : vector<16xf32>
      %swap3A_811 = arith.index_cast %scan3A_116 : i32 to index
      %swap3A_812 = arith.constant 784 : index
      %swap3A_813 = tpu.vector_load %arg10[%swap3A_811, %swap3A_812] {strides = array<i32>} : memref<16x1024xf32, #tpu.memory_space<vmem>>, vector<1x16xf32>,
      %swap3A_814 = vector.shape_cast %swap3A_813 : vector<1x16xf32> to vector<16xf32>
      %swap3A_815 = vector.shape_cast %add3A_810 : vector<16xf32> to vector<1x16xf32>
      tpu.vector_store %arg10[%swap3A_811, %swap3A_812], %swap3A_815 {strides = array<i32>} : memref<16x1024xf32, #tpu.memory_space<vmem>>, vector<1x16xf32>,
      %get3A_816 = arith.index_cast %scan3A_116 : i32 to index
      %get3A_817 = arith.constant 800 : index
      %get3A_818 = tpu.vector_load %arg10[%get3A_816, %get3A_817] {strides = array<i32>} : memref<16x1024xf32, #tpu.memory_space<vmem>>, vector<1x16xf32>,
      %get3A_819 = vector.shape_cast %get3A_818 : vector<1x16xf32> to vector<16xf32>
      %get3A_820 = arith.index_cast %scan3A_116 : i32 to index
      %get3A_821 = arith.constant 800 : index
      %get3A_822 = tpu.vector_load %arg11[%get3A_820, %get3A_821] {strides = array<i32>} : memref<16x1024xf32, #tpu.memory_space<vmem>>, vector<1x16xf32>,
      %get3A_823 = vector.shape_cast %get3A_822 : vector<1x16xf32> to vector<16xf32>
      %add3A_824 = arith.addf %get3A_819, %get3A_823 : vector<16xf32>
      %swap3A_825 = arith.index_cast %scan3A_116 : i32 to index
      %swap3A_826 = arith.constant 800 : index
      %swap3A_827 = tpu.vector_load %arg10[%swap3A_825, %swap3A_826] {strides = array<i32>} : memref<16x1024xf32, #tpu.memory_space<vmem>>, vector<1x16xf32>,
      %swap3A_828 = vector.shape_cast %swap3A_827 : vector<1x16xf32> to vector<16xf32>
      %swap3A_829 = vector.shape_cast %add3A_824 : vector<16xf32> to vector<1x16xf32>
      tpu.vector_store %arg10[%swap3A_825, %swap3A_826], %swap3A_829 {strides = array<i32>} : memref<16x1024xf32, #tpu.memory_space<vmem>>, vector<1x16xf32>,
      %get3A_830 = arith.index_cast %scan3A_116 : i32 to index
      %get3A_831 = arith.constant 816 : index
      %get3A_832 = tpu.vector_load %arg10[%get3A_830, %get3A_831] {strides = array<i32>} : memref<16x1024xf32, #tpu.memory_space<vmem>>, vector<1x16xf32>,
      %get3A_833 = vector.shape_cast %get3A_832 : vector<1x16xf32> to vector<16xf32>
      %get3A_834 = arith.index_cast %scan3A_116 : i32 to index
      %get3A_835 = arith.constant 816 : index
      %get3A_836 = tpu.vector_load %arg11[%get3A_834, %get3A_835] {strides = array<i32>} : memref<16x1024xf32, #tpu.memory_space<vmem>>, vector<1x16xf32>,
      %get3A_837 = vector.shape_cast %get3A_836 : vector<1x16xf32> to vector<16xf32>
      %add3A_838 = arith.addf %get3A_833, %get3A_837 : vector<16xf32>
      %swap3A_839 = arith.index_cast %scan3A_116 : i32 to index
      %swap3A_840 = arith.constant 816 : index
      %swap3A_841 = tpu.vector_load %arg10[%swap3A_839, %swap3A_840] {strides = array<i32>} : memref<16x1024xf32, #tpu.memory_space<vmem>>, vector<1x16xf32>,
      %swap3A_842 = vector.shape_cast %swap3A_841 : vector<1x16xf32> to vector<16xf32>
      %swap3A_843 = vector.shape_cast %add3A_838 : vector<16xf32> to vector<1x16xf32>
      tpu.vector_store %arg10[%swap3A_839, %swap3A_840], %swap3A_843 {strides = array<i32>} : memref<16x1024xf32, #tpu.memory_space<vmem>>, vector<1x16xf32>,
      %get3A_844 = arith.index_cast %scan3A_116 : i32 to index
      %get3A_845 = arith.constant 832 : index
      %get3A_846 = tpu.vector_load %arg10[%get3A_844, %get3A_845] {strides = array<i32>} : memref<16x1024xf32, #tpu.memory_space<vmem>>, vector<1x16xf32>,
      %get3A_847 = vector.shape_cast %get3A_846 : vector<1x16xf32> to vector<16xf32>
      %get3A_848 = arith.index_cast %scan3A_116 : i32 to index
      %get3A_849 = arith.constant 832 : index
      %get3A_850 = tpu.vector_load %arg11[%get3A_848, %get3A_849] {strides = array<i32>} : memref<16x1024xf32, #tpu.memory_space<vmem>>, vector<1x16xf32>,
      %get3A_851 = vector.shape_cast %get3A_850 : vector<1x16xf32> to vector<16xf32>
      %add3A_852 = arith.addf %get3A_847, %get3A_851 : vector<16xf32>
      %swap3A_853 = arith.index_cast %scan3A_116 : i32 to index
      %swap3A_854 = arith.constant 832 : index
      %swap3A_855 = tpu.vector_load %arg10[%swap3A_853, %swap3A_854] {strides = array<i32>} : memref<16x1024xf32, #tpu.memory_space<vmem>>, vector<1x16xf32>,
      %swap3A_856 = vector.shape_cast %swap3A_855 : vector<1x16xf32> to vector<16xf32>
      %swap3A_857 = vector.shape_cast %add3A_852 : vector<16xf32> to vector<1x16xf32>
      tpu.vector_store %arg10[%swap3A_853, %swap3A_854], %swap3A_857 {strides = array<i32>} : memref<16x1024xf32, #tpu.memory_space<vmem>>, vector<1x16xf32>,
      %get3A_858 = arith.index_cast %scan3A_116 : i32 to index
      %get3A_859 = arith.constant 848 : index
      %get3A_860 = tpu.vector_load %arg10[%get3A_858, %get3A_859] {strides = array<i32>} : memref<16x1024xf32, #tpu.memory_space<vmem>>, vector<1x16xf32>,
      %get3A_861 = vector.shape_cast %get3A_860 : vector<1x16xf32> to vector<16xf32>
      %get3A_862 = arith.index_cast %scan3A_116 : i32 to index
      %get3A_863 = arith.constant 848 : index
      %get3A_864 = tpu.vector_load %arg11[%get3A_862, %get3A_863] {strides = array<i32>} : memref<16x1024xf32, #tpu.memory_space<vmem>>, vector<1x16xf32>,
      %get3A_865 = vector.shape_cast %get3A_864 : vector<1x16xf32> to vector<16xf32>
      %add3A_866 = arith.addf %get3A_861, %get3A_865 : vector<16xf32>
      %swap3A_867 = arith.index_cast %scan3A_116 : i32 to index
      %swap3A_868 = arith.constant 848 : index
      %swap3A_869 = tpu.vector_load %arg10[%swap3A_867, %swap3A_868] {strides = array<i32>} : memref<16x1024xf32, #tpu.memory_space<vmem>>, vector<1x16xf32>,
      %swap3A_870 = vector.shape_cast %swap3A_869 : vector<1x16xf32> to vector<16xf32>
      %swap3A_871 = vector.shape_cast %add3A_866 : vector<16xf32> to vector<1x16xf32>
      tpu.vector_store %arg10[%swap3A_867, %swap3A_868], %swap3A_871 {strides = array<i32>} : memref<16x1024xf32, #tpu.memory_space<vmem>>, vector<1x16xf32>,
      %get3A_872 = arith.index_cast %scan3A_116 : i32 to index
      %get3A_873 = arith.constant 864 : index
      %get3A_874 = tpu.vector_load %arg10[%get3A_872, %get3A_873] {strides = array<i32>} : memref<16x1024xf32, #tpu.memory_space<vmem>>, vector<1x16xf32>,
      %get3A_875 = vector.shape_cast %get3A_874 : vector<1x16xf32> to vector<16xf32>
      %get3A_876 = arith.index_cast %scan3A_116 : i32 to index
      %get3A_877 = arith.constant 864 : index
      %get3A_878 = tpu.vector_load %arg11[%get3A_876, %get3A_877] {strides = array<i32>} : memref<16x1024xf32, #tpu.memory_space<vmem>>, vector<1x16xf32>,
      %get3A_879 = vector.shape_cast %get3A_878 : vector<1x16xf32> to vector<16xf32>
      %add3A_880 = arith.addf %get3A_875, %get3A_879 : vector<16xf32>
      %swap3A_881 = arith.index_cast %scan3A_116 : i32 to index
      %swap3A_882 = arith.constant 864 : index
      %swap3A_883 = tpu.vector_load %arg10[%swap3A_881, %swap3A_882] {strides = array<i32>} : memref<16x1024xf32, #tpu.memory_space<vmem>>, vector<1x16xf32>,
      %swap3A_884 = vector.shape_cast %swap3A_883 : vector<1x16xf32> to vector<16xf32>
      %swap3A_885 = vector.shape_cast %add3A_880 : vector<16xf32> to vector<1x16xf32>
      tpu.vector_store %arg10[%swap3A_881, %swap3A_882], %swap3A_885 {strides = array<i32>} : memref<16x1024xf32, #tpu.memory_space<vmem>>, vector<1x16xf32>,
      %get3A_886 = arith.index_cast %scan3A_116 : i32 to index
      %get3A_887 = arith.constant 880 : index
      %get3A_888 = tpu.vector_load %arg10[%get3A_886, %get3A_887] {strides = array<i32>} : memref<16x1024xf32, #tpu.memory_space<vmem>>, vector<1x16xf32>,
      %get3A_889 = vector.shape_cast %get3A_888 : vector<1x16xf32> to vector<16xf32>
      %get3A_890 = arith.index_cast %scan3A_116 : i32 to index
      %get3A_891 = arith.constant 880 : index
      %get3A_892 = tpu.vector_load %arg11[%get3A_890, %get3A_891] {strides = array<i32>} : memref<16x1024xf32, #tpu.memory_space<vmem>>, vector<1x16xf32>,
      %get3A_893 = vector.shape_cast %get3A_892 : vector<1x16xf32> to vector<16xf32>
      %add3A_894 = arith.addf %get3A_889, %get3A_893 : vector<16xf32>
      %swap3A_895 = arith.index_cast %scan3A_116 : i32 to index
      %swap3A_896 = arith.constant 880 : index
      %swap3A_897 = tpu.vector_load %arg10[%swap3A_895, %swap3A_896] {strides = array<i32>} : memref<16x1024xf32, #tpu.memory_space<vmem>>, vector<1x16xf32>,
      %swap3A_898 = vector.shape_cast %swap3A_897 : vector<1x16xf32> to vector<16xf32>
      %swap3A_899 = vector.shape_cast %add3A_894 : vector<16xf32> to vector<1x16xf32>
      tpu.vector_store %arg10[%swap3A_895, %swap3A_896], %swap3A_899 {strides = array<i32>} : memref<16x1024xf32, #tpu.memory_space<vmem>>, vector<1x16xf32>,
      %get3A_900 = arith.index_cast %scan3A_116 : i32 to index
      %get3A_901 = arith.constant 896 : index
      %get3A_902 = tpu.vector_load %arg10[%get3A_900, %get3A_901] {strides = array<i32>} : memref<16x1024xf32, #tpu.memory_space<vmem>>, vector<1x16xf32>,
      %get3A_903 = vector.shape_cast %get3A_902 : vector<1x16xf32> to vector<16xf32>
      %get3A_904 = arith.index_cast %scan3A_116 : i32 to index
      %get3A_905 = arith.constant 896 : index
      %get3A_906 = tpu.vector_load %arg11[%get3A_904, %get3A_905] {strides = array<i32>} : memref<16x1024xf32, #tpu.memory_space<vmem>>, vector<1x16xf32>,
      %get3A_907 = vector.shape_cast %get3A_906 : vector<1x16xf32> to vector<16xf32>
      %add3A_908 = arith.addf %get3A_903, %get3A_907 : vector<16xf32>
      %swap3A_909 = arith.index_cast %scan3A_116 : i32 to index
      %swap3A_910 = arith.constant 896 : index
      %swap3A_911 = tpu.vector_load %arg10[%swap3A_909, %swap3A_910] {strides = array<i32>} : memref<16x1024xf32, #tpu.memory_space<vmem>>, vector<1x16xf32>,
      %swap3A_912 = vector.shape_cast %swap3A_911 : vector<1x16xf32> to vector<16xf32>
      %swap3A_913 = vector.shape_cast %add3A_908 : vector<16xf32> to vector<1x16xf32>
      tpu.vector_store %arg10[%swap3A_909, %swap3A_910], %swap3A_913 {strides = array<i32>} : memref<16x1024xf32, #tpu.memory_space<vmem>>, vector<1x16xf32>,
      %get3A_914 = arith.index_cast %scan3A_116 : i32 to index
      %get3A_915 = arith.constant 912 : index
      %get3A_916 = tpu.vector_load %arg10[%get3A_914, %get3A_915] {strides = array<i32>} : memref<16x1024xf32, #tpu.memory_space<vmem>>, vector<1x16xf32>,
      %get3A_917 = vector.shape_cast %get3A_916 : vector<1x16xf32> to vector<16xf32>
      %get3A_918 = arith.index_cast %scan3A_116 : i32 to index
      %get3A_919 = arith.constant 912 : index
      %get3A_920 = tpu.vector_load %arg11[%get3A_918, %get3A_919] {strides = array<i32>} : memref<16x1024xf32, #tpu.memory_space<vmem>>, vector<1x16xf32>,
      %get3A_921 = vector.shape_cast %get3A_920 : vector<1x16xf32> to vector<16xf32>
      %add3A_922 = arith.addf %get3A_917, %get3A_921 : vector<16xf32>
      %swap3A_923 = arith.index_cast %scan3A_116 : i32 to index
      %swap3A_924 = arith.constant 912 : index
      %swap3A_925 = tpu.vector_load %arg10[%swap3A_923, %swap3A_924] {strides = array<i32>} : memref<16x1024xf32, #tpu.memory_space<vmem>>, vector<1x16xf32>,
      %swap3A_926 = vector.shape_cast %swap3A_925 : vector<1x16xf32> to vector<16xf32>
      %swap3A_927 = vector.shape_cast %add3A_922 : vector<16xf32> to vector<1x16xf32>
      tpu.vector_store %arg10[%swap3A_923, %swap3A_924], %swap3A_927 {strides = array<i32>} : memref<16x1024xf32, #tpu.memory_space<vmem>>, vector<1x16xf32>,
      %get3A_928 = arith.index_cast %scan3A_116 : i32 to index
      %get3A_929 = arith.constant 928 : index
      %get3A_930 = tpu.vector_load %arg10[%get3A_928, %get3A_929] {strides = array<i32>} : memref<16x1024xf32, #tpu.memory_space<vmem>>, vector<1x16xf32>,
      %get3A_931 = vector.shape_cast %get3A_930 : vector<1x16xf32> to vector<16xf32>
      %get3A_932 = arith.index_cast %scan3A_116 : i32 to index
      %get3A_933 = arith.constant 928 : index
      %get3A_934 = tpu.vector_load %arg11[%get3A_932, %get3A_933] {strides = array<i32>} : memref<16x1024xf32, #tpu.memory_space<vmem>>, vector<1x16xf32>,
      %get3A_935 = vector.shape_cast %get3A_934 : vector<1x16xf32> to vector<16xf32>
      %add3A_936 = arith.addf %get3A_931, %get3A_935 : vector<16xf32>
      %swap3A_937 = arith.index_cast %scan3A_116 : i32 to index
      %swap3A_938 = arith.constant 928 : index
      %swap3A_939 = tpu.vector_load %arg10[%swap3A_937, %swap3A_938] {strides = array<i32>} : memref<16x1024xf32, #tpu.memory_space<vmem>>, vector<1x16xf32>,
      %swap3A_940 = vector.shape_cast %swap3A_939 : vector<1x16xf32> to vector<16xf32>
      %swap3A_941 = vector.shape_cast %add3A_936 : vector<16xf32> to vector<1x16xf32>
      tpu.vector_store %arg10[%swap3A_937, %swap3A_938], %swap3A_941 {strides = array<i32>} : memref<16x1024xf32, #tpu.memory_space<vmem>>, vector<1x16xf32>,
      %get3A_942 = arith.index_cast %scan3A_116 : i32 to index
      %get3A_943 = arith.constant 944 : index
      %get3A_944 = tpu.vector_load %arg10[%get3A_942, %get3A_943] {strides = array<i32>} : memref<16x1024xf32, #tpu.memory_space<vmem>>, vector<1x16xf32>,
      %get3A_945 = vector.shape_cast %get3A_944 : vector<1x16xf32> to vector<16xf32>
      %get3A_946 = arith.index_cast %scan3A_116 : i32 to index
      %get3A_947 = arith.constant 944 : index
      %get3A_948 = tpu.vector_load %arg11[%get3A_946, %get3A_947] {strides = array<i32>} : memref<16x1024xf32, #tpu.memory_space<vmem>>, vector<1x16xf32>,
      %get3A_949 = vector.shape_cast %get3A_948 : vector<1x16xf32> to vector<16xf32>
      %add3A_950 = arith.addf %get3A_945, %get3A_949 : vector<16xf32>
      %swap3A_951 = arith.index_cast %scan3A_116 : i32 to index
      %swap3A_952 = arith.constant 944 : index
      %swap3A_953 = tpu.vector_load %arg10[%swap3A_951, %swap3A_952] {strides = array<i32>} : memref<16x1024xf32, #tpu.memory_space<vmem>>, vector<1x16xf32>,
      %swap3A_954 = vector.shape_cast %swap3A_953 : vector<1x16xf32> to vector<16xf32>
      %swap3A_955 = vector.shape_cast %add3A_950 : vector<16xf32> to vector<1x16xf32>
      tpu.vector_store %arg10[%swap3A_951, %swap3A_952], %swap3A_955 {strides = array<i32>} : memref<16x1024xf32, #tpu.memory_space<vmem>>, vector<1x16xf32>,
      %get3A_956 = arith.index_cast %scan3A_116 : i32 to index
      %get3A_957 = arith.constant 960 : index
      %get3A_958 = tpu.vector_load %arg10[%get3A_956, %get3A_957] {strides = array<i32>} : memref<16x1024xf32, #tpu.memory_space<vmem>>, vector<1x16xf32>,
      %get3A_959 = vector.shape_cast %get3A_958 : vector<1x16xf32> to vector<16xf32>
      %get3A_960 = arith.index_cast %scan3A_116 : i32 to index
      %get3A_961 = arith.constant 960 : index
      %get3A_962 = tpu.vector_load %arg11[%get3A_960, %get3A_961] {strides = array<i32>} : memref<16x1024xf32, #tpu.memory_space<vmem>>, vector<1x16xf32>,
      %get3A_963 = vector.shape_cast %get3A_962 : vector<1x16xf32> to vector<16xf32>
      %add3A_964 = arith.addf %get3A_959, %get3A_963 : vector<16xf32>
      %swap3A_965 = arith.index_cast %scan3A_116 : i32 to index
      %swap3A_966 = arith.constant 960 : index
      %swap3A_967 = tpu.vector_load %arg10[%swap3A_965, %swap3A_966] {strides = array<i32>} : memref<16x1024xf32, #tpu.memory_space<vmem>>, vector<1x16xf32>,
      %swap3A_968 = vector.shape_cast %swap3A_967 : vector<1x16xf32> to vector<16xf32>
      %swap3A_969 = vector.shape_cast %add3A_964 : vector<16xf32> to vector<1x16xf32>
      tpu.vector_store %arg10[%swap3A_965, %swap3A_966], %swap3A_969 {strides = array<i32>} : memref<16x1024xf32, #tpu.memory_space<vmem>>, vector<1x16xf32>,
      %get3A_970 = arith.index_cast %scan3A_116 : i32 to index
      %get3A_971 = arith.constant 976 : index
      %get3A_972 = tpu.vector_load %arg10[%get3A_970, %get3A_971] {strides = array<i32>} : memref<16x1024xf32, #tpu.memory_space<vmem>>, vector<1x16xf32>,
      %get3A_973 = vector.shape_cast %get3A_972 : vector<1x16xf32> to vector<16xf32>
      %get3A_974 = arith.index_cast %scan3A_116 : i32 to index
      %get3A_975 = arith.constant 976 : index
      %get3A_976 = tpu.vector_load %arg11[%get3A_974, %get3A_975] {strides = array<i32>} : memref<16x1024xf32, #tpu.memory_space<vmem>>, vector<1x16xf32>,
      %get3A_977 = vector.shape_cast %get3A_976 : vector<1x16xf32> to vector<16xf32>
      %add3A_978 = arith.addf %get3A_973, %get3A_977 : vector<16xf32>
      %swap3A_979 = arith.index_cast %scan3A_116 : i32 to index
      %swap3A_980 = arith.constant 976 : index
      %swap3A_981 = tpu.vector_load %arg10[%swap3A_979, %swap3A_980] {strides = array<i32>} : memref<16x1024xf32, #tpu.memory_space<vmem>>, vector<1x16xf32>,
      %swap3A_982 = vector.shape_cast %swap3A_981 : vector<1x16xf32> to vector<16xf32>
      %swap3A_983 = vector.shape_cast %add3A_978 : vector<16xf32> to vector<1x16xf32>
      tpu.vector_store %arg10[%swap3A_979, %swap3A_980], %swap3A_983 {strides = array<i32>} : memref<16x1024xf32, #tpu.memory_space<vmem>>, vector<1x16xf32>,
      %get3A_984 = arith.index_cast %scan3A_116 : i32 to index
      %get3A_985 = arith.constant 992 : index
      %get3A_986 = tpu.vector_load %arg10[%get3A_984, %get3A_985] {strides = array<i32>} : memref<16x1024xf32, #tpu.memory_space<vmem>>, vector<1x16xf32>,
      %get3A_987 = vector.shape_cast %get3A_986 : vector<1x16xf32> to vector<16xf32>
      %get3A_988 = arith.index_cast %scan3A_116 : i32 to index
      %get3A_989 = arith.constant 992 : index
      %get3A_990 = tpu.vector_load %arg11[%get3A_988, %get3A_989] {strides = array<i32>} : memref<16x1024xf32, #tpu.memory_space<vmem>>, vector<1x16xf32>,
      %get3A_991 = vector.shape_cast %get3A_990 : vector<1x16xf32> to vector<16xf32>
      %add3A_992 = arith.addf %get3A_987, %get3A_991 : vector<16xf32>
      %swap3A_993 = arith.index_cast %scan3A_116 : i32 to index
      %swap3A_994 = arith.constant 992 : index
      %swap3A_995 = tpu.vector_load %arg10[%swap3A_993, %swap3A_994] {strides = array<i32>} : memref<16x1024xf32, #tpu.memory_space<vmem>>, vector<1x16xf32>,
      %swap3A_996 = vector.shape_cast %swap3A_995 : vector<1x16xf32> to vector<16xf32>
      %swap3A_997 = vector.shape_cast %add3A_992 : vector<16xf32> to vector<1x16xf32>
      tpu.vector_store %arg10[%swap3A_993, %swap3A_994], %swap3A_997 {strides = array<i32>} : memref<16x1024xf32, #tpu.memory_space<vmem>>, vector<1x16xf32>,
      %get3A_998 = arith.index_cast %scan3A_116 : i32 to index
      %get3A_999 = arith.constant 1008 : index
      %get3A_1000 = tpu.vector_load %arg10[%get3A_998, %get3A_999] {strides = array<i32>} : memref<16x1024xf32, #tpu.memory_space<vmem>>, vector<1x16xf32>,
      %get3A_1001 = vector.shape_cast %get3A_1000 : vector<1x16xf32> to vector<16xf32>
      %get3A_1002 = arith.index_cast %scan3A_116 : i32 to index
      %get3A_1003 = arith.constant 1008 : index
      %get3A_1004 = tpu.vector_load %arg11[%get3A_1002, %get3A_1003] {strides = array<i32>} : memref<16x1024xf32, #tpu.memory_space<vmem>>, vector<1x16xf32>,
      %get3A_1005 = vector.shape_cast %get3A_1004 : vector<1x16xf32> to vector<16xf32>
      %add3A_1006 = arith.addf %get3A_1001, %get3A_1005 : vector<16xf32>
      %swap3A_1007 = arith.index_cast %scan3A_116 : i32 to index
      %swap3A_1008 = arith.constant 1008 : index
      %swap3A_1009 = tpu.vector_load %arg10[%swap3A_1007, %swap3A_1008] {strides = array<i32>} : memref<16x1024xf32, #tpu.memory_space<vmem>>, vector<1x16xf32>,
      %swap3A_1010 = vector.shape_cast %swap3A_1009 : vector<1x16xf32> to vector<16xf32>
      %swap3A_1011 = vector.shape_cast %add3A_1006 : vector<16xf32> to vector<1x16xf32>
      tpu.vector_store %arg10[%swap3A_1007, %swap3A_1008], %swap3A_1011 {strides = array<i32>} : memref<16x1024xf32, #tpu.memory_space<vmem>>, vector<1x16xf32>,
      %scan3A_1012 = arith.constant 0 : i32
      scf.yield %scan3A_1012 : i32
    }
    %scan3A_113 = arith.constant 16 : i32
    %add3A_114 = arith.constant 48 : i32
    %add3A_115 = arith.addi %mul3A_2, %add3A_114 : i32
    "tpu.region"() ({
      %run_scoped3A = tpu.sem_alloc : memref<!tpu.dma_semaphore, #tpu.memory_space<semaphore_mem>>
      %dma_start3A_116 = arith.constant 0 : i32
      %dma_start3A_117 = tpu.memref_slice %arg5[%add3A_115, %dma_start3A_116] : memref<2048x1024xf32, #tpu.memory_space<hbm>> -> memref<16x1024xf32, #tpu.memory_space<hbm>>
      %dma_start3A_118 = arith.constant 0 : i32
      %dma_start3A_119 = tpu.memref_slice %arg5[%add3A_115, %dma_start3A_118] : memref<2048x1024xf32, #tpu.memory_space<hbm>> -> memref<16x1024xf32, #tpu.memory_space<hbm>>
      tpu.enqueue_dma source(%arg10 : memref<16x1024xf32, #tpu.memory_space<vmem>>) target(%dma_start3A_119 : memref<16x1024xf32, #tpu.memory_space<hbm>>) target_semaphore(%run_scoped3A : memref<!tpu.dma_semaphore, #tpu.memory_space<semaphore_mem>>)
      %dma_wait3A_120 = arith.constant 0 : i32
      %dma_wait3A_121 = tpu.memref_slice %arg5[%add3A_115, %dma_wait3A_120] : memref<2048x1024xf32, #tpu.memory_space<hbm>> -> memref<16x1024xf32, #tpu.memory_space<hbm>>
      %dma_wait3A_122 = arith.constant 0 : i32
      %dma_wait3A_123 = tpu.memref_slice %arg5[%add3A_115, %dma_wait3A_122] : memref<2048x1024xf32, #tpu.memory_space<hbm>> -> memref<16x1024xf32, #tpu.memory_space<hbm>>
      tpu.wait_dma2 semaphore(%run_scoped3A : memref<!tpu.dma_semaphore, #tpu.memory_space<semaphore_mem>>) src(%arg10 : memref<16x1024xf32, #tpu.memory_space<vmem>>) dst(%dma_wait3A_123 : memref<16x1024xf32, #tpu.memory_space<hbm>>)
      tpu.yield
    }) : () -> ()
    return
  }
}

module attributes {stable_mosaic.version = 14 : i64} {
  func.func @_router_body(%arg0: memref<2048x1024xf32, #tpu.memory_space<vmem>>, %arg1: memref<1024x128xf32, #tpu.memory_space<vmem>>, %arg2: memref<1x128xf32, #tpu.memory_space<vmem>>, %arg3: memref<1x2048xi32, #tpu.memory_space<vmem>>, %arg4: memref<1x2048xi32, #tpu.memory_space<vmem>>, %arg5: memref<1x2048xf32, #tpu.memory_space<vmem>>, %arg6: memref<1x2048xf32, #tpu.memory_space<vmem>>, %arg7: memref<1x24xi32, #tpu.memory_space<vmem>>, %arg8: memref<1x24xi32, #tpu.memory_space<vmem>>) attributes {dimension_semantics = [], scalar_prefetch = 0 : i64, scratch_operands = 0 : i64, tpu.core_type = #tpu.core_type<tc>} {
    %get3A = arith.constant 0 : index
    %get3A_0 = arith.constant 0 : index
    %get3A_1 = vector.load %arg0[%get3A, %get3A_0] : memref<2048x1024xf32, #tpu.memory_space<vmem>>, vector<2048x1024xf32>
    %get3A_2 = arith.constant 0 : index
    %get3A_3 = arith.constant 0 : index
    %get3A_4 = vector.load %arg1[%get3A_2, %get3A_3] : memref<1024x128xf32, #tpu.memory_space<vmem>>, vector<1024x128xf32>
    %dot_general3A = arith.constant dense<0.000000e+00> : vector<2048x128xf32>
    %dot_general3A_5 = tpu.matmul %get3A_1, %get3A_4, %dot_general3A {dimension_numbers = #tpu.dot_dimension_numbers<[1], [0], [0], [1], [0, 0, 1, 1], [], []>, transpose_lhs_hint = false} : vector<2048x1024xf32>, vector<1024x128xf32>, vector<2048x128xf32> -> vector<2048x128xf32>
    %get3A_6 = arith.constant 0 : index
    %get3A_7 = arith.constant 0 : index
    %get3A_8 = vector.load %arg2[%get3A_6, %get3A_7] : memref<1x128xf32, #tpu.memory_space<vmem>>, vector<1x128xf32>
    %add3A = vector.broadcast %get3A_8 : vector<1x128xf32> to vector<2048x128xf32>
    %add3A_9 = arith.addf %dot_general3A_5, %add3A : vector<2048x128xf32>
    %iota3A = tpu.iota {dimensions = array<i32: 1>} : vector<2048x128xi32>
    %lt3A = arith.constant 8 : i32
    %lt3A_10 = vector.broadcast %lt3A : i32 to vector<2048x128xi32>
    %lt3A_11 = arith.cmpi slt, %iota3A, %lt3A_10 : vector<2048x128xi32>
    %jit3A = arith.constant 0xFF800000 : f32
    %broadcast_in_dim3A = vector.broadcast %jit3A : f32 to vector<2048x128xf32>
    %select_n3A = arith.select %lt3A_11, %add3A_9, %broadcast_in_dim3A : vector<2048x128xi1>, vector<2048x128xf32>
    %reduce_max3A = arith.constant dense<0xFF800000> : vector<2048xf32>
    %reduce_max3A_12 = vector.multi_reduction <maximumf>, %select_n3A, %reduce_max3A [1] : vector<2048x128xf32> to vector<2048xf32>
    %broadcast_in_dim3A_13 = vector.shape_cast %reduce_max3A_12 : vector<2048xf32> to vector<2048x1xf32>
    %eq3A = vector.broadcast %broadcast_in_dim3A_13 : vector<2048x1xf32> to vector<2048x128xf32>
    %eq3A_14 = arith.cmpf oeq, %select_n3A, %eq3A : vector<2048x128xf32>
    %jit3A_15 = arith.constant 8 : i32
    %broadcast_in_dim3A_16 = vector.broadcast %jit3A_15 : i32 to vector<2048x128xi32>
    %select_n3A_17 = arith.select %eq3A_14, %iota3A, %broadcast_in_dim3A_16 : vector<2048x128xi1>, vector<2048x128xi32>
    %reduce_min3A = arith.constant dense<2147483647> : vector<2048xi32>
    %reduce_min3A_18 = vector.multi_reduction <minsi>, %select_n3A_17, %reduce_min3A [1] : vector<2048x128xi32> to vector<2048xi32>
    %broadcast_in_dim3A_19 = vector.shape_cast %reduce_min3A_18 : vector<2048xi32> to vector<2048x1xi32>
    %eq3A_20 = vector.broadcast %broadcast_in_dim3A_19 : vector<2048x1xi32> to vector<2048x128xi32>
    %eq3A_21 = arith.cmpi eq, %iota3A, %eq3A_20 : vector<2048x128xi32>
    %jit3A_22 = arith.constant 0xFF800000 : f32
    %broadcast_in_dim3A_23 = vector.broadcast %jit3A_22 : f32 to vector<2048x128xf32>
    %select_n3A_24 = arith.select %eq3A_21, %broadcast_in_dim3A_23, %select_n3A : vector<2048x128xi1>, vector<2048x128xf32>
    %reduce_max3A_25 = arith.constant dense<0xFF800000> : vector<2048xf32>
    %reduce_max3A_26 = vector.multi_reduction <maximumf>, %select_n3A_24, %reduce_max3A_25 [1] : vector<2048x128xf32> to vector<2048xf32>
    %broadcast_in_dim3A_27 = vector.shape_cast %reduce_max3A_26 : vector<2048xf32> to vector<2048x1xf32>
    %eq3A_28 = vector.broadcast %broadcast_in_dim3A_27 : vector<2048x1xf32> to vector<2048x128xf32>
    %eq3A_29 = arith.cmpf oeq, %select_n3A_24, %eq3A_28 : vector<2048x128xf32>
    %jit3A_30 = arith.constant 8 : i32
    %broadcast_in_dim3A_31 = vector.broadcast %jit3A_30 : i32 to vector<2048x128xi32>
    %select_n3A_32 = arith.select %eq3A_29, %iota3A, %broadcast_in_dim3A_31 : vector<2048x128xi1>, vector<2048x128xi32>
    %reduce_min3A_33 = arith.constant dense<2147483647> : vector<2048xi32>
    %reduce_min3A_34 = vector.multi_reduction <minsi>, %select_n3A_32, %reduce_min3A_33 [1] : vector<2048x128xi32> to vector<2048xi32>
    %broadcast_in_dim3A_35 = vector.shape_cast %reduce_min3A_34 : vector<2048xi32> to vector<2048x1xi32>
    %sub3A = arith.subf %broadcast_in_dim3A_27, %broadcast_in_dim3A_13 : vector<2048x1xf32>
    %exp3A = math.exp %sub3A : vector<2048x1xf32>
    %add3A_36 = arith.constant 1.000000e+00 : f32
    %add3A_37 = vector.broadcast %add3A_36 : f32 to vector<2048x1xf32>
    %add3A_38 = arith.addf %add3A_37, %exp3A : vector<2048x1xf32>
    %div3A = arith.constant 1.000000e+00 : f32
    %div3A_39 = vector.broadcast %div3A : f32 to vector<2048x1xf32>
    %div3A_40 = arith.divf %div3A_39, %add3A_38 : vector<2048x1xf32>
    %transpose3A = tpu.transpose %div3A_40, [1, 0] : vector<2048x1xf32> -> vector<1x2048xf32>
    %swap3A = arith.constant 0 : index
    %swap3A_41 = arith.constant 0 : index
    %swap3A_42 = vector.load %arg5[%swap3A, %swap3A_41] : memref<1x2048xf32, #tpu.memory_space<vmem>>, vector<1x2048xf32>
    tpu.vector_store %arg5[%swap3A, %swap3A_41], %transpose3A {strides = array<i32>} : memref<1x2048xf32, #tpu.memory_space<vmem>>, vector<1x2048xf32>,
    %sub3A_43 = arith.constant 1.000000e+00 : f32
    %sub3A_44 = vector.broadcast %sub3A_43 : f32 to vector<2048x1xf32>
    %sub3A_45 = arith.subf %sub3A_44, %div3A_40 : vector<2048x1xf32>
    %transpose3A_46 = tpu.transpose %sub3A_45, [1, 0] : vector<2048x1xf32> -> vector<1x2048xf32>
    %swap3A_47 = arith.constant 0 : index
    %swap3A_48 = arith.constant 0 : index
    %swap3A_49 = vector.load %arg6[%swap3A_47, %swap3A_48] : memref<1x2048xf32, #tpu.memory_space<vmem>>, vector<1x2048xf32>
    tpu.vector_store %arg6[%swap3A_47, %swap3A_48], %transpose3A_46 {strides = array<i32>} : memref<1x2048xf32, #tpu.memory_space<vmem>>, vector<1x2048xf32>,
    %transpose3A_50 = tpu.transpose %broadcast_in_dim3A_19, [1, 0] : vector<2048x1xi32> -> vector<1x2048xi32>
    %transpose3A_51 = tpu.transpose %broadcast_in_dim3A_35, [1, 0] : vector<2048x1xi32> -> vector<1x2048xi32>
    %iota3A_52 = tpu.iota {dimensions = array<i32: 0>} : vector<8x2048xi32>
    %broadcast_in_dim3A_53 = vector.shape_cast %transpose3A_50 : vector<1x2048xi32> to vector<1x2048xi32>
    %broadcast_in_dim3A_54 = vector.broadcast %broadcast_in_dim3A_53 : vector<1x2048xi32> to vector<8x2048xi32>
    %eq3A_55 = arith.cmpi eq, %broadcast_in_dim3A_54, %iota3A_52 : vector<8x2048xi32>
    %broadcast_in_dim3A_56 = vector.shape_cast %transpose3A_51 : vector<1x2048xi32> to vector<1x2048xi32>
    %broadcast_in_dim3A_57 = vector.broadcast %broadcast_in_dim3A_56 : vector<1x2048xi32> to vector<8x2048xi32>
    %eq3A_58 = arith.cmpi eq, %broadcast_in_dim3A_57, %iota3A_52 : vector<8x2048xi32>
    %convert_element_type3A = arith.extui %eq3A_55 : vector<8x2048xi1> to vector<8x2048xi32>
    %convert_element_type3A_59 = arith.extui %eq3A_58 : vector<8x2048xi1> to vector<8x2048xi32>
    %add3A_60 = arith.addi %convert_element_type3A, %convert_element_type3A_59 : vector<8x2048xi32>
    %broadcast_in_dim3A_61 = arith.constant 0 : i32
    %broadcast_in_dim3A_62 = vector.broadcast %broadcast_in_dim3A_61 : i32 to vector<8x1xi32>
    %slice3A = vector.extract_strided_slice %add3A_60 {offsets = [0, 0], sizes = [8, 2047], strides = [1, 1]} : vector<8x2048xi32> to vector<8x2047xi32>
    %concatenate3A = tpu.concatenate %broadcast_in_dim3A_62, %slice3A in 1 : vector<8x1xi32>, vector<8x2047xi32> -> vector<8x2048xi32>
    %add3A_63 = arith.addi %add3A_60, %concatenate3A : vector<8x2048xi32>
    %broadcast_in_dim3A_64 = arith.constant 0 : i32
    %broadcast_in_dim3A_65 = vector.broadcast %broadcast_in_dim3A_64 : i32 to vector<8x2xi32>
    %slice3A_66 = vector.extract_strided_slice %add3A_63 {offsets = [0, 0], sizes = [8, 2046], strides = [1, 1]} : vector<8x2048xi32> to vector<8x2046xi32>
    %concatenate3A_67 = tpu.concatenate %broadcast_in_dim3A_65, %slice3A_66 in 1 : vector<8x2xi32>, vector<8x2046xi32> -> vector<8x2048xi32>
    %add3A_68 = arith.addi %add3A_63, %concatenate3A_67 : vector<8x2048xi32>
    %broadcast_in_dim3A_69 = arith.constant 0 : i32
    %broadcast_in_dim3A_70 = vector.broadcast %broadcast_in_dim3A_69 : i32 to vector<8x4xi32>
    %slice3A_71 = vector.extract_strided_slice %add3A_68 {offsets = [0, 0], sizes = [8, 2044], strides = [1, 1]} : vector<8x2048xi32> to vector<8x2044xi32>
    %concatenate3A_72 = tpu.concatenate %broadcast_in_dim3A_70, %slice3A_71 in 1 : vector<8x4xi32>, vector<8x2044xi32> -> vector<8x2048xi32>
    %add3A_73 = arith.addi %add3A_68, %concatenate3A_72 : vector<8x2048xi32>
    %broadcast_in_dim3A_74 = arith.constant 0 : i32
    %broadcast_in_dim3A_75 = vector.broadcast %broadcast_in_dim3A_74 : i32 to vector<8x8xi32>
    %slice3A_76 = vector.extract_strided_slice %add3A_73 {offsets = [0, 0], sizes = [8, 2040], strides = [1, 1]} : vector<8x2048xi32> to vector<8x2040xi32>
    %concatenate3A_77 = tpu.concatenate %broadcast_in_dim3A_75, %slice3A_76 in 1 : vector<8x8xi32>, vector<8x2040xi32> -> vector<8x2048xi32>
    %add3A_78 = arith.addi %add3A_73, %concatenate3A_77 : vector<8x2048xi32>
    %broadcast_in_dim3A_79 = arith.constant 0 : i32
    %broadcast_in_dim3A_80 = vector.broadcast %broadcast_in_dim3A_79 : i32 to vector<8x16xi32>
    %slice3A_81 = vector.extract_strided_slice %add3A_78 {offsets = [0, 0], sizes = [8, 2032], strides = [1, 1]} : vector<8x2048xi32> to vector<8x2032xi32>
    %concatenate3A_82 = tpu.concatenate %broadcast_in_dim3A_80, %slice3A_81 in 1 : vector<8x16xi32>, vector<8x2032xi32> -> vector<8x2048xi32>
    %add3A_83 = arith.addi %add3A_78, %concatenate3A_82 : vector<8x2048xi32>
    %broadcast_in_dim3A_84 = arith.constant 0 : i32
    %broadcast_in_dim3A_85 = vector.broadcast %broadcast_in_dim3A_84 : i32 to vector<8x32xi32>
    %slice3A_86 = vector.extract_strided_slice %add3A_83 {offsets = [0, 0], sizes = [8, 2016], strides = [1, 1]} : vector<8x2048xi32> to vector<8x2016xi32>
    %concatenate3A_87 = tpu.concatenate %broadcast_in_dim3A_85, %slice3A_86 in 1 : vector<8x32xi32>, vector<8x2016xi32> -> vector<8x2048xi32>
    %add3A_88 = arith.addi %add3A_83, %concatenate3A_87 : vector<8x2048xi32>
    %broadcast_in_dim3A_89 = arith.constant 0 : i32
    %broadcast_in_dim3A_90 = vector.broadcast %broadcast_in_dim3A_89 : i32 to vector<8x64xi32>
    %slice3A_91 = vector.extract_strided_slice %add3A_88 {offsets = [0, 0], sizes = [8, 1984], strides = [1, 1]} : vector<8x2048xi32> to vector<8x1984xi32>
    %concatenate3A_92 = tpu.concatenate %broadcast_in_dim3A_90, %slice3A_91 in 1 : vector<8x64xi32>, vector<8x1984xi32> -> vector<8x2048xi32>
    %add3A_93 = arith.addi %add3A_88, %concatenate3A_92 : vector<8x2048xi32>
    %broadcast_in_dim3A_94 = arith.constant 0 : i32
    %broadcast_in_dim3A_95 = vector.broadcast %broadcast_in_dim3A_94 : i32 to vector<8x128xi32>
    %slice3A_96 = vector.extract_strided_slice %add3A_93 {offsets = [0, 0], sizes = [8, 1920], strides = [1, 1]} : vector<8x2048xi32> to vector<8x1920xi32>
    %concatenate3A_97 = tpu.concatenate %broadcast_in_dim3A_95, %slice3A_96 in 1 : vector<8x128xi32>, vector<8x1920xi32> -> vector<8x2048xi32>
    %add3A_98 = arith.addi %add3A_93, %concatenate3A_97 : vector<8x2048xi32>
    %broadcast_in_dim3A_99 = arith.constant 0 : i32
    %broadcast_in_dim3A_100 = vector.broadcast %broadcast_in_dim3A_99 : i32 to vector<8x256xi32>
    %slice3A_101 = vector.extract_strided_slice %add3A_98 {offsets = [0, 0], sizes = [8, 1792], strides = [1, 1]} : vector<8x2048xi32> to vector<8x1792xi32>
    %concatenate3A_102 = tpu.concatenate %broadcast_in_dim3A_100, %slice3A_101 in 1 : vector<8x256xi32>, vector<8x1792xi32> -> vector<8x2048xi32>
    %add3A_103 = arith.addi %add3A_98, %concatenate3A_102 : vector<8x2048xi32>
    %broadcast_in_dim3A_104 = arith.constant 0 : i32
    %broadcast_in_dim3A_105 = vector.broadcast %broadcast_in_dim3A_104 : i32 to vector<8x512xi32>
    %slice3A_106 = vector.extract_strided_slice %add3A_103 {offsets = [0, 0], sizes = [8, 1536], strides = [1, 1]} : vector<8x2048xi32> to vector<8x1536xi32>
    %concatenate3A_107 = tpu.concatenate %broadcast_in_dim3A_105, %slice3A_106 in 1 : vector<8x512xi32>, vector<8x1536xi32> -> vector<8x2048xi32>
    %add3A_108 = arith.addi %add3A_103, %concatenate3A_107 : vector<8x2048xi32>
    %broadcast_in_dim3A_109 = arith.constant 0 : i32
    %broadcast_in_dim3A_110 = vector.broadcast %broadcast_in_dim3A_109 : i32 to vector<8x1024xi32>
    %slice3A_111 = vector.extract_strided_slice %add3A_108 {offsets = [0, 0], sizes = [8, 1024], strides = [1, 1]} : vector<8x2048xi32> to vector<8x1024xi32>
    %concatenate3A_112 = tpu.concatenate %broadcast_in_dim3A_110, %slice3A_111 in 1 : vector<8x1024xi32>, vector<8x1024xi32> -> vector<8x2048xi32>
    %add3A_113 = arith.addi %add3A_108, %concatenate3A_112 : vector<8x2048xi32>
    %sub3A_114 = arith.subi %add3A_113, %add3A_60 : vector<8x2048xi32>
    %slice3A_115 = vector.extract_strided_slice %add3A_113 {offsets = [0, 2047], sizes = [8, 1], strides = [1, 1]} : vector<8x2048xi32> to vector<8x1xi32>
    %add3A_116 = arith.constant 256 : i32
    %add3A_117 = vector.broadcast %add3A_116 : i32 to vector<8x1xi32>
    %add3A_118 = arith.addi %slice3A_115, %add3A_117 : vector<8x1xi32>
    %sub3A_119 = arith.constant 1 : i32
    %sub3A_120 = vector.broadcast %sub3A_119 : i32 to vector<8x1xi32>
    %sub3A_121 = arith.subi %add3A_118, %sub3A_120 : vector<8x1xi32>
    %jit3A_122 = arith.constant 256 : i32
    %div3A_123 = vector.broadcast %jit3A_122 : i32 to vector<8x1xi32>
    %div3A_124 = arith.divsi %sub3A_121, %div3A_123 : vector<8x1xi32>
    %sign3A = arith.constant 0 : i32
    %sign3A_125 = vector.broadcast %sign3A : i32 to vector<8x1xi32>
    %sign3A_126 = arith.cmpi sgt, %sub3A_121, %sign3A_125 : vector<8x1xi32>
    %sign3A_127 = arith.extui %sign3A_126 : vector<8x1xi1> to vector<8x1xi32>
    %sign3A_128 = arith.constant 0 : i32
    %sign3A_129 = vector.broadcast %sign3A_128 : i32 to vector<8x1xi32>
    %sign3A_130 = arith.cmpi slt, %sub3A_121, %sign3A_129 : vector<8x1xi32>
    %sign3A_131 = arith.extui %sign3A_130 : vector<8x1xi1> to vector<8x1xi32>
    %sign3A_132 = arith.subi %sign3A_127, %sign3A_131 : vector<8x1xi32>
    %sign3A_133 = arith.constant 0 : i32
    %sign3A_134 = arith.cmpi sgt, %jit3A_122, %sign3A_133 : i32
    %sign3A_135 = arith.extui %sign3A_134 : i1 to i32
    %sign3A_136 = arith.constant 0 : i32
    %sign3A_137 = arith.cmpi slt, %jit3A_122, %sign3A_136 : i32
    %sign3A_138 = arith.extui %sign3A_137 : i1 to i32
    %sign3A_139 = arith.subi %sign3A_135, %sign3A_138 : i32
    %ne3A = vector.broadcast %sign3A_139 : i32 to vector<8x1xi32>
    %ne3A_140 = arith.cmpi ne, %sign3A_132, %ne3A : vector<8x1xi32>
    %rem3A = vector.broadcast %jit3A_122 : i32 to vector<8x1xi32>
    %rem3A_141 = arith.remsi %sub3A_121, %rem3A : vector<8x1xi32>
    %ne3A_142 = arith.constant 0 : i32
    %ne3A_143 = vector.broadcast %ne3A_142 : i32 to vector<8x1xi32>
    %ne3A_144 = arith.cmpi ne, %rem3A_141, %ne3A_143 : vector<8x1xi32>
    %and3A = arith.andi %ne3A_140, %ne3A_144 : vector<8x1xi1>
    %sub3A_145 = arith.constant 1 : i32
    %sub3A_146 = vector.broadcast %sub3A_145 : i32 to vector<8x1xi32>
    %sub3A_147 = arith.subi %div3A_124, %sub3A_146 : vector<8x1xi32>
    %select_n3A_148 = arith.select %and3A, %sub3A_147, %div3A_124 : vector<8x1xi1>, vector<8x1xi32>
    %broadcast_in_dim3A_149 = arith.constant 0 : i32
    %broadcast_in_dim3A_150 = vector.broadcast %broadcast_in_dim3A_149 : i32 to vector<1x1xi32>
    %slice3A_151 = vector.extract_strided_slice %select_n3A_148 {offsets = [0, 0], sizes = [7, 1], strides = [1, 1]} : vector<8x1xi32> to vector<7x1xi32>
    %concatenate3A_152 = tpu.concatenate %broadcast_in_dim3A_150, %slice3A_151 in 0 : vector<1x1xi32>, vector<7x1xi32> -> vector<8x1xi32>
    %add3A_153 = arith.addi %select_n3A_148, %concatenate3A_152 : vector<8x1xi32>
    %broadcast_in_dim3A_154 = arith.constant 0 : i32
    %broadcast_in_dim3A_155 = vector.broadcast %broadcast_in_dim3A_154 : i32 to vector<2x1xi32>
    %slice3A_156 = vector.extract_strided_slice %add3A_153 {offsets = [0, 0], sizes = [6, 1], strides = [1, 1]} : vector<8x1xi32> to vector<6x1xi32>
    %concatenate3A_157 = tpu.concatenate %broadcast_in_dim3A_155, %slice3A_156 in 0 : vector<2x1xi32>, vector<6x1xi32> -> vector<8x1xi32>
    %add3A_158 = arith.addi %add3A_153, %concatenate3A_157 : vector<8x1xi32>
    %broadcast_in_dim3A_159 = arith.constant 0 : i32
    %broadcast_in_dim3A_160 = vector.broadcast %broadcast_in_dim3A_159 : i32 to vector<4x1xi32>
    %slice3A_161 = vector.extract_strided_slice %add3A_158 {offsets = [0, 0], sizes = [4, 1], strides = [1, 1]} : vector<8x1xi32> to vector<4x1xi32>
    %concatenate3A_162 = tpu.concatenate %broadcast_in_dim3A_160, %slice3A_161 in 0 : vector<4x1xi32>, vector<4x1xi32> -> vector<8x1xi32>
    %add3A_163 = arith.addi %add3A_158, %concatenate3A_162 : vector<8x1xi32>
    %sub3A_164 = arith.subi %add3A_163, %select_n3A_148 : vector<8x1xi32>
    %mul3A = arith.constant 256 : i32
    %mul3A_165 = vector.broadcast %mul3A : i32 to vector<8x1xi32>
    %mul3A_166 = arith.muli %sub3A_164, %mul3A_165 : vector<8x1xi32>
    %broadcast_in_dim3A_167 = vector.shape_cast %mul3A_166 : vector<8x1xi32> to vector<8x1xi32>
    %broadcast_in_dim3A_168 = vector.broadcast %broadcast_in_dim3A_167 : vector<8x1xi32> to vector<8x2048xi32>
    %add3A_169 = arith.addi %sub3A_114, %broadcast_in_dim3A_168 : vector<8x2048xi32>
    %mul3A_170 = arith.muli %add3A_169, %convert_element_type3A : vector<8x2048xi32>
    %reduce_sum3A = arith.constant dense<0> : vector<2048xi32>
    %reduce_sum3A_171 = vector.multi_reduction <add>, %mul3A_170, %reduce_sum3A [0] : vector<8x2048xi32> to vector<2048xi32>
    %broadcast_in_dim3A_172 = vector.shape_cast %reduce_sum3A_171 : vector<2048xi32> to vector<1x2048xi32>
    %add3A_173 = arith.addi %sub3A_114, %broadcast_in_dim3A_168 : vector<8x2048xi32>
    %mul3A_174 = arith.muli %add3A_173, %convert_element_type3A_59 : vector<8x2048xi32>
    %reduce_sum3A_175 = arith.constant dense<0> : vector<2048xi32>
    %reduce_sum3A_176 = vector.multi_reduction <add>, %mul3A_174, %reduce_sum3A_175 [0] : vector<8x2048xi32> to vector<2048xi32>
    %broadcast_in_dim3A_177 = vector.shape_cast %reduce_sum3A_176 : vector<2048xi32> to vector<1x2048xi32>
    %swap3A_178 = arith.constant 0 : index
    %swap3A_179 = arith.constant 0 : index
    %swap3A_180 = vector.load %arg3[%swap3A_178, %swap3A_179] : memref<1x2048xi32, #tpu.memory_space<vmem>>, vector<1x2048xi32>
    tpu.vector_store %arg3[%swap3A_178, %swap3A_179], %broadcast_in_dim3A_172 {strides = array<i32>} : memref<1x2048xi32, #tpu.memory_space<vmem>>, vector<1x2048xi32>,
    %swap3A_181 = arith.constant 0 : index
    %swap3A_182 = arith.constant 0 : index
    %swap3A_183 = vector.load %arg4[%swap3A_181, %swap3A_182] : memref<1x2048xi32, #tpu.memory_space<vmem>>, vector<1x2048xi32>
    tpu.vector_store %arg4[%swap3A_181, %swap3A_182], %broadcast_in_dim3A_177 {strides = array<i32>} : memref<1x2048xi32, #tpu.memory_space<vmem>>, vector<1x2048xi32>,
    %iota3A_184 = tpu.iota {dimensions = array<i32: 1>} : vector<1x24xi32>
    %broadcast_in_dim3A_185 = vector.shape_cast %add3A_163 : vector<8x1xi32> to vector<8x1xi32>
    %broadcast_in_dim3A_186 = vector.broadcast %broadcast_in_dim3A_185 : vector<8x1xi32> to vector<8x24xi32>
    %le3A = vector.broadcast %iota3A_184 : vector<1x24xi32> to vector<8x24xi32>
    %le3A_187 = arith.cmpi sle, %broadcast_in_dim3A_186, %le3A : vector<8x24xi32>
    %convert_element_type3A_188 = arith.extui %le3A_187 : vector<8x24xi1> to vector<8x24xi32>
    %reduce_sum3A_189 = arith.constant dense<0> : vector<24xi32>
    %reduce_sum3A_190 = vector.multi_reduction <add>, %convert_element_type3A_188, %reduce_sum3A_189 [0] : vector<8x24xi32> to vector<24xi32>
    %broadcast_in_dim3A_191 = vector.shape_cast %reduce_sum3A_190 : vector<24xi32> to vector<1x24xi32>
    %slice3A_192 = vector.extract_strided_slice %add3A_163 {offsets = [7, 0], sizes = [1, 1], strides = [1, 1]} : vector<8x1xi32> to vector<1x1xi32>
    %broadcast_in_dim3A_193 = vector.shape_cast %slice3A_192 : vector<1x1xi32> to vector<1x1xi32>
    %broadcast_in_dim3A_194 = vector.broadcast %broadcast_in_dim3A_193 : vector<1x1xi32> to vector<1x24xi32>
    %lt3A_195 = arith.cmpi slt, %iota3A_184, %broadcast_in_dim3A_194 : vector<1x24xi32>
    %iota3A_196 = tpu.iota {dimensions = array<i32: 0>} : vector<8x1xi32>
    %gt3A = arith.constant 0 : i32
    %gt3A_197 = vector.broadcast %gt3A : i32 to vector<8x1xi32>
    %gt3A_198 = arith.cmpi sgt, %select_n3A_148, %gt3A_197 : vector<8x1xi32>
    %jit3A_199 = arith.constant 0 : i32
    %broadcast_in_dim3A_200 = vector.broadcast %jit3A_199 : i32 to vector<8x1xi32>
    %select_n3A_201 = arith.select %gt3A_198, %iota3A_196, %broadcast_in_dim3A_200 : vector<8x1xi1>, vector<8x1xi32>
    %reduce_max3A_202 = vector.shape_cast %select_n3A_201 : vector<8x1xi32> to vector<1x8x1xi32>
    %reduce_max3A_203 = arith.constant dense<-2147483648> : vector<1xi32>
    %reduce_max3A_204 = vector.multi_reduction <maxsi>, %reduce_max3A_202, %reduce_max3A_203 [1, 2] : vector<1x8x1xi32> to vector<1xi32>
    %reduce_max3A_205 = vector.shape_cast %reduce_max3A_204 : vector<1xi32> to vector<1x1x1xi32>
    %reduce_max3A_206 = vector.extract %reduce_max3A_205[0, 0, 0] : i32 from vector<1x1x1xi32>
    %min3A = arith.constant 7 : i32
    %min3A_207 = vector.broadcast %min3A : i32 to vector<1x24xi32>
    %min3A_208 = arith.minsi %broadcast_in_dim3A_191, %min3A_207 : vector<1x24xi32>
    %broadcast_in_dim3A_209 = vector.broadcast %reduce_max3A_206 : i32 to vector<1x24xi32>
    %select_n3A_210 = arith.select %lt3A_195, %min3A_208, %broadcast_in_dim3A_209 : vector<1x24xi1>, vector<1x24xi32>
    %swap3A_211 = arith.constant 0 : index
    %swap3A_212 = arith.constant 0 : index
    %swap3A_213 = vector.load %arg7[%swap3A_211, %swap3A_212] : memref<1x24xi32, #tpu.memory_space<vmem>>, vector<1x24xi32>
    tpu.vector_store %arg7[%swap3A_211, %swap3A_212], %select_n3A_210 {strides = array<i32>} : memref<1x24xi32, #tpu.memory_space<vmem>>, vector<1x24xi32>,
    %convert_element_type3A_214 = arith.extui %lt3A_195 : vector<1x24xi1> to vector<1x24xi32>
    %swap3A_215 = arith.constant 0 : index
    %swap3A_216 = arith.constant 0 : index
    %swap3A_217 = vector.load %arg8[%swap3A_215, %swap3A_216] : memref<1x24xi32, #tpu.memory_space<vmem>>, vector<1x24xi32>
    tpu.vector_store %arg8[%swap3A_215, %swap3A_216], %convert_element_type3A_214 {strides = array<i32>} : memref<1x24xi32, #tpu.memory_space<vmem>>, vector<1x24xi32>,
    return
  }
}

module attributes {stable_mosaic.version = 14 : i64} {
  func.func @_mlp_body(%arg0: i32, %arg1: memref<24xi32, #tpu.memory_space<smem>>, %arg2: memref<24xi32, #tpu.memory_space<smem>>, %arg3: memref<2048x1024xf32, #tpu.memory_space<vmem>>, %arg4: memref<1x1024x4096xf32, #tpu.memory_space<vmem>>, %arg5: memref<1x1x4096xf32, #tpu.memory_space<vmem>>, %arg6: memref<1x4096x1024xf32, #tpu.memory_space<vmem>>, %arg7: memref<1x1x1024xf32, #tpu.memory_space<vmem>>, %arg8: memref<1x2048xi32, #tpu.memory_space<vmem>>, %arg9: memref<1x2048xi32, #tpu.memory_space<vmem>>, %arg10: memref<1x2048xf32, #tpu.memory_space<vmem>>, %arg11: memref<1x2048xf32, #tpu.memory_space<vmem>>, %arg12: memref<256x1024xf32, #tpu.memory_space<vmem>>) attributes {dimension_semantics = [#tpu.dimension_semantics<arbitrary>], iteration_bounds = array<i64: 24>, scalar_prefetch = 2 : i64, scratch_operands = 0 : i64, tpu.core_type = #tpu.core_type<tc>, window_params = [{pipeline_mode = #tpu.pipeline_mode<synchronous>, transform_indices = @transform_0, window_bounds = array<i64: 2048, 1024>}, {pipeline_mode = #tpu.pipeline_mode<double_buffered>, transform_indices = @transform_1, window_bounds = array<i64: 1, 1024, 4096>}, {transform_indices = @transform_2, window_bounds = array<i64: 1, 1, 4096>}, {pipeline_mode = #tpu.pipeline_mode<synchronous>, transform_indices = @transform_3, window_bounds = array<i64: 1, 4096, 1024>}, {transform_indices = @transform_4, window_bounds = array<i64: 1, 1, 1024>}, {pipeline_mode = #tpu.pipeline_mode<synchronous>, transform_indices = @transform_5, window_bounds = array<i64: 1, 2048>}, {pipeline_mode = #tpu.pipeline_mode<synchronous>, transform_indices = @transform_6, window_bounds = array<i64: 1, 2048>}, {pipeline_mode = #tpu.pipeline_mode<synchronous>, transform_indices = @transform_7, window_bounds = array<i64: 1, 2048>}, {pipeline_mode = #tpu.pipeline_mode<synchronous>, transform_indices = @transform_8, window_bounds = array<i64: 1, 2048>}, {transform_indices = @transform_9, window_bounds = array<i64: 256, 1024>}]} {
    %get3A = arith.index_cast %arg0 : i32 to index
    %get3A_0 = memref.load %arg2[%get3A] : memref<24xi32, #tpu.memory_space<smem>>
    %ne3A = arith.constant 0 : i32
    %ne3A_1 = arith.cmpi ne, %get3A_0, %ne3A : i32
    %convert_element_type3A = arith.extui %ne3A_1 : i1 to i32
    %cond3A = arith.constant 0 : i32
    %cond3A_2 = arith.cmpi ne, %convert_element_type3A, %cond3A : i32
    scf.if %cond3A_2 {
      %iota3A = tpu.iota {dimensions = array<i32: 0>} : vector<256x2048xi32>
      %mul3A = arith.constant 256 : i32
      %mul3A_3 = arith.muli %arg0, %mul3A : i32
      %add3A = vector.broadcast %mul3A_3 : i32 to vector<256x2048xi32>
      %add3A_4 = arith.addi %iota3A, %add3A : vector<256x2048xi32>
      %get3A_5 = arith.constant 0 : index
      %get3A_6 = arith.constant 0 : index
      %get3A_7 = vector.load %arg8[%get3A_5, %get3A_6] : memref<1x2048xi32, #tpu.memory_space<vmem>>, vector<1x2048xi32>
      %broadcast_in_dim3A = vector.shape_cast %get3A_7 : vector<1x2048xi32> to vector<1x2048xi32>
      %broadcast_in_dim3A_8 = vector.broadcast %broadcast_in_dim3A : vector<1x2048xi32> to vector<256x2048xi32>
      %get3A_9 = arith.constant 0 : index
      %get3A_10 = arith.constant 0 : index
      %get3A_11 = vector.load %arg9[%get3A_9, %get3A_10] : memref<1x2048xi32, #tpu.memory_space<vmem>>, vector<1x2048xi32>
      %broadcast_in_dim3A_12 = vector.shape_cast %get3A_11 : vector<1x2048xi32> to vector<1x2048xi32>
      %broadcast_in_dim3A_13 = vector.broadcast %broadcast_in_dim3A_12 : vector<1x2048xi32> to vector<256x2048xi32>
      %eq3A = arith.cmpi eq, %broadcast_in_dim3A_8, %add3A_4 : vector<256x2048xi32>
      %eq3A_14 = arith.cmpi eq, %broadcast_in_dim3A_13, %add3A_4 : vector<256x2048xi32>
      %or3A = arith.ori %eq3A, %eq3A_14 : vector<256x2048xi1>
      %convert_element_type3A_15 = arith.extui %or3A : vector<256x2048xi1> to vector<256x2048xi32>
      %convert_element_type3A_16 = arith.sitofp %convert_element_type3A_15 : vector<256x2048xi32> to vector<256x2048xf32>
      %get3A_17 = arith.constant 0 : index
      %get3A_18 = arith.constant 0 : index
      %get3A_19 = vector.load %arg3[%get3A_17, %get3A_18] : memref<2048x1024xf32, #tpu.memory_space<vmem>>, vector<2048x1024xf32>
      %dot_general3A = arith.constant dense<0.000000e+00> : vector<256x1024xf32>
      %dot_general3A_20 = tpu.matmul %convert_element_type3A_16, %get3A_19, %dot_general3A {dimension_numbers = #tpu.dot_dimension_numbers<[1], [0], [0], [1], [0, 0, 1, 1], [], []>, transpose_lhs_hint = false} : vector<256x2048xf32>, vector<2048x1024xf32>, vector<256x1024xf32> -> vector<256x1024xf32>
      %get3A_21 = arith.constant 0 : index
      %get3A_22 = arith.constant 0 : index
      %get3A_23 = arith.constant 0 : index
      %get3A_24 = vector.load %arg4[%get3A_21, %get3A_22, %get3A_23] : memref<1x1024x4096xf32, #tpu.memory_space<vmem>>, vector<1x1024x4096xf32>
      %get3A_25 = vector.shape_cast %get3A_24 : vector<1x1024x4096xf32> to vector<1024x4096xf32>
      %dot_general3A_26 = arith.constant dense<0.000000e+00> : vector<256x4096xf32>
      %dot_general3A_27 = tpu.matmul %dot_general3A_20, %get3A_25, %dot_general3A_26 {dimension_numbers = #tpu.dot_dimension_numbers<[1], [0], [0], [1], [0, 0, 1, 1], [], []>, transpose_lhs_hint = false} : vector<256x1024xf32>, vector<1024x4096xf32>, vector<256x4096xf32> -> vector<256x4096xf32>
      %get3A_28 = arith.constant 0 : index
      %get3A_29 = arith.constant 0 : index
      %get3A_30 = arith.constant 0 : index
      %get3A_31 = vector.load %arg5[%get3A_28, %get3A_29, %get3A_30] : memref<1x1x4096xf32, #tpu.memory_space<vmem>>, vector<1x1x4096xf32>
      %get3A_32 = vector.shape_cast %get3A_31 : vector<1x1x4096xf32> to vector<1x4096xf32>
      %add3A_33 = vector.broadcast %get3A_32 : vector<1x4096xf32> to vector<256x4096xf32>
      %add3A_34 = arith.addf %dot_general3A_27, %add3A_33 : vector<256x4096xf32>
      %max3A = arith.constant 0.000000e+00 : f32
      %max3A_35 = vector.broadcast %max3A : f32 to vector<256x4096xf32>
      %max3A_36 = arith.maximumf %add3A_34, %max3A_35 : vector<256x4096xf32>
      %get3A_37 = arith.constant 0 : index
      %get3A_38 = arith.constant 0 : index
      %get3A_39 = arith.constant 0 : index
      %get3A_40 = vector.load %arg6[%get3A_37, %get3A_38, %get3A_39] : memref<1x4096x1024xf32, #tpu.memory_space<vmem>>, vector<1x4096x1024xf32>
      %get3A_41 = vector.shape_cast %get3A_40 : vector<1x4096x1024xf32> to vector<4096x1024xf32>
      %dot_general3A_42 = arith.constant dense<0.000000e+00> : vector<256x1024xf32>
      %dot_general3A_43 = tpu.matmul %max3A_36, %get3A_41, %dot_general3A_42 {dimension_numbers = #tpu.dot_dimension_numbers<[1], [0], [0], [1], [0, 0, 1, 1], [], []>, transpose_lhs_hint = false} : vector<256x4096xf32>, vector<4096x1024xf32>, vector<256x1024xf32> -> vector<256x1024xf32>
      %get3A_44 = arith.constant 0 : index
      %get3A_45 = arith.constant 0 : index
      %get3A_46 = arith.constant 0 : index
      %get3A_47 = vector.load %arg7[%get3A_44, %get3A_45, %get3A_46] : memref<1x1x1024xf32, #tpu.memory_space<vmem>>, vector<1x1x1024xf32>
      %get3A_48 = vector.shape_cast %get3A_47 : vector<1x1x1024xf32> to vector<1x1024xf32>
      %add3A_49 = vector.broadcast %get3A_48 : vector<1x1024xf32> to vector<256x1024xf32>
      %add3A_50 = arith.addf %dot_general3A_43, %add3A_49 : vector<256x1024xf32>
      %get3A_51 = arith.constant 0 : index
      %get3A_52 = arith.constant 0 : index
      %get3A_53 = vector.load %arg10[%get3A_51, %get3A_52] : memref<1x2048xf32, #tpu.memory_space<vmem>>, vector<1x2048xf32>
      %broadcast_in_dim3A_54 = vector.shape_cast %get3A_53 : vector<1x2048xf32> to vector<1x2048xf32>
      %broadcast_in_dim3A_55 = vector.broadcast %broadcast_in_dim3A_54 : vector<1x2048xf32> to vector<256x2048xf32>
      %get3A_56 = arith.constant 0 : index
      %get3A_57 = arith.constant 0 : index
      %get3A_58 = vector.load %arg11[%get3A_56, %get3A_57] : memref<1x2048xf32, #tpu.memory_space<vmem>>, vector<1x2048xf32>
      %broadcast_in_dim3A_59 = vector.shape_cast %get3A_58 : vector<1x2048xf32> to vector<1x2048xf32>
      %broadcast_in_dim3A_60 = vector.broadcast %broadcast_in_dim3A_59 : vector<1x2048xf32> to vector<256x2048xf32>
      %jit3A = arith.constant 0.000000e+00 : f32
      %broadcast_in_dim3A_61 = vector.broadcast %jit3A : f32 to vector<256x2048xf32>
      %select_n3A = arith.select %eq3A, %broadcast_in_dim3A_55, %broadcast_in_dim3A_61 : vector<256x2048xi1>, vector<256x2048xf32>
      %jit3A_62 = arith.constant 0.000000e+00 : f32
      %broadcast_in_dim3A_63 = vector.broadcast %jit3A_62 : f32 to vector<256x2048xf32>
      %select_n3A_64 = arith.select %eq3A_14, %broadcast_in_dim3A_60, %broadcast_in_dim3A_63 : vector<256x2048xi1>, vector<256x2048xf32>
      %add3A_65 = arith.addf %select_n3A, %select_n3A_64 : vector<256x2048xf32>
      %reduce_sum3A = arith.constant dense<0.000000e+00> : vector<256xf32>
      %reduce_sum3A_66 = vector.multi_reduction <add>, %add3A_65, %reduce_sum3A [1] : vector<256x2048xf32> to vector<256xf32>
      %broadcast_in_dim3A_67 = vector.shape_cast %reduce_sum3A_66 : vector<256xf32> to vector<256x1xf32>
      %mul3A_68 = vector.broadcast %broadcast_in_dim3A_67 : vector<256x1xf32> to vector<256x1024xf32>
      %mul3A_69 = arith.mulf %add3A_50, %mul3A_68 : vector<256x1024xf32>
      %swap3A = arith.constant 0 : index
      %swap3A_70 = arith.constant 0 : index
      %swap3A_71 = vector.load %arg12[%swap3A, %swap3A_70] : memref<256x1024xf32, #tpu.memory_space<vmem>>, vector<256x1024xf32>
      tpu.vector_store %arg12[%swap3A, %swap3A_70], %mul3A_69 {strides = array<i32>} : memref<256x1024xf32, #tpu.memory_space<vmem>>, vector<256x1024xf32>,
    } else {
    }
    return
  }
  func.func @transform_0(%arg0: i32, %arg1: memref<24xi32, #tpu.memory_space<smem>>, %arg2: memref<24xi32, #tpu.memory_space<smem>>) -> (i32, i32) {
    %c0_i32 = arith.constant 0 : i32
    %c0_i32_0 = arith.constant 0 : i32
    %c0_i32_1 = arith.constant 0 : i32
    return %c0_i32, %c0_i32_0 : i32, i32
  }
  func.func @transform_1(%arg0: i32, %arg1: memref<24xi32, #tpu.memory_space<smem>>, %arg2: memref<24xi32, #tpu.memory_space<smem>>) -> (i32, i32, i32) {
    %get3A = arith.index_cast %arg0 : i32 to index
    %get3A_0 = memref.load %arg1[%get3A] : memref<24xi32, #tpu.memory_space<smem>>
    %c0_i32 = arith.constant 0 : i32
    %c0_i32_1 = arith.constant 0 : i32
    %c0_i32_2 = arith.constant 0 : i32
    return %get3A_0, %c0_i32, %c0_i32_1 : i32, i32, i32
  }
  func.func @transform_2(%arg0: i32, %arg1: memref<24xi32, #tpu.memory_space<smem>>, %arg2: memref<24xi32, #tpu.memory_space<smem>>) -> (i32, i32, i32) {
    %get3A = arith.index_cast %arg0 : i32 to index
    %get3A_0 = memref.load %arg1[%get3A] : memref<24xi32, #tpu.memory_space<smem>>
    %c0_i32 = arith.constant 0 : i32
    %c0_i32_1 = arith.constant 0 : i32
    %c0_i32_2 = arith.constant 0 : i32
    return %get3A_0, %c0_i32, %c0_i32_1 : i32, i32, i32
  }
  func.func @transform_3(%arg0: i32, %arg1: memref<24xi32, #tpu.memory_space<smem>>, %arg2: memref<24xi32, #tpu.memory_space<smem>>) -> (i32, i32, i32) {
    %get3A = arith.index_cast %arg0 : i32 to index
    %get3A_0 = memref.load %arg1[%get3A] : memref<24xi32, #tpu.memory_space<smem>>
    %c0_i32 = arith.constant 0 : i32
    %c0_i32_1 = arith.constant 0 : i32
    %c0_i32_2 = arith.constant 0 : i32
    return %get3A_0, %c0_i32, %c0_i32_1 : i32, i32, i32
  }
  func.func @transform_4(%arg0: i32, %arg1: memref<24xi32, #tpu.memory_space<smem>>, %arg2: memref<24xi32, #tpu.memory_space<smem>>) -> (i32, i32, i32) {
    %get3A = arith.index_cast %arg0 : i32 to index
    %get3A_0 = memref.load %arg1[%get3A] : memref<24xi32, #tpu.memory_space<smem>>
    %c0_i32 = arith.constant 0 : i32
    %c0_i32_1 = arith.constant 0 : i32
    %c0_i32_2 = arith.constant 0 : i32
    return %get3A_0, %c0_i32, %c0_i32_1 : i32, i32, i32
  }
  func.func @transform_5(%arg0: i32, %arg1: memref<24xi32, #tpu.memory_space<smem>>, %arg2: memref<24xi32, #tpu.memory_space<smem>>) -> (i32, i32) {
    %c0_i32 = arith.constant 0 : i32
    %c0_i32_0 = arith.constant 0 : i32
    %c0_i32_1 = arith.constant 0 : i32
    return %c0_i32, %c0_i32_0 : i32, i32
  }
  func.func @transform_6(%arg0: i32, %arg1: memref<24xi32, #tpu.memory_space<smem>>, %arg2: memref<24xi32, #tpu.memory_space<smem>>) -> (i32, i32) {
    %c0_i32 = arith.constant 0 : i32
    %c0_i32_0 = arith.constant 0 : i32
    %c0_i32_1 = arith.constant 0 : i32
    return %c0_i32, %c0_i32_0 : i32, i32
  }
  func.func @transform_7(%arg0: i32, %arg1: memref<24xi32, #tpu.memory_space<smem>>, %arg2: memref<24xi32, #tpu.memory_space<smem>>) -> (i32, i32) {
    %c0_i32 = arith.constant 0 : i32
    %c0_i32_0 = arith.constant 0 : i32
    %c0_i32_1 = arith.constant 0 : i32
    return %c0_i32, %c0_i32_0 : i32, i32
  }
  func.func @transform_8(%arg0: i32, %arg1: memref<24xi32, #tpu.memory_space<smem>>, %arg2: memref<24xi32, #tpu.memory_space<smem>>) -> (i32, i32) {
    %c0_i32 = arith.constant 0 : i32
    %c0_i32_0 = arith.constant 0 : i32
    %c0_i32_1 = arith.constant 0 : i32
    return %c0_i32, %c0_i32_0 : i32, i32
  }
  func.func @transform_9(%arg0: i32, %arg1: memref<24xi32, #tpu.memory_space<smem>>, %arg2: memref<24xi32, #tpu.memory_space<smem>>) -> (i32, i32) {
    %c0_i32 = arith.constant 0 : i32
    %c0_i32_0 = arith.constant 0 : i32
    return %arg0, %c0_i32 : i32, i32
  }
}

</mosaic_0001>

<sc_bundles>
// kernel: kernel.5.cloned.1.call-start
scs
__scs_entry_jumppad:
0x0: {  	(pc) =	sbr.rel $0x88, $3  }
0x1: {  	(tag) =	ssettag $0x0;
	lr =	simm.s32 $0x1  }
0x2: {  	[smem:$0x3F9A] =	sst lr;
	_ =	strace $0xD0000000  }
0x3: {  	_ = 	snop  }
0x4: {  	_ = 	snop  }
0x5: {  	_ = 	snop  }
0x6: {  	_ = 	snop  }
0x7: {  	_ = 	snop  }
__scs_overlays_trampoline_lowered:
0x8: {  	[smem:$0x3FA9] =	sst s0  }
0x9: {  	[smem:$0x3FAA] =	sst s1  }
0xa: {  	[smem:$0x3FAB] =	sst s2  }
0xb: {  	[smem:$0x3FAC] =	sst s3  }
0xc: {  	[smem:$0x3FAD] =	sst s4  }
0xd: {  	[smem:$0x3FAE] =	sst s5  }
0xe: {  	[smem:$0x3FAF] =	sst s6  }
0xf: {  	[smem:$0x3FB0] =	sst s7  }
0x10: {  	[smem:$0x3FB1] =	sst s8  }
0x11: {  	[smem:$0x3FB2] =	sst s9;
	s0 =	simm.s32 @!p0 $0x0  }
0x12: {  	s1 =	sld [smem:$0x3F98];
	s0 =	simm.s32 @p0 $0x1  }
0x13: {  	[smem:$0x3FB3] =	sst s0;
	s0 =	simm.s32 @!p1 $0x0  }
0x14: {  	s2 =	sld [smem:$0x3F97];
	s0 =	simm.s32 @p1 $0x1  }
0x15: {  	[smem:$0x3FB4] =	sst s0;
	s0 =	simm.s32 @!p2 $0x0  }
0x16: {  	s3 =	sld [smem:$0x3FDB];
	s0 =	simm.s32 @p2 $0x1  }
0x17: {  	s4 =	simm.s32 $0x1BF5;
	[smem:$0x3FB6] =	sst s0  }
0x18: {  	s0 =	sld [smem:$0x3F99];
	_ =	swait.ge [sflag:s4], $0x0  }
0x19: {  	s7 =	sld [smem:$0x3F9A]  }
0x1a: {  	s8 =	sadd.s32 $0xFFFFE003, lr  }
0x1b: {  	s9 =	sadd.s32 $0xFFFFFEF7, lr;
	s5 =	simm.s32 $0xFFFFFFFF;
	p2 =	slt.u32 s8, $0xFFFFF086  }
0x1c: {  	p1 =	slt.u32 s9, $0xF7A;
	s5 =	simm.s32 @!p2 $0x0  }
0x1d: {  	s5 =	simm.s32 @p1 $0x1;
	p0 =	seq.s32 s7, s2  }
0x1e: {  	s7 =	smul.u32 @!p0 $0xF7A, s2;
	p2 =	seq.s32 @!p0 s5, $0x0  }
0x1f: {  	s9 =	smul.u32 $0xF7A, s1;
	s8 =	simm.s32 @!p0 $0x1BF5;
	p2 =	por !p2, p0  }
0x20: {  	[sflag:s8] =	ssyncset.s32 @!p0 $0xFFFFF086;
	s6 =	sadd.s32 @!p0 s3, s7;
	s7 =	simm.s32 @!p0 $0x108  }
0x21: {  	s3 =	sadd.s32 s3, s9;
	s6 =	sadd.s32 @!p0 $0x88, s6;
	s7 =	simm.s32 @p2 $0x1082  }
0x22: {  	[simem:s7], [sflag:s8] =	dma.local @!p0 [hbm:s6], $0xF7A  }
0x23: {  	s9 =	sor.u32 $0xD0000000, s2;
	s6 =	simm.s32 $0x108;
	_ =	swait.ge @!p0 [sflag:s8], $0x0  }
0x24: {  	s3 =	sadd.s32 $0x88, s3;
	s6 =	simm.s32 @!p1 $0x1082;
	[sflag:s4] =	ssyncset.s32 $0xFFFFF086  }
0x25: {  	[simem:s6], [sflag:s4] =	dma.local [hbm:s3], $0xF7A  }
0x26: {  	[smem:$0x3F9A] =	sst s1;
	(tag) =	ssettag s2;
	_ =	strace s9  }
0x27: {  	s1 =	sld [smem:$0x3FAA]  }
0x28: {  	s2 =	sld [smem:$0x3FAB]  }
0x29: {  	s4 =	sld [smem:$0x3FAD]  }
0x2a: {  	p0 =	seq.s32 s5, $0x0;
	s5 =	sld [smem:$0x3FAE]  }
0x2b: {  	s6 =	sld [smem:$0x3FAF]  }
0x2c: {  	s7 =	sld [smem:$0x3FB0]  }
0x2d: {  	s3 =	simm.s32 $0x108;
	s8 =	sld [smem:$0x3FB1]  }
0x2e: {  	s3 =	simm.s32 @!p0 $0x1082;
	s9 =	sld [smem:$0x3FB2]  }
0x2f: {  	lr =	sadd.s32 s0, s3;
	s0 =	sld [smem:$0x3FA9]  }
0x30: {  	s3 =	sld [smem:$0x3FAC]  }
0x31: {  	[smem:$0x3FB5] =	sst s10  }
0x32: {  	s10 =	sld [smem:$0x3FB3];
	_ =	sdelay $0x3  }
0x33: {  	p0 =	seq.s32 s10, $0x1;
	s10 =	sld [smem:$0x3FB5];
	_ =	sdelay $0x3  }
0x34: {  	[smem:$0x3FB5] =	sst s10  }
0x35: {  	s10 =	sld [smem:$0x3FB4];
	_ =	sdelay $0x3  }
0x36: {  	p1 =	seq.s32 s10, $0x1;
	s10 =	sld [smem:$0x3FB5];
	_ =	sdelay $0x3  }
0x37: {  	[smem:$0x3FB5] =	sst s10  }
0x38: {  	s10 =	sld [smem:$0x3FB6]  }
0x39: {  	_ = 	snop;
	(pc) =	sbr.ind lr, $3  }
0x3a: {  	_ = 	snop  }
0x3b: {  	_ = 	snop  }
0x3c: {  	p2 =	seq.s32 s10, $0x1;
	s10 =	sld [smem:$0x3FB5]  }
0x3d: {  	_ =	shalt  }
0x3e: {  	_ =	shalt  }
0x3f: {  	_ =	shalt  }
0x40: {  	_ =	shalt  }
0x41: {  	_ =	shalt  }
0x42: {  	_ =	shalt  }
0x43: {  	_ =	shalt  }
0x44: {  	_ =	shalt  }
0x45: {  	_ =	shalt  }
0x46: {  	_ =	shalt  }
0x47: {  	_ =	shalt  }
0x48: {  	_ =	shalt  }
0x49: {  	_ =	shalt  }
0x4a: {  	_ =	shalt  }
0x4b: {  	_ =	shalt  }
0x4c: {  	_ =	shalt  }
0x4d: {  	_ =	shalt  }
0x4e: {  	_ =	shalt  }
0x4f: {  	_ =	shalt  }
0x50: {  	_ =	shalt  }
0x51: {  	_ =	shalt  }
0x52: {  	_ =	shalt  }
0x53: {  	_ =	shalt  }
0x54: {  	_ =	shalt  }
0x55: {  	_ =	shalt  }
0x56: {  	_ =	shalt  }
0x57: {  	_ =	shalt  }
0x58: {  	_ =	shalt  }
0x59: {  	_ =	shalt  }
0x5a: {  	_ =	shalt  }
0x5b: {  	_ =	shalt  }
0x5c: {  	_ =	shalt  }
0x5d: {  	_ =	shalt  }
0x5e: {  	_ =	shalt  }
0x5f: {  	_ =	shalt  }
0x60: {  	_ =	shalt  }
0x61: {  	_ =	shalt  }
0x62: {  	_ =	shalt  }
0x63: {  	_ =	shalt  }
0x64: {  	_ =	shalt  }
0x65: {  	_ =	shalt  }
0x66: {  	_ =	shalt  }
0x67: {  	_ =	shalt  }
0x68: {  	_ =	shalt  }
0x69: {  	_ =	shalt  }
0x6a: {  	_ =	shalt  }
0x6b: {  	_ =	shalt  }
0x6c: {  	_ =	shalt  }
0x6d: {  	_ =	shalt  }
0x6e: {  	_ =	shalt  }
0x6f: {  	_ =	shalt  }
0x70: {  	_ =	shalt  }
0x71: {  	_ =	shalt  }
0x72: {  	_ =	shalt  }
0x73: {  	_ =	shalt  }
0x74: {  	_ =	shalt  }
0x75: {  	_ =	shalt  }
0x76: {  	_ =	shalt  }
0x77: {  	_ =	shalt  }
0x78: {  	_ =	shalt  }
0x79: {  	_ =	shalt  }
0x7a: {  	_ =	shalt  }
0x7b: {  	_ =	shalt  }
0x7c: {  	_ =	shalt  }
0x7d: {  	_ =	shalt  }
0x7e: {  	_ =	shalt  }
0x7f: {  	_ =	shalt  }
0x80: {  	_ =	shalt  }
0x81: {  	_ =	shalt  }
0x82: {  	_ =	shalt  }
0x83: {  	_ =	shalt  }
0x84: {  	_ =	shalt  }
0x85: {  	_ =	shalt  }
0x86: {  	_ =	shalt  }
0x87: {  	_ =	shalt  }
.Lfunc_end0:
.L_simem_size_0:
called_computation_lowered:
.L_overlay_start_0:
0x88: {  	s2 =	sld [smem:$0x3FD9]  }
0x89: {  	s3 =	sld [smem:$0x3FFE];
	_ =	sdelay $0x1  }
0x8a: {  	s1 =	srdreg.scid  }
0x8b: {  	s0 =	sand.u32 $0x1, s1  }
0x8c: {  	s17 =	sshll.u32 s0, $0xA;
	s2 =	sadd.s32 s3, s2  }
0x8d: {  	s2 =	sadd.s32 s2, s17  }
0x8e: {  	[smem:$0x3FC1] =	sst s2  }
0x8f: {  	_ = 	snop  }
0x90: {  	s2 =	sld [smem:$0x3FD0];
	(tm) =	ssettm $0x1  }
0x91: {  	s18 =	sld [smem:$0x3FFB];
	_ =	sdelay $0x3  }
0x92: {  	_ =	strace s18  }
0x93: {  	s3 =	sld [smem:$0x3FFC];
	_ =	sdelay $0x3  }
0x94: {  	_ =	strace s3  }
0x95: {  	s3 =	sld [smem:$0x3FFD];
	_ =	sdelay $0x3  }
0x96: {  	_ =	strace s3  }
0x97: {  	_ =	strace $0x8FFFFFFF  }
0x98: {  	s19 =	sld [smem:$0x3FDB];
	_ =	sdelay $0x1  }
0x99: {  	s4 =	simm.s32 $_scs_section_size  }
0x9a: {  	s5 =	simm.s32 $_size__tile_overlayer_lowered;
	s6 =	simm.s32 $_tile_overlayer_lowered  }
0x9b: {  	s22 =	simm.s32 $0x1BFF;
	s21 =	sshll.u32 s6, $0x1;
	s3 =	sadd.s32 s4, s19  }
0x9c: {  	s7 =	simm.s32 $0x0;
	s20 =	sshll.u32 s5, $0x1;
	s5 =	sadd.s32 s21, s3  }
0x9d: {  	[timem:s7], [sflag:s22] =	dma.local [hbm:s5], s20  }
0x9e: {  	_ =	swait.ge [sflag:s22], s20  }
0x9f: {  	s4 =	ssub.s32 $0x0, s20;
	[sflag:s22] =	ssyncset.done $0x0  }
0xa0: {  	[sflag:s22] =	ssyncadd.s32 s4;
	_ =	sdelay $0x1  }
0xa1: {  	s23 =	simm.s32 $0x1B8B  }
0xa2: {  	_ =	swait.ge [sflag:s23], $0x1  }
0xa3: {  	[sflag:s23] =	ssyncset.done $0x0  }
0xa4: {  	s25 =	simm.s32 $0x1B8E;
	s24 =	sld [smem:$0x3FFE];
	[sflag:s23] =	ssyncadd.s32 $0xFFFFFFFF  }
0xa5: {  	s26 =	simm.s32 $execute0_lowered;
	[smem:$0x3FD2] =	sst s25  }
0xa6: {  	s5 =	sshll.u32 s26, $0x1;
	_ =	strace $0x80000046;
	[dreg:$0x1] =	wrdreg $0xFFFFFFFF  }
0xa7: {  	s28 =	simm.s32 $_size_execute0_lowered;
	s3 =	sadd.s32 s3, s5;
	[dreg:$0x0] =	wrdreg $0x0  }
0xa8: {  	s5 =	sshll.u32 s28, $0x1;
	[dreg:$0x2] =	wrdreg s3  }
0xa9: {  	[dreg:$0x3] =	wrdreg s5  }
0xaa: {  	[dreg:$0x4] =	wrdreg $0xC0  }
0xab: {  	_ =	task [dreg:s7], $0x5FFFF  }
0xac: {  	[dreg:$0x1] =	wrdreg $0xFFFFFFFF  }
0xad: {  	[dreg:$0x0] =	wrdreg $0x60  }
0xae: {  	[dreg:$0x2] =	wrdreg s24  }
0xaf: {  	[dreg:$0x3] =	wrdreg s2  }
0xb0: {  	[dreg:$0x4] =	wrdreg $0x9  }
0xb1: {  	_ =	task.clear_ibuf [dreg:s7], $0x5FFFF;
	_ =	strace $0x90000046  }
0xb2: {  	s29 =	simm.s32 $0x9;
	_ =	strace $0x80000048  }
0xb3: {  	_ =	swait.ge [sflag:s29], $0x1  }
0xb4: {  	[sflag:s29] =	ssyncadd.s32 $0xFFFFFFFF  }
0xb5: {  	_ =	strace $0x90000048  }
0xb6: {  	_ =	sfence  }
0xb7: {  	s30 =	sld [smem:$0x0];
	_ =	sdelay $0x2  }
0xb8: {  	s31 =	sshll.u32 s1, $0xD;
	s1 =	sshrl.u32 s1, $0x2  }
0xb9: {  	s3 =	sand.u32 $0x4000, s31;
	s1 =	sadd.s32 s1, s30  }
0xba: {  	s0 =	sor.u32 s3, s0;
	s1 =	sshll.u32 s1, $0x11  }
0xbb: {  	s0 =	sor.u32 s1, s0  }
0xbc: {  	s0 =	sadd.s32 $0x8F2B, s0  }
0xbd: {  	[sflag:s0] =	ssyncadd.remote.s32 $0x1  }
0xbe: {  	_ =	sfence.sel $0xFFFF  }
0xbf: {  	[dreg:$0x0] =	wrdreg $0xFFFFFFFF;
	(pc) =	sbr.abs _section_cstart, $3  }
0xc0: {  	[dreg:$0x1] =	wrdreg $0xFFFFFFFF  }
0xc1: {  	_ =	task.clear_ibuf [dreg:s7], $0x2FFFF;
	_ =	strace $0x9FFFFFFF  }
0xc2: {  	(tm) =	ssettm $0x7FFFFFFF  }
0xc3: {  	_ =	shalt  }
tec
execute0_lowered:
.L_overlay_start_1:
0x0: {  	(tag) =	ssettag $0x1  }
0x1: {  	s0 =	rddreg [dreg:$0x0]  }
0x2: {  	s1 =	rddreg [dreg:$0x1]  }
0x3: {  	s2 =	srdreg.scid;
	s4 =	stileid.u32  }
0x4: {  	s14 =	simm.s32 $0x5;
	s16 =	simm.s32 $0x100;
	s21 =	simm.s32 $0xB100  }
0x5: {  	s28 =	simm.s32 $0xF100;
	s29 =	simm.s32 $0xF900;
	s30 =	simm.s32 $0x1  }
0x6: {  	s31 =	simm.s32 $0x2;
	s11 =	simm.s32 $0x0;
	s3 =	sand.u32 $0x1, s2  }
0x7: {  	s2 =	simm.s32 $0x0;
	s4 =	sshll.u32 s4, $0x7;
	s8 =	sadd.s32 $0x2600, s0  }
0x8: {  	s9 =	sadd.s32 $0x2700, s0;
	s5 =	sshll.u32 s3, $0x6;
	[smem:$0x7FF] =	sst s2  }
0x9: {  	s6 =	ssub.s32 $0x2, s3;
	s3 =	sadd.s32 $0x2400, s0;
	s4 =	sor.u32 s5, s4  }
0xa: {  	_ =	strace $0x80000047;
	s7 =	sshrl.u32 s6, $0x1;
	s5 =	sshrl.u32 s4, $0x3  }
0xb: {  	s10 =	ssub.s32 s6, s7;
	s4 =	sshll.u32 s4, $0x7;
	s6 =	sadd.s32 $0x2500, s0  }
0xc: {  	s5 =	sadd.s32 s5, s0;
	s7 =	sadd.s32 s1, s4;
	s26 =	smax.u32 s10, $0x1  }
0xd: {  	s1 =	simm.s32 $0x8100;
	s22 =	sadd.s32 $0x2000, s5;
	[dreg:$0x8] =	wrdreg s26  }
0xe: {  	s4 =	simm.s32 $0xD100;
	s5 =	sadd.s32 $0x2200, s5;
	[dreg:$0x3] =	wrdreg s22  }
0xf: {  	s0 =	simm.s32 $0x3;
	s23 =	sadd.s32 $0x800, s7;
	[dreg:$0x4] =	wrdreg s5  }
0x10: {  	s10 =	simm.s32 $0x4;
	s24 =	sadd.s32 $0x1000, s7;
	[dreg:$0x5] =	wrdreg s23  }
0x11: {  	v2 =	vlaneseq.u32;
	s25 =	sadd.s32 $0x1800, s7;
	s26 =	simm.s32 $0xE100;
	[dreg:$0x6] =	wrdreg s24  }
0x12: {  	vm0 =	vmmov $0xffff;
	v1 =	vshrl.u32 v2, $0x3;
	[dreg:$0x7] =	wrdreg s25;
	s22 =	simm.s32 $0xB900;
	s23 =	simm.s32 $0xC100  }
0x13: {  	v0 =	vand.u32 $0x7, v2;
	v2 =	vor.u32 $0x8, v2;
	v1 =	vmul.u32 $0x8, v1;
	s24 =	simm.s32 $0xC900;
	s25 =	simm.s32 $0xD900;
	s5 =	simm.s32 $0xE900  }
.LBB2_1:
0x14: {  	s12 =	rddreg [dreg:$0x3]  }
0x15: {  	[tilespmem:s2], [sflag:$0x5] =	stream.linear.gather [hbm4b:s12+s2], $0x40, $0x38;
	[tilespmem:$0x10100] =	vst v63  }
0x16: {  	_ =	swait.ge [sflag:s14], $0x40  }
0x17: {  	[sflag:s14] =	ssyncset.done $0x0  }
0x18: {  	s13 =	simm.s32 $0x80;
	s18 =	rddreg [dreg:$0x4];
	[sflag:s14] =	ssyncadd.s32 $0xFFFFFFC0  }
0x19: {  	[tilespmem:s13], [sflag:$0x5] =	stream.linear.gather [hbm4b:s18+s2], $0x40, $0x38;
	[tilespmem:$0x10100] =	vst v63  }
0x1a: {  	_ =	swait.ge [sflag:s14], $0x40  }
0x1b: {  	[sflag:s14] =	ssyncset.done $0x0  }
0x1c: {  	[sflag:s14] =	ssyncadd.s32 $0xFFFFFFC0  }
0x1d: {  	v3 =	vld [tilespmem:$0x0];
	_ =	sdelay $0x4  }
0x1e: {  	v4 =	vshll.u32 v3, $0x3  }
0x1f: {  	v3 =	vand.u32 $0x7, v3;
	v4 =	vand.u32 $0xFFFFFFC0, v4  }
0x20: {  	v3 =	vor.u32 v3, v4  }
0x21: {  	v4 =	vperm.xlane v3, v0;
	_ =	sdelay $0x1  }
0x22: {  	v4 =	vadd.s32 v1, v4;
	_ =	sdelay $0x4  }
0x23: {  	[tilespmem:s16], [sflag:$0x1] =	stream.indirect_vreg.gather [hbm4b:s3+s2], $0x80, v4, vm0, $0xb8;
	[tilespmem:$0x10100] =	vst v63  }
0x24: {  	s19 =	simm.s32 $0x900;
	v3 =	vperm.xlane v3, v2  }
0x25: {  	[tilespmem:s19], [sflag:$0x1] =	stream.indirect_vreg.gather [hbm4b:s6+s2], $0x80, v4, vm0, $0xb8;
	[tilespmem:$0x10100] =	vst v63  }
0x26: {  	s20 =	simm.s32 $0x1100;
	v3 =	vadd.s32 v1, v3  }
0x27: {  	[tilespmem:s20], [sflag:$0x1] =	stream.indirect_vreg.gather [hbm4b:s8+s2], $0x80, v4, vm0, $0xb8;
	[tilespmem:$0x10100] =	vst v63  }
0x28: {  	s13 =	simm.s32 $0x1900  }
0x29: {  	[tilespmem:s13], [sflag:$0x1] =	stream.indirect_vreg.gather [hbm4b:s9+s2], $0x80, v4, vm0, $0xb8;
	[tilespmem:$0x10100] =	vst v63  }
0x2a: {  	s15 =	simm.s32 $0x2100  }
0x2b: {  	[tilespmem:s15], [sflag:$0x1] =	stream.indirect_vreg.gather [hbm4b:s3+s2], $0x80, v3, vm0, $0xb8;
	[tilespmem:$0x10100] =	vst v63  }
0x2c: {  	s17 =	simm.s32 $0x2900  }
0x2d: {  	[tilespmem:s17], [sflag:$0x1] =	stream.indirect_vreg.gather [hbm4b:s6+s2], $0x80, v3, vm0, $0xb8;
	[tilespmem:$0x10100] =	vst v63  }
0x2e: {  	s18 =	simm.s32 $0x3100  }
0x2f: {  	[tilespmem:s18], [sflag:$0x1] =	stream.indirect_vreg.gather [hbm4b:s8+s2], $0x80, v3, vm0, $0xb8;
	[tilespmem:$0x10100] =	vst v63  }
0x30: {  	s19 =	simm.s32 $0x3900  }
0x31: {  	[tilespmem:s19], [sflag:$0x1] =	stream.indirect_vreg.gather [hbm4b:s9+s2], $0x80, v3, vm0, $0xb8;
	[tilespmem:$0x10100] =	vst v63  }
0x32: {  	v3 =	vld [tilespmem:$0x80];
	_ =	sdelay $0x4  }
0x33: {  	v61 =	vshll.u32 v3, $0x3  }
0x34: {  	v3 =	vand.u32 $0x7, v3;
	v4 =	vand.u32 $0xFFFFFFC0, v61  }
0x35: {  	v3 =	vor.u32 v3, v4  }
0x36: {  	v4 =	vperm.xlane v3, v0;
	_ =	sdelay $0x1  }
0x37: {  	v4 =	vadd.s32 v1, v4;
	_ =	sdelay $0x3  }
0x38: {  	s20 =	simm.s32 $0x4100  }
0x39: {  	[tilespmem:s20], [sflag:$0x2] =	stream.indirect_vreg.gather [hbm4b:s3+s2], $0x80, v4, vm0, $0xb8;
	[tilespmem:$0x10100] =	vst v63  }
0x3a: {  	s13 =	simm.s32 $0x4900;
	v3 =	vperm.xlane v3, v2  }
0x3b: {  	[tilespmem:s13], [sflag:$0x2] =	stream.indirect_vreg.gather [hbm4b:s6+s2], $0x80, v4, vm0, $0xb8;
	[tilespmem:$0x10100] =	vst v63  }
0x3c: {  	s15 =	simm.s32 $0x5100;
	v3 =	vadd.s32 v1, v3  }
0x3d: {  	[tilespmem:s15], [sflag:$0x2] =	stream.indirect_vreg.gather [hbm4b:s8+s2], $0x80, v4, vm0, $0xb8;
	[tilespmem:$0x10100] =	vst v63  }
0x3e: {  	s17 =	simm.s32 $0x5900  }
0x3f: {  	[tilespmem:s17], [sflag:$0x2] =	stream.indirect_vreg.gather [hbm4b:s9+s2], $0x80, v4, vm0, $0xb8;
	[tilespmem:$0x10100] =	vst v63  }
0x40: {  	s18 =	simm.s32 $0x6100  }
0x41: {  	[tilespmem:s18], [sflag:$0x2] =	stream.indirect_vreg.gather [hbm4b:s3+s2], $0x80, v3, vm0, $0xb8;
	[tilespmem:$0x10100] =	vst v63  }
0x42: {  	s19 =	simm.s32 $0x6900  }
0x43: {  	[tilespmem:s19], [sflag:$0x2] =	stream.indirect_vreg.gather [hbm4b:s6+s2], $0x80, v3, vm0, $0xb8;
	[tilespmem:$0x10100] =	vst v63  }
0x44: {  	s20 =	simm.s32 $0x7100  }
0x45: {  	[tilespmem:s20], [sflag:$0x2] =	stream.indirect_vreg.gather [hbm4b:s8+s2], $0x80, v3, vm0, $0xb8;
	[tilespmem:$0x10100] =	vst v63  }
0x46: {  	s13 =	simm.s32 $0x7900  }
0x47: {  	[tilespmem:s13], [sflag:$0x2] =	stream.indirect_vreg.gather [hbm4b:s9+s2], $0x80, v3, vm0, $0xb8;
	[tilespmem:$0x10100] =	vst v63  }
0x48: {  	v3 =	vld [tilespmem:$0x10];
	_ =	sdelay $0x4  }
0x49: {  	v62 =	vshll.u32 v3, $0x3  }
0x4a: {  	v3 =	vand.u32 $0x7, v3;
	v4 =	vand.u32 $0xFFFFFFC0, v62  }
0x4b: {  	v3 =	vor.u32 v3, v4  }
0x4c: {  	v4 =	vperm.xlane v3, v0;
	_ =	sdelay $0x1  }
0x4d: {  	v4 =	vadd.s32 v1, v4;
	_ =	sdelay $0x4  }
0x4e: {  	[tilespmem:s1], [sflag:$0x3] =	stream.indirect_vreg.gather [hbm4b:s3+s2], $0x80, v4, vm0, $0xb8;
	[tilespmem:$0x10100] =	vst v63  }
0x4f: {  	s15 =	simm.s32 $0x8900;
	v3 =	vperm.xlane v3, v2  }
0x50: {  	[tilespmem:s15], [sflag:$0x3] =	stream.indirect_vreg.gather [hbm4b:s6+s2], $0x80, v4, vm0, $0xb8;
	[tilespmem:$0x10100] =	vst v63  }
0x51: {  	s17 =	simm.s32 $0x9100;
	v3 =	vadd.s32 v1, v3  }
0x52: {  	[tilespmem:s17], [sflag:$0x3] =	stream.indirect_vreg.gather [hbm4b:s8+s2], $0x80, v4, vm0, $0xb8;
	[tilespmem:$0x10100] =	vst v63  }
0x53: {  	s18 =	simm.s32 $0x9900  }
0x54: {  	[tilespmem:s18], [sflag:$0x3] =	stream.indirect_vreg.gather [hbm4b:s9+s2], $0x80, v4, vm0, $0xb8;
	[tilespmem:$0x10100] =	vst v63  }
0x55: {  	s19 =	simm.s32 $0xA100  }
0x56: {  	[tilespmem:s19], [sflag:$0x3] =	stream.indirect_vreg.gather [hbm4b:s3+s2], $0x80, v3, vm0, $0xb8;
	[tilespmem:$0x10100] =	vst v63  }
0x57: {  	s20 =	simm.s32 $0xA900  }
0x58: {  	[tilespmem:s20], [sflag:$0x3] =	stream.indirect_vreg.gather [hbm4b:s6+s2], $0x80, v3, vm0, $0xb8;
	[tilespmem:$0x10100] =	vst v63  }
0x59: {  	_ = 	snop  }
0x5a: {  	[tilespmem:s21], [sflag:$0x3] =	stream.indirect_vreg.gather [hbm4b:s8+s2], $0x80, v3, vm0, $0xb8;
	[tilespmem:$0x10100] =	vst v63  }
0x5b: {  	_ = 	snop  }
0x5c: {  	[tilespmem:s22], [sflag:$0x3] =	stream.indirect_vreg.gather [hbm4b:s9+s2], $0x80, v3, vm0, $0xb8;
	[tilespmem:$0x10100] =	vst v63  }
0x5d: {  	v3 =	vld [tilespmem:$0x90];
	_ =	sdelay $0x4  }
0x5e: {  	v63 =	vshll.u32 v3, $0x3  }
0x5f: {  	v3 =	vand.u32 $0x7, v3;
	v4 =	vand.u32 $0xFFFFFFC0, v63  }
0x60: {  	v3 =	vor.u32 v3, v4  }
0x61: {  	v4 =	vperm.xlane v3, v0;
	_ =	sdelay $0x1  }
0x62: {  	v4 =	vadd.s32 v1, v4;
	_ =	sdelay $0x4  }
0x63: {  	[tilespmem:s23], [sflag:$0x4] =	stream.indirect_vreg.gather [hbm4b:s3+s2], $0x80, v4, vm0, $0xb8;
	[tilespmem:$0x10100] =	vst v63  }
0x64: {  	v3 =	vperm.xlane v3, v2  }
0x65: {  	[tilespmem:s24], [sflag:$0x4] =	stream.indirect_vreg.gather [hbm4b:s6+s2], $0x80, v4, vm0, $0xb8;
	[tilespmem:$0x10100] =	vst v63  }
0x66: {  	v3 =	vadd.s32 v1, v3  }
0x67: {  	[tilespmem:s4], [sflag:$0x4] =	stream.indirect_vreg.gather [hbm4b:s8+s2], $0x80, v4, vm0, $0xb8;
	[tilespmem:$0x10100] =	vst v63  }
0x68: {  	_ = 	snop  }
0x69: {  	[tilespmem:s25], [sflag:$0x4] =	stream.indirect_vreg.gather [hbm4b:s9+s2], $0x80, v4, vm0, $0xb8;
	[tilespmem:$0x10100] =	vst v63  }
0x6a: {  	_ = 	snop  }
0x6b: {  	[tilespmem:s26], [sflag:$0x4] =	stream.indirect_vreg.gather [hbm4b:s3+s2], $0x80, v3, vm0, $0xb8;
	[tilespmem:$0x10100] =	vst v63  }
0x6c: {  	_ = 	snop  }
0x6d: {  	[tilespmem:s5], [sflag:$0x4] =	stream.indirect_vreg.gather [hbm4b:s6+s2], $0x80, v3, vm0, $0xb8;
	[tilespmem:$0x10100] =	vst v63  }
0x6e: {  	_ = 	snop  }
0x6f: {  	[tilespmem:s28], [sflag:$0x4] =	stream.indirect_vreg.gather [hbm4b:s8+s2], $0x80, v3, vm0, $0xb8;
	[tilespmem:$0x10100] =	vst v63  }
0x70: {  	_ = 	snop  }
0x71: {  	[tilespmem:s29], [sflag:$0x4] =	stream.indirect_vreg.gather [hbm4b:s9+s2], $0x80, v3, vm0, $0xb8;
	[tilespmem:$0x10100] =	vst v63  }
0x72: {  	_ =	swait.ge [sflag:s30], $0x4000  }
0x73: {  	[sflag:s30] =	ssyncset.done $0x0  }
0x74: {  	[sflag:s30] =	ssyncadd.s32 $0xFFFFC000  }
0x75: {  	_ =	swait.ge [sflag:s31], $0x4000  }
0x76: {  	s12 =	simm.s32 $0x0;
	s13 =	simm.s32 $0x0;
	[sflag:s31] =	ssyncset.done $0x0  }
0x77: {  	s15 =	simm.s32 $0xFFFFC000;
	s17 =	simm.s32 $0x0;
	[sflag:s31] =	ssyncadd.s32 $0xFFFFC000  }
.LBB2_2:
0x78: {  	s18 =	sadd.s32 $0x4000, s15  }
0x79: {  	s19 =	sand.u32 $0x380, s13;
	s18 =	sand.u32 $0x2000, s18  }
0x7a: {  	s18 =	sor.u32 s19, s18  }
0x7b: {  	v3 =	vld [tilespmem:s18+$0x100]  }
0x7c: {  	v4 =	vld [tilespmem:s18+$0x4100]  }
0x7d: {  	v5 =	vld [tilespmem:s18+$0x110]  }
0x7e: {  	v6 =	vld [tilespmem:s18+$0x4110]  }
0x7f: {  	v7 =	vld [tilespmem:s18+$0x120]  }
0x80: {  	v8 =	vld [tilespmem:s18+$0x4120]  }
0x81: {  	v9 =	vld [tilespmem:s18+$0x130]  }
0x82: {  	v10 =	vld [tilespmem:s18+$0x4130]  }
0x83: {  	v11 =	vld [tilespmem:s18+$0x140]  }
0x84: {  	v12 =	vld [tilespmem:s18+$0x4140]  }
0x85: {  	v13 =	vld [tilespmem:s18+$0x150]  }
0x86: {  	v14 =	vld [tilespmem:s18+$0x4150]  }
0x87: {  	v15 =	vld [tilespmem:s18+$0x160]  }
0x88: {  	v16 =	vld [tilespmem:s18+$0x4160]  }
0x89: {  	v17 =	vld [tilespmem:s18+$0x170]  }
0x8a: {  	v18 =	vld [tilespmem:s18+$0x4170]  }
0x8b: {  	v19 =	vld [tilespmem:s18+$0x500]  }
0x8c: {  	v20 =	vld [tilespmem:s18+$0x4500]  }
0x8d: {  	v21 =	vld [tilespmem:s18+$0x510]  }
0x8e: {  	v22 =	vld [tilespmem:s18+$0x4510]  }
0x8f: {  	v23 =	vld [tilespmem:s18+$0x520]  }
0x90: {  	v24 =	vld [tilespmem:s18+$0x4520]  }
0x91: {  	v25 =	vld [tilespmem:s18+$0x530]  }
0x92: {  	v26 =	vld [tilespmem:s18+$0x4530]  }
0x93: {  	v27 =	vld [tilespmem:s18+$0x540]  }
0x94: {  	v28 =	vld [tilespmem:s18+$0x4540]  }
0x95: {  	v29 =	vld [tilespmem:s18+$0x550]  }
0x96: {  	v30 =	vld [tilespmem:s18+$0x4550]  }
0x97: {  	v31 =	vld [tilespmem:s18+$0x560]  }
0x98: {  	v32 =	vld [tilespmem:s18+$0x4560]  }
0x99: {  	v33 =	vld [tilespmem:s18+$0x570]  }
0x9a: {  	v34 =	vld [tilespmem:s18+$0x4570]  }
0x9b: {  	v35 =	vld [tilespmem:s18+$0x900]  }
0x9c: {  	v36 =	vld [tilespmem:s18+$0x4900]  }
0x9d: {  	v37 =	vld [tilespmem:s18+$0x910]  }
0x9e: {  	v38 =	vld [tilespmem:s18+$0x4910]  }
0x9f: {  	v39 =	vld [tilespmem:s18+$0x920]  }
0xa0: {  	v40 =	vld [tilespmem:s18+$0x4920]  }
0xa1: {  	v41 =	vld [tilespmem:s18+$0x930]  }
0xa2: {  	v42 =	vld [tilespmem:s18+$0x4930]  }
0xa3: {  	v43 =	vld [tilespmem:s18+$0x940]  }
0xa4: {  	v44 =	vld [tilespmem:s18+$0x4940]  }
0xa5: {  	v45 =	vld [tilespmem:s18+$0x950]  }
0xa6: {  	v46 =	vld [tilespmem:s18+$0x4950]  }
0xa7: {  	v47 =	vld [tilespmem:s18+$0x960]  }
0xa8: {  	v48 =	vld [tilespmem:s18+$0x4960]  }
0xa9: {  	v49 =	vld [tilespmem:s18+$0x970]  }
0xaa: {  	v50 =	vld [tilespmem:s18+$0x4970]  }
0xab: {  	v51 =	vld [tilespmem:s18+$0xD00]  }
0xac: {  	v52 =	vld [tilespmem:s18+$0x4D00]  }
0xad: {  	v53 =	vld [tilespmem:s18+$0xD10]  }
0xae: {  	v54 =	vld [tilespmem:s18+$0x4D10]  }
0xaf: {  	v55 =	vld [tilespmem:s18+$0xD20]  }
0xb0: {  	v56 =	vld [tilespmem:s18+$0x4D20]  }
0xb1: {  	v57 =	vld [tilespmem:s18+$0xD30]  }
0xb2: {  	v58 =	vld [tilespmem:s18+$0x4D30]  }
0xb3: {  	v59 =	vld [tilespmem:s18+$0xD40]  }
0xb4: {  	v60 =	vld [tilespmem:s18+$0x4D40]  }
0xb5: {  	v61 =	vld [tilespmem:s18+$0xD50]  }
0xb6: {  	v62 =	vld [tilespmem:s18+$0x4D50]  }
0xb7: {  	v63 =	vld [tilespmem:s18+$0xD60]  }
0xb8: {  	v3 =	vadd.f32 v4, v3;
	v4 =	vld [tilespmem:s18+$0x4D60]  }
0xb9: {  	v5 =	vadd.f32 v6, v5;
	v6 =	vld [tilespmem:s18+$0xD70]  }
0xba: {  	v14 =	vadd.f32 v14, v13;
	v13 =	vld [tilespmem:s18+$0x5120];
	[tilespmem:s18+$0x100] =	vst v3;
	v3 =	vadd.f32 v8, v7  }
0xbb: {  	v18 =	vadd.f32 v18, v17;
	v17 =	vld [tilespmem:s18+$0x5140];
	[tilespmem:s18+$0x110] =	vst v5  }
0xbc: {  	v22 =	vadd.f32 v22, v21;
	v21 =	vld [tilespmem:s18+$0x5160];
	[tilespmem:s18+$0x120] =	vst v3;
	v3 =	vadd.f32 v12, v11  }
0xbd: {  	v7 =	vld [tilespmem:s18+$0x4D70];
	[tilespmem:s18+$0x150] =	vst v14  }
0xbe: {  	v8 =	vld [tilespmem:s18+$0x1100];
	[tilespmem:s18+$0x140] =	vst v3;
	v3 =	vadd.f32 v16, v15  }
0xbf: {  	v5 =	vadd.f32 v10, v9;
	v9 =	vld [tilespmem:s18+$0x5100];
	[tilespmem:s18+$0x170] =	vst v18  }
0xc0: {  	v10 =	vld [tilespmem:s18+$0x1110];
	[tilespmem:s18+$0x160] =	vst v3;
	v3 =	vadd.f32 v20, v19  }
0xc1: {  	v26 =	vadd.f32 v26, v25;
	v14 =	vld [tilespmem:s18+$0x1130];
	[tilespmem:s18+$0x510] =	vst v22  }
0xc2: {  	v18 =	vld [tilespmem:s18+$0x1150];
	[tilespmem:s18+$0x500] =	vst v3;
	v3 =	vadd.f32 v24, v23  }
0xc3: {  	v30 =	vadd.f32 v30, v29;
	[tilespmem:s18+$0x530] =	vst v26;
	v22 =	vld [tilespmem:s18+$0x1170]  }
0xc4: {  	v19 =	vld [tilespmem:s18+$0x5150];
	[tilespmem:s18+$0x520] =	vst v3;
	v3 =	vadd.f32 v28, v27  }
0xc5: {  	v34 =	vadd.f32 v34, v33;
	[tilespmem:s18+$0x550] =	vst v30;
	v11 =	vld [tilespmem:s18+$0x5110]  }
0xc6: {  	v12 =	vld [tilespmem:s18+$0x1120];
	[tilespmem:s18+$0x540] =	vst v3;
	v3 =	vadd.f32 v32, v31  }
0xc7: {  	[tilespmem:s18+$0x570] =	vst v34;
	v15 =	vld [tilespmem:s18+$0x5130]  }
0xc8: {  	v16 =	vld [tilespmem:s18+$0x1140];
	[tilespmem:s18+$0x560] =	vst v3;
	v3 =	vadd.f32 v36, v35  }
0xc9: {  	[tilespmem:s18+$0x130] =	vst v5;
	v20 =	vld [tilespmem:s18+$0x1160];
	v19 =	vadd.f32 v19, v18  }
0xca: {  	v24 =	vld [tilespmem:s18+$0x1500];
	[tilespmem:s18+$0x900] =	vst v3;
	v3 =	vadd.f32 v40, v39  }
0xcb: {  	[tilespmem:s18+$0x1150] =	vst v19;
	v36 =	vadd.f32 v38, v37;
	v37 =	vld [tilespmem:s18+$0x5170]  }
0xcc: {  	v38 =	vadd.f32 v42, v41;
	v41 =	vld [tilespmem:s18+$0x1510];
	[tilespmem:s18+$0x920] =	vst v3;
	v3 =	vadd.f32 v44, v43  }
0xcd: {  	v42 =	vld [tilespmem:s18+$0x5510];
	[tilespmem:s18+$0x910] =	vst v36  }
0xce: {  	v35 =	vld [tilespmem:s18+$0x1910];
	[tilespmem:s18+$0x940] =	vst v3;
	v3 =	vadd.f32 v48, v47  }
0xcf: {  	v39 =	vld [tilespmem:s18+$0x5500];
	[tilespmem:s18+$0x930] =	vst v38;
	v40 =	vadd.f32 v46, v45  }
0xd0: {  	v45 =	vld [tilespmem:s18+$0x5520];
	[tilespmem:s18+$0x960] =	vst v3;
	v3 =	vadd.f32 v52, v51  }
0xd1: {  	v46 =	vadd.f32 v54, v53;
	v53 =	vld [tilespmem:s18+$0x1550];
	[tilespmem:s18+$0x950] =	vst v40  }
0xd2: {  	v54 =	vld [tilespmem:s18+$0x5550];
	[tilespmem:s18+$0xD00] =	vst v3;
	v3 =	vadd.f32 v56, v55  }
0xd3: {  	v36 =	vld [tilespmem:s18+$0x5910];
	v43 =	vadd.f32 v50, v49;
	[tilespmem:s18+$0xD10] =	vst v46  }
0xd4: {  	v38 =	vld [tilespmem:s18+$0x1920];
	[tilespmem:s18+$0xD20] =	vst v3;
	v3 =	vadd.f32 v60, v59  }
0xd5: {  	v44 =	vld [tilespmem:s18+$0x1520];
	v49 =	vadd.f32 v58, v57;
	[tilespmem:s18+$0x970] =	vst v43  }
0xd6: {  	v50 =	vld [tilespmem:s18+$0x1540];
	[tilespmem:s18+$0xD40] =	vst v3;
	v3 =	vadd.f32 v4, v63  }
0xd7: {  	v57 =	vld [tilespmem:s18+$0x5560];
	v58 =	vadd.f32 v11, v10;
	[tilespmem:s18+$0xD30] =	vst v49  }
0xd8: {  	v46 =	vld [tilespmem:s18+$0x5950];
	[tilespmem:s18+$0xD60] =	vst v3;
	v3 =	vadd.f32 v9, v8  }
0xd9: {  	v37 =	vadd.f32 v37, v22;
	v40 =	vadd.f32 v42, v41;
	v41 =	vld [tilespmem:s18+$0x1930];
	[tilespmem:s18+$0x1110] =	vst v58  }
0xda: {  	v42 =	vld [tilespmem:s18+$0x5930];
	[tilespmem:s18+$0x1100] =	vst v3;
	v3 =	vadd.f32 v13, v12  }
0xdb: {  	v47 =	vld [tilespmem:s18+$0x1530];
	[tilespmem:s18+$0x1170] =	vst v37  }
0xdc: {  	v48 =	vld [tilespmem:s18+$0x5530];
	[tilespmem:s18+$0x1120] =	vst v3;
	v3 =	vadd.f32 v17, v16  }
0xdd: {  	v49 =	vld [tilespmem:s18+$0x5960];
	[tilespmem:s18+$0x1510] =	vst v40;
	v52 =	vadd.f32 v62, v61  }
0xde: {  	v51 =	vld [tilespmem:s18+$0x5540];
	[tilespmem:s18+$0x1140] =	vst v3;
	v3 =	vadd.f32 v21, v20  }
0xdf: {  	v61 =	vadd.f32 v15, v14;
	v62 =	vld [tilespmem:s18+$0x1900];
	[tilespmem:s18+$0xD50] =	vst v52  }
0xe0: {  	v56 =	vld [tilespmem:s18+$0x1560];
	[tilespmem:s18+$0x1160] =	vst v3;
	v3 =	vadd.f32 v39, v24  }
0xe1: {  	v55 =	vadd.f32 v7, v6;
	[tilespmem:s18+$0x1130] =	vst v61;
	v52 =	vld [tilespmem:s18+$0x5970]  }
0xe2: {  	v43 =	vadd.f32 v48, v47;
	v47 =	vld [tilespmem:s18+$0x1960];
	[tilespmem:s18+$0x1500] =	vst v3;
	v3 =	vadd.f32 v45, v44  }
0xe3: {  	[tilespmem:s18+$0xD70] =	vst v55;
	v63 =	vld [tilespmem:s18+$0x5900]  }
0xe4: {  	v59 =	vld [tilespmem:s18+$0x1570];
	[tilespmem:s18+$0x1520] =	vst v3;
	v3 =	vadd.f32 v51, v50  }
0xe5: {  	[tilespmem:s18+$0x1530] =	vst v43;
	v4 =	vadd.f32 v54, v53;
	v39 =	vld [tilespmem:s18+$0x5920]  }
0xe6: {  	v60 =	vld [tilespmem:s18+$0x5570];
	[tilespmem:s18+$0x1540] =	vst v3;
	v3 =	vadd.f32 v57, v56  }
0xe7: {  	v54 =	vadd.f32 v42, v41;
	[tilespmem:s18+$0x1550] =	vst v4;
	v45 =	vld [tilespmem:s18+$0x1950]  }
0xe8: {  	v53 =	vld [tilespmem:s18+$0x5940];
	[tilespmem:s18+$0x1560] =	vst v3;
	v3 =	vadd.f32 v63, v62  }
0xe9: {  	[tilespmem:s18+$0x1930] =	vst v54;
	v55 =	vadd.f32 v49, v47;
	v50 =	vld [tilespmem:s18+$0x1970]  }
0xea: {  	v44 =	vld [tilespmem:s18+$0x1940];
	[tilespmem:s18+$0x1900] =	vst v3;
	v3 =	vadd.f32 v39, v38  }
0xeb: {  	v48 =	vadd.f32 v60, v59;
	[tilespmem:s18+$0x1960] =	vst v55  }
0xec: {  	[tilespmem:s18+$0x1920] =	vst v3;
	v3 =	vadd.f32 v46, v45  }
0xed: {  	s20 =	sand.u32 $0x7, s12;
	[tilespmem:s18+$0x1570] =	vst v48;
	v51 =	vadd.f32 v36, v35  }
0xee: {  	s19 =	sshll.u32 s20, $0x7;
	[tilespmem:s18+$0x1950] =	vst v3;
	v3 =	vadd.f32 v52, v50  }
0xef: {  	s19 =	sadd.s32 s19, s17;
	[tilespmem:s18+$0x1910] =	vst v51;
	v56 =	vadd.f32 v53, v44  }
0xf0: {  	s20 =	sor.u32 $0x1C00, s19;
	[tilespmem:s18+$0x1970] =	vst v3  }
0xf1: {  	[tilespmem:s18+$0x1940] =	vst v56;
	v3 =	vld [tilespmem:s20+$0x100]  }
0xf2: {  	v4 =	vld [tilespmem:s20+$0x4100];
	_ =	sdelay $0x4  }
0xf3: {  	v3 =	vadd.f32 v4, v3;
	_ =	sdelay $0x1  }
0xf4: {  	[tilespmem:s20+$0x100] =	vst v3;
	s20 =	sor.u32 $0x1C10, s19  }
0xf5: {  	v3 =	vld [tilespmem:s20+$0x100]  }
0xf6: {  	v57 =	vld [tilespmem:s20+$0x4100];
	_ =	sdelay $0x4  }
0xf7: {  	v3 =	vadd.f32 v57, v3;
	_ =	sdelay $0x1  }
0xf8: {  	[tilespmem:s20+$0x100] =	vst v3;
	s20 =	sor.u32 $0x1C20, s19  }
0xf9: {  	v3 =	vld [tilespmem:s20+$0x100]  }
0xfa: {  	v58 =	vld [tilespmem:s20+$0x4100];
	_ =	sdelay $0x4  }
0xfb: {  	v3 =	vadd.f32 v58, v3;
	_ =	sdelay $0x1  }
0xfc: {  	[tilespmem:s20+$0x100] =	vst v3;
	s20 =	sor.u32 $0x1C30, s19  }
0xfd: {  	v3 =	vld [tilespmem:s20+$0x100]  }
0xfe: {  	v59 =	vld [tilespmem:s20+$0x4100];
	_ =	sdelay $0x4  }
0xff: {  	v3 =	vadd.f32 v59, v3;
	_ =	sdelay $0x1  }
0x100: {  	[tilespmem:s20+$0x100] =	vst v3;
	s20 =	sor.u32 $0x1C40, s19  }
0x101: {  	v3 =	vld [tilespmem:s20+$0x100]  }
0x102: {  	v60 =	vld [tilespmem:s20+$0x4100];
	_ =	sdelay $0x4  }
0x103: {  	v3 =	vadd.f32 v60, v3;
	_ =	sdelay $0x1  }
0x104: {  	[tilespmem:s20+$0x100] =	vst v3;
	s20 =	sor.u32 $0x1C50, s19  }
0x105: {  	v3 =	vld [tilespmem:s20+$0x100]  }
0x106: {  	v61 =	vld [tilespmem:s20+$0x4100];
	_ =	sdelay $0x4  }
0x107: {  	v3 =	vadd.f32 v61, v3;
	_ =	sdelay $0x1  }
0x108: {  	[tilespmem:s20+$0x100] =	vst v3;
	s20 =	sor.u32 $0x1C60, s19  }
0x109: {  	v3 =	vld [tilespmem:s20+$0x100]  }
0x10a: {  	v62 =	vld [tilespmem:s20+$0x4100];
	_ =	sdelay $0x4  }
0x10b: {  	v3 =	vadd.f32 v62, v3;
	_ =	sdelay $0x1  }
0x10c: {  	[tilespmem:s20+$0x100] =	vst v3;
	s20 =	sor.u32 $0x1C70, s19  }
0x10d: {  	v3 =	vld [tilespmem:s20+$0x100]  }
0x10e: {  	v63 =	vld [tilespmem:s20+$0x4100];
	_ =	sdelay $0x1  }
0x10f: {  	p0 =	sne.s32 s13, $0x780  }
.Ltmp0:
0x110: {  	_ = 	snop;
	(pc) =	sbr.rel @p0 .LBB2_2-.Ltmp0, $4  }
0x111: {  	_ = 	snop  }
0x112: {  	v3 =	vadd.f32 v63, v3  }
0x113: {  	s12 =	sadd.s32 $0x1, s12  }
0x114: {  	s15 =	sadd.s32 $0x400, s15;
	s13 =	sadd.s32 $0x80, s13;
	s17 =	sadd.s32 $0x400, s17;
	[tilespmem:s20+$0x100] =	vst v3  }
0x115: {  	s15 =	simm.s32 $0x0  }
0x116: {  	[hbm4b:s7+s15] =	stream.linear.scatter [tilespmem:s16], [sflag:$0x5], $0x4000, $0x38;
	[tilespmem:$0x10100] =	vst v63  }
0x117: {  	_ =	swait.ge [sflag:s14], $0x4000  }
0x118: {  	[sflag:s14] =	ssyncset.done $0x0  }
0x119: {  	[sflag:s14] =	ssyncadd.s32 $0xFFFFC000  }
0x11a: {  	v3 =	vld [tilespmem:$0x20];
	_ =	sdelay $0x4  }
0x11b: {  	v4 =	vshll.u32 v3, $0x3  }
0x11c: {  	v3 =	vand.u32 $0x7, v3;
	v4 =	vand.u32 $0xFFFFFFC0, v4  }
0x11d: {  	v3 =	vor.u32 v3, v4  }
0x11e: {  	v4 =	vperm.xlane v3, v0;
	_ =	sdelay $0x1  }
0x11f: {  	v4 =	vadd.s32 v1, v4;
	_ =	sdelay $0x4  }
0x120: {  	[tilespmem:s16], [sflag:$0x1] =	stream.indirect_vreg.gather [hbm4b:s3+s15], $0x80, v4, vm0, $0xb8;
	[tilespmem:$0x10100] =	vst v63  }
0x121: {  	s12 =	simm.s32 $0x900;
	v3 =	vperm.xlane v3, v2  }
0x122: {  	[tilespmem:s12], [sflag:$0x1] =	stream.indirect_vreg.gather [hbm4b:s6+s15], $0x80, v4, vm0, $0xb8;
	[tilespmem:$0x10100] =	vst v63  }
0x123: {  	s17 =	simm.s32 $0x1100;
	v3 =	vadd.s32 v1, v3  }
0x124: {  	[tilespmem:s17], [sflag:$0x1] =	stream.indirect_vreg.gather [hbm4b:s8+s15], $0x80, v4, vm0, $0xb8;
	[tilespmem:$0x10100] =	vst v63  }
0x125: {  	s18 =	simm.s32 $0x1900  }
0x126: {  	[tilespmem:s18], [sflag:$0x1] =	stream.indirect_vreg.gather [hbm4b:s9+s15], $0x80, v4, vm0, $0xb8;
	[tilespmem:$0x10100] =	vst v63  }
0x127: {  	s19 =	simm.s32 $0x2100  }
0x128: {  	[tilespmem:s19], [sflag:$0x1] =	stream.indirect_vreg.gather [hbm4b:s3+s15], $0x80, v3, vm0, $0xb8;
	[tilespmem:$0x10100] =	vst v63  }
0x129: {  	s20 =	simm.s32 $0x2900  }
0x12a: {  	[tilespmem:s20], [sflag:$0x1] =	stream.indirect_vreg.gather [hbm4b:s6+s15], $0x80, v3, vm0, $0xb8;
	[tilespmem:$0x10100] =	vst v63  }
0x12b: {  	s13 =	simm.s32 $0x3100  }
0x12c: {  	[tilespmem:s13], [sflag:$0x1] =	stream.indirect_vreg.gather [hbm4b:s8+s15], $0x80, v3, vm0, $0xb8;
	[tilespmem:$0x10100] =	vst v63  }
0x12d: {  	s17 =	simm.s32 $0x3900  }
0x12e: {  	[tilespmem:s17], [sflag:$0x1] =	stream.indirect_vreg.gather [hbm4b:s9+s15], $0x80, v3, vm0, $0xb8;
	[tilespmem:$0x10100] =	vst v63  }
0x12f: {  	v3 =	vld [tilespmem:$0xA0];
	_ =	sdelay $0x4  }
0x130: {  	v63 =	vshll.u32 v3, $0x3  }
0x131: {  	v3 =	vand.u32 $0x7, v3;
	v4 =	vand.u32 $0xFFFFFFC0, v63  }
0x132: {  	v3 =	vor.u32 v3, v4  }
0x133: {  	v4 =	vperm.xlane v3, v0;
	_ =	sdelay $0x1  }
0x134: {  	v4 =	vadd.s32 v1, v4;
	_ =	sdelay $0x3  }
0x135: {  	s18 =	simm.s32 $0x4100  }
0x136: {  	[tilespmem:s18], [sflag:$0x2] =	stream.indirect_vreg.gather [hbm4b:s3+s15], $0x80, v4, vm0, $0xb8;
	[tilespmem:$0x10100] =	vst v63  }
0x137: {  	s19 =	simm.s32 $0x4900;
	v3 =	vperm.xlane v3, v2  }
0x138: {  	[tilespmem:s19], [sflag:$0x2] =	stream.indirect_vreg.gather [hbm4b:s6+s15], $0x80, v4, vm0, $0xb8;
	[tilespmem:$0x10100] =	vst v63  }
0x139: {  	s20 =	simm.s32 $0x5100;
	v3 =	vadd.s32 v1, v3  }
0x13a: {  	[tilespmem:s20], [sflag:$0x2] =	stream.indirect_vreg.gather [hbm4b:s8+s15], $0x80, v4, vm0, $0xb8;
	[tilespmem:$0x10100] =	vst v63  }
0x13b: {  	s13 =	simm.s32 $0x5900  }
0x13c: {  	[tilespmem:s13], [sflag:$0x2] =	stream.indirect_vreg.gather [hbm4b:s9+s15], $0x80, v4, vm0, $0xb8;
	[tilespmem:$0x10100] =	vst v63  }
0x13d: {  	s17 =	simm.s32 $0x6100  }
0x13e: {  	[tilespmem:s17], [sflag:$0x2] =	stream.indirect_vreg.gather [hbm4b:s3+s15], $0x80, v3, vm0, $0xb8;
	[tilespmem:$0x10100] =	vst v63  }
0x13f: {  	s18 =	simm.s32 $0x6900  }
0x140: {  	[tilespmem:s18], [sflag:$0x2] =	stream.indirect_vreg.gather [hbm4b:s6+s15], $0x80, v3, vm0, $0xb8;
	[tilespmem:$0x10100] =	vst v63  }
0x141: {  	s19 =	simm.s32 $0x7100  }
0x142: {  	[tilespmem:s19], [sflag:$0x2] =	stream.indirect_vreg.gather [hbm4b:s8+s15], $0x80, v3, vm0, $0xb8;
	[tilespmem:$0x10100] =	vst v63  }
0x143: {  	s20 =	simm.s32 $0x7900  }
0x144: {  	[tilespmem:s20], [sflag:$0x2] =	stream.indirect_vreg.gather [hbm4b:s9+s15], $0x80, v3, vm0, $0xb8;
	[tilespmem:$0x10100] =	vst v63  }
0x145: {  	_ =	swait.ge [sflag:s0], $0x4000  }
0x146: {  	[sflag:s0] =	ssyncset.done $0x0  }
0x147: {  	[sflag:s0] =	ssyncadd.s32 $0xFFFFC000  }
0x148: {  	_ =	swait.ge [sflag:s10], $0x4000  }
0x149: {  	s12 =	simm.s32 $0xFFFFC000;
	[sflag:s10] =	ssyncset.done $0x0  }
0x14a: {  	s13 =	simm.s32 $0x0;
	s17 =	simm.s32 $0x0;
	[sflag:s10] =	ssyncadd.s32 $0xFFFFC000  }
.LBB2_4:
0x14b: {  	s18 =	sadd.s32 $0x4000, s12  }
0x14c: {  	s19 =	sand.u32 $0x380, s13;
	s18 =	sand.u32 $0x2000, s18  }
0x14d: {  	s18 =	sor.u32 s19, s18  }
0x14e: {  	v3 =	vld [tilespmem:s18+$0x8100]  }
0x14f: {  	v4 =	vld [tilespmem:s18+$0xC100]  }
0x150: {  	v5 =	vld [tilespmem:s18+$0x8110]  }
0x151: {  	v6 =	vld [tilespmem:s18+$0xC110]  }
0x152: {  	v7 =	vld [tilespmem:s18+$0x8120]  }
0x153: {  	v8 =	vld [tilespmem:s18+$0xC120]  }
0x154: {  	v9 =	vld [tilespmem:s18+$0x8130]  }
0x155: {  	v10 =	vld [tilespmem:s18+$0xC130]  }
0x156: {  	v11 =	vld [tilespmem:s18+$0x8140]  }
0x157: {  	v12 =	vld [tilespmem:s18+$0xC140]  }
0x158: {  	v13 =	vld [tilespmem:s18+$0x8150]  }
0x159: {  	v14 =	vld [tilespmem:s18+$0xC150]  }
0x15a: {  	v15 =	vld [tilespmem:s18+$0x8160]  }
0x15b: {  	v16 =	vld [tilespmem:s18+$0xC160]  }
0x15c: {  	v17 =	vld [tilespmem:s18+$0x8170]  }
0x15d: {  	v18 =	vld [tilespmem:s18+$0xC170]  }
0x15e: {  	v19 =	vld [tilespmem:s18+$0x8500]  }
0x15f: {  	v20 =	vld [tilespmem:s18+$0xC500]  }
0x160: {  	v21 =	vld [tilespmem:s18+$0x8510]  }
0x161: {  	v22 =	vld [tilespmem:s18+$0xC510]  }
0x162: {  	v23 =	vld [tilespmem:s18+$0x8520]  }
0x163: {  	v24 =	vld [tilespmem:s18+$0xC520]  }
0x164: {  	v25 =	vld [tilespmem:s18+$0x8530]  }
0x165: {  	v26 =	vld [tilespmem:s18+$0xC530]  }
0x166: {  	v27 =	vld [tilespmem:s18+$0x8540]  }
0x167: {  	v28 =	vld [tilespmem:s18+$0xC540]  }
0x168: {  	v29 =	vld [tilespmem:s18+$0x8550]  }
0x169: {  	v30 =	vld [tilespmem:s18+$0xC550]  }
0x16a: {  	v31 =	vld [tilespmem:s18+$0x8560]  }
0x16b: {  	v32 =	vld [tilespmem:s18+$0xC560]  }
0x16c: {  	v33 =	vld [tilespmem:s18+$0x8570]  }
0x16d: {  	v34 =	vld [tilespmem:s18+$0xC570]  }
0x16e: {  	v35 =	vld [tilespmem:s18+$0x8900]  }
0x16f: {  	v36 =	vld [tilespmem:s18+$0xC900]  }
0x170: {  	v37 =	vld [tilespmem:s18+$0x8910]  }
0x171: {  	v38 =	vld [tilespmem:s18+$0xC910]  }
0x172: {  	v39 =	vld [tilespmem:s18+$0x8920]  }
0x173: {  	v40 =	vld [tilespmem:s18+$0xC920]  }
0x174: {  	v41 =	vld [tilespmem:s18+$0x8930]  }
0x175: {  	v42 =	vld [tilespmem:s18+$0xC930]  }
0x176: {  	v43 =	vld [tilespmem:s18+$0x8940]  }
0x177: {  	v44 =	vld [tilespmem:s18+$0xC940]  }
0x178: {  	v45 =	vld [tilespmem:s18+$0x8950]  }
0x179: {  	v46 =	vld [tilespmem:s18+$0xC950]  }
0x17a: {  	v47 =	vld [tilespmem:s18+$0x8960]  }
0x17b: {  	v48 =	vld [tilespmem:s18+$0xC960]  }
0x17c: {  	v49 =	vld [tilespmem:s18+$0x8970]  }
0x17d: {  	v50 =	vld [tilespmem:s18+$0xC970]  }
0x17e: {  	v51 =	vld [tilespmem:s18+$0x8D00]  }
0x17f: {  	v52 =	vld [tilespmem:s18+$0xCD00]  }
0x180: {  	v53 =	vld [tilespmem:s18+$0x8D10]  }
0x181: {  	v54 =	vld [tilespmem:s18+$0xCD10]  }
0x182: {  	v55 =	vld [tilespmem:s18+$0x8D20]  }
0x183: {  	v56 =	vld [tilespmem:s18+$0xCD20]  }
0x184: {  	v57 =	vld [tilespmem:s18+$0x8D30]  }
0x185: {  	v58 =	vld [tilespmem:s18+$0xCD30]  }
0x186: {  	v59 =	vld [tilespmem:s18+$0x8D40]  }
0x187: {  	v60 =	vld [tilespmem:s18+$0xCD40]  }
0x188: {  	v61 =	vld [tilespmem:s18+$0x8D50]  }
0x189: {  	v62 =	vld [tilespmem:s18+$0xCD50]  }
0x18a: {  	v63 =	vld [tilespmem:s18+$0x8D60]  }
0x18b: {  	v3 =	vadd.f32 v4, v3;
	v4 =	vld [tilespmem:s18+$0xCD60]  }
0x18c: {  	v5 =	vadd.f32 v6, v5;
	v6 =	vld [tilespmem:s18+$0x8D70]  }
0x18d: {  	v14 =	vadd.f32 v14, v13;
	v13 =	vld [tilespmem:s18+$0xD120];
	[tilespmem:s18+$0x8100] =	vst v3;
	v3 =	vadd.f32 v8, v7  }
0x18e: {  	v18 =	vadd.f32 v18, v17;
	v17 =	vld [tilespmem:s18+$0xD140];
	[tilespmem:s18+$0x8110] =	vst v5  }
0x18f: {  	v22 =	vadd.f32 v22, v21;
	v21 =	vld [tilespmem:s18+$0xD160];
	[tilespmem:s18+$0x8120] =	vst v3;
	v3 =	vadd.f32 v12, v11  }
0x190: {  	v7 =	vld [tilespmem:s18+$0xCD70];
	[tilespmem:s18+$0x8150] =	vst v14  }
0x191: {  	v8 =	vld [tilespmem:s18+$0x9100];
	[tilespmem:s18+$0x8140] =	vst v3;
	v3 =	vadd.f32 v16, v15  }
0x192: {  	v5 =	vadd.f32 v10, v9;
	v9 =	vld [tilespmem:s18+$0xD100];
	[tilespmem:s18+$0x8170] =	vst v18  }
0x193: {  	v10 =	vld [tilespmem:s18+$0x9110];
	[tilespmem:s18+$0x8160] =	vst v3;
	v3 =	vadd.f32 v20, v19  }
0x194: {  	v26 =	vadd.f32 v26, v25;
	v14 =	vld [tilespmem:s18+$0x9130];
	[tilespmem:s18+$0x8510] =	vst v22  }
0x195: {  	v18 =	vld [tilespmem:s18+$0x9150];
	[tilespmem:s18+$0x8500] =	vst v3;
	v3 =	vadd.f32 v24, v23  }
0x196: {  	v30 =	vadd.f32 v30, v29;
	[tilespmem:s18+$0x8530] =	vst v26;
	v22 =	vld [tilespmem:s18+$0x9170]  }
0x197: {  	v19 =	vld [tilespmem:s18+$0xD150];
	[tilespmem:s18+$0x8520] =	vst v3;
	v3 =	vadd.f32 v28, v27  }
0x198: {  	v34 =	vadd.f32 v34, v33;
	[tilespmem:s18+$0x8550] =	vst v30;
	v11 =	vld [tilespmem:s18+$0xD110]  }
0x199: {  	v12 =	vld [tilespmem:s18+$0x9120];
	[tilespmem:s18+$0x8540] =	vst v3;
	v3 =	vadd.f32 v32, v31  }
0x19a: {  	[tilespmem:s18+$0x8570] =	vst v34;
	v15 =	vld [tilespmem:s18+$0xD130]  }
0x19b: {  	v16 =	vld [tilespmem:s18+$0x9140];
	[tilespmem:s18+$0x8560] =	vst v3;
	v3 =	vadd.f32 v36, v35  }
0x19c: {  	[tilespmem:s18+$0x8130] =	vst v5;
	v20 =	vld [tilespmem:s18+$0x9160];
	v19 =	vadd.f32 v19, v18  }
0x19d: {  	v24 =	vld [tilespmem:s18+$0x9500];
	[tilespmem:s18+$0x8900] =	vst v3;
	v3 =	vadd.f32 v40, v39  }
0x19e: {  	[tilespmem:s18+$0x9150] =	vst v19;
	v36 =	vadd.f32 v38, v37;
	v37 =	vld [tilespmem:s18+$0xD170]  }
0x19f: {  	v38 =	vadd.f32 v42, v41;
	v41 =	vld [tilespmem:s18+$0x9510];
	[tilespmem:s18+$0x8920] =	vst v3;
	v3 =	vadd.f32 v44, v43  }
0x1a0: {  	v42 =	vld [tilespmem:s18+$0xD510];
	[tilespmem:s18+$0x8910] =	vst v36  }
0x1a1: {  	v35 =	vld [tilespmem:s18+$0x9910];
	[tilespmem:s18+$0x8940] =	vst v3;
	v3 =	vadd.f32 v48, v47  }
0x1a2: {  	v39 =	vld [tilespmem:s18+$0xD500];
	[tilespmem:s18+$0x8930] =	vst v38;
	v40 =	vadd.f32 v46, v45  }
0x1a3: {  	v45 =	vld [tilespmem:s18+$0xD520];
	[tilespmem:s18+$0x8960] =	vst v3;
	v3 =	vadd.f32 v52, v51  }
0x1a4: {  	v46 =	vadd.f32 v54, v53;
	v53 =	vld [tilespmem:s18+$0x9550];
	[tilespmem:s18+$0x8950] =	vst v40  }
0x1a5: {  	v54 =	vld [tilespmem:s18+$0xD550];
	[tilespmem:s18+$0x8D00] =	vst v3;
	v3 =	vadd.f32 v56, v55  }
0x1a6: {  	v36 =	vld [tilespmem:s18+$0xD910];
	v43 =	vadd.f32 v50, v49;
	[tilespmem:s18+$0x8D10] =	vst v46  }
0x1a7: {  	v38 =	vld [tilespmem:s18+$0x9920];
	[tilespmem:s18+$0x8D20] =	vst v3;
	v3 =	vadd.f32 v60, v59  }
0x1a8: {  	v44 =	vld [tilespmem:s18+$0x9520];
	v49 =	vadd.f32 v58, v57;
	[tilespmem:s18+$0x8970] =	vst v43  }
0x1a9: {  	v50 =	vld [tilespmem:s18+$0x9540];
	[tilespmem:s18+$0x8D40] =	vst v3;
	v3 =	vadd.f32 v4, v63  }
0x1aa: {  	v57 =	vld [tilespmem:s18+$0xD560];
	v58 =	vadd.f32 v11, v10;
	[tilespmem:s18+$0x8D30] =	vst v49  }
0x1ab: {  	v46 =	vld [tilespmem:s18+$0xD950];
	[tilespmem:s18+$0x8D60] =	vst v3;
	v3 =	vadd.f32 v9, v8  }
0x1ac: {  	v37 =	vadd.f32 v37, v22;
	v40 =	vadd.f32 v42, v41;
	v41 =	vld [tilespmem:s18+$0x9930];
	[tilespmem:s18+$0x9110] =	vst v58  }
0x1ad: {  	v42 =	vld [tilespmem:s18+$0xD930];
	[tilespmem:s18+$0x9100] =	vst v3;
	v3 =	vadd.f32 v13, v12  }
0x1ae: {  	v47 =	vld [tilespmem:s18+$0x9530];
	[tilespmem:s18+$0x9170] =	vst v37  }
0x1af: {  	v48 =	vld [tilespmem:s18+$0xD530];
	[tilespmem:s18+$0x9120] =	vst v3;
	v3 =	vadd.f32 v17, v16  }
0x1b0: {  	v49 =	vld [tilespmem:s18+$0xD960];
	[tilespmem:s18+$0x9510] =	vst v40;
	v52 =	vadd.f32 v62, v61  }
0x1b1: {  	v51 =	vld [tilespmem:s18+$0xD540];
	[tilespmem:s18+$0x9140] =	vst v3;
	v3 =	vadd.f32 v21, v20  }
0x1b2: {  	v61 =	vadd.f32 v15, v14;
	v62 =	vld [tilespmem:s18+$0x9900];
	[tilespmem:s18+$0x8D50] =	vst v52  }
0x1b3: {  	v56 =	vld [tilespmem:s18+$0x9560];
	[tilespmem:s18+$0x9160] =	vst v3;
	v3 =	vadd.f32 v39, v24  }
0x1b4: {  	v55 =	vadd.f32 v7, v6;
	[tilespmem:s18+$0x9130] =	vst v61;
	v52 =	vld [tilespmem:s18+$0xD970]  }
0x1b5: {  	v43 =	vadd.f32 v48, v47;
	v47 =	vld [tilespmem:s18+$0x9960];
	[tilespmem:s18+$0x9500] =	vst v3;
	v3 =	vadd.f32 v45, v44  }
0x1b6: {  	[tilespmem:s18+$0x8D70] =	vst v55;
	v63 =	vld [tilespmem:s18+$0xD900]  }
0x1b7: {  	v59 =	vld [tilespmem:s18+$0x9570];
	[tilespmem:s18+$0x9520] =	vst v3;
	v3 =	vadd.f32 v51, v50  }
0x1b8: {  	[tilespmem:s18+$0x9530] =	vst v43;
	v4 =	vadd.f32 v54, v53;
	v39 =	vld [tilespmem:s18+$0xD920]  }
0x1b9: {  	v60 =	vld [tilespmem:s18+$0xD570];
	[tilespmem:s18+$0x9540] =	vst v3;
	v3 =	vadd.f32 v57, v56  }
0x1ba: {  	v54 =	vadd.f32 v42, v41;
	[tilespmem:s18+$0x9550] =	vst v4;
	v45 =	vld [tilespmem:s18+$0x9950]  }
0x1bb: {  	v53 =	vld [tilespmem:s18+$0xD940];
	[tilespmem:s18+$0x9560] =	vst v3;
	v3 =	vadd.f32 v63, v62  }
0x1bc: {  	[tilespmem:s18+$0x9930] =	vst v54;
	v55 =	vadd.f32 v49, v47;
	v50 =	vld [tilespmem:s18+$0x9970]  }
0x1bd: {  	v44 =	vld [tilespmem:s18+$0x9940];
	[tilespmem:s18+$0x9900] =	vst v3;
	v3 =	vadd.f32 v39, v38  }
0x1be: {  	v48 =	vadd.f32 v60, v59;
	[tilespmem:s18+$0x9960] =	vst v55  }
0x1bf: {  	[tilespmem:s18+$0x9920] =	vst v3;
	v3 =	vadd.f32 v46, v45  }
0x1c0: {  	s20 =	sand.u32 $0x7, s15;
	[tilespmem:s18+$0x9570] =	vst v48;
	v51 =	vadd.f32 v36, v35  }
0x1c1: {  	s19 =	sshll.u32 s20, $0x7;
	[tilespmem:s18+$0x9950] =	vst v3;
	v3 =	vadd.f32 v52, v50  }
0x1c2: {  	s19 =	sadd.s32 s19, s17;
	[tilespmem:s18+$0x9910] =	vst v51;
	v56 =	vadd.f32 v53, v44  }
0x1c3: {  	s20 =	sor.u32 $0x1C00, s19;
	[tilespmem:s18+$0x9970] =	vst v3  }
0x1c4: {  	[tilespmem:s18+$0x9940] =	vst v56;
	v3 =	vld [tilespmem:s20+$0x8100]  }
0x1c5: {  	v4 =	vld [tilespmem:s20+$0xC100];
	_ =	sdelay $0x4  }
0x1c6: {  	v3 =	vadd.f32 v4, v3;
	_ =	sdelay $0x1  }
0x1c7: {  	[tilespmem:s20+$0x8100] =	vst v3;
	s20 =	sor.u32 $0x1C10, s19  }
0x1c8: {  	v3 =	vld [tilespmem:s20+$0x8100]  }
0x1c9: {  	v57 =	vld [tilespmem:s20+$0xC100];
	_ =	sdelay $0x4  }
0x1ca: {  	v3 =	vadd.f32 v57, v3;
	_ =	sdelay $0x1  }
0x1cb: {  	[tilespmem:s20+$0x8100] =	vst v3;
	s20 =	sor.u32 $0x1C20, s19  }
0x1cc: {  	v3 =	vld [tilespmem:s20+$0x8100]  }
0x1cd: {  	v58 =	vld [tilespmem:s20+$0xC100];
	_ =	sdelay $0x4  }
0x1ce: {  	v3 =	vadd.f32 v58, v3;
	_ =	sdelay $0x1  }
0x1cf: {  	[tilespmem:s20+$0x8100] =	vst v3;
	s20 =	sor.u32 $0x1C30, s19  }
0x1d0: {  	v3 =	vld [tilespmem:s20+$0x8100]  }
0x1d1: {  	v59 =	vld [tilespmem:s20+$0xC100];
	_ =	sdelay $0x4  }
0x1d2: {  	v3 =	vadd.f32 v59, v3;
	_ =	sdelay $0x1  }
0x1d3: {  	[tilespmem:s20+$0x8100] =	vst v3;
	s20 =	sor.u32 $0x1C40, s19  }
0x1d4: {  	v3 =	vld [tilespmem:s20+$0x8100]  }
0x1d5: {  	v60 =	vld [tilespmem:s20+$0xC100];
	_ =	sdelay $0x4  }
0x1d6: {  	v3 =	vadd.f32 v60, v3;
	_ =	sdelay $0x1  }
0x1d7: {  	[tilespmem:s20+$0x8100] =	vst v3;
	s20 =	sor.u32 $0x1C50, s19  }
0x1d8: {  	v3 =	vld [tilespmem:s20+$0x8100]  }
0x1d9: {  	v61 =	vld [tilespmem:s20+$0xC100];
	_ =	sdelay $0x4  }
0x1da: {  	v3 =	vadd.f32 v61, v3;
	_ =	sdelay $0x1  }
0x1db: {  	[tilespmem:s20+$0x8100] =	vst v3;
	s20 =	sor.u32 $0x1C60, s19  }
0x1dc: {  	v3 =	vld [tilespmem:s20+$0x8100]  }
0x1dd: {  	v62 =	vld [tilespmem:s20+$0xC100];
	_ =	sdelay $0x4  }
0x1de: {  	v3 =	vadd.f32 v62, v3;
	_ =	sdelay $0x1  }
0x1df: {  	[tilespmem:s20+$0x8100] =	vst v3;
	s20 =	sor.u32 $0x1C70, s19  }
0x1e0: {  	v3 =	vld [tilespmem:s20+$0x8100]  }
0x1e1: {  	v63 =	vld [tilespmem:s20+$0xC100];
	_ =	sdelay $0x1  }
0x1e2: {  	p0 =	sne.s32 s13, $0x780  }
.Ltmp1:
0x1e3: {  	_ = 	snop;
	(pc) =	sbr.rel @p0 .LBB2_4-.Ltmp1, $4  }
0x1e4: {  	_ = 	snop  }
0x1e5: {  	v3 =	vadd.f32 v63, v3  }
0x1e6: {  	s15 =	sadd.s32 $0x1, s15  }
0x1e7: {  	s12 =	sadd.s32 $0x400, s12;
	s13 =	sadd.s32 $0x80, s13;
	s17 =	sadd.s32 $0x400, s17;
	[tilespmem:s20+$0x8100] =	vst v3  }
0x1e8: {  	s15 =	simm.s32 $0x0;
	s12 =	rddreg [dreg:$0x5]  }
0x1e9: {  	[hbm4b:s12+s15] =	stream.linear.scatter [tilespmem:s1], [sflag:$0x5], $0x4000, $0x38;
	[tilespmem:$0x10100] =	vst v63  }
0x1ea: {  	_ =	swait.ge [sflag:s14], $0x4000  }
0x1eb: {  	[sflag:s14] =	ssyncset.done $0x0  }
0x1ec: {  	[sflag:s14] =	ssyncadd.s32 $0xFFFFC000  }
0x1ed: {  	v3 =	vld [tilespmem:$0x30];
	_ =	sdelay $0x4  }
0x1ee: {  	v4 =	vshll.u32 v3, $0x3  }
0x1ef: {  	v3 =	vand.u32 $0x7, v3;
	v4 =	vand.u32 $0xFFFFFFC0, v4  }
0x1f0: {  	v3 =	vor.u32 v3, v4  }
0x1f1: {  	v4 =	vperm.xlane v3, v0;
	_ =	sdelay $0x1  }
0x1f2: {  	v4 =	vadd.s32 v1, v4;
	_ =	sdelay $0x4  }
0x1f3: {  	[tilespmem:s1], [sflag:$0x3] =	stream.indirect_vreg.gather [hbm4b:s3+s15], $0x80, v4, vm0, $0xb8;
	[tilespmem:$0x10100] =	vst v63  }
0x1f4: {  	s13 =	simm.s32 $0x8900;
	v3 =	vperm.xlane v3, v2  }
0x1f5: {  	[tilespmem:s13], [sflag:$0x3] =	stream.indirect_vreg.gather [hbm4b:s6+s15], $0x80, v4, vm0, $0xb8;
	[tilespmem:$0x10100] =	vst v63  }
0x1f6: {  	s17 =	simm.s32 $0x9100;
	v3 =	vadd.s32 v1, v3  }
0x1f7: {  	[tilespmem:s17], [sflag:$0x3] =	stream.indirect_vreg.gather [hbm4b:s8+s15], $0x80, v4, vm0, $0xb8;
	[tilespmem:$0x10100] =	vst v63  }
0x1f8: {  	s18 =	simm.s32 $0x9900  }
0x1f9: {  	[tilespmem:s18], [sflag:$0x3] =	stream.indirect_vreg.gather [hbm4b:s9+s15], $0x80, v4, vm0, $0xb8;
	[tilespmem:$0x10100] =	vst v63  }
0x1fa: {  	s19 =	simm.s32 $0xA100  }
0x1fb: {  	[tilespmem:s19], [sflag:$0x3] =	stream.indirect_vreg.gather [hbm4b:s3+s15], $0x80, v3, vm0, $0xb8;
	[tilespmem:$0x10100] =	vst v63  }
0x1fc: {  	s20 =	simm.s32 $0xA900  }
0x1fd: {  	[tilespmem:s20], [sflag:$0x3] =	stream.indirect_vreg.gather [hbm4b:s6+s15], $0x80, v3, vm0, $0xb8;
	[tilespmem:$0x10100] =	vst v63  }
0x1fe: {  	_ = 	snop  }
0x1ff: {  	[tilespmem:s21], [sflag:$0x3] =	stream.indirect_vreg.gather [hbm4b:s8+s15], $0x80, v3, vm0, $0xb8;
	[tilespmem:$0x10100] =	vst v63  }
0x200: {  	_ = 	snop  }
0x201: {  	[tilespmem:s22], [sflag:$0x3] =	stream.indirect_vreg.gather [hbm4b:s9+s15], $0x80, v3, vm0, $0xb8;
	[tilespmem:$0x10100] =	vst v63  }
0x202: {  	v3 =	vld [tilespmem:$0xB0];
	_ =	sdelay $0x4  }
0x203: {  	v63 =	vshll.u32 v3, $0x3  }
0x204: {  	v3 =	vand.u32 $0x7, v3;
	v4 =	vand.u32 $0xFFFFFFC0, v63  }
0x205: {  	v3 =	vor.u32 v3, v4  }
0x206: {  	v4 =	vperm.xlane v3, v0;
	_ =	sdelay $0x1  }
0x207: {  	v4 =	vadd.s32 v1, v4;
	_ =	sdelay $0x4  }
0x208: {  	[tilespmem:s23], [sflag:$0x4] =	stream.indirect_vreg.gather [hbm4b:s3+s15], $0x80, v4, vm0, $0xb8;
	[tilespmem:$0x10100] =	vst v63  }
0x209: {  	v3 =	vperm.xlane v3, v2  }
0x20a: {  	[tilespmem:s24], [sflag:$0x4] =	stream.indirect_vreg.gather [hbm4b:s6+s15], $0x80, v4, vm0, $0xb8;
	[tilespmem:$0x10100] =	vst v63  }
0x20b: {  	v3 =	vadd.s32 v1, v3  }
0x20c: {  	[tilespmem:s4], [sflag:$0x4] =	stream.indirect_vreg.gather [hbm4b:s8+s15], $0x80, v4, vm0, $0xb8;
	[tilespmem:$0x10100] =	vst v63  }
0x20d: {  	_ = 	snop  }
0x20e: {  	[tilespmem:s25], [sflag:$0x4] =	stream.indirect_vreg.gather [hbm4b:s9+s15], $0x80, v4, vm0, $0xb8;
	[tilespmem:$0x10100] =	vst v63  }
0x20f: {  	_ = 	snop  }
0x210: {  	[tilespmem:s26], [sflag:$0x4] =	stream.indirect_vreg.gather [hbm4b:s3+s15], $0x80, v3, vm0, $0xb8;
	[tilespmem:$0x10100] =	vst v63  }
0x211: {  	_ = 	snop  }
0x212: {  	[tilespmem:s5], [sflag:$0x4] =	stream.indirect_vreg.gather [hbm4b:s6+s15], $0x80, v3, vm0, $0xb8;
	[tilespmem:$0x10100] =	vst v63  }
0x213: {  	_ = 	snop  }
0x214: {  	[tilespmem:s28], [sflag:$0x4] =	stream.indirect_vreg.gather [hbm4b:s8+s15], $0x80, v3, vm0, $0xb8;
	[tilespmem:$0x10100] =	vst v63  }
0x215: {  	_ = 	snop  }
0x216: {  	[tilespmem:s29], [sflag:$0x4] =	stream.indirect_vreg.gather [hbm4b:s9+s15], $0x80, v3, vm0, $0xb8;
	[tilespmem:$0x10100] =	vst v63  }
0x217: {  	_ =	swait.ge [sflag:s30], $0x4000  }
0x218: {  	[sflag:s30] =	ssyncset.done $0x0  }
0x219: {  	[sflag:s30] =	ssyncadd.s32 $0xFFFFC000  }
0x21a: {  	_ =	swait.ge [sflag:s31], $0x4000  }
0x21b: {  	s12 =	simm.s32 $0xFFFFC000;
	[sflag:s31] =	ssyncset.done $0x0  }
0x21c: {  	s13 =	simm.s32 $0x0;
	s17 =	simm.s32 $0x0;
	[sflag:s31] =	ssyncadd.s32 $0xFFFFC000  }
.LBB2_6:
0x21d: {  	s18 =	sadd.s32 $0x4000, s12  }
0x21e: {  	s19 =	sand.u32 $0x380, s13;
	s18 =	sand.u32 $0x2000, s18  }
0x21f: {  	s18 =	sor.u32 s19, s18  }
0x220: {  	v3 =	vld [tilespmem:s18+$0x100]  }
0x221: {  	v4 =	vld [tilespmem:s18+$0x4100]  }
0x222: {  	v5 =	vld [tilespmem:s18+$0x110]  }
0x223: {  	v6 =	vld [tilespmem:s18+$0x4110]  }
0x224: {  	v7 =	vld [tilespmem:s18+$0x120]  }
0x225: {  	v8 =	vld [tilespmem:s18+$0x4120]  }
0x226: {  	v9 =	vld [tilespmem:s18+$0x130]  }
0x227: {  	v10 =	vld [tilespmem:s18+$0x4130]  }
0x228: {  	v11 =	vld [tilespmem:s18+$0x140]  }
0x229: {  	v12 =	vld [tilespmem:s18+$0x4140]  }
0x22a: {  	v13 =	vld [tilespmem:s18+$0x150]  }
0x22b: {  	v14 =	vld [tilespmem:s18+$0x4150]  }
0x22c: {  	v15 =	vld [tilespmem:s18+$0x160]  }
0x22d: {  	v16 =	vld [tilespmem:s18+$0x4160]  }
0x22e: {  	v17 =	vld [tilespmem:s18+$0x170]  }
0x22f: {  	v18 =	vld [tilespmem:s18+$0x4170]  }
0x230: {  	v19 =	vld [tilespmem:s18+$0x500]  }
0x231: {  	v20 =	vld [tilespmem:s18+$0x4500]  }
0x232: {  	v21 =	vld [tilespmem:s18+$0x510]  }
0x233: {  	v22 =	vld [tilespmem:s18+$0x4510]  }
0x234: {  	v23 =	vld [tilespmem:s18+$0x520]  }
0x235: {  	v24 =	vld [tilespmem:s18+$0x4520]  }
0x236: {  	v25 =	vld [tilespmem:s18+$0x530]  }
0x237: {  	v26 =	vld [tilespmem:s18+$0x4530]  }
0x238: {  	v27 =	vld [tilespmem:s18+$0x540]  }
0x239: {  	v28 =	vld [tilespmem:s18+$0x4540]  }
0x23a: {  	v29 =	vld [tilespmem:s18+$0x550]  }
0x23b: {  	v30 =	vld [tilespmem:s18+$0x4550]  }
0x23c: {  	v31 =	vld [tilespmem:s18+$0x560]  }
0x23d: {  	v32 =	vld [tilespmem:s18+$0x4560]  }
0x23e: {  	v33 =	vld [tilespmem:s18+$0x570]  }
0x23f: {  	v34 =	vld [tilespmem:s18+$0x4570]  }
0x240: {  	v35 =	vld [tilespmem:s18+$0x900]  }
0x241: {  	v36 =	vld [tilespmem:s18+$0x4900]  }
0x242: {  	v37 =	vld [tilespmem:s18+$0x910]  }
0x243: {  	v38 =	vld [tilespmem:s18+$0x4910]  }
0x244: {  	v39 =	vld [tilespmem:s18+$0x920]  }
0x245: {  	v40 =	vld [tilespmem:s18+$0x4920]  }
0x246: {  	v41 =	vld [tilespmem:s18+$0x930]  }
0x247: {  	v42 =	vld [tilespmem:s18+$0x4930]  }
0x248: {  	v43 =	vld [tilespmem:s18+$0x940]  }
0x249: {  	v44 =	vld [tilespmem:s18+$0x4940]  }
0x24a: {  	v45 =	vld [tilespmem:s18+$0x950]  }
0x24b: {  	v46 =	vld [tilespmem:s18+$0x4950]  }
0x24c: {  	v47 =	vld [tilespmem:s18+$0x960]  }
0x24d: {  	v48 =	vld [tilespmem:s18+$0x4960]  }
0x24e: {  	v49 =	vld [tilespmem:s18+$0x970]  }
0x24f: {  	v50 =	vld [tilespmem:s18+$0x4970]  }
0x250: {  	v51 =	vld [tilespmem:s18+$0xD00]  }
0x251: {  	v52 =	vld [tilespmem:s18+$0x4D00]  }
0x252: {  	v53 =	vld [tilespmem:s18+$0xD10]  }
0x253: {  	v54 =	vld [tilespmem:s18+$0x4D10]  }
0x254: {  	v55 =	vld [tilespmem:s18+$0xD20]  }
0x255: {  	v56 =	vld [tilespmem:s18+$0x4D20]  }
0x256: {  	v57 =	vld [tilespmem:s18+$0xD30]  }
0x257: {  	v58 =	vld [tilespmem:s18+$0x4D30]  }
0x258: {  	v59 =	vld [tilespmem:s18+$0xD40]  }
0x259: {  	v60 =	vld [tilespmem:s18+$0x4D40]  }
0x25a: {  	v61 =	vld [tilespmem:s18+$0xD50]  }
0x25b: {  	v62 =	vld [tilespmem:s18+$0x4D50]  }
0x25c: {  	v63 =	vld [tilespmem:s18+$0xD60]  }
0x25d: {  	v3 =	vadd.f32 v4, v3;
	v4 =	vld [tilespmem:s18+$0x4D60]  }
0x25e: {  	v5 =	vadd.f32 v6, v5;
	v6 =	vld [tilespmem:s18+$0xD70]  }
0x25f: {  	v14 =	vadd.f32 v14, v13;
	v13 =	vld [tilespmem:s18+$0x5120];
	[tilespmem:s18+$0x100] =	vst v3;
	v3 =	vadd.f32 v8, v7  }
0x260: {  	v18 =	vadd.f32 v18, v17;
	v17 =	vld [tilespmem:s18+$0x5140];
	[tilespmem:s18+$0x110] =	vst v5  }
0x261: {  	v22 =	vadd.f32 v22, v21;
	v21 =	vld [tilespmem:s18+$0x5160];
	[tilespmem:s18+$0x120] =	vst v3;
	v3 =	vadd.f32 v12, v11  }
0x262: {  	v7 =	vld [tilespmem:s18+$0x4D70];
	[tilespmem:s18+$0x150] =	vst v14  }
0x263: {  	v8 =	vld [tilespmem:s18+$0x1100];
	[tilespmem:s18+$0x140] =	vst v3;
	v3 =	vadd.f32 v16, v15  }
0x264: {  	v5 =	vadd.f32 v10, v9;
	v9 =	vld [tilespmem:s18+$0x5100];
	[tilespmem:s18+$0x170] =	vst v18  }
0x265: {  	v10 =	vld [tilespmem:s18+$0x1110];
	[tilespmem:s18+$0x160] =	vst v3;
	v3 =	vadd.f32 v20, v19  }
0x266: {  	v26 =	vadd.f32 v26, v25;
	v14 =	vld [tilespmem:s18+$0x1130];
	[tilespmem:s18+$0x510] =	vst v22  }
0x267: {  	v18 =	vld [tilespmem:s18+$0x1150];
	[tilespmem:s18+$0x500] =	vst v3;
	v3 =	vadd.f32 v24, v23  }
0x268: {  	v30 =	vadd.f32 v30, v29;
	[tilespmem:s18+$0x530] =	vst v26;
	v22 =	vld [tilespmem:s18+$0x1170]  }
0x269: {  	v19 =	vld [tilespmem:s18+$0x5150];
	[tilespmem:s18+$0x520] =	vst v3;
	v3 =	vadd.f32 v28, v27  }
0x26a: {  	v34 =	vadd.f32 v34, v33;
	[tilespmem:s18+$0x550] =	vst v30;
	v11 =	vld [tilespmem:s18+$0x5110]  }
0x26b: {  	v12 =	vld [tilespmem:s18+$0x1120];
	[tilespmem:s18+$0x540] =	vst v3;
	v3 =	vadd.f32 v32, v31  }
0x26c: {  	[tilespmem:s18+$0x570] =	vst v34;
	v15 =	vld [tilespmem:s18+$0x5130]  }
0x26d: {  	v16 =	vld [tilespmem:s18+$0x1140];
	[tilespmem:s18+$0x560] =	vst v3;
	v3 =	vadd.f32 v36, v35  }
0x26e: {  	[tilespmem:s18+$0x130] =	vst v5;
	v20 =	vld [tilespmem:s18+$0x1160];
	v19 =	vadd.f32 v19, v18  }
0x26f: {  	v24 =	vld [tilespmem:s18+$0x1500];
	[tilespmem:s18+$0x900] =	vst v3;
	v3 =	vadd.f32 v40, v39  }
0x270: {  	[tilespmem:s18+$0x1150] =	vst v19;
	v36 =	vadd.f32 v38, v37;
	v37 =	vld [tilespmem:s18+$0x5170]  }
0x271: {  	v38 =	vadd.f32 v42, v41;
	v41 =	vld [tilespmem:s18+$0x1510];
	[tilespmem:s18+$0x920] =	vst v3;
	v3 =	vadd.f32 v44, v43  }
0x272: {  	v42 =	vld [tilespmem:s18+$0x5510];
	[tilespmem:s18+$0x910] =	vst v36  }
0x273: {  	v35 =	vld [tilespmem:s18+$0x1910];
	[tilespmem:s18+$0x940] =	vst v3;
	v3 =	vadd.f32 v48, v47  }
0x274: {  	v39 =	vld [tilespmem:s18+$0x5500];
	[tilespmem:s18+$0x930] =	vst v38;
	v40 =	vadd.f32 v46, v45  }
0x275: {  	v45 =	vld [tilespmem:s18+$0x5520];
	[tilespmem:s18+$0x960] =	vst v3;
	v3 =	vadd.f32 v52, v51  }
0x276: {  	v46 =	vadd.f32 v54, v53;
	v53 =	vld [tilespmem:s18+$0x1550];
	[tilespmem:s18+$0x950] =	vst v40  }
0x277: {  	v54 =	vld [tilespmem:s18+$0x5550];
	[tilespmem:s18+$0xD00] =	vst v3;
	v3 =	vadd.f32 v56, v55  }
0x278: {  	v36 =	vld [tilespmem:s18+$0x5910];
	v43 =	vadd.f32 v50, v49;
	[tilespmem:s18+$0xD10] =	vst v46  }
0x279: {  	v38 =	vld [tilespmem:s18+$0x1920];
	[tilespmem:s18+$0xD20] =	vst v3;
	v3 =	vadd.f32 v60, v59  }
0x27a: {  	v44 =	vld [tilespmem:s18+$0x1520];
	v49 =	vadd.f32 v58, v57;
	[tilespmem:s18+$0x970] =	vst v43  }
0x27b: {  	v50 =	vld [tilespmem:s18+$0x1540];
	[tilespmem:s18+$0xD40] =	vst v3;
	v3 =	vadd.f32 v4, v63  }
0x27c: {  	v57 =	vld [tilespmem:s18+$0x5560];
	v58 =	vadd.f32 v11, v10;
	[tilespmem:s18+$0xD30] =	vst v49  }
0x27d: {  	v46 =	vld [tilespmem:s18+$0x5950];
	[tilespmem:s18+$0xD60] =	vst v3;
	v3 =	vadd.f32 v9, v8  }
0x27e: {  	v37 =	vadd.f32 v37, v22;
	v40 =	vadd.f32 v42, v41;
	v41 =	vld [tilespmem:s18+$0x1930];
	[tilespmem:s18+$0x1110] =	vst v58  }
0x27f: {  	v42 =	vld [tilespmem:s18+$0x5930];
	[tilespmem:s18+$0x1100] =	vst v3;
	v3 =	vadd.f32 v13, v12  }
0x280: {  	v47 =	vld [tilespmem:s18+$0x1530];
	[tilespmem:s18+$0x1170] =	vst v37  }
0x281: {  	v48 =	vld [tilespmem:s18+$0x5530];
	[tilespmem:s18+$0x1120] =	vst v3;
	v3 =	vadd.f32 v17, v16  }
0x282: {  	v49 =	vld [tilespmem:s18+$0x5960];
	[tilespmem:s18+$0x1510] =	vst v40;
	v52 =	vadd.f32 v62, v61  }
0x283: {  	v51 =	vld [tilespmem:s18+$0x5540];
	[tilespmem:s18+$0x1140] =	vst v3;
	v3 =	vadd.f32 v21, v20  }
0x284: {  	v61 =	vadd.f32 v15, v14;
	v62 =	vld [tilespmem:s18+$0x1900];
	[tilespmem:s18+$0xD50] =	vst v52  }
0x285: {  	v56 =	vld [tilespmem:s18+$0x1560];
	[tilespmem:s18+$0x1160] =	vst v3;
	v3 =	vadd.f32 v39, v24  }
0x286: {  	v55 =	vadd.f32 v7, v6;
	[tilespmem:s18+$0x1130] =	vst v61;
	v52 =	vld [tilespmem:s18+$0x5970]  }
0x287: {  	v43 =	vadd.f32 v48, v47;
	v47 =	vld [tilespmem:s18+$0x1960];
	[tilespmem:s18+$0x1500] =	vst v3;
	v3 =	vadd.f32 v45, v44  }
0x288: {  	[tilespmem:s18+$0xD70] =	vst v55;
	v63 =	vld [tilespmem:s18+$0x5900]  }
0x289: {  	v59 =	vld [tilespmem:s18+$0x1570];
	[tilespmem:s18+$0x1520] =	vst v3;
	v3 =	vadd.f32 v51, v50  }
0x28a: {  	[tilespmem:s18+$0x1530] =	vst v43;
	v4 =	vadd.f32 v54, v53;
	v39 =	vld [tilespmem:s18+$0x5920]  }
0x28b: {  	v60 =	vld [tilespmem:s18+$0x5570];
	[tilespmem:s18+$0x1540] =	vst v3;
	v3 =	vadd.f32 v57, v56  }
0x28c: {  	v54 =	vadd.f32 v42, v41;
	[tilespmem:s18+$0x1550] =	vst v4;
	v45 =	vld [tilespmem:s18+$0x1950]  }
0x28d: {  	v53 =	vld [tilespmem:s18+$0x5940];
	[tilespmem:s18+$0x1560] =	vst v3;
	v3 =	vadd.f32 v63, v62  }
0x28e: {  	[tilespmem:s18+$0x1930] =	vst v54;
	v55 =	vadd.f32 v49, v47;
	v50 =	vld [tilespmem:s18+$0x1970]  }
0x28f: {  	v44 =	vld [tilespmem:s18+$0x1940];
	[tilespmem:s18+$0x1900] =	vst v3;
	v3 =	vadd.f32 v39, v38  }
0x290: {  	v48 =	vadd.f32 v60, v59;
	[tilespmem:s18+$0x1960] =	vst v55  }
0x291: {  	[tilespmem:s18+$0x1920] =	vst v3;
	v3 =	vadd.f32 v46, v45  }
0x292: {  	s20 =	sand.u32 $0x7, s15;
	[tilespmem:s18+$0x1570] =	vst v48;
	v51 =	vadd.f32 v36, v35  }
0x293: {  	s19 =	sshll.u32 s20, $0x7;
	[tilespmem:s18+$0x1950] =	vst v3;
	v3 =	vadd.f32 v52, v50  }
0x294: {  	s19 =	sadd.s32 s19, s17;
	[tilespmem:s18+$0x1910] =	vst v51;
	v56 =	vadd.f32 v53, v44  }
0x295: {  	s20 =	sor.u32 $0x1C00, s19;
	[tilespmem:s18+$0x1970] =	vst v3  }
0x296: {  	[tilespmem:s18+$0x1940] =	vst v56;
	v3 =	vld [tilespmem:s20+$0x100]  }
0x297: {  	v4 =	vld [tilespmem:s20+$0x4100];
	_ =	sdelay $0x4  }
0x298: {  	v3 =	vadd.f32 v4, v3;
	_ =	sdelay $0x1  }
0x299: {  	[tilespmem:s20+$0x100] =	vst v3;
	s20 =	sor.u32 $0x1C10, s19  }
0x29a: {  	v3 =	vld [tilespmem:s20+$0x100]  }
0x29b: {  	v57 =	vld [tilespmem:s20+$0x4100];
	_ =	sdelay $0x4  }
0x29c: {  	v3 =	vadd.f32 v57, v3;
	_ =	sdelay $0x1  }
0x29d: {  	[tilespmem:s20+$0x100] =	vst v3;
	s20 =	sor.u32 $0x1C20, s19  }
0x29e: {  	v3 =	vld [tilespmem:s20+$0x100]  }
0x29f: {  	v58 =	vld [tilespmem:s20+$0x4100];
	_ =	sdelay $0x4  }
0x2a0: {  	v3 =	vadd.f32 v58, v3;
	_ =	sdelay $0x1  }
0x2a1: {  	[tilespmem:s20+$0x100] =	vst v3;
	s20 =	sor.u32 $0x1C30, s19  }
0x2a2: {  	v3 =	vld [tilespmem:s20+$0x100]  }
0x2a3: {  	v59 =	vld [tilespmem:s20+$0x4100];
	_ =	sdelay $0x4  }
0x2a4: {  	v3 =	vadd.f32 v59, v3;
	_ =	sdelay $0x1  }
0x2a5: {  	[tilespmem:s20+$0x100] =	vst v3;
	s20 =	sor.u32 $0x1C40, s19  }
0x2a6: {  	v3 =	vld [tilespmem:s20+$0x100]  }
0x2a7: {  	v60 =	vld [tilespmem:s20+$0x4100];
	_ =	sdelay $0x4  }
0x2a8: {  	v3 =	vadd.f32 v60, v3;
	_ =	sdelay $0x1  }
0x2a9: {  	[tilespmem:s20+$0x100] =	vst v3;
	s20 =	sor.u32 $0x1C50, s19  }
0x2aa: {  	v3 =	vld [tilespmem:s20+$0x100]  }
0x2ab: {  	v61 =	vld [tilespmem:s20+$0x4100];
	_ =	sdelay $0x4  }
0x2ac: {  	v3 =	vadd.f32 v61, v3;
	_ =	sdelay $0x1  }
0x2ad: {  	[tilespmem:s20+$0x100] =	vst v3;
	s20 =	sor.u32 $0x1C60, s19  }
0x2ae: {  	v3 =	vld [tilespmem:s20+$0x100]  }
0x2af: {  	v62 =	vld [tilespmem:s20+$0x4100];
	_ =	sdelay $0x4  }
0x2b0: {  	v3 =	vadd.f32 v62, v3;
	_ =	sdelay $0x1  }
0x2b1: {  	[tilespmem:s20+$0x100] =	vst v3;
	s20 =	sor.u32 $0x1C70, s19  }
0x2b2: {  	v3 =	vld [tilespmem:s20+$0x100]  }
0x2b3: {  	v63 =	vld [tilespmem:s20+$0x4100];
	_ =	sdelay $0x1  }
0x2b4: {  	p0 =	sne.s32 s13, $0x780  }
.Ltmp2:
0x2b5: {  	_ = 	snop;
	(pc) =	sbr.rel @p0 .LBB2_6-.Ltmp2, $4  }
0x2b6: {  	_ = 	snop  }
0x2b7: {  	v3 =	vadd.f32 v63, v3  }
0x2b8: {  	s15 =	sadd.s32 $0x1, s15  }
0x2b9: {  	s12 =	sadd.s32 $0x400, s12;
	s13 =	sadd.s32 $0x80, s13;
	s17 =	sadd.s32 $0x400, s17;
	[tilespmem:s20+$0x100] =	vst v3  }
0x2ba: {  	s15 =	simm.s32 $0x0;
	s12 =	rddreg [dreg:$0x6]  }
0x2bb: {  	[hbm4b:s12+s15] =	stream.linear.scatter [tilespmem:s16], [sflag:$0x5], $0x4000, $0x38;
	[tilespmem:$0x10100] =	vst v63  }
0x2bc: {  	_ =	swait.ge [sflag:s14], $0x4000  }
0x2bd: {  	[sflag:s14] =	ssyncset.done $0x0  }
0x2be: {  	[sflag:s14] =	ssyncadd.s32 $0xFFFFC000  }
0x2bf: {  	_ =	swait.ge [sflag:s0], $0x4000  }
0x2c0: {  	[sflag:s0] =	ssyncset.done $0x0  }
0x2c1: {  	[sflag:s0] =	ssyncadd.s32 $0xFFFFC000  }
0x2c2: {  	_ =	swait.ge [sflag:s10], $0x4000  }
0x2c3: {  	s17 =	simm.s32 $0x0;
	[sflag:s10] =	ssyncset.done $0x0  }
0x2c4: {  	s13 =	simm.s32 $0x0;
	s12 =	simm.s32 $0xFFFFC000;
	[sflag:s10] =	ssyncadd.s32 $0xFFFFC000  }
.LBB2_8:
0x2c5: {  	s18 =	sadd.s32 $0x4000, s12  }
0x2c6: {  	s19 =	sand.u32 $0x380, s13;
	s18 =	sand.u32 $0x2000, s18  }
0x2c7: {  	s18 =	sor.u32 s19, s18  }
0x2c8: {  	v3 =	vld [tilespmem:s18+$0x8100]  }
0x2c9: {  	v4 =	vld [tilespmem:s18+$0xC100]  }
0x2ca: {  	v5 =	vld [tilespmem:s18+$0x8110]  }
0x2cb: {  	v6 =	vld [tilespmem:s18+$0xC110]  }
0x2cc: {  	v7 =	vld [tilespmem:s18+$0x8120]  }
0x2cd: {  	v8 =	vld [tilespmem:s18+$0xC120]  }
0x2ce: {  	v9 =	vld [tilespmem:s18+$0x8130]  }
0x2cf: {  	v10 =	vld [tilespmem:s18+$0xC130]  }
0x2d0: {  	v11 =	vld [tilespmem:s18+$0x8140]  }
0x2d1: {  	v12 =	vld [tilespmem:s18+$0xC140]  }
0x2d2: {  	v13 =	vld [tilespmem:s18+$0x8150]  }
0x2d3: {  	v14 =	vld [tilespmem:s18+$0xC150]  }
0x2d4: {  	v15 =	vld [tilespmem:s18+$0x8160]  }
0x2d5: {  	v16 =	vld [tilespmem:s18+$0xC160]  }
0x2d6: {  	v17 =	vld [tilespmem:s18+$0x8170]  }
0x2d7: {  	v18 =	vld [tilespmem:s18+$0xC170]  }
0x2d8: {  	v19 =	vld [tilespmem:s18+$0x8500]  }
0x2d9: {  	v20 =	vld [tilespmem:s18+$0xC500]  }
0x2da: {  	v21 =	vld [tilespmem:s18+$0x8510]  }
0x2db: {  	v22 =	vld [tilespmem:s18+$0xC510]  }
0x2dc: {  	v23 =	vld [tilespmem:s18+$0x8520]  }
0x2dd: {  	v24 =	vld [tilespmem:s18+$0xC520]  }
0x2de: {  	v25 =	vld [tilespmem:s18+$0x8530]  }
0x2df: {  	v26 =	vld [tilespmem:s18+$0xC530]  }
0x2e0: {  	v27 =	vld [tilespmem:s18+$0x8540]  }
0x2e1: {  	v28 =	vld [tilespmem:s18+$0xC540]  }
0x2e2: {  	v29 =	vld [tilespmem:s18+$0x8550]  }
0x2e3: {  	v30 =	vld [tilespmem:s18+$0xC550]  }
0x2e4: {  	v31 =	vld [tilespmem:s18+$0x8560]  }
0x2e5: {  	v32 =	vld [tilespmem:s18+$0xC560]  }
0x2e6: {  	v33 =	vld [tilespmem:s18+$0x8570]  }
0x2e7: {  	v34 =	vld [tilespmem:s18+$0xC570]  }
0x2e8: {  	v35 =	vld [tilespmem:s18+$0x8900]  }
0x2e9: {  	v36 =	vld [tilespmem:s18+$0xC900]  }
0x2ea: {  	v37 =	vld [tilespmem:s18+$0x8910]  }
0x2eb: {  	v38 =	vld [tilespmem:s18+$0xC910]  }
0x2ec: {  	v39 =	vld [tilespmem:s18+$0x8920]  }
0x2ed: {  	v40 =	vld [tilespmem:s18+$0xC920]  }
0x2ee: {  	v41 =	vld [tilespmem:s18+$0x8930]  }
0x2ef: {  	v42 =	vld [tilespmem:s18+$0xC930]  }
0x2f0: {  	v43 =	vld [tilespmem:s18+$0x8940]  }
0x2f1: {  	v44 =	vld [tilespmem:s18+$0xC940]  }
0x2f2: {  	v45 =	vld [tilespmem:s18+$0x8950]  }
0x2f3: {  	v46 =	vld [tilespmem:s18+$0xC950]  }
0x2f4: {  	v47 =	vld [tilespmem:s18+$0x8960]  }
0x2f5: {  	v48 =	vld [tilespmem:s18+$0xC960]  }
0x2f6: {  	v49 =	vld [tilespmem:s18+$0x8970]  }
0x2f7: {  	v50 =	vld [tilespmem:s18+$0xC970]  }
0x2f8: {  	v51 =	vld [tilespmem:s18+$0x8D00]  }
0x2f9: {  	v52 =	vld [tilespmem:s18+$0xCD00]  }
0x2fa: {  	v53 =	vld [tilespmem:s18+$0x8D10]  }
0x2fb: {  	v54 =	vld [tilespmem:s18+$0xCD10]  }
0x2fc: {  	v55 =	vld [tilespmem:s18+$0x8D20]  }
0x2fd: {  	v56 =	vld [tilespmem:s18+$0xCD20]  }
0x2fe: {  	v57 =	vld [tilespmem:s18+$0x8D30]  }
0x2ff: {  	v58 =	vld [tilespmem:s18+$0xCD30]  }
0x300: {  	v59 =	vld [tilespmem:s18+$0x8D40]  }
0x301: {  	v60 =	vld [tilespmem:s18+$0xCD40]  }
0x302: {  	v61 =	vld [tilespmem:s18+$0x8D50]  }
0x303: {  	v62 =	vld [tilespmem:s18+$0xCD50]  }
0x304: {  	v63 =	vld [tilespmem:s18+$0x8D60]  }
0x305: {  	v3 =	vadd.f32 v4, v3;
	v4 =	vld [tilespmem:s18+$0xCD60]  }
0x306: {  	v5 =	vadd.f32 v6, v5;
	v6 =	vld [tilespmem:s18+$0x8D70]  }
0x307: {  	v14 =	vadd.f32 v14, v13;
	v13 =	vld [tilespmem:s18+$0xD120];
	[tilespmem:s18+$0x8100] =	vst v3;
	v3 =	vadd.f32 v8, v7  }
0x308: {  	v18 =	vadd.f32 v18, v17;
	v17 =	vld [tilespmem:s18+$0xD140];
	[tilespmem:s18+$0x8110] =	vst v5  }
0x309: {  	v22 =	vadd.f32 v22, v21;
	v21 =	vld [tilespmem:s18+$0xD160];
	[tilespmem:s18+$0x8120] =	vst v3;
	v3 =	vadd.f32 v12, v11  }
0x30a: {  	v7 =	vld [tilespmem:s18+$0xCD70];
	[tilespmem:s18+$0x8150] =	vst v14  }
0x30b: {  	v8 =	vld [tilespmem:s18+$0x9100];
	[tilespmem:s18+$0x8140] =	vst v3;
	v3 =	vadd.f32 v16, v15  }
0x30c: {  	v5 =	vadd.f32 v10, v9;
	v9 =	vld [tilespmem:s18+$0xD100];
	[tilespmem:s18+$0x8170] =	vst v18  }
0x30d: {  	v10 =	vld [tilespmem:s18+$0x9110];
	[tilespmem:s18+$0x8160] =	vst v3;
	v3 =	vadd.f32 v20, v19  }
0x30e: {  	v26 =	vadd.f32 v26, v25;
	v14 =	vld [tilespmem:s18+$0x9130];
	[tilespmem:s18+$0x8510] =	vst v22  }
0x30f: {  	v18 =	vld [tilespmem:s18+$0x9150];
	[tilespmem:s18+$0x8500] =	vst v3;
	v3 =	vadd.f32 v24, v23  }
0x310: {  	v30 =	vadd.f32 v30, v29;
	[tilespmem:s18+$0x8530] =	vst v26;
	v22 =	vld [tilespmem:s18+$0x9170]  }
0x311: {  	v19 =	vld [tilespmem:s18+$0xD150];
	[tilespmem:s18+$0x8520] =	vst v3;
	v3 =	vadd.f32 v28, v27  }
0x312: {  	v34 =	vadd.f32 v34, v33;
	[tilespmem:s18+$0x8550] =	vst v30;
	v11 =	vld [tilespmem:s18+$0xD110]  }
0x313: {  	v12 =	vld [tilespmem:s18+$0x9120];
	[tilespmem:s18+$0x8540] =	vst v3;
	v3 =	vadd.f32 v32, v31  }
0x314: {  	[tilespmem:s18+$0x8570] =	vst v34;
	v15 =	vld [tilespmem:s18+$0xD130]  }
0x315: {  	v16 =	vld [tilespmem:s18+$0x9140];
	[tilespmem:s18+$0x8560] =	vst v3;
	v3 =	vadd.f32 v36, v35  }
0x316: {  	[tilespmem:s18+$0x8130] =	vst v5;
	v20 =	vld [tilespmem:s18+$0x9160];
	v19 =	vadd.f32 v19, v18  }
0x317: {  	v24 =	vld [tilespmem:s18+$0x9500];
	[tilespmem:s18+$0x8900] =	vst v3;
	v3 =	vadd.f32 v40, v39  }
0x318: {  	[tilespmem:s18+$0x9150] =	vst v19;
	v36 =	vadd.f32 v38, v37;
	v37 =	vld [tilespmem:s18+$0xD170]  }
0x319: {  	v38 =	vadd.f32 v42, v41;
	v41 =	vld [tilespmem:s18+$0x9510];
	[tilespmem:s18+$0x8920] =	vst v3;
	v3 =	vadd.f32 v44, v43  }
0x31a: {  	v42 =	vld [tilespmem:s18+$0xD510];
	[tilespmem:s18+$0x8910] =	vst v36  }
0x31b: {  	v35 =	vld [tilespmem:s18+$0x9910];
	[tilespmem:s18+$0x8940] =	vst v3;
	v3 =	vadd.f32 v48, v47  }
0x31c: {  	v39 =	vld [tilespmem:s18+$0xD500];
	[tilespmem:s18+$0x8930] =	vst v38;
	v40 =	vadd.f32 v46, v45  }
0x31d: {  	v45 =	vld [tilespmem:s18+$0xD520];
	[tilespmem:s18+$0x8960] =	vst v3;
	v3 =	vadd.f32 v52, v51  }
0x31e: {  	v46 =	vadd.f32 v54, v53;
	v53 =	vld [tilespmem:s18+$0x9550];
	[tilespmem:s18+$0x8950] =	vst v40  }
0x31f: {  	v54 =	vld [tilespmem:s18+$0xD550];
	[tilespmem:s18+$0x8D00] =	vst v3;
	v3 =	vadd.f32 v56, v55  }
0x320: {  	v36 =	vld [tilespmem:s18+$0xD910];
	v43 =	vadd.f32 v50, v49;
	[tilespmem:s18+$0x8D10] =	vst v46  }
0x321: {  	v38 =	vld [tilespmem:s18+$0x9920];
	[tilespmem:s18+$0x8D20] =	vst v3;
	v3 =	vadd.f32 v60, v59  }
0x322: {  	v44 =	vld [tilespmem:s18+$0x9520];
	v49 =	vadd.f32 v58, v57;
	[tilespmem:s18+$0x8970] =	vst v43  }
0x323: {  	v50 =	vld [tilespmem:s18+$0x9540];
	[tilespmem:s18+$0x8D40] =	vst v3;
	v3 =	vadd.f32 v4, v63  }
0x324: {  	v57 =	vld [tilespmem:s18+$0xD560];
	v58 =	vadd.f32 v11, v10;
	[tilespmem:s18+$0x8D30] =	vst v49  }
0x325: {  	v46 =	vld [tilespmem:s18+$0xD950];
	[tilespmem:s18+$0x8D60] =	vst v3;
	v3 =	vadd.f32 v9, v8  }
0x326: {  	v37 =	vadd.f32 v37, v22;
	v40 =	vadd.f32 v42, v41;
	v41 =	vld [tilespmem:s18+$0x9930];
	[tilespmem:s18+$0x9110] =	vst v58  }
0x327: {  	v42 =	vld [tilespmem:s18+$0xD930];
	[tilespmem:s18+$0x9100] =	vst v3;
	v3 =	vadd.f32 v13, v12  }
0x328: {  	v47 =	vld [tilespmem:s18+$0x9530];
	[tilespmem:s18+$0x9170] =	vst v37  }
0x329: {  	v48 =	vld [tilespmem:s18+$0xD530];
	[tilespmem:s18+$0x9120] =	vst v3;
	v3 =	vadd.f32 v17, v16  }
0x32a: {  	v49 =	vld [tilespmem:s18+$0xD960];
	[tilespmem:s18+$0x9510] =	vst v40;
	v52 =	vadd.f32 v62, v61  }
0x32b: {  	v51 =	vld [tilespmem:s18+$0xD540];
	[tilespmem:s18+$0x9140] =	vst v3;
	v3 =	vadd.f32 v21, v20  }
0x32c: {  	v61 =	vadd.f32 v15, v14;
	v62 =	vld [tilespmem:s18+$0x9900];
	[tilespmem:s18+$0x8D50] =	vst v52  }
0x32d: {  	v56 =	vld [tilespmem:s18+$0x9560];
	[tilespmem:s18+$0x9160] =	vst v3;
	v3 =	vadd.f32 v39, v24  }
0x32e: {  	v55 =	vadd.f32 v7, v6;
	[tilespmem:s18+$0x9130] =	vst v61;
	v52 =	vld [tilespmem:s18+$0xD970]  }
0x32f: {  	v43 =	vadd.f32 v48, v47;
	v47 =	vld [tilespmem:s18+$0x9960];
	[tilespmem:s18+$0x9500] =	vst v3;
	v3 =	vadd.f32 v45, v44  }
0x330: {  	[tilespmem:s18+$0x8D70] =	vst v55;
	v63 =	vld [tilespmem:s18+$0xD900]  }
0x331: {  	v59 =	vld [tilespmem:s18+$0x9570];
	[tilespmem:s18+$0x9520] =	vst v3;
	v3 =	vadd.f32 v51, v50  }
0x332: {  	[tilespmem:s18+$0x9530] =	vst v43;
	v4 =	vadd.f32 v54, v53;
	v39 =	vld [tilespmem:s18+$0xD920]  }
0x333: {  	v60 =	vld [tilespmem:s18+$0xD570];
	[tilespmem:s18+$0x9540] =	vst v3;
	v3 =	vadd.f32 v57, v56  }
0x334: {  	v54 =	vadd.f32 v42, v41;
	[tilespmem:s18+$0x9550] =	vst v4;
	v45 =	vld [tilespmem:s18+$0x9950]  }
0x335: {  	v53 =	vld [tilespmem:s18+$0xD940];
	[tilespmem:s18+$0x9560] =	vst v3;
	v3 =	vadd.f32 v63, v62  }
0x336: {  	[tilespmem:s18+$0x9930] =	vst v54;
	v55 =	vadd.f32 v49, v47;
	v50 =	vld [tilespmem:s18+$0x9970]  }
0x337: {  	v44 =	vld [tilespmem:s18+$0x9940];
	[tilespmem:s18+$0x9900] =	vst v3;
	v3 =	vadd.f32 v39, v38  }
0x338: {  	v48 =	vadd.f32 v60, v59;
	[tilespmem:s18+$0x9960] =	vst v55  }
0x339: {  	[tilespmem:s18+$0x9920] =	vst v3;
	v3 =	vadd.f32 v46, v45  }
0x33a: {  	s20 =	sand.u32 $0x7, s15;
	[tilespmem:s18+$0x9570] =	vst v48;
	v51 =	vadd.f32 v36, v35  }
0x33b: {  	s19 =	sshll.u32 s20, $0x7;
	[tilespmem:s18+$0x9950] =	vst v3;
	v3 =	vadd.f32 v52, v50  }
0x33c: {  	s19 =	sadd.s32 s19, s17;
	[tilespmem:s18+$0x9910] =	vst v51;
	v56 =	vadd.f32 v53, v44  }
0x33d: {  	s20 =	sor.u32 $0x1C00, s19;
	[tilespmem:s18+$0x9970] =	vst v3  }
0x33e: {  	[tilespmem:s18+$0x9940] =	vst v56;
	v3 =	vld [tilespmem:s20+$0x8100]  }
0x33f: {  	v4 =	vld [tilespmem:s20+$0xC100];
	_ =	sdelay $0x4  }
0x340: {  	v3 =	vadd.f32 v4, v3;
	_ =	sdelay $0x1  }
0x341: {  	[tilespmem:s20+$0x8100] =	vst v3;
	s20 =	sor.u32 $0x1C10, s19  }
0x342: {  	v3 =	vld [tilespmem:s20+$0x8100]  }
0x343: {  	v57 =	vld [tilespmem:s20+$0xC100];
	_ =	sdelay $0x4  }
0x344: {  	v3 =	vadd.f32 v57, v3;
	_ =	sdelay $0x1  }
0x345: {  	[tilespmem:s20+$0x8100] =	vst v3;
	s20 =	sor.u32 $0x1C20, s19  }
0x346: {  	v3 =	vld [tilespmem:s20+$0x8100]  }
0x347: {  	v58 =	vld [tilespmem:s20+$0xC100];
	_ =	sdelay $0x4  }
0x348: {  	v3 =	vadd.f32 v58, v3;
	_ =	sdelay $0x1  }
0x349: {  	[tilespmem:s20+$0x8100] =	vst v3;
	s20 =	sor.u32 $0x1C30, s19  }
0x34a: {  	v3 =	vld [tilespmem:s20+$0x8100]  }
0x34b: {  	v59 =	vld [tilespmem:s20+$0xC100];
	_ =	sdelay $0x4  }
0x34c: {  	v3 =	vadd.f32 v59, v3;
	_ =	sdelay $0x1  }
0x34d: {  	[tilespmem:s20+$0x8100] =	vst v3;
	s20 =	sor.u32 $0x1C40, s19  }
0x34e: {  	v3 =	vld [tilespmem:s20+$0x8100]  }
0x34f: {  	v60 =	vld [tilespmem:s20+$0xC100];
	_ =	sdelay $0x4  }
0x350: {  	v3 =	vadd.f32 v60, v3;
	_ =	sdelay $0x1  }
0x351: {  	[tilespmem:s20+$0x8100] =	vst v3;
	s20 =	sor.u32 $0x1C50, s19  }
0x352: {  	v3 =	vld [tilespmem:s20+$0x8100]  }
0x353: {  	v61 =	vld [tilespmem:s20+$0xC100];
	_ =	sdelay $0x4  }
0x354: {  	v3 =	vadd.f32 v61, v3;
	_ =	sdelay $0x1  }
0x355: {  	[tilespmem:s20+$0x8100] =	vst v3;
	s20 =	sor.u32 $0x1C60, s19  }
0x356: {  	v3 =	vld [tilespmem:s20+$0x8100]  }
0x357: {  	v62 =	vld [tilespmem:s20+$0xC100];
	_ =	sdelay $0x4  }
0x358: {  	v3 =	vadd.f32 v62, v3;
	_ =	sdelay $0x1  }
0x359: {  	[tilespmem:s20+$0x8100] =	vst v3;
	s20 =	sor.u32 $0x1C70, s19  }
0x35a: {  	v3 =	vld [tilespmem:s20+$0x8100]  }
0x35b: {  	v63 =	vld [tilespmem:s20+$0xC100];
	_ =	sdelay $0x1  }
0x35c: {  	p0 =	sne.s32 s13, $0x780  }
.Ltmp3:
0x35d: {  	_ = 	snop;
	(pc) =	sbr.rel @p0 .LBB2_8-.Ltmp3, $4  }
0x35e: {  	_ = 	snop  }
0x35f: {  	v3 =	vadd.f32 v63, v3  }
0x360: {  	s15 =	sadd.s32 $0x1, s15  }
0x361: {  	s12 =	sadd.s32 $0x400, s12;
	s13 =	sadd.s32 $0x80, s13;
	s17 =	sadd.s32 $0x400, s17;
	[tilespmem:s20+$0x8100] =	vst v3  }
0x362: {  	s12 =	rddreg [dreg:$0x7]  }
0x363: {  	[hbm4b:s12+s2] =	stream.linear.scatter [tilespmem:s1], [sflag:$0x5], $0x4000, $0x38;
	[tilespmem:$0x10100] =	vst v63  }
0x364: {  	_ =	swait.ge [sflag:s14], $0x4000  }
0x365: {  	s11 =	sadd.s32 $0x1, s11;
	s20 =	rddreg [dreg:$0x8]  }
0x366: {  	p0 =	sne.s32 s11, s20  }
.Ltmp4:
0x367: {  	_ = 	snop;
	(pc) =	sbr.rel @p0 .LBB2_1-.Ltmp4, $3  }
0x368: {  	_ =	sdelay $0x1  }
0x369: {  	[sflag:s14] =	ssyncset.done $0x0  }
0x36a: {  	[sflag:s14] =	ssyncadd.s32 $0xFFFFC000  }
0x36b: {  	_ =	sfence.sel $0x180000  }
0x36c: {  	[bflag:$0x0] =	sbarrier.arrive $0xFFFF  }
0x36d: {  	_ =	strace $0x90000047  }
0x36e: {  	s0 =	stileid.u32;
	[bflag:$0x2] =	sbarrier.arrive $0xFFFF  }
0x36f: {  	p0 =	sne.s32 s0, $0x0;
	s0 =	rddreg [dreg:$0x2]  }
0x370: {  	s0 =	sadd.s32 @!p0 $0x100000, s0  }
0x371: {  	[sflag:s0] =	ssyncadd.tile.s32 @!p0 $0x1;
	_ =	shalt  }
.Lfunc_end2:
_tile_overlayer_lowered:
.L_overlay_start_2:
0x372: {  	(tag) =	ssettag $0x2  }
0x373: {  	s0 =	rddreg [dreg:$0x0];
	s2 =	stileid.u32  }
0x374: {  	s1 =	rddreg [dreg:$0x1];
	p0 =	sne.s32 s2, $0x0  }
0x375: {  	s3 =	rddreg [dreg:$0x2];
	[bflag:$0x3] =	sbarrier.arrive $0xFFFF;
	s2 =	simm.s32 @!p0 $0x1C05  }
0x376: {  	[timem:s3], [sflag:s2] =	dma.local @!p0 [hbm:s0], s1  }
0x377: {  	s0 =	simm.s32 @!p0 $0x5  }
0x378: {  	_ =	swait.ge @!p0 [sflag:s0], s1  }
0x379: {  	s1 =	ssub.s32 @!p0 $0x0, s1;
	[sflag:s0] =	ssyncset.done @!p0 $0x0  }
0x37a: {  	[sflag:s0] =	ssyncadd.s32 @!p0 s1  }
0x37b: {  	[bflag:$0x3] =	sbarrier.arrive $0xFFFF  }
0x37c: {  	_ =	shalt  }

</sc_bundles>
